<compile_context>
chip_gen: v7x
topology: tpu7x:2x2x1
jax: 0.10.2.dev20260603
libtpu: 0.0.44.dev20260713+nightly
codegen_flags: <defaults>
</compile_context>

<pallas_src>
import functools

import jax
import jax.numpy as jnp
from jax import lax
from jax.experimental import pallas as pl
from jax.experimental.pallas import tpu as pltpu
import jax.experimental.pallas.tpu_sc as plsc

N = 10000
E = 320000
D = 128
NE = 4
NC = 2
NS = 16
K = 80
GA = 25
NGA = 5
G = 25
NG = 10
NPAD = 10240
ROWS_PER_TILE = NPAD // NS

_MESH = plsc.VectorSubcoreMesh(core_axis_name="c", subcore_axis_name="s")


def _burst4(table_hbm, src_v, dst_v, t0, rows, sems, ssems, acc):
    gds = [pltpu.async_copy(table_hbm.at[src_v.at[t0 + i]], rows[i], sems[i])
           for i in range(4)]
    sds = []
    for i in range(4):
        gds[i].wait()
        sds.append(pltpu.async_copy(rows[i], acc.at[dst_v.at[t0 + i]],
                                    ssems[i], add=True))
    for d in sds:
        d.wait()


def _group_rounds(table_hbm, src_v, dst_v, rows, sems, ssems, acc):
    def burst(q, carry):
        _burst4(table_hbm, src_v, dst_v, 4 * q, rows, sems, ssems, acc)
        return carry

    lax.fori_loop(0, GA // 4, burst, 0)
    pltpu.async_copy(table_hbm.at[src_v.at[GA - 1]], rows[0], sems[0]).wait()
    pltpu.sync_copy(rows[0], acc.at[dst_v.at[GA - 1]], add=True)


@functools.partial(
    pl.kernel,
    out_type=(jax.ShapeDtypeStruct((NC, NPAD, D), jnp.float32),
              jax.ShapeDtypeStruct((NC, NPAD, D), jnp.float32)),
    mesh=_MESH,
    scratch_types=[
        pltpu.VMEM((GA, K), jnp.int32),
        pltpu.VMEM((GA, K), jnp.int32),
        pltpu.VMEM((K, D), jnp.float32),
        pltpu.VMEM((K, D), jnp.float32),
        pltpu.VMEM((K, D), jnp.float32),
        pltpu.VMEM((K, D), jnp.float32),
        pltpu.VMEM_SHARED((NPAD, D), jnp.float32),
        pltpu.SemaphoreType.DMA,
        pltpu.SemaphoreType.DMA,
        pltpu.SemaphoreType.DMA,
        pltpu.SemaphoreType.DMA,
        pltpu.SemaphoreType.DMA,
        pltpu.SemaphoreType.DMA,
        pltpu.SemaphoreType.DMA,
        pltpu.SemaphoreType.DMA,
    ],
)
def _sc_pass_a(x_hbm, srcb_hbm, dstb_hbm, ones_hbm, zeros_hbm,
               agg_hbm, deg_hbm,
               src_v, dst_v, rows0, rows1, rows2, rows3, acc,
               sg0, sg1, sg2, sg3, ss0, ss1, ss2, ss3):
    c = lax.axis_index("c")
    s = lax.axis_index("s")
    row0 = s * ROWS_PER_TILE
    w = s * NC + c
    pltpu.sync_copy(zeros_hbm.at[pl.ds(row0, ROWS_PER_TILE)],
                    acc.at[pl.ds(row0, ROWS_PER_TILE)])
    plsc.subcore_barrier()

    def group_x(g, carry):
        pltpu.sync_copy(srcb_hbm.at[w * NGA + g], src_v)
        pltpu.sync_copy(dstb_hbm.at[w * NGA + g], dst_v)
        _group_rounds(x_hbm, src_v, dst_v,
                      (rows0, rows1, rows2, rows3),
                      (sg0, sg1, sg2, sg3), (ss0, ss1, ss2, ss3), acc)
        return carry

    lax.fori_loop(0, NGA, group_x, 0)
    plsc.subcore_barrier()
    pltpu.sync_copy(acc.at[pl.ds(row0, ROWS_PER_TILE)],
                    agg_hbm.at[c, pl.ds(row0, ROWS_PER_TILE)])
    pltpu.sync_copy(zeros_hbm.at[pl.ds(row0, ROWS_PER_TILE)],
                    acc.at[pl.ds(row0, ROWS_PER_TILE)])
    pltpu.sync_copy(ones_hbm, rows0)
    plsc.subcore_barrier()

    def group_deg(g, carry):
        pltpu.sync_copy(dstb_hbm.at[w * NGA + g], dst_v)

        def pair_deg(p, carry2):
            d0 = pltpu.async_copy(rows0, acc.at[dst_v.at[2 * p]],
                                  sg0, add=True)
            d1 = pltpu.async_copy(rows0, acc.at[dst_v.at[2 * p + 1]],
                                  sg1, add=True)
            d0.wait()
            d1.wait()
            return carry2

        lax.fori_loop(0, GA // 2, pair_deg, 0)
        pltpu.async_copy(rows0, acc.at[dst_v.at[GA - 1]], sg0,
                         add=True).wait()
        return carry

    lax.fori_loop(0, NGA, group_deg, 0)
    plsc.subcore_barrier()
    pltpu.sync_copy(acc.at[pl.ds(row0, ROWS_PER_TILE)],
                    deg_hbm.at[c, pl.ds(row0, ROWS_PER_TILE)])


@functools.partial(
    pl.kernel,
    out_type=jax.ShapeDtypeStruct((NE * NPAD, D), jnp.float32),
    mesh=_MESH,
    scratch_types=[
        pltpu.VMEM((G, K), jnp.int32),
        pltpu.VMEM((G, K), jnp.int32),
        pltpu.VMEM((K, D), jnp.float32),
        pltpu.VMEM((K, D), jnp.float32),
        pltpu.VMEM((K, D), jnp.float32),
        pltpu.VMEM((K, D), jnp.float32),
        pltpu.VMEM_SHARED((NPAD, D), jnp.float32),
        pltpu.SemaphoreType.DMA,
        pltpu.SemaphoreType.DMA,
        pltpu.SemaphoreType.DMA,
        pltpu.SemaphoreType.DMA,
        pltpu.SemaphoreType.DMA,
        pltpu.SemaphoreType.DMA,
        pltpu.SemaphoreType.DMA,
        pltpu.SemaphoreType.DMA,
    ],
)
def _sc_pass_b(h1_hbm, srcb4_hbm, dstb_hbm, zeros_hbm, out_hbm,
               src_v, dst_v, rows0, rows1, rows2, rows3, acc,
               sg0, sg1, sg2, sg3, ss0, ss1, ss2, ss3):
    c = lax.axis_index("c")
    s = lax.axis_index("s")
    row0 = s * ROWS_PER_TILE
    for r in range(NE // NC):
        e = r * NC + c
        pltpu.sync_copy(zeros_hbm.at[pl.ds(row0, ROWS_PER_TILE)],
                        acc.at[pl.ds(row0, ROWS_PER_TILE)])
        plsc.subcore_barrier()

        def group(g, carry):
            pltpu.sync_copy(srcb4_hbm.at[(e * NS + s) * NG + g], src_v)
            pltpu.sync_copy(dstb_hbm.at[s * NG + g], dst_v)
            _group_rounds(h1_hbm, src_v, dst_v,
                          (rows0, rows1, rows2, rows3),
                          (sg0, sg1, sg2, sg3), (ss0, ss1, ss2, ss3), acc)
            return carry

        lax.fori_loop(0, NG, group, 0)
        plsc.subcore_barrier()
        pltpu.sync_copy(acc.at[pl.ds(row0, ROWS_PER_TILE)],
                        out_hbm.at[pl.ds(e * NPAD + row0, ROWS_PER_TILE)])
        plsc.subcore_barrier()


BM = 2000
NB = N // BM


def _tc_layer0_mm(x_ref, aggp_ref, degp_ref, ws_ref, wn_ref, b_ref,
                  z_ref, mom_ref):
    agg = aggp_ref[0] + aggp_ref[1]
    deg = jnp.maximum(degp_ref[0, :, 0:1] + degp_ref[1, :, 0:1], 1.0)
    magg = agg / deg
    xb = x_ref[...]
    moms = []
    for e in range(NE):
        z = (jnp.dot(xb, ws_ref[e], preferred_element_type=jnp.float32)
             + jnp.dot(magg, wn_ref[e], preferred_element_type=jnp.float32)
             + b_ref[e][None, :])
        z_ref[e] = z
        moms.append(jnp.sum(z, axis=0, keepdims=True))
        moms.append(jnp.sum(z * z, axis=0, keepdims=True))
    mom_ref[0] = jnp.concatenate(moms[0::2] + moms[1::2], axis=0)


def _tc_layer1_mm(h1_ref, agg1_ref, degp_ref, ws_ref, wn_ref, b_ref,
                  z_ref, mom_ref):
    deg = jnp.maximum(degp_ref[0, :, 0:1] + degp_ref[1, :, 0:1], 1.0)
    moms = []
    for e in range(NE):
        magg = agg1_ref[e] / deg
        z = (jnp.dot(h1_ref[e], ws_ref[e], preferred_element_type=jnp.float32)
             + jnp.dot(magg, wn_ref[e], preferred_element_type=jnp.float32)
             + b_ref[e][None, :])
        z_ref[e] = z
        moms.append(jnp.sum(z, axis=0, keepdims=True))
        moms.append(jnp.sum(z * z, axis=0, keepdims=True))
    mom_ref[0] = jnp.concatenate(moms[0::2] + moms[1::2], axis=0)


def _tc_bn_relu(z_ref, mom_ref, gb_ref, out_ref):
    m = jnp.sum(mom_ref[...], axis=0)
    for e in range(NE):
        mu = m[e] / N
        var = m[NE + e] / N - mu * mu
        inv = gb_ref[e] * lax.rsqrt(var + 1e-5)
        h = inv[None, :] * (z_ref[e] - mu[None, :]) + gb_ref[NE + e][None, :]
        out_ref[e] = jnp.maximum(h, 0.0)


def _full(shape):
    return pl.BlockSpec(shape, lambda i: (0,) * len(shape))


def _rows3(lead):
    return pl.BlockSpec((lead, BM, D), lambda i: (0, i, 0))


def _layer0_mm(x, aggp, degp, ws, wn, bias):
    return pl.pallas_call(
        _tc_layer0_mm,
        grid=(NB,),
        in_specs=[
            pl.BlockSpec((BM, D), lambda i: (i, 0)),
            pl.BlockSpec((NC, BM, D), lambda i: (0, i, 0)),
            pl.BlockSpec((NC, BM, D), lambda i: (0, i, 0)),
            _full((NE, D, D)),
            _full((NE, D, D)),
            _full((8, D)),
        ],
        out_specs=[_rows3(NE), pl.BlockSpec((1, 8, D), lambda i: (i, 0, 0))],
        out_shape=[
            jax.ShapeDtypeStruct((NE, N, D), jnp.float32),
            jax.ShapeDtypeStruct((NB, 8, D), jnp.float32),
        ],
    )(x, aggp, degp, ws, wn, bias)


def _layer1_mm(h1, agg1, degp, ws, wn, bias):
    return pl.pallas_call(
        _tc_layer1_mm,
        grid=(NB,),
        in_specs=[
            _rows3(NE),
            _rows3(NE),
            pl.BlockSpec((NC, BM, D), lambda i: (0, i, 0)),
            _full((NE, D, D)),
            _full((NE, D, D)),
            _full((8, D)),
        ],
        out_specs=[_rows3(NE), pl.BlockSpec((1, 8, D), lambda i: (i, 0, 0))],
        out_shape=[
            jax.ShapeDtypeStruct((NE, N, D), jnp.float32),
            jax.ShapeDtypeStruct((NB, 8, D), jnp.float32),
        ],
    )(h1, agg1, degp, ws, wn, bias)


def _bn_relu(z, mom, gb):
    return pl.pallas_call(
        _tc_bn_relu,
        grid=(NB,),
        in_specs=[_rows3(NE), _full((NB, 8, D)), _full((8, D))],
        out_specs=_rows3(NE),
        out_shape=jax.ShapeDtypeStruct((NE, N, D), jnp.float32),
    )(z, mom, gb)


def kernel(x, edge_index, Ws, Wn, b, gamma, beta):
    src = edge_index[0].astype(jnp.int32)
    dst = edge_index[1].astype(jnp.int32)
    srcb_a = src.reshape(NC * NS * NGA, GA, K)
    dstb_a = dst.reshape(NC * NS * NGA, GA, K)
    offs = (jnp.arange(NE, dtype=jnp.int32) * N)[:, None]
    srcb4 = (src[None, :] + offs).reshape(NE * NS * NG, G, K)
    dstb = dst.reshape(NS * NG, G, K)

    ones_k = jnp.ones((K, D), jnp.float32)
    zeros_d = jnp.zeros((NPAD, D), jnp.float32)

    pad4 = jnp.zeros((NE, D), jnp.float32)
    bias0 = jnp.concatenate([b[:, 0], pad4], axis=0)
    bias1 = jnp.concatenate([b[:, 1], pad4], axis=0)
    gb0 = jnp.concatenate([gamma[:, 0], beta[:, 0]], axis=0)
    gb1 = jnp.concatenate([gamma[:, 1], beta[:, 1]], axis=0)

    aggp, degp = _sc_pass_a(x, srcb_a, dstb_a, ones_k, zeros_d)
    z0, mom0 = _layer0_mm(x, aggp, degp, Ws[:, 0], Wn[:, 0], bias0)
    h1 = _bn_relu(z0, mom0, gb0)

    agg1 = _sc_pass_b(h1.reshape(NE * N, D), srcb4, dstb, zeros_d)
    z1, mom1 = _layer1_mm(h1, agg1.reshape(NE, NPAD, D), degp,
                          Ws[:, 1], Wn[:, 1], bias1)
    h2 = _bn_relu(z1, mom1, gb1)

    return jnp.transpose(h2, (1, 2, 0))

# --- scband reference (transcript-rebuilt; emitter-appended) ---
"""Pipeline reference for scband-euclidean-experts-66314295050614 (READ-ONLY COPY).

The authoritative reference and input builder live on the scoring server;
editing this copy changes nothing except your own understanding.
"""

import jax, jax.numpy as jnp
import numpy as np

NUM_EXPERTS = 4
NUM_LAYERS = 2
IN_DIM = 128
HID_DIM = 128
N_NODES = 10000
N_EDGES = 320000


def setup_inputs(seed: int = 0) -> dict:
    key = jax.random.key(seed)
    ks = jax.random.split(key, 8)
    x = jax.random.normal(ks[0], (N_NODES, IN_DIM), dtype=jnp.float32)
    edge_index = jax.random.randint(ks[1], (2, N_EDGES), 0, N_NODES, dtype=jnp.int64 if jax.config.jax_enable_x64 else jnp.int32).astype(jnp.int32)
    # Stacked per-expert, per-layer parameters (mysage: self + neighbor linear, batch norm affine)
    scale = 1.0 / np.sqrt(IN_DIM)
    Ws = jax.random.normal(ks[2], (NUM_EXPERTS, NUM_LAYERS, IN_DIM, HID_DIM), dtype=jnp.float32) * scale
    Wn = jax.random.normal(ks[3], (NUM_EXPERTS, NUM_LAYERS, IN_DIM, HID_DIM), dtype=jnp.float32) * scale
    b = jnp.zeros((NUM_EXPERTS, NUM_LAYERS, HID_DIM), dtype=jnp.float32)
    gamma = jnp.ones((NUM_EXPERTS, NUM_LAYERS, HID_DIM), dtype=jnp.float32)
    beta = jnp.zeros((NUM_EXPERTS, NUM_LAYERS, HID_DIM), dtype=jnp.float32)
    return {"x": x, "edge_index": edge_index, "Ws": Ws, "Wn": Wn, "b": b, "gamma": gamma, "beta": beta}


def _sage_encoder(x, src, dst, Ws_e, Wn_e, b_e, gamma_e, beta_e):
    n = x.shape[0]
    ones = jnp.ones((src.shape[0],), dtype=x.dtype)
    deg = jax.ops.segment_sum(ones, dst, num_segments=n)
    deg = jnp.clip(deg, 1.0)[:, None]
    h = x
    for l in range(NUM_LAYERS):
        gathered = jnp.take(h, src, axis=0)               # gather (memory-bound)
        agg = jax.ops.segment_sum(gathered, dst, num_segments=n)  # scatter-add
        mean_agg = agg / deg
        h = h @ Ws_e[l] + mean_agg @ Wn_e[l] + b_e[l]
        # batch norm (training-style batch statistics)
        mu = jnp.mean(h, axis=0)
        var = jnp.var(h, axis=0)
        h = gamma_e[l] * (h - mu) / jnp.sqrt(var + 1e-5) + beta_e[l]
        h = jax.nn.relu(h)
        # dropout is identity in eval / deterministic reference
    return h


def reference(x, edge_index, Ws, Wn, b, gamma, beta):
    src = edge_index[0]
    dst = edge_index[1]
    expert_outputs = []
    for e in range(NUM_EXPERTS):
        out = _sage_encoder(x, src, dst, Ws[e], Wn[e], b[e], gamma[e], beta[e])
        expert_outputs.append(out[..., None])
    return jnp.concatenate(expert_outputs, axis=-1)

if __name__ == "__main__":
    import jax
    _d = setup_inputs()
    print(jax.jit(kernel)(*tuple(_d.values())))

</pallas_src>

<mosaic_0001>
#map = affine_map<(d0, d1) -> (0, 0)>
#map1 = affine_map<(d0, d1) -> (0, 0, 0)>
module attributes {stable_mosaic.version = 14 : i64} {
  func.func @_sc_pass_a(%arg0: i32, %arg1: i32, %arg2: memref<10000x128xf32, #tpu.memory_space<hbm>>, %arg3: memref<160x25x80xi32, #tpu.memory_space<hbm>>, %arg4: memref<160x25x80xi32, #tpu.memory_space<hbm>>, %arg5: memref<80x128xf32, #tpu.memory_space<hbm>>, %arg6: memref<10240x128xf32, #tpu.memory_space<hbm>>, %arg7: memref<2x10240x128xf32, #tpu.memory_space<hbm>>, %arg8: memref<2x10240x128xf32, #tpu.memory_space<hbm>>, %arg9: memref<25x80xi32, #tpu.memory_space<vmem>>, %arg10: memref<25x80xi32, #tpu.memory_space<vmem>>, %arg11: memref<80x128xf32, #tpu.memory_space<vmem>>, %arg12: memref<80x128xf32, #tpu.memory_space<vmem>>, %arg13: memref<80x128xf32, #tpu.memory_space<vmem>>, %arg14: memref<80x128xf32, #tpu.memory_space<vmem>>, %arg15: memref<10240x128xf32, #tpu.memory_space<vmem_shared>>, %arg16: memref<!tpu.dma_semaphore, #tpu.memory_space<semaphore_mem>>, %arg17: memref<!tpu.dma_semaphore, #tpu.memory_space<semaphore_mem>>, %arg18: memref<!tpu.dma_semaphore, #tpu.memory_space<semaphore_mem>>, %arg19: memref<!tpu.dma_semaphore, #tpu.memory_space<semaphore_mem>>, %arg20: memref<!tpu.dma_semaphore, #tpu.memory_space<semaphore_mem>>, %arg21: memref<!tpu.dma_semaphore, #tpu.memory_space<semaphore_mem>>, %arg22: memref<!tpu.dma_semaphore, #tpu.memory_space<semaphore_mem>>, %arg23: memref<!tpu.dma_semaphore, #tpu.memory_space<semaphore_mem>>) attributes {dimension_semantics = [#tpu.dimension_semantics<core_parallel>, #tpu.dimension_semantics<subcore_parallel>], iteration_bounds = array<i64: 2, 16>, scalar_prefetch = 0 : i64, scratch_operands = 15 : i64, tpu.core_type = #tpu.core_type<sc_vector_subcore>, window_params = [{transform_indices = #map}, {transform_indices = #map1}, {transform_indices = #map1}, {transform_indices = #map}, {transform_indices = #map}, {transform_indices = #map1}, {transform_indices = #map1}]} {
    %mul3A = arith.constant 640 : i32
    %mul3A_0 = arith.muli %arg1, %mul3A : i32
    %mul3A_1 = arith.constant 2 : i32
    %mul3A_2 = arith.muli %arg1, %mul3A_1 : i32
    %add3A = arith.addi %mul3A_2, %arg0 : i32
    "tpu.region"() ({
      %run_scoped3A = tpu.sem_alloc : memref<!tpu.dma_semaphore, #tpu.memory_space<semaphore_mem>>
      %dma_start3A = arith.constant 0 : i32
      %dma_start3A_17 = tpu.memref_slice %arg15[%mul3A_0, %dma_start3A] : memref<10240x128xf32, #tpu.memory_space<vmem_shared>> -> memref<640x128xf32, #tpu.memory_space<vmem_shared>>
      %dma_start3A_18 = arith.constant 0 : i32
      %dma_start3A_19 = tpu.memref_slice %arg6[%mul3A_0, %dma_start3A_18] : memref<10240x128xf32, #tpu.memory_space<hbm>> -> memref<640x128xf32, #tpu.memory_space<hbm>>
      tpu.enqueue_dma source(%dma_start3A_19 : memref<640x128xf32, #tpu.memory_space<hbm>>) target(%dma_start3A_17 : memref<640x128xf32, #tpu.memory_space<vmem_shared>>) target_semaphore(%run_scoped3A : memref<!tpu.dma_semaphore, #tpu.memory_space<semaphore_mem>>)
      %dma_wait3A = arith.constant 0 : i32
      %dma_wait3A_20 = tpu.memref_slice %arg15[%mul3A_0, %dma_wait3A] : memref<10240x128xf32, #tpu.memory_space<vmem_shared>> -> memref<640x128xf32, #tpu.memory_space<vmem_shared>>
      %dma_wait3A_21 = arith.constant 0 : i32
      %dma_wait3A_22 = tpu.memref_slice %arg6[%mul3A_0, %dma_wait3A_21] : memref<10240x128xf32, #tpu.memory_space<hbm>> -> memref<640x128xf32, #tpu.memory_space<hbm>>
      tpu.wait_dma2 semaphore(%run_scoped3A : memref<!tpu.dma_semaphore, #tpu.memory_space<semaphore_mem>>) src(%dma_wait3A_22 : memref<640x128xf32, #tpu.memory_space<hbm>>) dst(%dma_wait3A_20 : memref<640x128xf32, #tpu.memory_space<vmem_shared>>)
      tpu.yield
    }) : () -> ()
    %barrier3A = arith.constant 0 : index
    tpu.barrier barrier_id(%barrier3A)
    %scan3A = arith.constant 0 : i32
    %scan3A_3 = arith.constant 0 : i32
    %scan3A_4 = arith.constant 5 : i32
    %scan3A_5 = arith.addi %scan3A_3, %scan3A_4 : i32
    %scan3A_6 = arith.constant 1 : i32
    scf.for %scan3A_17 = %scan3A_3 to %scan3A_5 step %scan3A_6  : i32 {
      %mul3A_18 = arith.constant 5 : i32
      %mul3A_19 = arith.muli %add3A, %mul3A_18 : i32
      %add3A_20 = arith.addi %mul3A_19, %scan3A_17 : i32
      "tpu.region"() ({
        %run_scoped3A_42 = tpu.sem_alloc : memref<!tpu.dma_semaphore, #tpu.memory_space<semaphore_mem>>
        %dma_start3A_43 = arith.constant 0 : i32
        %dma_start3A_44 = arith.constant 0 : i32
        %dma_start3A_45 = tpu.memref_slice %arg3[%add3A_20, %dma_start3A_43, %dma_start3A_44] : memref<160x25x80xi32, #tpu.memory_space<hbm>> -> memref<1x25x80xi32, #tpu.memory_space<hbm>>
        %dma_start3A_46 = tpu.memref_squeeze %dma_start3A_45 : memref<1x25x80xi32, #tpu.memory_space<hbm>> -> memref<25x80xi32, #tpu.memory_space<hbm>>
        %dma_start3A_47 = arith.constant 0 : i32
        %dma_start3A_48 = arith.constant 0 : i32
        %dma_start3A_49 = tpu.memref_slice %arg3[%add3A_20, %dma_start3A_47, %dma_start3A_48] : memref<160x25x80xi32, #tpu.memory_space<hbm>> -> memref<1x25x80xi32, #tpu.memory_space<hbm>>
        %dma_start3A_50 = tpu.memref_squeeze %dma_start3A_49 : memref<1x25x80xi32, #tpu.memory_space<hbm>> -> memref<25x80xi32, #tpu.memory_space<hbm>>
        tpu.enqueue_dma source(%dma_start3A_50 : memref<25x80xi32, #tpu.memory_space<hbm>>) target(%arg9 : memref<25x80xi32, #tpu.memory_space<vmem>>) target_semaphore(%run_scoped3A_42 : memref<!tpu.dma_semaphore, #tpu.memory_space<semaphore_mem>>)
        %dma_wait3A_51 = arith.constant 0 : i32
        %dma_wait3A_52 = arith.constant 0 : i32
        %dma_wait3A_53 = tpu.memref_slice %arg3[%add3A_20, %dma_wait3A_51, %dma_wait3A_52] : memref<160x25x80xi32, #tpu.memory_space<hbm>> -> memref<1x25x80xi32, #tpu.memory_space<hbm>>
        %dma_wait3A_54 = tpu.memref_squeeze %dma_wait3A_53 : memref<1x25x80xi32, #tpu.memory_space<hbm>> -> memref<25x80xi32, #tpu.memory_space<hbm>>
        %dma_wait3A_55 = arith.constant 0 : i32
        %dma_wait3A_56 = arith.constant 0 : i32
        %dma_wait3A_57 = tpu.memref_slice %arg3[%add3A_20, %dma_wait3A_55, %dma_wait3A_56] : memref<160x25x80xi32, #tpu.memory_space<hbm>> -> memref<1x25x80xi32, #tpu.memory_space<hbm>>
        %dma_wait3A_58 = tpu.memref_squeeze %dma_wait3A_57 : memref<1x25x80xi32, #tpu.memory_space<hbm>> -> memref<25x80xi32, #tpu.memory_space<hbm>>
        tpu.wait_dma2 semaphore(%run_scoped3A_42 : memref<!tpu.dma_semaphore, #tpu.memory_space<semaphore_mem>>) src(%dma_wait3A_58 : memref<25x80xi32, #tpu.memory_space<hbm>>) dst(%arg9 : memref<25x80xi32, #tpu.memory_space<vmem>>)
        tpu.yield
      }) : () -> ()
      %mul3A_21 = arith.constant 5 : i32
      %mul3A_22 = arith.muli %add3A, %mul3A_21 : i32
      %add3A_23 = arith.addi %mul3A_22, %scan3A_17 : i32
      "tpu.region"() ({
        %run_scoped3A_42 = tpu.sem_alloc : memref<!tpu.dma_semaphore, #tpu.memory_space<semaphore_mem>>
        %dma_start3A_43 = arith.constant 0 : i32
        %dma_start3A_44 = arith.constant 0 : i32
        %dma_start3A_45 = tpu.memref_slice %arg4[%add3A_23, %dma_start3A_43, %dma_start3A_44] : memref<160x25x80xi32, #tpu.memory_space<hbm>> -> memref<1x25x80xi32, #tpu.memory_space<hbm>>
        %dma_start3A_46 = tpu.memref_squeeze %dma_start3A_45 : memref<1x25x80xi32, #tpu.memory_space<hbm>> -> memref<25x80xi32, #tpu.memory_space<hbm>>
        %dma_start3A_47 = arith.constant 0 : i32
        %dma_start3A_48 = arith.constant 0 : i32
        %dma_start3A_49 = tpu.memref_slice %arg4[%add3A_23, %dma_start3A_47, %dma_start3A_48] : memref<160x25x80xi32, #tpu.memory_space<hbm>> -> memref<1x25x80xi32, #tpu.memory_space<hbm>>
        %dma_start3A_50 = tpu.memref_squeeze %dma_start3A_49 : memref<1x25x80xi32, #tpu.memory_space<hbm>> -> memref<25x80xi32, #tpu.memory_space<hbm>>
        tpu.enqueue_dma source(%dma_start3A_50 : memref<25x80xi32, #tpu.memory_space<hbm>>) target(%arg10 : memref<25x80xi32, #tpu.memory_space<vmem>>) target_semaphore(%run_scoped3A_42 : memref<!tpu.dma_semaphore, #tpu.memory_space<semaphore_mem>>)
        %dma_wait3A_51 = arith.constant 0 : i32
        %dma_wait3A_52 = arith.constant 0 : i32
        %dma_wait3A_53 = tpu.memref_slice %arg4[%add3A_23, %dma_wait3A_51, %dma_wait3A_52] : memref<160x25x80xi32, #tpu.memory_space<hbm>> -> memref<1x25x80xi32, #tpu.memory_space<hbm>>
        %dma_wait3A_54 = tpu.memref_squeeze %dma_wait3A_53 : memref<1x25x80xi32, #tpu.memory_space<hbm>> -> memref<25x80xi32, #tpu.memory_space<hbm>>
        %dma_wait3A_55 = arith.constant 0 : i32
        %dma_wait3A_56 = arith.constant 0 : i32
        %dma_wait3A_57 = tpu.memref_slice %arg4[%add3A_23, %dma_wait3A_55, %dma_wait3A_56] : memref<160x25x80xi32, #tpu.memory_space<hbm>> -> memref<1x25x80xi32, #tpu.memory_space<hbm>>
        %dma_wait3A_58 = tpu.memref_squeeze %dma_wait3A_57 : memref<1x25x80xi32, #tpu.memory_space<hbm>> -> memref<25x80xi32, #tpu.memory_space<hbm>>
        tpu.wait_dma2 semaphore(%run_scoped3A_42 : memref<!tpu.dma_semaphore, #tpu.memory_space<semaphore_mem>>) src(%dma_wait3A_58 : memref<25x80xi32, #tpu.memory_space<hbm>>) dst(%arg10 : memref<25x80xi32, #tpu.memory_space<vmem>>)
        tpu.yield
      }) : () -> ()
      %scan3A_24 = arith.constant 0 : i32
      %scan3A_25 = arith.constant 0 : i32
      %scan3A_26 = arith.constant 6 : i32
      %scan3A_27 = arith.addi %scan3A_25, %scan3A_26 : i32
      %scan3A_28 = arith.constant 1 : i32
      scf.for %scan3A_42 = %scan3A_25 to %scan3A_27 step %scan3A_28  : i32 {
        %mul3A_43 = arith.constant 4 : i32
        %mul3A_44 = arith.muli %mul3A_43, %scan3A_42 : i32
        %add3A_45 = arith.constant 0 : i32
        %add3A_46 = arith.addi %mul3A_44, %add3A_45 : i32
        %dma_start3A_47 = arith.constant 0 : i32
        %dma_start3A_48 = tpu.memref_slice %arg9[%add3A_46, %dma_start3A_47] : memref<25x80xi32, #tpu.memory_space<vmem>> -> memref<1x80xi32, #tpu.memory_space<vmem>>
        %dma_start3A_49 = tpu.memref_squeeze %dma_start3A_48 : memref<1x80xi32, #tpu.memory_space<vmem>> -> memref<80xi32, #tpu.memory_space<vmem>>
        %dma_start3A_50 = arith.constant 0 : i32
        %dma_start3A_51 = arith.constant 0 : i32
        %dma_start3A_52 = tpu.memref_slice %arg2[%dma_start3A_50, %dma_start3A_51] : memref<10000x128xf32, #tpu.memory_space<hbm>> -> memref<10000x128xf32, #tpu.memory_space<hbm>>
        tpu.enqueue_indirect_dma source(%dma_start3A_52 : memref<10000x128xf32, #tpu.memory_space<hbm>>) target(%arg11 : memref<80x128xf32, #tpu.memory_space<vmem>>) offsets(%dma_start3A_49 : memref<80xi32, #tpu.memory_space<vmem>>) semaphore(%arg16 : memref<!tpu.dma_semaphore, #tpu.memory_space<semaphore_mem>>)
        %add3A_53 = arith.constant 1 : i32
        %add3A_54 = arith.addi %mul3A_44, %add3A_53 : i32
        %dma_start3A_55 = arith.constant 0 : i32
        %dma_start3A_56 = tpu.memref_slice %arg9[%add3A_54, %dma_start3A_55] : memref<25x80xi32, #tpu.memory_space<vmem>> -> memref<1x80xi32, #tpu.memory_space<vmem>>
        %dma_start3A_57 = tpu.memref_squeeze %dma_start3A_56 : memref<1x80xi32, #tpu.memory_space<vmem>> -> memref<80xi32, #tpu.memory_space<vmem>>
        %dma_start3A_58 = arith.constant 0 : i32
        %dma_start3A_59 = arith.constant 0 : i32
        %dma_start3A_60 = tpu.memref_slice %arg2[%dma_start3A_58, %dma_start3A_59] : memref<10000x128xf32, #tpu.memory_space<hbm>> -> memref<10000x128xf32, #tpu.memory_space<hbm>>
        tpu.enqueue_indirect_dma source(%dma_start3A_60 : memref<10000x128xf32, #tpu.memory_space<hbm>>) target(%arg12 : memref<80x128xf32, #tpu.memory_space<vmem>>) offsets(%dma_start3A_57 : memref<80xi32, #tpu.memory_space<vmem>>) semaphore(%arg17 : memref<!tpu.dma_semaphore, #tpu.memory_space<semaphore_mem>>)
        %add3A_61 = arith.constant 2 : i32
        %add3A_62 = arith.addi %mul3A_44, %add3A_61 : i32
        %dma_start3A_63 = arith.constant 0 : i32
        %dma_start3A_64 = tpu.memref_slice %arg9[%add3A_62, %dma_start3A_63] : memref<25x80xi32, #tpu.memory_space<vmem>> -> memref<1x80xi32, #tpu.memory_space<vmem>>
        %dma_start3A_65 = tpu.memref_squeeze %dma_start3A_64 : memref<1x80xi32, #tpu.memory_space<vmem>> -> memref<80xi32, #tpu.memory_space<vmem>>
        %dma_start3A_66 = arith.constant 0 : i32
        %dma_start3A_67 = arith.constant 0 : i32
        %dma_start3A_68 = tpu.memref_slice %arg2[%dma_start3A_66, %dma_start3A_67] : memref<10000x128xf32, #tpu.memory_space<hbm>> -> memref<10000x128xf32, #tpu.memory_space<hbm>>
        tpu.enqueue_indirect_dma source(%dma_start3A_68 : memref<10000x128xf32, #tpu.memory_space<hbm>>) target(%arg13 : memref<80x128xf32, #tpu.memory_space<vmem>>) offsets(%dma_start3A_65 : memref<80xi32, #tpu.memory_space<vmem>>) semaphore(%arg18 : memref<!tpu.dma_semaphore, #tpu.memory_space<semaphore_mem>>)
        %add3A_69 = arith.constant 3 : i32
        %add3A_70 = arith.addi %mul3A_44, %add3A_69 : i32
        %dma_start3A_71 = arith.constant 0 : i32
        %dma_start3A_72 = tpu.memref_slice %arg9[%add3A_70, %dma_start3A_71] : memref<25x80xi32, #tpu.memory_space<vmem>> -> memref<1x80xi32, #tpu.memory_space<vmem>>
        %dma_start3A_73 = tpu.memref_squeeze %dma_start3A_72 : memref<1x80xi32, #tpu.memory_space<vmem>> -> memref<80xi32, #tpu.memory_space<vmem>>
        %dma_start3A_74 = arith.constant 0 : i32
        %dma_start3A_75 = arith.constant 0 : i32
        %dma_start3A_76 = tpu.memref_slice %arg2[%dma_start3A_74, %dma_start3A_75] : memref<10000x128xf32, #tpu.memory_space<hbm>> -> memref<10000x128xf32, #tpu.memory_space<hbm>>
        tpu.enqueue_indirect_dma source(%dma_start3A_76 : memref<10000x128xf32, #tpu.memory_space<hbm>>) target(%arg14 : memref<80x128xf32, #tpu.memory_space<vmem>>) offsets(%dma_start3A_73 : memref<80xi32, #tpu.memory_space<vmem>>) semaphore(%arg19 : memref<!tpu.dma_semaphore, #tpu.memory_space<semaphore_mem>>)
        %dma_wait3A_77 = arith.constant 0 : i32
        %dma_wait3A_78 = tpu.memref_slice %arg9[%add3A_46, %dma_wait3A_77] : memref<25x80xi32, #tpu.memory_space<vmem>> -> memref<1x80xi32, #tpu.memory_space<vmem>>
        %dma_wait3A_79 = tpu.memref_squeeze %dma_wait3A_78 : memref<1x80xi32, #tpu.memory_space<vmem>> -> memref<80xi32, #tpu.memory_space<vmem>>
        %dma_wait3A_80 = arith.constant 0 : i32
        %dma_wait3A_81 = arith.constant 0 : i32
        %dma_wait3A_82 = tpu.memref_slice %arg2[%dma_wait3A_80, %dma_wait3A_81] : memref<10000x128xf32, #tpu.memory_space<hbm>> -> memref<10000x128xf32, #tpu.memory_space<hbm>>
        tpu.wait_indirect_dma semaphore(%arg16 : memref<!tpu.dma_semaphore, #tpu.memory_space<semaphore_mem>>) src(%dma_wait3A_82 : memref<10000x128xf32, #tpu.memory_space<hbm>>) dst(%arg11 : memref<80x128xf32, #tpu.memory_space<vmem>>)
        %add3A_83 = arith.constant 0 : i32
        %add3A_84 = arith.addi %mul3A_44, %add3A_83 : i32
        %dma_start3A_85 = arith.constant 0 : i32
        %dma_start3A_86 = tpu.memref_slice %arg10[%add3A_84, %dma_start3A_85] : memref<25x80xi32, #tpu.memory_space<vmem>> -> memref<1x80xi32, #tpu.memory_space<vmem>>
        %dma_start3A_87 = tpu.memref_squeeze %dma_start3A_86 : memref<1x80xi32, #tpu.memory_space<vmem>> -> memref<80xi32, #tpu.memory_space<vmem>>
        %dma_start3A_88 = arith.constant 0 : i32
        %dma_start3A_89 = arith.constant 0 : i32
        %dma_start3A_90 = tpu.memref_slice %arg15[%dma_start3A_88, %dma_start3A_89] : memref<10240x128xf32, #tpu.memory_space<vmem_shared>> -> memref<10240x128xf32, #tpu.memory_space<vmem_shared>>
        tpu.enqueue_indirect_dma source(%arg11 : memref<80x128xf32, #tpu.memory_space<vmem>>) target(%dma_start3A_90 : memref<10240x128xf32, #tpu.memory_space<vmem_shared>>) offsets(%dma_start3A_87 : memref<80xi32, #tpu.memory_space<vmem>>) semaphore(%arg20 : memref<!tpu.dma_semaphore, #tpu.memory_space<semaphore_mem>>) {add = true}
        %dma_wait3A_91 = arith.constant 0 : i32
        %dma_wait3A_92 = tpu.memref_slice %arg9[%add3A_54, %dma_wait3A_91] : memref<25x80xi32, #tpu.memory_space<vmem>> -> memref<1x80xi32, #tpu.memory_space<vmem>>
        %dma_wait3A_93 = tpu.memref_squeeze %dma_wait3A_92 : memref<1x80xi32, #tpu.memory_space<vmem>> -> memref<80xi32, #tpu.memory_space<vmem>>
        %dma_wait3A_94 = arith.constant 0 : i32
        %dma_wait3A_95 = arith.constant 0 : i32
        %dma_wait3A_96 = tpu.memref_slice %arg2[%dma_wait3A_94, %dma_wait3A_95] : memref<10000x128xf32, #tpu.memory_space<hbm>> -> memref<10000x128xf32, #tpu.memory_space<hbm>>
        tpu.wait_indirect_dma semaphore(%arg17 : memref<!tpu.dma_semaphore, #tpu.memory_space<semaphore_mem>>) src(%dma_wait3A_96 : memref<10000x128xf32, #tpu.memory_space<hbm>>) dst(%arg12 : memref<80x128xf32, #tpu.memory_space<vmem>>)
        %add3A_97 = arith.constant 1 : i32
        %add3A_98 = arith.addi %mul3A_44, %add3A_97 : i32
        %dma_start3A_99 = arith.constant 0 : i32
        %dma_start3A_100 = tpu.memref_slice %arg10[%add3A_98, %dma_start3A_99] : memref<25x80xi32, #tpu.memory_space<vmem>> -> memref<1x80xi32, #tpu.memory_space<vmem>>
        %dma_start3A_101 = tpu.memref_squeeze %dma_start3A_100 : memref<1x80xi32, #tpu.memory_space<vmem>> -> memref<80xi32, #tpu.memory_space<vmem>>
        %dma_start3A_102 = arith.constant 0 : i32
        %dma_start3A_103 = arith.constant 0 : i32
        %dma_start3A_104 = tpu.memref_slice %arg15[%dma_start3A_102, %dma_start3A_103] : memref<10240x128xf32, #tpu.memory_space<vmem_shared>> -> memref<10240x128xf32, #tpu.memory_space<vmem_shared>>
        tpu.enqueue_indirect_dma source(%arg12 : memref<80x128xf32, #tpu.memory_space<vmem>>) target(%dma_start3A_104 : memref<10240x128xf32, #tpu.memory_space<vmem_shared>>) offsets(%dma_start3A_101 : memref<80xi32, #tpu.memory_space<vmem>>) semaphore(%arg21 : memref<!tpu.dma_semaphore, #tpu.memory_space<semaphore_mem>>) {add = true}
        %dma_wait3A_105 = arith.constant 0 : i32
        %dma_wait3A_106 = tpu.memref_slice %arg9[%add3A_62, %dma_wait3A_105] : memref<25x80xi32, #tpu.memory_space<vmem>> -> memref<1x80xi32, #tpu.memory_space<vmem>>
        %dma_wait3A_107 = tpu.memref_squeeze %dma_wait3A_106 : memref<1x80xi32, #tpu.memory_space<vmem>> -> memref<80xi32, #tpu.memory_space<vmem>>
        %dma_wait3A_108 = arith.constant 0 : i32
        %dma_wait3A_109 = arith.constant 0 : i32
        %dma_wait3A_110 = tpu.memref_slice %arg2[%dma_wait3A_108, %dma_wait3A_109] : memref<10000x128xf32, #tpu.memory_space<hbm>> -> memref<10000x128xf32, #tpu.memory_space<hbm>>
        tpu.wait_indirect_dma semaphore(%arg18 : memref<!tpu.dma_semaphore, #tpu.memory_space<semaphore_mem>>) src(%dma_wait3A_110 : memref<10000x128xf32, #tpu.memory_space<hbm>>) dst(%arg13 : memref<80x128xf32, #tpu.memory_space<vmem>>)
        %add3A_111 = arith.constant 2 : i32
        %add3A_112 = arith.addi %mul3A_44, %add3A_111 : i32
        %dma_start3A_113 = arith.constant 0 : i32
        %dma_start3A_114 = tpu.memref_slice %arg10[%add3A_112, %dma_start3A_113] : memref<25x80xi32, #tpu.memory_space<vmem>> -> memref<1x80xi32, #tpu.memory_space<vmem>>
        %dma_start3A_115 = tpu.memref_squeeze %dma_start3A_114 : memref<1x80xi32, #tpu.memory_space<vmem>> -> memref<80xi32, #tpu.memory_space<vmem>>
        %dma_start3A_116 = arith.constant 0 : i32
        %dma_start3A_117 = arith.constant 0 : i32
        %dma_start3A_118 = tpu.memref_slice %arg15[%dma_start3A_116, %dma_start3A_117] : memref<10240x128xf32, #tpu.memory_space<vmem_shared>> -> memref<10240x128xf32, #tpu.memory_space<vmem_shared>>
        tpu.enqueue_indirect_dma source(%arg13 : memref<80x128xf32, #tpu.memory_space<vmem>>) target(%dma_start3A_118 : memref<10240x128xf32, #tpu.memory_space<vmem_shared>>) offsets(%dma_start3A_115 : memref<80xi32, #tpu.memory_space<vmem>>) semaphore(%arg22 : memref<!tpu.dma_semaphore, #tpu.memory_space<semaphore_mem>>) {add = true}
        %dma_wait3A_119 = arith.constant 0 : i32
        %dma_wait3A_120 = tpu.memref_slice %arg9[%add3A_70, %dma_wait3A_119] : memref<25x80xi32, #tpu.memory_space<vmem>> -> memref<1x80xi32, #tpu.memory_space<vmem>>
        %dma_wait3A_121 = tpu.memref_squeeze %dma_wait3A_120 : memref<1x80xi32, #tpu.memory_space<vmem>> -> memref<80xi32, #tpu.memory_space<vmem>>
        %dma_wait3A_122 = arith.constant 0 : i32
        %dma_wait3A_123 = arith.constant 0 : i32
        %dma_wait3A_124 = tpu.memref_slice %arg2[%dma_wait3A_122, %dma_wait3A_123] : memref<10000x128xf32, #tpu.memory_space<hbm>> -> memref<10000x128xf32, #tpu.memory_space<hbm>>
        tpu.wait_indirect_dma semaphore(%arg19 : memref<!tpu.dma_semaphore, #tpu.memory_space<semaphore_mem>>) src(%dma_wait3A_124 : memref<10000x128xf32, #tpu.memory_space<hbm>>) dst(%arg14 : memref<80x128xf32, #tpu.memory_space<vmem>>)
        %add3A_125 = arith.constant 3 : i32
        %add3A_126 = arith.addi %mul3A_44, %add3A_125 : i32
        %dma_start3A_127 = arith.constant 0 : i32
        %dma_start3A_128 = tpu.memref_slice %arg10[%add3A_126, %dma_start3A_127] : memref<25x80xi32, #tpu.memory_space<vmem>> -> memref<1x80xi32, #tpu.memory_space<vmem>>
        %dma_start3A_129 = tpu.memref_squeeze %dma_start3A_128 : memref<1x80xi32, #tpu.memory_space<vmem>> -> memref<80xi32, #tpu.memory_space<vmem>>
        %dma_start3A_130 = arith.constant 0 : i32
        %dma_start3A_131 = arith.constant 0 : i32
        %dma_start3A_132 = tpu.memref_slice %arg15[%dma_start3A_130, %dma_start3A_131] : memref<10240x128xf32, #tpu.memory_space<vmem_shared>> -> memref<10240x128xf32, #tpu.memory_space<vmem_shared>>
        tpu.enqueue_indirect_dma source(%arg14 : memref<80x128xf32, #tpu.memory_space<vmem>>) target(%dma_start3A_132 : memref<10240x128xf32, #tpu.memory_space<vmem_shared>>) offsets(%dma_start3A_129 : memref<80xi32, #tpu.memory_space<vmem>>) semaphore(%arg23 : memref<!tpu.dma_semaphore, #tpu.memory_space<semaphore_mem>>) {add = true}
        %dma_wait3A_133 = arith.constant 0 : i32
        %dma_wait3A_134 = tpu.memref_slice %arg10[%add3A_84, %dma_wait3A_133] : memref<25x80xi32, #tpu.memory_space<vmem>> -> memref<1x80xi32, #tpu.memory_space<vmem>>
        %dma_wait3A_135 = tpu.memref_squeeze %dma_wait3A_134 : memref<1x80xi32, #tpu.memory_space<vmem>> -> memref<80xi32, #tpu.memory_space<vmem>>
        %dma_wait3A_136 = arith.constant 0 : i32
        %dma_wait3A_137 = arith.constant 0 : i32
        %dma_wait3A_138 = tpu.memref_slice %arg15[%dma_wait3A_136, %dma_wait3A_137] : memref<10240x128xf32, #tpu.memory_space<vmem_shared>> -> memref<10240x128xf32, #tpu.memory_space<vmem_shared>>
        tpu.wait_indirect_dma semaphore(%arg20 : memref<!tpu.dma_semaphore, #tpu.memory_space<semaphore_mem>>) src(%arg11 : memref<80x128xf32, #tpu.memory_space<vmem>>) dst(%dma_wait3A_138 : memref<10240x128xf32, #tpu.memory_space<vmem_shared>>)
        %dma_wait3A_139 = arith.constant 0 : i32
        %dma_wait3A_140 = tpu.memref_slice %arg10[%add3A_98, %dma_wait3A_139] : memref<25x80xi32, #tpu.memory_space<vmem>> -> memref<1x80xi32, #tpu.memory_space<vmem>>
        %dma_wait3A_141 = tpu.memref_squeeze %dma_wait3A_140 : memref<1x80xi32, #tpu.memory_space<vmem>> -> memref<80xi32, #tpu.memory_space<vmem>>
        %dma_wait3A_142 = arith.constant 0 : i32
        %dma_wait3A_143 = arith.constant 0 : i32
        %dma_wait3A_144 = tpu.memref_slice %arg15[%dma_wait3A_142, %dma_wait3A_143] : memref<10240x128xf32, #tpu.memory_space<vmem_shared>> -> memref<10240x128xf32, #tpu.memory_space<vmem_shared>>
        tpu.wait_indirect_dma semaphore(%arg21 : memref<!tpu.dma_semaphore, #tpu.memory_space<semaphore_mem>>) src(%arg12 : memref<80x128xf32, #tpu.memory_space<vmem>>) dst(%dma_wait3A_144 : memref<10240x128xf32, #tpu.memory_space<vmem_shared>>)
        %dma_wait3A_145 = arith.constant 0 : i32
        %dma_wait3A_146 = tpu.memref_slice %arg10[%add3A_112, %dma_wait3A_145] : memref<25x80xi32, #tpu.memory_space<vmem>> -> memref<1x80xi32, #tpu.memory_space<vmem>>
        %dma_wait3A_147 = tpu.memref_squeeze %dma_wait3A_146 : memref<1x80xi32, #tpu.memory_space<vmem>> -> memref<80xi32, #tpu.memory_space<vmem>>
        %dma_wait3A_148 = arith.constant 0 : i32
        %dma_wait3A_149 = arith.constant 0 : i32
        %dma_wait3A_150 = tpu.memref_slice %arg15[%dma_wait3A_148, %dma_wait3A_149] : memref<10240x128xf32, #tpu.memory_space<vmem_shared>> -> memref<10240x128xf32, #tpu.memory_space<vmem_shared>>
        tpu.wait_indirect_dma semaphore(%arg22 : memref<!tpu.dma_semaphore, #tpu.memory_space<semaphore_mem>>) src(%arg13 : memref<80x128xf32, #tpu.memory_space<vmem>>) dst(%dma_wait3A_150 : memref<10240x128xf32, #tpu.memory_space<vmem_shared>>)
        %dma_wait3A_151 = arith.constant 0 : i32
        %dma_wait3A_152 = tpu.memref_slice %arg10[%add3A_126, %dma_wait3A_151] : memref<25x80xi32, #tpu.memory_space<vmem>> -> memref<1x80xi32, #tpu.memory_space<vmem>>
        %dma_wait3A_153 = tpu.memref_squeeze %dma_wait3A_152 : memref<1x80xi32, #tpu.memory_space<vmem>> -> memref<80xi32, #tpu.memory_space<vmem>>
        %dma_wait3A_154 = arith.constant 0 : i32
        %dma_wait3A_155 = arith.constant 0 : i32
        %dma_wait3A_156 = tpu.memref_slice %arg15[%dma_wait3A_154, %dma_wait3A_155] : memref<10240x128xf32, #tpu.memory_space<vmem_shared>> -> memref<10240x128xf32, #tpu.memory_space<vmem_shared>>
        tpu.wait_indirect_dma semaphore(%arg23 : memref<!tpu.dma_semaphore, #tpu.memory_space<semaphore_mem>>) src(%arg14 : memref<80x128xf32, #tpu.memory_space<vmem>>) dst(%dma_wait3A_156 : memref<10240x128xf32, #tpu.memory_space<vmem_shared>>)
      }
      %scan3A_29 = arith.constant 6 : i32
      %dma_start3A = arith.constant 24 : i32
      %dma_start3A_30 = arith.constant 0 : i32
      %dma_start3A_31 = tpu.memref_slice %arg9[%dma_start3A, %dma_start3A_30] : memref<25x80xi32, #tpu.memory_space<vmem>> -> memref<1x80xi32, #tpu.memory_space<vmem>>
      %dma_start3A_32 = tpu.memref_squeeze %dma_start3A_31 : memref<1x80xi32, #tpu.memory_space<vmem>> -> memref<80xi32, #tpu.memory_space<vmem>>
      %dma_start3A_33 = arith.constant 0 : i32
      %dma_start3A_34 = arith.constant 0 : i32
      %dma_start3A_35 = tpu.memref_slice %arg2[%dma_start3A_33, %dma_start3A_34] : memref<10000x128xf32, #tpu.memory_space<hbm>> -> memref<10000x128xf32, #tpu.memory_space<hbm>>
      tpu.enqueue_indirect_dma source(%dma_start3A_35 : memref<10000x128xf32, #tpu.memory_space<hbm>>) target(%arg11 : memref<80x128xf32, #tpu.memory_space<vmem>>) offsets(%dma_start3A_32 : memref<80xi32, #tpu.memory_space<vmem>>) semaphore(%arg16 : memref<!tpu.dma_semaphore, #tpu.memory_space<semaphore_mem>>)
      %dma_wait3A = arith.constant 24 : i32
      %dma_wait3A_36 = arith.constant 0 : i32
      %dma_wait3A_37 = tpu.memref_slice %arg9[%dma_wait3A, %dma_wait3A_36] : memref<25x80xi32, #tpu.memory_space<vmem>> -> memref<1x80xi32, #tpu.memory_space<vmem>>
      %dma_wait3A_38 = tpu.memref_squeeze %dma_wait3A_37 : memref<1x80xi32, #tpu.memory_space<vmem>> -> memref<80xi32, #tpu.memory_space<vmem>>
      %dma_wait3A_39 = arith.constant 0 : i32
      %dma_wait3A_40 = arith.constant 0 : i32
      %dma_wait3A_41 = tpu.memref_slice %arg2[%dma_wait3A_39, %dma_wait3A_40] : memref<10000x128xf32, #tpu.memory_space<hbm>> -> memref<10000x128xf32, #tpu.memory_space<hbm>>
      tpu.wait_indirect_dma semaphore(%arg16 : memref<!tpu.dma_semaphore, #tpu.memory_space<semaphore_mem>>) src(%dma_wait3A_41 : memref<10000x128xf32, #tpu.memory_space<hbm>>) dst(%arg11 : memref<80x128xf32, #tpu.memory_space<vmem>>)
      %run_scoped3A = arith.constant 24 : i32
      "tpu.region"() ({
        %run_scoped3A_42 = tpu.sem_alloc : memref<!tpu.dma_semaphore, #tpu.memory_space<semaphore_mem>>
        %dma_start3A_43 = arith.constant 0 : i32
        %dma_start3A_44 = tpu.memref_slice %arg10[%run_scoped3A, %dma_start3A_43] : memref<25x80xi32, #tpu.memory_space<vmem>> -> memref<1x80xi32, #tpu.memory_space<vmem>>
        %dma_start3A_45 = tpu.memref_squeeze %dma_start3A_44 : memref<1x80xi32, #tpu.memory_space<vmem>> -> memref<80xi32, #tpu.memory_space<vmem>>
        %dma_start3A_46 = arith.constant 0 : i32
        %dma_start3A_47 = arith.constant 0 : i32
        %dma_start3A_48 = tpu.memref_slice %arg15[%dma_start3A_46, %dma_start3A_47] : memref<10240x128xf32, #tpu.memory_space<vmem_shared>> -> memref<10240x128xf32, #tpu.memory_space<vmem_shared>>
        tpu.enqueue_indirect_dma source(%arg11 : memref<80x128xf32, #tpu.memory_space<vmem>>) target(%dma_start3A_48 : memref<10240x128xf32, #tpu.memory_space<vmem_shared>>) offsets(%dma_start3A_45 : memref<80xi32, #tpu.memory_space<vmem>>) semaphore(%run_scoped3A_42 : memref<!tpu.dma_semaphore, #tpu.memory_space<semaphore_mem>>) {add = true}
        %dma_wait3A_49 = arith.constant 0 : i32
        %dma_wait3A_50 = tpu.memref_slice %arg10[%run_scoped3A, %dma_wait3A_49] : memref<25x80xi32, #tpu.memory_space<vmem>> -> memref<1x80xi32, #tpu.memory_space<vmem>>
        %dma_wait3A_51 = tpu.memref_squeeze %dma_wait3A_50 : memref<1x80xi32, #tpu.memory_space<vmem>> -> memref<80xi32, #tpu.memory_space<vmem>>
        %dma_wait3A_52 = arith.constant 0 : i32
        %dma_wait3A_53 = arith.constant 0 : i32
        %dma_wait3A_54 = tpu.memref_slice %arg15[%dma_wait3A_52, %dma_wait3A_53] : memref<10240x128xf32, #tpu.memory_space<vmem_shared>> -> memref<10240x128xf32, #tpu.memory_space<vmem_shared>>
        tpu.wait_indirect_dma semaphore(%run_scoped3A_42 : memref<!tpu.dma_semaphore, #tpu.memory_space<semaphore_mem>>) src(%arg11 : memref<80x128xf32, #tpu.memory_space<vmem>>) dst(%dma_wait3A_54 : memref<10240x128xf32, #tpu.memory_space<vmem_shared>>)
        tpu.yield
      }) : () -> ()
    }
    %scan3A_7 = arith.constant 5 : i32
    %barrier3A_8 = arith.constant 0 : index
    tpu.barrier barrier_id(%barrier3A_8)
    "tpu.region"() ({
      %run_scoped3A = tpu.sem_alloc : memref<!tpu.dma_semaphore, #tpu.memory_space<semaphore_mem>>
      %dma_start3A = arith.constant 0 : i32
      %dma_start3A_17 = tpu.memref_slice %arg7[%arg0, %mul3A_0, %dma_start3A] : memref<2x10240x128xf32, #tpu.memory_space<hbm>> -> memref<1x640x128xf32, #tpu.memory_space<hbm>>
      %dma_start3A_18 = tpu.memref_squeeze %dma_start3A_17 : memref<1x640x128xf32, #tpu.memory_space<hbm>> -> memref<640x128xf32, #tpu.memory_space<hbm>>
      %dma_start3A_19 = arith.constant 0 : i32
      %dma_start3A_20 = tpu.memref_slice %arg15[%mul3A_0, %dma_start3A_19] : memref<10240x128xf32, #tpu.memory_space<vmem_shared>> -> memref<640x128xf32, #tpu.memory_space<vmem_shared>>
      tpu.enqueue_dma source(%dma_start3A_20 : memref<640x128xf32, #tpu.memory_space<vmem_shared>>) target(%dma_start3A_18 : memref<640x128xf32, #tpu.memory_space<hbm>>) target_semaphore(%run_scoped3A : memref<!tpu.dma_semaphore, #tpu.memory_space<semaphore_mem>>)
      %dma_wait3A = arith.constant 0 : i32
      %dma_wait3A_21 = tpu.memref_slice %arg7[%arg0, %mul3A_0, %dma_wait3A] : memref<2x10240x128xf32, #tpu.memory_space<hbm>> -> memref<1x640x128xf32, #tpu.memory_space<hbm>>
      %dma_wait3A_22 = tpu.memref_squeeze %dma_wait3A_21 : memref<1x640x128xf32, #tpu.memory_space<hbm>> -> memref<640x128xf32, #tpu.memory_space<hbm>>
      %dma_wait3A_23 = arith.constant 0 : i32
      %dma_wait3A_24 = tpu.memref_slice %arg15[%mul3A_0, %dma_wait3A_23] : memref<10240x128xf32, #tpu.memory_space<vmem_shared>> -> memref<640x128xf32, #tpu.memory_space<vmem_shared>>
      tpu.wait_dma2 semaphore(%run_scoped3A : memref<!tpu.dma_semaphore, #tpu.memory_space<semaphore_mem>>) src(%dma_wait3A_24 : memref<640x128xf32, #tpu.memory_space<vmem_shared>>) dst(%dma_wait3A_22 : memref<640x128xf32, #tpu.memory_space<hbm>>)
      tpu.yield
    }) : () -> ()
    "tpu.region"() ({
      %run_scoped3A = tpu.sem_alloc : memref<!tpu.dma_semaphore, #tpu.memory_space<semaphore_mem>>
      %dma_start3A = arith.constant 0 : i32
      %dma_start3A_17 = tpu.memref_slice %arg15[%mul3A_0, %dma_start3A] : memref<10240x128xf32, #tpu.memory_space<vmem_shared>> -> memref<640x128xf32, #tpu.memory_space<vmem_shared>>
      %dma_start3A_18 = arith.constant 0 : i32
      %dma_start3A_19 = tpu.memref_slice %arg6[%mul3A_0, %dma_start3A_18] : memref<10240x128xf32, #tpu.memory_space<hbm>> -> memref<640x128xf32, #tpu.memory_space<hbm>>
      tpu.enqueue_dma source(%dma_start3A_19 : memref<640x128xf32, #tpu.memory_space<hbm>>) target(%dma_start3A_17 : memref<640x128xf32, #tpu.memory_space<vmem_shared>>) target_semaphore(%run_scoped3A : memref<!tpu.dma_semaphore, #tpu.memory_space<semaphore_mem>>)
      %dma_wait3A = arith.constant 0 : i32
      %dma_wait3A_20 = tpu.memref_slice %arg15[%mul3A_0, %dma_wait3A] : memref<10240x128xf32, #tpu.memory_space<vmem_shared>> -> memref<640x128xf32, #tpu.memory_space<vmem_shared>>
      %dma_wait3A_21 = arith.constant 0 : i32
      %dma_wait3A_22 = tpu.memref_slice %arg6[%mul3A_0, %dma_wait3A_21] : memref<10240x128xf32, #tpu.memory_space<hbm>> -> memref<640x128xf32, #tpu.memory_space<hbm>>
      tpu.wait_dma2 semaphore(%run_scoped3A : memref<!tpu.dma_semaphore, #tpu.memory_space<semaphore_mem>>) src(%dma_wait3A_22 : memref<640x128xf32, #tpu.memory_space<hbm>>) dst(%dma_wait3A_20 : memref<640x128xf32, #tpu.memory_space<vmem_shared>>)
      tpu.yield
    }) : () -> ()
    "tpu.region"() ({
      %run_scoped3A = tpu.sem_alloc : memref<!tpu.dma_semaphore, #tpu.memory_space<semaphore_mem>>
      tpu.enqueue_dma source(%arg5 : memref<80x128xf32, #tpu.memory_space<hbm>>) target(%arg11 : memref<80x128xf32, #tpu.memory_space<vmem>>) target_semaphore(%run_scoped3A : memref<!tpu.dma_semaphore, #tpu.memory_space<semaphore_mem>>)
      tpu.wait_dma2 semaphore(%run_scoped3A : memref<!tpu.dma_semaphore, #tpu.memory_space<semaphore_mem>>) src(%arg5 : memref<80x128xf32, #tpu.memory_space<hbm>>) dst(%arg11 : memref<80x128xf32, #tpu.memory_space<vmem>>)
      tpu.yield
    }) : () -> ()
    %barrier3A_9 = arith.constant 0 : index
    tpu.barrier barrier_id(%barrier3A_9)
    %scan3A_10 = arith.constant 0 : i32
    %scan3A_11 = arith.constant 0 : i32
    %scan3A_12 = arith.constant 5 : i32
    %scan3A_13 = arith.addi %scan3A_11, %scan3A_12 : i32
    %scan3A_14 = arith.constant 1 : i32
    scf.for %scan3A_17 = %scan3A_11 to %scan3A_13 step %scan3A_14  : i32 {
      %mul3A_18 = arith.constant 5 : i32
      %mul3A_19 = arith.muli %add3A, %mul3A_18 : i32
      %add3A_20 = arith.addi %mul3A_19, %scan3A_17 : i32
      "tpu.region"() ({
        %run_scoped3A = tpu.sem_alloc : memref<!tpu.dma_semaphore, #tpu.memory_space<semaphore_mem>>
        %dma_start3A_39 = arith.constant 0 : i32
        %dma_start3A_40 = arith.constant 0 : i32
        %dma_start3A_41 = tpu.memref_slice %arg4[%add3A_20, %dma_start3A_39, %dma_start3A_40] : memref<160x25x80xi32, #tpu.memory_space<hbm>> -> memref<1x25x80xi32, #tpu.memory_space<hbm>>
        %dma_start3A_42 = tpu.memref_squeeze %dma_start3A_41 : memref<1x25x80xi32, #tpu.memory_space<hbm>> -> memref<25x80xi32, #tpu.memory_space<hbm>>
        %dma_start3A_43 = arith.constant 0 : i32
        %dma_start3A_44 = arith.constant 0 : i32
        %dma_start3A_45 = tpu.memref_slice %arg4[%add3A_20, %dma_start3A_43, %dma_start3A_44] : memref<160x25x80xi32, #tpu.memory_space<hbm>> -> memref<1x25x80xi32, #tpu.memory_space<hbm>>
        %dma_start3A_46 = tpu.memref_squeeze %dma_start3A_45 : memref<1x25x80xi32, #tpu.memory_space<hbm>> -> memref<25x80xi32, #tpu.memory_space<hbm>>
        tpu.enqueue_dma source(%dma_start3A_46 : memref<25x80xi32, #tpu.memory_space<hbm>>) target(%arg10 : memref<25x80xi32, #tpu.memory_space<vmem>>) target_semaphore(%run_scoped3A : memref<!tpu.dma_semaphore, #tpu.memory_space<semaphore_mem>>)
        %dma_wait3A_47 = arith.constant 0 : i32
        %dma_wait3A_48 = arith.constant 0 : i32
        %dma_wait3A_49 = tpu.memref_slice %arg4[%add3A_20, %dma_wait3A_47, %dma_wait3A_48] : memref<160x25x80xi32, #tpu.memory_space<hbm>> -> memref<1x25x80xi32, #tpu.memory_space<hbm>>
        %dma_wait3A_50 = tpu.memref_squeeze %dma_wait3A_49 : memref<1x25x80xi32, #tpu.memory_space<hbm>> -> memref<25x80xi32, #tpu.memory_space<hbm>>
        %dma_wait3A_51 = arith.constant 0 : i32
        %dma_wait3A_52 = arith.constant 0 : i32
        %dma_wait3A_53 = tpu.memref_slice %arg4[%add3A_20, %dma_wait3A_51, %dma_wait3A_52] : memref<160x25x80xi32, #tpu.memory_space<hbm>> -> memref<1x25x80xi32, #tpu.memory_space<hbm>>
        %dma_wait3A_54 = tpu.memref_squeeze %dma_wait3A_53 : memref<1x25x80xi32, #tpu.memory_space<hbm>> -> memref<25x80xi32, #tpu.memory_space<hbm>>
        tpu.wait_dma2 semaphore(%run_scoped3A : memref<!tpu.dma_semaphore, #tpu.memory_space<semaphore_mem>>) src(%dma_wait3A_54 : memref<25x80xi32, #tpu.memory_space<hbm>>) dst(%arg10 : memref<25x80xi32, #tpu.memory_space<vmem>>)
        tpu.yield
      }) : () -> ()
      %scan3A_21 = arith.constant 0 : i32
      %scan3A_22 = arith.constant 0 : i32
      %scan3A_23 = arith.constant 12 : i32
      %scan3A_24 = arith.addi %scan3A_22, %scan3A_23 : i32
      %scan3A_25 = arith.constant 1 : i32
      scf.for %scan3A_39 = %scan3A_22 to %scan3A_24 step %scan3A_25  : i32 {
        %mul3A_40 = arith.constant 2 : i32
        %mul3A_41 = arith.muli %mul3A_40, %scan3A_39 : i32
        %dma_start3A_42 = arith.constant 0 : i32
        %dma_start3A_43 = tpu.memref_slice %arg10[%mul3A_41, %dma_start3A_42] : memref<25x80xi32, #tpu.memory_space<vmem>> -> memref<1x80xi32, #tpu.memory_space<vmem>>
        %dma_start3A_44 = tpu.memref_squeeze %dma_start3A_43 : memref<1x80xi32, #tpu.memory_space<vmem>> -> memref<80xi32, #tpu.memory_space<vmem>>
        %dma_start3A_45 = arith.constant 0 : i32
        %dma_start3A_46 = arith.constant 0 : i32
        %dma_start3A_47 = tpu.memref_slice %arg15[%dma_start3A_45, %dma_start3A_46] : memref<10240x128xf32, #tpu.memory_space<vmem_shared>> -> memref<10240x128xf32, #tpu.memory_space<vmem_shared>>
        tpu.enqueue_indirect_dma source(%arg11 : memref<80x128xf32, #tpu.memory_space<vmem>>) target(%dma_start3A_47 : memref<10240x128xf32, #tpu.memory_space<vmem_shared>>) offsets(%dma_start3A_44 : memref<80xi32, #tpu.memory_space<vmem>>) semaphore(%arg16 : memref<!tpu.dma_semaphore, #tpu.memory_space<semaphore_mem>>) {add = true}
        %mul3A_48 = arith.constant 2 : i32
        %mul3A_49 = arith.muli %mul3A_48, %scan3A_39 : i32
        %add3A_50 = arith.constant 1 : i32
        %add3A_51 = arith.addi %mul3A_49, %add3A_50 : i32
        %dma_start3A_52 = arith.constant 0 : i32
        %dma_start3A_53 = tpu.memref_slice %arg10[%add3A_51, %dma_start3A_52] : memref<25x80xi32, #tpu.memory_space<vmem>> -> memref<1x80xi32, #tpu.memory_space<vmem>>
        %dma_start3A_54 = tpu.memref_squeeze %dma_start3A_53 : memref<1x80xi32, #tpu.memory_space<vmem>> -> memref<80xi32, #tpu.memory_space<vmem>>
        %dma_start3A_55 = arith.constant 0 : i32
        %dma_start3A_56 = arith.constant 0 : i32
        %dma_start3A_57 = tpu.memref_slice %arg15[%dma_start3A_55, %dma_start3A_56] : memref<10240x128xf32, #tpu.memory_space<vmem_shared>> -> memref<10240x128xf32, #tpu.memory_space<vmem_shared>>
        tpu.enqueue_indirect_dma source(%arg11 : memref<80x128xf32, #tpu.memory_space<vmem>>) target(%dma_start3A_57 : memref<10240x128xf32, #tpu.memory_space<vmem_shared>>) offsets(%dma_start3A_54 : memref<80xi32, #tpu.memory_space<vmem>>) semaphore(%arg17 : memref<!tpu.dma_semaphore, #tpu.memory_space<semaphore_mem>>) {add = true}
        %dma_wait3A_58 = arith.constant 0 : i32
        %dma_wait3A_59 = tpu.memref_slice %arg10[%mul3A_41, %dma_wait3A_58] : memref<25x80xi32, #tpu.memory_space<vmem>> -> memref<1x80xi32, #tpu.memory_space<vmem>>
        %dma_wait3A_60 = tpu.memref_squeeze %dma_wait3A_59 : memref<1x80xi32, #tpu.memory_space<vmem>> -> memref<80xi32, #tpu.memory_space<vmem>>
        %dma_wait3A_61 = arith.constant 0 : i32
        %dma_wait3A_62 = arith.constant 0 : i32
        %dma_wait3A_63 = tpu.memref_slice %arg15[%dma_wait3A_61, %dma_wait3A_62] : memref<10240x128xf32, #tpu.memory_space<vmem_shared>> -> memref<10240x128xf32, #tpu.memory_space<vmem_shared>>
        tpu.wait_indirect_dma semaphore(%arg16 : memref<!tpu.dma_semaphore, #tpu.memory_space<semaphore_mem>>) src(%arg11 : memref<80x128xf32, #tpu.memory_space<vmem>>) dst(%dma_wait3A_63 : memref<10240x128xf32, #tpu.memory_space<vmem_shared>>)
        %dma_wait3A_64 = arith.constant 0 : i32
        %dma_wait3A_65 = tpu.memref_slice %arg10[%add3A_51, %dma_wait3A_64] : memref<25x80xi32, #tpu.memory_space<vmem>> -> memref<1x80xi32, #tpu.memory_space<vmem>>
        %dma_wait3A_66 = tpu.memref_squeeze %dma_wait3A_65 : memref<1x80xi32, #tpu.memory_space<vmem>> -> memref<80xi32, #tpu.memory_space<vmem>>
        %dma_wait3A_67 = arith.constant 0 : i32
        %dma_wait3A_68 = arith.constant 0 : i32
        %dma_wait3A_69 = tpu.memref_slice %arg15[%dma_wait3A_67, %dma_wait3A_68] : memref<10240x128xf32, #tpu.memory_space<vmem_shared>> -> memref<10240x128xf32, #tpu.memory_space<vmem_shared>>
        tpu.wait_indirect_dma semaphore(%arg17 : memref<!tpu.dma_semaphore, #tpu.memory_space<semaphore_mem>>) src(%arg11 : memref<80x128xf32, #tpu.memory_space<vmem>>) dst(%dma_wait3A_69 : memref<10240x128xf32, #tpu.memory_space<vmem_shared>>)
      }
      %scan3A_26 = arith.constant 12 : i32
      %dma_start3A = arith.constant 24 : i32
      %dma_start3A_27 = arith.constant 0 : i32
      %dma_start3A_28 = tpu.memref_slice %arg10[%dma_start3A, %dma_start3A_27] : memref<25x80xi32, #tpu.memory_space<vmem>> -> memref<1x80xi32, #tpu.memory_space<vmem>>
      %dma_start3A_29 = tpu.memref_squeeze %dma_start3A_28 : memref<1x80xi32, #tpu.memory_space<vmem>> -> memref<80xi32, #tpu.memory_space<vmem>>
      %dma_start3A_30 = arith.constant 0 : i32
      %dma_start3A_31 = arith.constant 0 : i32
      %dma_start3A_32 = tpu.memref_slice %arg15[%dma_start3A_30, %dma_start3A_31] : memref<10240x128xf32, #tpu.memory_space<vmem_shared>> -> memref<10240x128xf32, #tpu.memory_space<vmem_shared>>
      tpu.enqueue_indirect_dma source(%arg11 : memref<80x128xf32, #tpu.memory_space<vmem>>) target(%dma_start3A_32 : memref<10240x128xf32, #tpu.memory_space<vmem_shared>>) offsets(%dma_start3A_29 : memref<80xi32, #tpu.memory_space<vmem>>) semaphore(%arg16 : memref<!tpu.dma_semaphore, #tpu.memory_space<semaphore_mem>>) {add = true}
      %dma_wait3A = arith.constant 24 : i32
      %dma_wait3A_33 = arith.constant 0 : i32
      %dma_wait3A_34 = tpu.memref_slice %arg10[%dma_wait3A, %dma_wait3A_33] : memref<25x80xi32, #tpu.memory_space<vmem>> -> memref<1x80xi32, #tpu.memory_space<vmem>>
      %dma_wait3A_35 = tpu.memref_squeeze %dma_wait3A_34 : memref<1x80xi32, #tpu.memory_space<vmem>> -> memref<80xi32, #tpu.memory_space<vmem>>
      %dma_wait3A_36 = arith.constant 0 : i32
      %dma_wait3A_37 = arith.constant 0 : i32
      %dma_wait3A_38 = tpu.memref_slice %arg15[%dma_wait3A_36, %dma_wait3A_37] : memref<10240x128xf32, #tpu.memory_space<vmem_shared>> -> memref<10240x128xf32, #tpu.memory_space<vmem_shared>>
      tpu.wait_indirect_dma semaphore(%arg16 : memref<!tpu.dma_semaphore, #tpu.memory_space<semaphore_mem>>) src(%arg11 : memref<80x128xf32, #tpu.memory_space<vmem>>) dst(%dma_wait3A_38 : memref<10240x128xf32, #tpu.memory_space<vmem_shared>>)
    }
    %scan3A_15 = arith.constant 5 : i32
    %barrier3A_16 = arith.constant 0 : index
    tpu.barrier barrier_id(%barrier3A_16)
    "tpu.region"() ({
      %run_scoped3A = tpu.sem_alloc : memref<!tpu.dma_semaphore, #tpu.memory_space<semaphore_mem>>
      %dma_start3A = arith.constant 0 : i32
      %dma_start3A_17 = tpu.memref_slice %arg8[%arg0, %mul3A_0, %dma_start3A] : memref<2x10240x128xf32, #tpu.memory_space<hbm>> -> memref<1x640x128xf32, #tpu.memory_space<hbm>>
      %dma_start3A_18 = tpu.memref_squeeze %dma_start3A_17 : memref<1x640x128xf32, #tpu.memory_space<hbm>> -> memref<640x128xf32, #tpu.memory_space<hbm>>
      %dma_start3A_19 = arith.constant 0 : i32
      %dma_start3A_20 = tpu.memref_slice %arg15[%mul3A_0, %dma_start3A_19] : memref<10240x128xf32, #tpu.memory_space<vmem_shared>> -> memref<640x128xf32, #tpu.memory_space<vmem_shared>>
      tpu.enqueue_dma source(%dma_start3A_20 : memref<640x128xf32, #tpu.memory_space<vmem_shared>>) target(%dma_start3A_18 : memref<640x128xf32, #tpu.memory_space<hbm>>) target_semaphore(%run_scoped3A : memref<!tpu.dma_semaphore, #tpu.memory_space<semaphore_mem>>)
      %dma_wait3A = arith.constant 0 : i32
      %dma_wait3A_21 = tpu.memref_slice %arg8[%arg0, %mul3A_0, %dma_wait3A] : memref<2x10240x128xf32, #tpu.memory_space<hbm>> -> memref<1x640x128xf32, #tpu.memory_space<hbm>>
      %dma_wait3A_22 = tpu.memref_squeeze %dma_wait3A_21 : memref<1x640x128xf32, #tpu.memory_space<hbm>> -> memref<640x128xf32, #tpu.memory_space<hbm>>
      %dma_wait3A_23 = arith.constant 0 : i32
      %dma_wait3A_24 = tpu.memref_slice %arg15[%mul3A_0, %dma_wait3A_23] : memref<10240x128xf32, #tpu.memory_space<vmem_shared>> -> memref<640x128xf32, #tpu.memory_space<vmem_shared>>
      tpu.wait_dma2 semaphore(%run_scoped3A : memref<!tpu.dma_semaphore, #tpu.memory_space<semaphore_mem>>) src(%dma_wait3A_24 : memref<640x128xf32, #tpu.memory_space<vmem_shared>>) dst(%dma_wait3A_22 : memref<640x128xf32, #tpu.memory_space<hbm>>)
      tpu.yield
    }) : () -> ()
    return
  }
}

#map = affine_map<(d0, d1) -> (0, 0)>
#map1 = affine_map<(d0, d1) -> (0, 0, 0)>
module attributes {stable_mosaic.version = 14 : i64} {
  func.func @_sc_pass_b(%arg0: i32, %arg1: i32, %arg2: memref<40000x128xf32, #tpu.memory_space<hbm>>, %arg3: memref<640x25x80xi32, #tpu.memory_space<hbm>>, %arg4: memref<160x25x80xi32, #tpu.memory_space<hbm>>, %arg5: memref<10240x128xf32, #tpu.memory_space<hbm>>, %arg6: memref<40960x128xf32, #tpu.memory_space<hbm>>, %arg7: memref<25x80xi32, #tpu.memory_space<vmem>>, %arg8: memref<25x80xi32, #tpu.memory_space<vmem>>, %arg9: memref<80x128xf32, #tpu.memory_space<vmem>>, %arg10: memref<80x128xf32, #tpu.memory_space<vmem>>, %arg11: memref<80x128xf32, #tpu.memory_space<vmem>>, %arg12: memref<80x128xf32, #tpu.memory_space<vmem>>, %arg13: memref<10240x128xf32, #tpu.memory_space<vmem_shared>>, %arg14: memref<!tpu.dma_semaphore, #tpu.memory_space<semaphore_mem>>, %arg15: memref<!tpu.dma_semaphore, #tpu.memory_space<semaphore_mem>>, %arg16: memref<!tpu.dma_semaphore, #tpu.memory_space<semaphore_mem>>, %arg17: memref<!tpu.dma_semaphore, #tpu.memory_space<semaphore_mem>>, %arg18: memref<!tpu.dma_semaphore, #tpu.memory_space<semaphore_mem>>, %arg19: memref<!tpu.dma_semaphore, #tpu.memory_space<semaphore_mem>>, %arg20: memref<!tpu.dma_semaphore, #tpu.memory_space<semaphore_mem>>, %arg21: memref<!tpu.dma_semaphore, #tpu.memory_space<semaphore_mem>>) attributes {dimension_semantics = [#tpu.dimension_semantics<core_parallel>, #tpu.dimension_semantics<subcore_parallel>], iteration_bounds = array<i64: 2, 16>, scalar_prefetch = 0 : i64, scratch_operands = 15 : i64, tpu.core_type = #tpu.core_type<sc_vector_subcore>, window_params = [{transform_indices = #map}, {transform_indices = #map1}, {transform_indices = #map1}, {transform_indices = #map}, {transform_indices = #map}]} {
    %mul3A = arith.constant 640 : i32
    %mul3A_0 = arith.muli %arg1, %mul3A : i32
    %add3A = arith.constant 0 : i32
    %add3A_1 = arith.addi %add3A, %arg0 : i32
    "tpu.region"() ({
      %run_scoped3A = tpu.sem_alloc : memref<!tpu.dma_semaphore, #tpu.memory_space<semaphore_mem>>
      %dma_start3A = arith.constant 0 : i32
      %dma_start3A_26 = tpu.memref_slice %arg13[%mul3A_0, %dma_start3A] : memref<10240x128xf32, #tpu.memory_space<vmem_shared>> -> memref<640x128xf32, #tpu.memory_space<vmem_shared>>
      %dma_start3A_27 = arith.constant 0 : i32
      %dma_start3A_28 = tpu.memref_slice %arg5[%mul3A_0, %dma_start3A_27] : memref<10240x128xf32, #tpu.memory_space<hbm>> -> memref<640x128xf32, #tpu.memory_space<hbm>>
      tpu.enqueue_dma source(%dma_start3A_28 : memref<640x128xf32, #tpu.memory_space<hbm>>) target(%dma_start3A_26 : memref<640x128xf32, #tpu.memory_space<vmem_shared>>) target_semaphore(%run_scoped3A : memref<!tpu.dma_semaphore, #tpu.memory_space<semaphore_mem>>)
      %dma_wait3A = arith.constant 0 : i32
      %dma_wait3A_29 = tpu.memref_slice %arg13[%mul3A_0, %dma_wait3A] : memref<10240x128xf32, #tpu.memory_space<vmem_shared>> -> memref<640x128xf32, #tpu.memory_space<vmem_shared>>
      %dma_wait3A_30 = arith.constant 0 : i32
      %dma_wait3A_31 = tpu.memref_slice %arg5[%mul3A_0, %dma_wait3A_30] : memref<10240x128xf32, #tpu.memory_space<hbm>> -> memref<640x128xf32, #tpu.memory_space<hbm>>
      tpu.wait_dma2 semaphore(%run_scoped3A : memref<!tpu.dma_semaphore, #tpu.memory_space<semaphore_mem>>) src(%dma_wait3A_31 : memref<640x128xf32, #tpu.memory_space<hbm>>) dst(%dma_wait3A_29 : memref<640x128xf32, #tpu.memory_space<vmem_shared>>)
      tpu.yield
    }) : () -> ()
    %barrier3A = arith.constant 0 : index
    tpu.barrier barrier_id(%barrier3A)
    %scan3A = arith.constant 0 : i32
    %scan3A_2 = arith.constant 0 : i32
    %scan3A_3 = arith.constant 10 : i32
    %scan3A_4 = arith.addi %scan3A_2, %scan3A_3 : i32
    %scan3A_5 = arith.constant 1 : i32
    scf.for %scan3A_26 = %scan3A_2 to %scan3A_4 step %scan3A_5  : i32 {
      %mul3A_27 = arith.constant 16 : i32
      %mul3A_28 = arith.muli %add3A_1, %mul3A_27 : i32
      %add3A_29 = arith.addi %mul3A_28, %arg1 : i32
      %mul3A_30 = arith.constant 10 : i32
      %mul3A_31 = arith.muli %add3A_29, %mul3A_30 : i32
      %add3A_32 = arith.addi %mul3A_31, %scan3A_26 : i32
      "tpu.region"() ({
        %run_scoped3A_54 = tpu.sem_alloc : memref<!tpu.dma_semaphore, #tpu.memory_space<semaphore_mem>>
        %dma_start3A_55 = arith.constant 0 : i32
        %dma_start3A_56 = arith.constant 0 : i32
        %dma_start3A_57 = tpu.memref_slice %arg3[%add3A_32, %dma_start3A_55, %dma_start3A_56] : memref<640x25x80xi32, #tpu.memory_space<hbm>> -> memref<1x25x80xi32, #tpu.memory_space<hbm>>
        %dma_start3A_58 = tpu.memref_squeeze %dma_start3A_57 : memref<1x25x80xi32, #tpu.memory_space<hbm>> -> memref<25x80xi32, #tpu.memory_space<hbm>>
        %dma_start3A_59 = arith.constant 0 : i32
        %dma_start3A_60 = arith.constant 0 : i32
        %dma_start3A_61 = tpu.memref_slice %arg3[%add3A_32, %dma_start3A_59, %dma_start3A_60] : memref<640x25x80xi32, #tpu.memory_space<hbm>> -> memref<1x25x80xi32, #tpu.memory_space<hbm>>
        %dma_start3A_62 = tpu.memref_squeeze %dma_start3A_61 : memref<1x25x80xi32, #tpu.memory_space<hbm>> -> memref<25x80xi32, #tpu.memory_space<hbm>>
        tpu.enqueue_dma source(%dma_start3A_62 : memref<25x80xi32, #tpu.memory_space<hbm>>) target(%arg7 : memref<25x80xi32, #tpu.memory_space<vmem>>) target_semaphore(%run_scoped3A_54 : memref<!tpu.dma_semaphore, #tpu.memory_space<semaphore_mem>>)
        %dma_wait3A_63 = arith.constant 0 : i32
        %dma_wait3A_64 = arith.constant 0 : i32
        %dma_wait3A_65 = tpu.memref_slice %arg3[%add3A_32, %dma_wait3A_63, %dma_wait3A_64] : memref<640x25x80xi32, #tpu.memory_space<hbm>> -> memref<1x25x80xi32, #tpu.memory_space<hbm>>
        %dma_wait3A_66 = tpu.memref_squeeze %dma_wait3A_65 : memref<1x25x80xi32, #tpu.memory_space<hbm>> -> memref<25x80xi32, #tpu.memory_space<hbm>>
        %dma_wait3A_67 = arith.constant 0 : i32
        %dma_wait3A_68 = arith.constant 0 : i32
        %dma_wait3A_69 = tpu.memref_slice %arg3[%add3A_32, %dma_wait3A_67, %dma_wait3A_68] : memref<640x25x80xi32, #tpu.memory_space<hbm>> -> memref<1x25x80xi32, #tpu.memory_space<hbm>>
        %dma_wait3A_70 = tpu.memref_squeeze %dma_wait3A_69 : memref<1x25x80xi32, #tpu.memory_space<hbm>> -> memref<25x80xi32, #tpu.memory_space<hbm>>
        tpu.wait_dma2 semaphore(%run_scoped3A_54 : memref<!tpu.dma_semaphore, #tpu.memory_space<semaphore_mem>>) src(%dma_wait3A_70 : memref<25x80xi32, #tpu.memory_space<hbm>>) dst(%arg7 : memref<25x80xi32, #tpu.memory_space<vmem>>)
        tpu.yield
      }) : () -> ()
      %mul3A_33 = arith.constant 10 : i32
      %mul3A_34 = arith.muli %arg1, %mul3A_33 : i32
      %add3A_35 = arith.addi %mul3A_34, %scan3A_26 : i32
      "tpu.region"() ({
        %run_scoped3A_54 = tpu.sem_alloc : memref<!tpu.dma_semaphore, #tpu.memory_space<semaphore_mem>>
        %dma_start3A_55 = arith.constant 0 : i32
        %dma_start3A_56 = arith.constant 0 : i32
        %dma_start3A_57 = tpu.memref_slice %arg4[%add3A_35, %dma_start3A_55, %dma_start3A_56] : memref<160x25x80xi32, #tpu.memory_space<hbm>> -> memref<1x25x80xi32, #tpu.memory_space<hbm>>
        %dma_start3A_58 = tpu.memref_squeeze %dma_start3A_57 : memref<1x25x80xi32, #tpu.memory_space<hbm>> -> memref<25x80xi32, #tpu.memory_space<hbm>>
        %dma_start3A_59 = arith.constant 0 : i32
        %dma_start3A_60 = arith.constant 0 : i32
        %dma_start3A_61 = tpu.memref_slice %arg4[%add3A_35, %dma_start3A_59, %dma_start3A_60] : memref<160x25x80xi32, #tpu.memory_space<hbm>> -> memref<1x25x80xi32, #tpu.memory_space<hbm>>
        %dma_start3A_62 = tpu.memref_squeeze %dma_start3A_61 : memref<1x25x80xi32, #tpu.memory_space<hbm>> -> memref<25x80xi32, #tpu.memory_space<hbm>>
        tpu.enqueue_dma source(%dma_start3A_62 : memref<25x80xi32, #tpu.memory_space<hbm>>) target(%arg8 : memref<25x80xi32, #tpu.memory_space<vmem>>) target_semaphore(%run_scoped3A_54 : memref<!tpu.dma_semaphore, #tpu.memory_space<semaphore_mem>>)
        %dma_wait3A_63 = arith.constant 0 : i32
        %dma_wait3A_64 = arith.constant 0 : i32
        %dma_wait3A_65 = tpu.memref_slice %arg4[%add3A_35, %dma_wait3A_63, %dma_wait3A_64] : memref<160x25x80xi32, #tpu.memory_space<hbm>> -> memref<1x25x80xi32, #tpu.memory_space<hbm>>
        %dma_wait3A_66 = tpu.memref_squeeze %dma_wait3A_65 : memref<1x25x80xi32, #tpu.memory_space<hbm>> -> memref<25x80xi32, #tpu.memory_space<hbm>>
        %dma_wait3A_67 = arith.constant 0 : i32
        %dma_wait3A_68 = arith.constant 0 : i32
        %dma_wait3A_69 = tpu.memref_slice %arg4[%add3A_35, %dma_wait3A_67, %dma_wait3A_68] : memref<160x25x80xi32, #tpu.memory_space<hbm>> -> memref<1x25x80xi32, #tpu.memory_space<hbm>>
        %dma_wait3A_70 = tpu.memref_squeeze %dma_wait3A_69 : memref<1x25x80xi32, #tpu.memory_space<hbm>> -> memref<25x80xi32, #tpu.memory_space<hbm>>
        tpu.wait_dma2 semaphore(%run_scoped3A_54 : memref<!tpu.dma_semaphore, #tpu.memory_space<semaphore_mem>>) src(%dma_wait3A_70 : memref<25x80xi32, #tpu.memory_space<hbm>>) dst(%arg8 : memref<25x80xi32, #tpu.memory_space<vmem>>)
        tpu.yield
      }) : () -> ()
      %scan3A_36 = arith.constant 0 : i32
      %scan3A_37 = arith.constant 0 : i32
      %scan3A_38 = arith.constant 6 : i32
      %scan3A_39 = arith.addi %scan3A_37, %scan3A_38 : i32
      %scan3A_40 = arith.constant 1 : i32
      scf.for %scan3A_54 = %scan3A_37 to %scan3A_39 step %scan3A_40  : i32 {
        %mul3A_55 = arith.constant 4 : i32
        %mul3A_56 = arith.muli %mul3A_55, %scan3A_54 : i32
        %add3A_57 = arith.constant 0 : i32
        %add3A_58 = arith.addi %mul3A_56, %add3A_57 : i32
        %dma_start3A_59 = arith.constant 0 : i32
        %dma_start3A_60 = tpu.memref_slice %arg7[%add3A_58, %dma_start3A_59] : memref<25x80xi32, #tpu.memory_space<vmem>> -> memref<1x80xi32, #tpu.memory_space<vmem>>
        %dma_start3A_61 = tpu.memref_squeeze %dma_start3A_60 : memref<1x80xi32, #tpu.memory_space<vmem>> -> memref<80xi32, #tpu.memory_space<vmem>>
        %dma_start3A_62 = arith.constant 0 : i32
        %dma_start3A_63 = arith.constant 0 : i32
        %dma_start3A_64 = tpu.memref_slice %arg2[%dma_start3A_62, %dma_start3A_63] : memref<40000x128xf32, #tpu.memory_space<hbm>> -> memref<40000x128xf32, #tpu.memory_space<hbm>>
        tpu.enqueue_indirect_dma source(%dma_start3A_64 : memref<40000x128xf32, #tpu.memory_space<hbm>>) target(%arg9 : memref<80x128xf32, #tpu.memory_space<vmem>>) offsets(%dma_start3A_61 : memref<80xi32, #tpu.memory_space<vmem>>) semaphore(%arg14 : memref<!tpu.dma_semaphore, #tpu.memory_space<semaphore_mem>>)
        %add3A_65 = arith.constant 1 : i32
        %add3A_66 = arith.addi %mul3A_56, %add3A_65 : i32
        %dma_start3A_67 = arith.constant 0 : i32
        %dma_start3A_68 = tpu.memref_slice %arg7[%add3A_66, %dma_start3A_67] : memref<25x80xi32, #tpu.memory_space<vmem>> -> memref<1x80xi32, #tpu.memory_space<vmem>>
        %dma_start3A_69 = tpu.memref_squeeze %dma_start3A_68 : memref<1x80xi32, #tpu.memory_space<vmem>> -> memref<80xi32, #tpu.memory_space<vmem>>
        %dma_start3A_70 = arith.constant 0 : i32
        %dma_start3A_71 = arith.constant 0 : i32
        %dma_start3A_72 = tpu.memref_slice %arg2[%dma_start3A_70, %dma_start3A_71] : memref<40000x128xf32, #tpu.memory_space<hbm>> -> memref<40000x128xf32, #tpu.memory_space<hbm>>
        tpu.enqueue_indirect_dma source(%dma_start3A_72 : memref<40000x128xf32, #tpu.memory_space<hbm>>) target(%arg10 : memref<80x128xf32, #tpu.memory_space<vmem>>) offsets(%dma_start3A_69 : memref<80xi32, #tpu.memory_space<vmem>>) semaphore(%arg15 : memref<!tpu.dma_semaphore, #tpu.memory_space<semaphore_mem>>)
        %add3A_73 = arith.constant 2 : i32
        %add3A_74 = arith.addi %mul3A_56, %add3A_73 : i32
        %dma_start3A_75 = arith.constant 0 : i32
        %dma_start3A_76 = tpu.memref_slice %arg7[%add3A_74, %dma_start3A_75] : memref<25x80xi32, #tpu.memory_space<vmem>> -> memref<1x80xi32, #tpu.memory_space<vmem>>
        %dma_start3A_77 = tpu.memref_squeeze %dma_start3A_76 : memref<1x80xi32, #tpu.memory_space<vmem>> -> memref<80xi32, #tpu.memory_space<vmem>>
        %dma_start3A_78 = arith.constant 0 : i32
        %dma_start3A_79 = arith.constant 0 : i32
        %dma_start3A_80 = tpu.memref_slice %arg2[%dma_start3A_78, %dma_start3A_79] : memref<40000x128xf32, #tpu.memory_space<hbm>> -> memref<40000x128xf32, #tpu.memory_space<hbm>>
        tpu.enqueue_indirect_dma source(%dma_start3A_80 : memref<40000x128xf32, #tpu.memory_space<hbm>>) target(%arg11 : memref<80x128xf32, #tpu.memory_space<vmem>>) offsets(%dma_start3A_77 : memref<80xi32, #tpu.memory_space<vmem>>) semaphore(%arg16 : memref<!tpu.dma_semaphore, #tpu.memory_space<semaphore_mem>>)
        %add3A_81 = arith.constant 3 : i32
        %add3A_82 = arith.addi %mul3A_56, %add3A_81 : i32
        %dma_start3A_83 = arith.constant 0 : i32
        %dma_start3A_84 = tpu.memref_slice %arg7[%add3A_82, %dma_start3A_83] : memref<25x80xi32, #tpu.memory_space<vmem>> -> memref<1x80xi32, #tpu.memory_space<vmem>>
        %dma_start3A_85 = tpu.memref_squeeze %dma_start3A_84 : memref<1x80xi32, #tpu.memory_space<vmem>> -> memref<80xi32, #tpu.memory_space<vmem>>
        %dma_start3A_86 = arith.constant 0 : i32
        %dma_start3A_87 = arith.constant 0 : i32
        %dma_start3A_88 = tpu.memref_slice %arg2[%dma_start3A_86, %dma_start3A_87] : memref<40000x128xf32, #tpu.memory_space<hbm>> -> memref<40000x128xf32, #tpu.memory_space<hbm>>
        tpu.enqueue_indirect_dma source(%dma_start3A_88 : memref<40000x128xf32, #tpu.memory_space<hbm>>) target(%arg12 : memref<80x128xf32, #tpu.memory_space<vmem>>) offsets(%dma_start3A_85 : memref<80xi32, #tpu.memory_space<vmem>>) semaphore(%arg17 : memref<!tpu.dma_semaphore, #tpu.memory_space<semaphore_mem>>)
        %dma_wait3A_89 = arith.constant 0 : i32
        %dma_wait3A_90 = tpu.memref_slice %arg7[%add3A_58, %dma_wait3A_89] : memref<25x80xi32, #tpu.memory_space<vmem>> -> memref<1x80xi32, #tpu.memory_space<vmem>>
        %dma_wait3A_91 = tpu.memref_squeeze %dma_wait3A_90 : memref<1x80xi32, #tpu.memory_space<vmem>> -> memref<80xi32, #tpu.memory_space<vmem>>
        %dma_wait3A_92 = arith.constant 0 : i32
        %dma_wait3A_93 = arith.constant 0 : i32
        %dma_wait3A_94 = tpu.memref_slice %arg2[%dma_wait3A_92, %dma_wait3A_93] : memref<40000x128xf32, #tpu.memory_space<hbm>> -> memref<40000x128xf32, #tpu.memory_space<hbm>>
        tpu.wait_indirect_dma semaphore(%arg14 : memref<!tpu.dma_semaphore, #tpu.memory_space<semaphore_mem>>) src(%dma_wait3A_94 : memref<40000x128xf32, #tpu.memory_space<hbm>>) dst(%arg9 : memref<80x128xf32, #tpu.memory_space<vmem>>)
        %add3A_95 = arith.constant 0 : i32
        %add3A_96 = arith.addi %mul3A_56, %add3A_95 : i32
        %dma_start3A_97 = arith.constant 0 : i32
        %dma_start3A_98 = tpu.memref_slice %arg8[%add3A_96, %dma_start3A_97] : memref<25x80xi32, #tpu.memory_space<vmem>> -> memref<1x80xi32, #tpu.memory_space<vmem>>
        %dma_start3A_99 = tpu.memref_squeeze %dma_start3A_98 : memref<1x80xi32, #tpu.memory_space<vmem>> -> memref<80xi32, #tpu.memory_space<vmem>>
        %dma_start3A_100 = arith.constant 0 : i32
        %dma_start3A_101 = arith.constant 0 : i32
        %dma_start3A_102 = tpu.memref_slice %arg13[%dma_start3A_100, %dma_start3A_101] : memref<10240x128xf32, #tpu.memory_space<vmem_shared>> -> memref<10240x128xf32, #tpu.memory_space<vmem_shared>>
        tpu.enqueue_indirect_dma source(%arg9 : memref<80x128xf32, #tpu.memory_space<vmem>>) target(%dma_start3A_102 : memref<10240x128xf32, #tpu.memory_space<vmem_shared>>) offsets(%dma_start3A_99 : memref<80xi32, #tpu.memory_space<vmem>>) semaphore(%arg18 : memref<!tpu.dma_semaphore, #tpu.memory_space<semaphore_mem>>) {add = true}
        %dma_wait3A_103 = arith.constant 0 : i32
        %dma_wait3A_104 = tpu.memref_slice %arg7[%add3A_66, %dma_wait3A_103] : memref<25x80xi32, #tpu.memory_space<vmem>> -> memref<1x80xi32, #tpu.memory_space<vmem>>
        %dma_wait3A_105 = tpu.memref_squeeze %dma_wait3A_104 : memref<1x80xi32, #tpu.memory_space<vmem>> -> memref<80xi32, #tpu.memory_space<vmem>>
        %dma_wait3A_106 = arith.constant 0 : i32
        %dma_wait3A_107 = arith.constant 0 : i32
        %dma_wait3A_108 = tpu.memref_slice %arg2[%dma_wait3A_106, %dma_wait3A_107] : memref<40000x128xf32, #tpu.memory_space<hbm>> -> memref<40000x128xf32, #tpu.memory_space<hbm>>
        tpu.wait_indirect_dma semaphore(%arg15 : memref<!tpu.dma_semaphore, #tpu.memory_space<semaphore_mem>>) src(%dma_wait3A_108 : memref<40000x128xf32, #tpu.memory_space<hbm>>) dst(%arg10 : memref<80x128xf32, #tpu.memory_space<vmem>>)
        %add3A_109 = arith.constant 1 : i32
        %add3A_110 = arith.addi %mul3A_56, %add3A_109 : i32
        %dma_start3A_111 = arith.constant 0 : i32
        %dma_start3A_112 = tpu.memref_slice %arg8[%add3A_110, %dma_start3A_111] : memref<25x80xi32, #tpu.memory_space<vmem>> -> memref<1x80xi32, #tpu.memory_space<vmem>>
        %dma_start3A_113 = tpu.memref_squeeze %dma_start3A_112 : memref<1x80xi32, #tpu.memory_space<vmem>> -> memref<80xi32, #tpu.memory_space<vmem>>
        %dma_start3A_114 = arith.constant 0 : i32
        %dma_start3A_115 = arith.constant 0 : i32
        %dma_start3A_116 = tpu.memref_slice %arg13[%dma_start3A_114, %dma_start3A_115] : memref<10240x128xf32, #tpu.memory_space<vmem_shared>> -> memref<10240x128xf32, #tpu.memory_space<vmem_shared>>
        tpu.enqueue_indirect_dma source(%arg10 : memref<80x128xf32, #tpu.memory_space<vmem>>) target(%dma_start3A_116 : memref<10240x128xf32, #tpu.memory_space<vmem_shared>>) offsets(%dma_start3A_113 : memref<80xi32, #tpu.memory_space<vmem>>) semaphore(%arg19 : memref<!tpu.dma_semaphore, #tpu.memory_space<semaphore_mem>>) {add = true}
        %dma_wait3A_117 = arith.constant 0 : i32
        %dma_wait3A_118 = tpu.memref_slice %arg7[%add3A_74, %dma_wait3A_117] : memref<25x80xi32, #tpu.memory_space<vmem>> -> memref<1x80xi32, #tpu.memory_space<vmem>>
        %dma_wait3A_119 = tpu.memref_squeeze %dma_wait3A_118 : memref<1x80xi32, #tpu.memory_space<vmem>> -> memref<80xi32, #tpu.memory_space<vmem>>
        %dma_wait3A_120 = arith.constant 0 : i32
        %dma_wait3A_121 = arith.constant 0 : i32
        %dma_wait3A_122 = tpu.memref_slice %arg2[%dma_wait3A_120, %dma_wait3A_121] : memref<40000x128xf32, #tpu.memory_space<hbm>> -> memref<40000x128xf32, #tpu.memory_space<hbm>>
        tpu.wait_indirect_dma semaphore(%arg16 : memref<!tpu.dma_semaphore, #tpu.memory_space<semaphore_mem>>) src(%dma_wait3A_122 : memref<40000x128xf32, #tpu.memory_space<hbm>>) dst(%arg11 : memref<80x128xf32, #tpu.memory_space<vmem>>)
        %add3A_123 = arith.constant 2 : i32
        %add3A_124 = arith.addi %mul3A_56, %add3A_123 : i32
        %dma_start3A_125 = arith.constant 0 : i32
        %dma_start3A_126 = tpu.memref_slice %arg8[%add3A_124, %dma_start3A_125] : memref<25x80xi32, #tpu.memory_space<vmem>> -> memref<1x80xi32, #tpu.memory_space<vmem>>
        %dma_start3A_127 = tpu.memref_squeeze %dma_start3A_126 : memref<1x80xi32, #tpu.memory_space<vmem>> -> memref<80xi32, #tpu.memory_space<vmem>>
        %dma_start3A_128 = arith.constant 0 : i32
        %dma_start3A_129 = arith.constant 0 : i32
        %dma_start3A_130 = tpu.memref_slice %arg13[%dma_start3A_128, %dma_start3A_129] : memref<10240x128xf32, #tpu.memory_space<vmem_shared>> -> memref<10240x128xf32, #tpu.memory_space<vmem_shared>>
        tpu.enqueue_indirect_dma source(%arg11 : memref<80x128xf32, #tpu.memory_space<vmem>>) target(%dma_start3A_130 : memref<10240x128xf32, #tpu.memory_space<vmem_shared>>) offsets(%dma_start3A_127 : memref<80xi32, #tpu.memory_space<vmem>>) semaphore(%arg20 : memref<!tpu.dma_semaphore, #tpu.memory_space<semaphore_mem>>) {add = true}
        %dma_wait3A_131 = arith.constant 0 : i32
        %dma_wait3A_132 = tpu.memref_slice %arg7[%add3A_82, %dma_wait3A_131] : memref<25x80xi32, #tpu.memory_space<vmem>> -> memref<1x80xi32, #tpu.memory_space<vmem>>
        %dma_wait3A_133 = tpu.memref_squeeze %dma_wait3A_132 : memref<1x80xi32, #tpu.memory_space<vmem>> -> memref<80xi32, #tpu.memory_space<vmem>>
        %dma_wait3A_134 = arith.constant 0 : i32
        %dma_wait3A_135 = arith.constant 0 : i32
        %dma_wait3A_136 = tpu.memref_slice %arg2[%dma_wait3A_134, %dma_wait3A_135] : memref<40000x128xf32, #tpu.memory_space<hbm>> -> memref<40000x128xf32, #tpu.memory_space<hbm>>
        tpu.wait_indirect_dma semaphore(%arg17 : memref<!tpu.dma_semaphore, #tpu.memory_space<semaphore_mem>>) src(%dma_wait3A_136 : memref<40000x128xf32, #tpu.memory_space<hbm>>) dst(%arg12 : memref<80x128xf32, #tpu.memory_space<vmem>>)
        %add3A_137 = arith.constant 3 : i32
        %add3A_138 = arith.addi %mul3A_56, %add3A_137 : i32
        %dma_start3A_139 = arith.constant 0 : i32
        %dma_start3A_140 = tpu.memref_slice %arg8[%add3A_138, %dma_start3A_139] : memref<25x80xi32, #tpu.memory_space<vmem>> -> memref<1x80xi32, #tpu.memory_space<vmem>>
        %dma_start3A_141 = tpu.memref_squeeze %dma_start3A_140 : memref<1x80xi32, #tpu.memory_space<vmem>> -> memref<80xi32, #tpu.memory_space<vmem>>
        %dma_start3A_142 = arith.constant 0 : i32
        %dma_start3A_143 = arith.constant 0 : i32
        %dma_start3A_144 = tpu.memref_slice %arg13[%dma_start3A_142, %dma_start3A_143] : memref<10240x128xf32, #tpu.memory_space<vmem_shared>> -> memref<10240x128xf32, #tpu.memory_space<vmem_shared>>
        tpu.enqueue_indirect_dma source(%arg12 : memref<80x128xf32, #tpu.memory_space<vmem>>) target(%dma_start3A_144 : memref<10240x128xf32, #tpu.memory_space<vmem_shared>>) offsets(%dma_start3A_141 : memref<80xi32, #tpu.memory_space<vmem>>) semaphore(%arg21 : memref<!tpu.dma_semaphore, #tpu.memory_space<semaphore_mem>>) {add = true}
        %dma_wait3A_145 = arith.constant 0 : i32
        %dma_wait3A_146 = tpu.memref_slice %arg8[%add3A_96, %dma_wait3A_145] : memref<25x80xi32, #tpu.memory_space<vmem>> -> memref<1x80xi32, #tpu.memory_space<vmem>>
        %dma_wait3A_147 = tpu.memref_squeeze %dma_wait3A_146 : memref<1x80xi32, #tpu.memory_space<vmem>> -> memref<80xi32, #tpu.memory_space<vmem>>
        %dma_wait3A_148 = arith.constant 0 : i32
        %dma_wait3A_149 = arith.constant 0 : i32
        %dma_wait3A_150 = tpu.memref_slice %arg13[%dma_wait3A_148, %dma_wait3A_149] : memref<10240x128xf32, #tpu.memory_space<vmem_shared>> -> memref<10240x128xf32, #tpu.memory_space<vmem_shared>>
        tpu.wait_indirect_dma semaphore(%arg18 : memref<!tpu.dma_semaphore, #tpu.memory_space<semaphore_mem>>) src(%arg9 : memref<80x128xf32, #tpu.memory_space<vmem>>) dst(%dma_wait3A_150 : memref<10240x128xf32, #tpu.memory_space<vmem_shared>>)
        %dma_wait3A_151 = arith.constant 0 : i32
        %dma_wait3A_152 = tpu.memref_slice %arg8[%add3A_110, %dma_wait3A_151] : memref<25x80xi32, #tpu.memory_space<vmem>> -> memref<1x80xi32, #tpu.memory_space<vmem>>
        %dma_wait3A_153 = tpu.memref_squeeze %dma_wait3A_152 : memref<1x80xi32, #tpu.memory_space<vmem>> -> memref<80xi32, #tpu.memory_space<vmem>>
        %dma_wait3A_154 = arith.constant 0 : i32
        %dma_wait3A_155 = arith.constant 0 : i32
        %dma_wait3A_156 = tpu.memref_slice %arg13[%dma_wait3A_154, %dma_wait3A_155] : memref<10240x128xf32, #tpu.memory_space<vmem_shared>> -> memref<10240x128xf32, #tpu.memory_space<vmem_shared>>
        tpu.wait_indirect_dma semaphore(%arg19 : memref<!tpu.dma_semaphore, #tpu.memory_space<semaphore_mem>>) src(%arg10 : memref<80x128xf32, #tpu.memory_space<vmem>>) dst(%dma_wait3A_156 : memref<10240x128xf32, #tpu.memory_space<vmem_shared>>)
        %dma_wait3A_157 = arith.constant 0 : i32
        %dma_wait3A_158 = tpu.memref_slice %arg8[%add3A_124, %dma_wait3A_157] : memref<25x80xi32, #tpu.memory_space<vmem>> -> memref<1x80xi32, #tpu.memory_space<vmem>>
        %dma_wait3A_159 = tpu.memref_squeeze %dma_wait3A_158 : memref<1x80xi32, #tpu.memory_space<vmem>> -> memref<80xi32, #tpu.memory_space<vmem>>
        %dma_wait3A_160 = arith.constant 0 : i32
        %dma_wait3A_161 = arith.constant 0 : i32
        %dma_wait3A_162 = tpu.memref_slice %arg13[%dma_wait3A_160, %dma_wait3A_161] : memref<10240x128xf32, #tpu.memory_space<vmem_shared>> -> memref<10240x128xf32, #tpu.memory_space<vmem_shared>>
        tpu.wait_indirect_dma semaphore(%arg20 : memref<!tpu.dma_semaphore, #tpu.memory_space<semaphore_mem>>) src(%arg11 : memref<80x128xf32, #tpu.memory_space<vmem>>) dst(%dma_wait3A_162 : memref<10240x128xf32, #tpu.memory_space<vmem_shared>>)
        %dma_wait3A_163 = arith.constant 0 : i32
        %dma_wait3A_164 = tpu.memref_slice %arg8[%add3A_138, %dma_wait3A_163] : memref<25x80xi32, #tpu.memory_space<vmem>> -> memref<1x80xi32, #tpu.memory_space<vmem>>
        %dma_wait3A_165 = tpu.memref_squeeze %dma_wait3A_164 : memref<1x80xi32, #tpu.memory_space<vmem>> -> memref<80xi32, #tpu.memory_space<vmem>>
        %dma_wait3A_166 = arith.constant 0 : i32
        %dma_wait3A_167 = arith.constant 0 : i32
        %dma_wait3A_168 = tpu.memref_slice %arg13[%dma_wait3A_166, %dma_wait3A_167] : memref<10240x128xf32, #tpu.memory_space<vmem_shared>> -> memref<10240x128xf32, #tpu.memory_space<vmem_shared>>
        tpu.wait_indirect_dma semaphore(%arg21 : memref<!tpu.dma_semaphore, #tpu.memory_space<semaphore_mem>>) src(%arg12 : memref<80x128xf32, #tpu.memory_space<vmem>>) dst(%dma_wait3A_168 : memref<10240x128xf32, #tpu.memory_space<vmem_shared>>)
      }
      %scan3A_41 = arith.constant 6 : i32
      %dma_start3A = arith.constant 24 : i32
      %dma_start3A_42 = arith.constant 0 : i32
      %dma_start3A_43 = tpu.memref_slice %arg7[%dma_start3A, %dma_start3A_42] : memref<25x80xi32, #tpu.memory_space<vmem>> -> memref<1x80xi32, #tpu.memory_space<vmem>>
      %dma_start3A_44 = tpu.memref_squeeze %dma_start3A_43 : memref<1x80xi32, #tpu.memory_space<vmem>> -> memref<80xi32, #tpu.memory_space<vmem>>
      %dma_start3A_45 = arith.constant 0 : i32
      %dma_start3A_46 = arith.constant 0 : i32
      %dma_start3A_47 = tpu.memref_slice %arg2[%dma_start3A_45, %dma_start3A_46] : memref<40000x128xf32, #tpu.memory_space<hbm>> -> memref<40000x128xf32, #tpu.memory_space<hbm>>
      tpu.enqueue_indirect_dma source(%dma_start3A_47 : memref<40000x128xf32, #tpu.memory_space<hbm>>) target(%arg9 : memref<80x128xf32, #tpu.memory_space<vmem>>) offsets(%dma_start3A_44 : memref<80xi32, #tpu.memory_space<vmem>>) semaphore(%arg14 : memref<!tpu.dma_semaphore, #tpu.memory_space<semaphore_mem>>)
      %dma_wait3A = arith.constant 24 : i32
      %dma_wait3A_48 = arith.constant 0 : i32
      %dma_wait3A_49 = tpu.memref_slice %arg7[%dma_wait3A, %dma_wait3A_48] : memref<25x80xi32, #tpu.memory_space<vmem>> -> memref<1x80xi32, #tpu.memory_space<vmem>>
      %dma_wait3A_50 = tpu.memref_squeeze %dma_wait3A_49 : memref<1x80xi32, #tpu.memory_space<vmem>> -> memref<80xi32, #tpu.memory_space<vmem>>
      %dma_wait3A_51 = arith.constant 0 : i32
      %dma_wait3A_52 = arith.constant 0 : i32
      %dma_wait3A_53 = tpu.memref_slice %arg2[%dma_wait3A_51, %dma_wait3A_52] : memref<40000x128xf32, #tpu.memory_space<hbm>> -> memref<40000x128xf32, #tpu.memory_space<hbm>>
      tpu.wait_indirect_dma semaphore(%arg14 : memref<!tpu.dma_semaphore, #tpu.memory_space<semaphore_mem>>) src(%dma_wait3A_53 : memref<40000x128xf32, #tpu.memory_space<hbm>>) dst(%arg9 : memref<80x128xf32, #tpu.memory_space<vmem>>)
      %run_scoped3A = arith.constant 24 : i32
      "tpu.region"() ({
        %run_scoped3A_54 = tpu.sem_alloc : memref<!tpu.dma_semaphore, #tpu.memory_space<semaphore_mem>>
        %dma_start3A_55 = arith.constant 0 : i32
        %dma_start3A_56 = tpu.memref_slice %arg8[%run_scoped3A, %dma_start3A_55] : memref<25x80xi32, #tpu.memory_space<vmem>> -> memref<1x80xi32, #tpu.memory_space<vmem>>
        %dma_start3A_57 = tpu.memref_squeeze %dma_start3A_56 : memref<1x80xi32, #tpu.memory_space<vmem>> -> memref<80xi32, #tpu.memory_space<vmem>>
        %dma_start3A_58 = arith.constant 0 : i32
        %dma_start3A_59 = arith.constant 0 : i32
        %dma_start3A_60 = tpu.memref_slice %arg13[%dma_start3A_58, %dma_start3A_59] : memref<10240x128xf32, #tpu.memory_space<vmem_shared>> -> memref<10240x128xf32, #tpu.memory_space<vmem_shared>>
        tpu.enqueue_indirect_dma source(%arg9 : memref<80x128xf32, #tpu.memory_space<vmem>>) target(%dma_start3A_60 : memref<10240x128xf32, #tpu.memory_space<vmem_shared>>) offsets(%dma_start3A_57 : memref<80xi32, #tpu.memory_space<vmem>>) semaphore(%run_scoped3A_54 : memref<!tpu.dma_semaphore, #tpu.memory_space<semaphore_mem>>) {add = true}
        %dma_wait3A_61 = arith.constant 0 : i32
        %dma_wait3A_62 = tpu.memref_slice %arg8[%run_scoped3A, %dma_wait3A_61] : memref<25x80xi32, #tpu.memory_space<vmem>> -> memref<1x80xi32, #tpu.memory_space<vmem>>
        %dma_wait3A_63 = tpu.memref_squeeze %dma_wait3A_62 : memref<1x80xi32, #tpu.memory_space<vmem>> -> memref<80xi32, #tpu.memory_space<vmem>>
        %dma_wait3A_64 = arith.constant 0 : i32
        %dma_wait3A_65 = arith.constant 0 : i32
        %dma_wait3A_66 = tpu.memref_slice %arg13[%dma_wait3A_64, %dma_wait3A_65] : memref<10240x128xf32, #tpu.memory_space<vmem_shared>> -> memref<10240x128xf32, #tpu.memory_space<vmem_shared>>
        tpu.wait_indirect_dma semaphore(%run_scoped3A_54 : memref<!tpu.dma_semaphore, #tpu.memory_space<semaphore_mem>>) src(%arg9 : memref<80x128xf32, #tpu.memory_space<vmem>>) dst(%dma_wait3A_66 : memref<10240x128xf32, #tpu.memory_space<vmem_shared>>)
        tpu.yield
      }) : () -> ()
    }
    %scan3A_6 = arith.constant 10 : i32
    %barrier3A_7 = arith.constant 0 : index
    tpu.barrier barrier_id(%barrier3A_7)
    %mul3A_8 = arith.constant 10240 : i32
    %mul3A_9 = arith.muli %add3A_1, %mul3A_8 : i32
    %add3A_10 = arith.addi %mul3A_9, %mul3A_0 : i32
    "tpu.region"() ({
      %run_scoped3A = tpu.sem_alloc : memref<!tpu.dma_semaphore, #tpu.memory_space<semaphore_mem>>
      %dma_start3A = arith.constant 0 : i32
      %dma_start3A_26 = tpu.memref_slice %arg6[%add3A_10, %dma_start3A] : memref<40960x128xf32, #tpu.memory_space<hbm>> -> memref<640x128xf32, #tpu.memory_space<hbm>>
      %dma_start3A_27 = arith.constant 0 : i32
      %dma_start3A_28 = tpu.memref_slice %arg13[%mul3A_0, %dma_start3A_27] : memref<10240x128xf32, #tpu.memory_space<vmem_shared>> -> memref<640x128xf32, #tpu.memory_space<vmem_shared>>
      tpu.enqueue_dma source(%dma_start3A_28 : memref<640x128xf32, #tpu.memory_space<vmem_shared>>) target(%dma_start3A_26 : memref<640x128xf32, #tpu.memory_space<hbm>>) target_semaphore(%run_scoped3A : memref<!tpu.dma_semaphore, #tpu.memory_space<semaphore_mem>>)
      %dma_wait3A = arith.constant 0 : i32
      %dma_wait3A_29 = tpu.memref_slice %arg6[%add3A_10, %dma_wait3A] : memref<40960x128xf32, #tpu.memory_space<hbm>> -> memref<640x128xf32, #tpu.memory_space<hbm>>
      %dma_wait3A_30 = arith.constant 0 : i32
      %dma_wait3A_31 = tpu.memref_slice %arg13[%mul3A_0, %dma_wait3A_30] : memref<10240x128xf32, #tpu.memory_space<vmem_shared>> -> memref<640x128xf32, #tpu.memory_space<vmem_shared>>
      tpu.wait_dma2 semaphore(%run_scoped3A : memref<!tpu.dma_semaphore, #tpu.memory_space<semaphore_mem>>) src(%dma_wait3A_31 : memref<640x128xf32, #tpu.memory_space<vmem_shared>>) dst(%dma_wait3A_29 : memref<640x128xf32, #tpu.memory_space<hbm>>)
      tpu.yield
    }) : () -> ()
    %barrier3A_11 = arith.constant 0 : index
    tpu.barrier barrier_id(%barrier3A_11)
    %add3A_12 = arith.constant 2 : i32
    %add3A_13 = arith.addi %add3A_12, %arg0 : i32
    "tpu.region"() ({
      %run_scoped3A = tpu.sem_alloc : memref<!tpu.dma_semaphore, #tpu.memory_space<semaphore_mem>>
      %dma_start3A = arith.constant 0 : i32
      %dma_start3A_26 = tpu.memref_slice %arg13[%mul3A_0, %dma_start3A] : memref<10240x128xf32, #tpu.memory_space<vmem_shared>> -> memref<640x128xf32, #tpu.memory_space<vmem_shared>>
      %dma_start3A_27 = arith.constant 0 : i32
      %dma_start3A_28 = tpu.memref_slice %arg5[%mul3A_0, %dma_start3A_27] : memref<10240x128xf32, #tpu.memory_space<hbm>> -> memref<640x128xf32, #tpu.memory_space<hbm>>
      tpu.enqueue_dma source(%dma_start3A_28 : memref<640x128xf32, #tpu.memory_space<hbm>>) target(%dma_start3A_26 : memref<640x128xf32, #tpu.memory_space<vmem_shared>>) target_semaphore(%run_scoped3A : memref<!tpu.dma_semaphore, #tpu.memory_space<semaphore_mem>>)
      %dma_wait3A = arith.constant 0 : i32
      %dma_wait3A_29 = tpu.memref_slice %arg13[%mul3A_0, %dma_wait3A] : memref<10240x128xf32, #tpu.memory_space<vmem_shared>> -> memref<640x128xf32, #tpu.memory_space<vmem_shared>>
      %dma_wait3A_30 = arith.constant 0 : i32
      %dma_wait3A_31 = tpu.memref_slice %arg5[%mul3A_0, %dma_wait3A_30] : memref<10240x128xf32, #tpu.memory_space<hbm>> -> memref<640x128xf32, #tpu.memory_space<hbm>>
      tpu.wait_dma2 semaphore(%run_scoped3A : memref<!tpu.dma_semaphore, #tpu.memory_space<semaphore_mem>>) src(%dma_wait3A_31 : memref<640x128xf32, #tpu.memory_space<hbm>>) dst(%dma_wait3A_29 : memref<640x128xf32, #tpu.memory_space<vmem_shared>>)
      tpu.yield
    }) : () -> ()
    %barrier3A_14 = arith.constant 0 : index
    tpu.barrier barrier_id(%barrier3A_14)
    %scan3A_15 = arith.constant 0 : i32
    %scan3A_16 = arith.constant 0 : i32
    %scan3A_17 = arith.constant 10 : i32
    %scan3A_18 = arith.addi %scan3A_16, %scan3A_17 : i32
    %scan3A_19 = arith.constant 1 : i32
    scf.for %scan3A_26 = %scan3A_16 to %scan3A_18 step %scan3A_19  : i32 {
      %mul3A_27 = arith.constant 16 : i32
      %mul3A_28 = arith.muli %add3A_13, %mul3A_27 : i32
      %add3A_29 = arith.addi %mul3A_28, %arg1 : i32
      %mul3A_30 = arith.constant 10 : i32
      %mul3A_31 = arith.muli %add3A_29, %mul3A_30 : i32
      %add3A_32 = arith.addi %mul3A_31, %scan3A_26 : i32
      "tpu.region"() ({
        %run_scoped3A_54 = tpu.sem_alloc : memref<!tpu.dma_semaphore, #tpu.memory_space<semaphore_mem>>
        %dma_start3A_55 = arith.constant 0 : i32
        %dma_start3A_56 = arith.constant 0 : i32
        %dma_start3A_57 = tpu.memref_slice %arg3[%add3A_32, %dma_start3A_55, %dma_start3A_56] : memref<640x25x80xi32, #tpu.memory_space<hbm>> -> memref<1x25x80xi32, #tpu.memory_space<hbm>>
        %dma_start3A_58 = tpu.memref_squeeze %dma_start3A_57 : memref<1x25x80xi32, #tpu.memory_space<hbm>> -> memref<25x80xi32, #tpu.memory_space<hbm>>
        %dma_start3A_59 = arith.constant 0 : i32
        %dma_start3A_60 = arith.constant 0 : i32
        %dma_start3A_61 = tpu.memref_slice %arg3[%add3A_32, %dma_start3A_59, %dma_start3A_60] : memref<640x25x80xi32, #tpu.memory_space<hbm>> -> memref<1x25x80xi32, #tpu.memory_space<hbm>>
        %dma_start3A_62 = tpu.memref_squeeze %dma_start3A_61 : memref<1x25x80xi32, #tpu.memory_space<hbm>> -> memref<25x80xi32, #tpu.memory_space<hbm>>
        tpu.enqueue_dma source(%dma_start3A_62 : memref<25x80xi32, #tpu.memory_space<hbm>>) target(%arg7 : memref<25x80xi32, #tpu.memory_space<vmem>>) target_semaphore(%run_scoped3A_54 : memref<!tpu.dma_semaphore, #tpu.memory_space<semaphore_mem>>)
        %dma_wait3A_63 = arith.constant 0 : i32
        %dma_wait3A_64 = arith.constant 0 : i32
        %dma_wait3A_65 = tpu.memref_slice %arg3[%add3A_32, %dma_wait3A_63, %dma_wait3A_64] : memref<640x25x80xi32, #tpu.memory_space<hbm>> -> memref<1x25x80xi32, #tpu.memory_space<hbm>>
        %dma_wait3A_66 = tpu.memref_squeeze %dma_wait3A_65 : memref<1x25x80xi32, #tpu.memory_space<hbm>> -> memref<25x80xi32, #tpu.memory_space<hbm>>
        %dma_wait3A_67 = arith.constant 0 : i32
        %dma_wait3A_68 = arith.constant 0 : i32
        %dma_wait3A_69 = tpu.memref_slice %arg3[%add3A_32, %dma_wait3A_67, %dma_wait3A_68] : memref<640x25x80xi32, #tpu.memory_space<hbm>> -> memref<1x25x80xi32, #tpu.memory_space<hbm>>
        %dma_wait3A_70 = tpu.memref_squeeze %dma_wait3A_69 : memref<1x25x80xi32, #tpu.memory_space<hbm>> -> memref<25x80xi32, #tpu.memory_space<hbm>>
        tpu.wait_dma2 semaphore(%run_scoped3A_54 : memref<!tpu.dma_semaphore, #tpu.memory_space<semaphore_mem>>) src(%dma_wait3A_70 : memref<25x80xi32, #tpu.memory_space<hbm>>) dst(%arg7 : memref<25x80xi32, #tpu.memory_space<vmem>>)
        tpu.yield
      }) : () -> ()
      %mul3A_33 = arith.constant 10 : i32
      %mul3A_34 = arith.muli %arg1, %mul3A_33 : i32
      %add3A_35 = arith.addi %mul3A_34, %scan3A_26 : i32
      "tpu.region"() ({
        %run_scoped3A_54 = tpu.sem_alloc : memref<!tpu.dma_semaphore, #tpu.memory_space<semaphore_mem>>
        %dma_start3A_55 = arith.constant 0 : i32
        %dma_start3A_56 = arith.constant 0 : i32
        %dma_start3A_57 = tpu.memref_slice %arg4[%add3A_35, %dma_start3A_55, %dma_start3A_56] : memref<160x25x80xi32, #tpu.memory_space<hbm>> -> memref<1x25x80xi32, #tpu.memory_space<hbm>>
        %dma_start3A_58 = tpu.memref_squeeze %dma_start3A_57 : memref<1x25x80xi32, #tpu.memory_space<hbm>> -> memref<25x80xi32, #tpu.memory_space<hbm>>
        %dma_start3A_59 = arith.constant 0 : i32
        %dma_start3A_60 = arith.constant 0 : i32
        %dma_start3A_61 = tpu.memref_slice %arg4[%add3A_35, %dma_start3A_59, %dma_start3A_60] : memref<160x25x80xi32, #tpu.memory_space<hbm>> -> memref<1x25x80xi32, #tpu.memory_space<hbm>>
        %dma_start3A_62 = tpu.memref_squeeze %dma_start3A_61 : memref<1x25x80xi32, #tpu.memory_space<hbm>> -> memref<25x80xi32, #tpu.memory_space<hbm>>
        tpu.enqueue_dma source(%dma_start3A_62 : memref<25x80xi32, #tpu.memory_space<hbm>>) target(%arg8 : memref<25x80xi32, #tpu.memory_space<vmem>>) target_semaphore(%run_scoped3A_54 : memref<!tpu.dma_semaphore, #tpu.memory_space<semaphore_mem>>)
        %dma_wait3A_63 = arith.constant 0 : i32
        %dma_wait3A_64 = arith.constant 0 : i32
        %dma_wait3A_65 = tpu.memref_slice %arg4[%add3A_35, %dma_wait3A_63, %dma_wait3A_64] : memref<160x25x80xi32, #tpu.memory_space<hbm>> -> memref<1x25x80xi32, #tpu.memory_space<hbm>>
        %dma_wait3A_66 = tpu.memref_squeeze %dma_wait3A_65 : memref<1x25x80xi32, #tpu.memory_space<hbm>> -> memref<25x80xi32, #tpu.memory_space<hbm>>
        %dma_wait3A_67 = arith.constant 0 : i32
        %dma_wait3A_68 = arith.constant 0 : i32
        %dma_wait3A_69 = tpu.memref_slice %arg4[%add3A_35, %dma_wait3A_67, %dma_wait3A_68] : memref<160x25x80xi32, #tpu.memory_space<hbm>> -> memref<1x25x80xi32, #tpu.memory_space<hbm>>
        %dma_wait3A_70 = tpu.memref_squeeze %dma_wait3A_69 : memref<1x25x80xi32, #tpu.memory_space<hbm>> -> memref<25x80xi32, #tpu.memory_space<hbm>>
        tpu.wait_dma2 semaphore(%run_scoped3A_54 : memref<!tpu.dma_semaphore, #tpu.memory_space<semaphore_mem>>) src(%dma_wait3A_70 : memref<25x80xi32, #tpu.memory_space<hbm>>) dst(%arg8 : memref<25x80xi32, #tpu.memory_space<vmem>>)
        tpu.yield
      }) : () -> ()
      %scan3A_36 = arith.constant 0 : i32
      %scan3A_37 = arith.constant 0 : i32
      %scan3A_38 = arith.constant 6 : i32
      %scan3A_39 = arith.addi %scan3A_37, %scan3A_38 : i32
      %scan3A_40 = arith.constant 1 : i32
      scf.for %scan3A_54 = %scan3A_37 to %scan3A_39 step %scan3A_40  : i32 {
        %mul3A_55 = arith.constant 4 : i32
        %mul3A_56 = arith.muli %mul3A_55, %scan3A_54 : i32
        %add3A_57 = arith.constant 0 : i32
        %add3A_58 = arith.addi %mul3A_56, %add3A_57 : i32
        %dma_start3A_59 = arith.constant 0 : i32
        %dma_start3A_60 = tpu.memref_slice %arg7[%add3A_58, %dma_start3A_59] : memref<25x80xi32, #tpu.memory_space<vmem>> -> memref<1x80xi32, #tpu.memory_space<vmem>>
        %dma_start3A_61 = tpu.memref_squeeze %dma_start3A_60 : memref<1x80xi32, #tpu.memory_space<vmem>> -> memref<80xi32, #tpu.memory_space<vmem>>
        %dma_start3A_62 = arith.constant 0 : i32
        %dma_start3A_63 = arith.constant 0 : i32
        %dma_start3A_64 = tpu.memref_slice %arg2[%dma_start3A_62, %dma_start3A_63] : memref<40000x128xf32, #tpu.memory_space<hbm>> -> memref<40000x128xf32, #tpu.memory_space<hbm>>
        tpu.enqueue_indirect_dma source(%dma_start3A_64 : memref<40000x128xf32, #tpu.memory_space<hbm>>) target(%arg9 : memref<80x128xf32, #tpu.memory_space<vmem>>) offsets(%dma_start3A_61 : memref<80xi32, #tpu.memory_space<vmem>>) semaphore(%arg14 : memref<!tpu.dma_semaphore, #tpu.memory_space<semaphore_mem>>)
        %add3A_65 = arith.constant 1 : i32
        %add3A_66 = arith.addi %mul3A_56, %add3A_65 : i32
        %dma_start3A_67 = arith.constant 0 : i32
        %dma_start3A_68 = tpu.memref_slice %arg7[%add3A_66, %dma_start3A_67] : memref<25x80xi32, #tpu.memory_space<vmem>> -> memref<1x80xi32, #tpu.memory_space<vmem>>
        %dma_start3A_69 = tpu.memref_squeeze %dma_start3A_68 : memref<1x80xi32, #tpu.memory_space<vmem>> -> memref<80xi32, #tpu.memory_space<vmem>>
        %dma_start3A_70 = arith.constant 0 : i32
        %dma_start3A_71 = arith.constant 0 : i32
        %dma_start3A_72 = tpu.memref_slice %arg2[%dma_start3A_70, %dma_start3A_71] : memref<40000x128xf32, #tpu.memory_space<hbm>> -> memref<40000x128xf32, #tpu.memory_space<hbm>>
        tpu.enqueue_indirect_dma source(%dma_start3A_72 : memref<40000x128xf32, #tpu.memory_space<hbm>>) target(%arg10 : memref<80x128xf32, #tpu.memory_space<vmem>>) offsets(%dma_start3A_69 : memref<80xi32, #tpu.memory_space<vmem>>) semaphore(%arg15 : memref<!tpu.dma_semaphore, #tpu.memory_space<semaphore_mem>>)
        %add3A_73 = arith.constant 2 : i32
        %add3A_74 = arith.addi %mul3A_56, %add3A_73 : i32
        %dma_start3A_75 = arith.constant 0 : i32
        %dma_start3A_76 = tpu.memref_slice %arg7[%add3A_74, %dma_start3A_75] : memref<25x80xi32, #tpu.memory_space<vmem>> -> memref<1x80xi32, #tpu.memory_space<vmem>>
        %dma_start3A_77 = tpu.memref_squeeze %dma_start3A_76 : memref<1x80xi32, #tpu.memory_space<vmem>> -> memref<80xi32, #tpu.memory_space<vmem>>
        %dma_start3A_78 = arith.constant 0 : i32
        %dma_start3A_79 = arith.constant 0 : i32
        %dma_start3A_80 = tpu.memref_slice %arg2[%dma_start3A_78, %dma_start3A_79] : memref<40000x128xf32, #tpu.memory_space<hbm>> -> memref<40000x128xf32, #tpu.memory_space<hbm>>
        tpu.enqueue_indirect_dma source(%dma_start3A_80 : memref<40000x128xf32, #tpu.memory_space<hbm>>) target(%arg11 : memref<80x128xf32, #tpu.memory_space<vmem>>) offsets(%dma_start3A_77 : memref<80xi32, #tpu.memory_space<vmem>>) semaphore(%arg16 : memref<!tpu.dma_semaphore, #tpu.memory_space<semaphore_mem>>)
        %add3A_81 = arith.constant 3 : i32
        %add3A_82 = arith.addi %mul3A_56, %add3A_81 : i32
        %dma_start3A_83 = arith.constant 0 : i32
        %dma_start3A_84 = tpu.memref_slice %arg7[%add3A_82, %dma_start3A_83] : memref<25x80xi32, #tpu.memory_space<vmem>> -> memref<1x80xi32, #tpu.memory_space<vmem>>
        %dma_start3A_85 = tpu.memref_squeeze %dma_start3A_84 : memref<1x80xi32, #tpu.memory_space<vmem>> -> memref<80xi32, #tpu.memory_space<vmem>>
        %dma_start3A_86 = arith.constant 0 : i32
        %dma_start3A_87 = arith.constant 0 : i32
        %dma_start3A_88 = tpu.memref_slice %arg2[%dma_start3A_86, %dma_start3A_87] : memref<40000x128xf32, #tpu.memory_space<hbm>> -> memref<40000x128xf32, #tpu.memory_space<hbm>>
        tpu.enqueue_indirect_dma source(%dma_start3A_88 : memref<40000x128xf32, #tpu.memory_space<hbm>>) target(%arg12 : memref<80x128xf32, #tpu.memory_space<vmem>>) offsets(%dma_start3A_85 : memref<80xi32, #tpu.memory_space<vmem>>) semaphore(%arg17 : memref<!tpu.dma_semaphore, #tpu.memory_space<semaphore_mem>>)
        %dma_wait3A_89 = arith.constant 0 : i32
        %dma_wait3A_90 = tpu.memref_slice %arg7[%add3A_58, %dma_wait3A_89] : memref<25x80xi32, #tpu.memory_space<vmem>> -> memref<1x80xi32, #tpu.memory_space<vmem>>
        %dma_wait3A_91 = tpu.memref_squeeze %dma_wait3A_90 : memref<1x80xi32, #tpu.memory_space<vmem>> -> memref<80xi32, #tpu.memory_space<vmem>>
        %dma_wait3A_92 = arith.constant 0 : i32
        %dma_wait3A_93 = arith.constant 0 : i32
        %dma_wait3A_94 = tpu.memref_slice %arg2[%dma_wait3A_92, %dma_wait3A_93] : memref<40000x128xf32, #tpu.memory_space<hbm>> -> memref<40000x128xf32, #tpu.memory_space<hbm>>
        tpu.wait_indirect_dma semaphore(%arg14 : memref<!tpu.dma_semaphore, #tpu.memory_space<semaphore_mem>>) src(%dma_wait3A_94 : memref<40000x128xf32, #tpu.memory_space<hbm>>) dst(%arg9 : memref<80x128xf32, #tpu.memory_space<vmem>>)
        %add3A_95 = arith.constant 0 : i32
        %add3A_96 = arith.addi %mul3A_56, %add3A_95 : i32
        %dma_start3A_97 = arith.constant 0 : i32
        %dma_start3A_98 = tpu.memref_slice %arg8[%add3A_96, %dma_start3A_97] : memref<25x80xi32, #tpu.memory_space<vmem>> -> memref<1x80xi32, #tpu.memory_space<vmem>>
        %dma_start3A_99 = tpu.memref_squeeze %dma_start3A_98 : memref<1x80xi32, #tpu.memory_space<vmem>> -> memref<80xi32, #tpu.memory_space<vmem>>
        %dma_start3A_100 = arith.constant 0 : i32
        %dma_start3A_101 = arith.constant 0 : i32
        %dma_start3A_102 = tpu.memref_slice %arg13[%dma_start3A_100, %dma_start3A_101] : memref<10240x128xf32, #tpu.memory_space<vmem_shared>> -> memref<10240x128xf32, #tpu.memory_space<vmem_shared>>
        tpu.enqueue_indirect_dma source(%arg9 : memref<80x128xf32, #tpu.memory_space<vmem>>) target(%dma_start3A_102 : memref<10240x128xf32, #tpu.memory_space<vmem_shared>>) offsets(%dma_start3A_99 : memref<80xi32, #tpu.memory_space<vmem>>) semaphore(%arg18 : memref<!tpu.dma_semaphore, #tpu.memory_space<semaphore_mem>>) {add = true}
        %dma_wait3A_103 = arith.constant 0 : i32
        %dma_wait3A_104 = tpu.memref_slice %arg7[%add3A_66, %dma_wait3A_103] : memref<25x80xi32, #tpu.memory_space<vmem>> -> memref<1x80xi32, #tpu.memory_space<vmem>>
        %dma_wait3A_105 = tpu.memref_squeeze %dma_wait3A_104 : memref<1x80xi32, #tpu.memory_space<vmem>> -> memref<80xi32, #tpu.memory_space<vmem>>
        %dma_wait3A_106 = arith.constant 0 : i32
        %dma_wait3A_107 = arith.constant 0 : i32
        %dma_wait3A_108 = tpu.memref_slice %arg2[%dma_wait3A_106, %dma_wait3A_107] : memref<40000x128xf32, #tpu.memory_space<hbm>> -> memref<40000x128xf32, #tpu.memory_space<hbm>>
        tpu.wait_indirect_dma semaphore(%arg15 : memref<!tpu.dma_semaphore, #tpu.memory_space<semaphore_mem>>) src(%dma_wait3A_108 : memref<40000x128xf32, #tpu.memory_space<hbm>>) dst(%arg10 : memref<80x128xf32, #tpu.memory_space<vmem>>)
        %add3A_109 = arith.constant 1 : i32
        %add3A_110 = arith.addi %mul3A_56, %add3A_109 : i32
        %dma_start3A_111 = arith.constant 0 : i32
        %dma_start3A_112 = tpu.memref_slice %arg8[%add3A_110, %dma_start3A_111] : memref<25x80xi32, #tpu.memory_space<vmem>> -> memref<1x80xi32, #tpu.memory_space<vmem>>
        %dma_start3A_113 = tpu.memref_squeeze %dma_start3A_112 : memref<1x80xi32, #tpu.memory_space<vmem>> -> memref<80xi32, #tpu.memory_space<vmem>>
        %dma_start3A_114 = arith.constant 0 : i32
        %dma_start3A_115 = arith.constant 0 : i32
        %dma_start3A_116 = tpu.memref_slice %arg13[%dma_start3A_114, %dma_start3A_115] : memref<10240x128xf32, #tpu.memory_space<vmem_shared>> -> memref<10240x128xf32, #tpu.memory_space<vmem_shared>>
        tpu.enqueue_indirect_dma source(%arg10 : memref<80x128xf32, #tpu.memory_space<vmem>>) target(%dma_start3A_116 : memref<10240x128xf32, #tpu.memory_space<vmem_shared>>) offsets(%dma_start3A_113 : memref<80xi32, #tpu.memory_space<vmem>>) semaphore(%arg19 : memref<!tpu.dma_semaphore, #tpu.memory_space<semaphore_mem>>) {add = true}
        %dma_wait3A_117 = arith.constant 0 : i32
        %dma_wait3A_118 = tpu.memref_slice %arg7[%add3A_74, %dma_wait3A_117] : memref<25x80xi32, #tpu.memory_space<vmem>> -> memref<1x80xi32, #tpu.memory_space<vmem>>
        %dma_wait3A_119 = tpu.memref_squeeze %dma_wait3A_118 : memref<1x80xi32, #tpu.memory_space<vmem>> -> memref<80xi32, #tpu.memory_space<vmem>>
        %dma_wait3A_120 = arith.constant 0 : i32
        %dma_wait3A_121 = arith.constant 0 : i32
        %dma_wait3A_122 = tpu.memref_slice %arg2[%dma_wait3A_120, %dma_wait3A_121] : memref<40000x128xf32, #tpu.memory_space<hbm>> -> memref<40000x128xf32, #tpu.memory_space<hbm>>
        tpu.wait_indirect_dma semaphore(%arg16 : memref<!tpu.dma_semaphore, #tpu.memory_space<semaphore_mem>>) src(%dma_wait3A_122 : memref<40000x128xf32, #tpu.memory_space<hbm>>) dst(%arg11 : memref<80x128xf32, #tpu.memory_space<vmem>>)
        %add3A_123 = arith.constant 2 : i32
        %add3A_124 = arith.addi %mul3A_56, %add3A_123 : i32
        %dma_start3A_125 = arith.constant 0 : i32
        %dma_start3A_126 = tpu.memref_slice %arg8[%add3A_124, %dma_start3A_125] : memref<25x80xi32, #tpu.memory_space<vmem>> -> memref<1x80xi32, #tpu.memory_space<vmem>>
        %dma_start3A_127 = tpu.memref_squeeze %dma_start3A_126 : memref<1x80xi32, #tpu.memory_space<vmem>> -> memref<80xi32, #tpu.memory_space<vmem>>
        %dma_start3A_128 = arith.constant 0 : i32
        %dma_start3A_129 = arith.constant 0 : i32
        %dma_start3A_130 = tpu.memref_slice %arg13[%dma_start3A_128, %dma_start3A_129] : memref<10240x128xf32, #tpu.memory_space<vmem_shared>> -> memref<10240x128xf32, #tpu.memory_space<vmem_shared>>
        tpu.enqueue_indirect_dma source(%arg11 : memref<80x128xf32, #tpu.memory_space<vmem>>) target(%dma_start3A_130 : memref<10240x128xf32, #tpu.memory_space<vmem_shared>>) offsets(%dma_start3A_127 : memref<80xi32, #tpu.memory_space<vmem>>) semaphore(%arg20 : memref<!tpu.dma_semaphore, #tpu.memory_space<semaphore_mem>>) {add = true}
        %dma_wait3A_131 = arith.constant 0 : i32
        %dma_wait3A_132 = tpu.memref_slice %arg7[%add3A_82, %dma_wait3A_131] : memref<25x80xi32, #tpu.memory_space<vmem>> -> memref<1x80xi32, #tpu.memory_space<vmem>>
        %dma_wait3A_133 = tpu.memref_squeeze %dma_wait3A_132 : memref<1x80xi32, #tpu.memory_space<vmem>> -> memref<80xi32, #tpu.memory_space<vmem>>
        %dma_wait3A_134 = arith.constant 0 : i32
        %dma_wait3A_135 = arith.constant 0 : i32
        %dma_wait3A_136 = tpu.memref_slice %arg2[%dma_wait3A_134, %dma_wait3A_135] : memref<40000x128xf32, #tpu.memory_space<hbm>> -> memref<40000x128xf32, #tpu.memory_space<hbm>>
        tpu.wait_indirect_dma semaphore(%arg17 : memref<!tpu.dma_semaphore, #tpu.memory_space<semaphore_mem>>) src(%dma_wait3A_136 : memref<40000x128xf32, #tpu.memory_space<hbm>>) dst(%arg12 : memref<80x128xf32, #tpu.memory_space<vmem>>)
        %add3A_137 = arith.constant 3 : i32
        %add3A_138 = arith.addi %mul3A_56, %add3A_137 : i32
        %dma_start3A_139 = arith.constant 0 : i32
        %dma_start3A_140 = tpu.memref_slice %arg8[%add3A_138, %dma_start3A_139] : memref<25x80xi32, #tpu.memory_space<vmem>> -> memref<1x80xi32, #tpu.memory_space<vmem>>
        %dma_start3A_141 = tpu.memref_squeeze %dma_start3A_140 : memref<1x80xi32, #tpu.memory_space<vmem>> -> memref<80xi32, #tpu.memory_space<vmem>>
        %dma_start3A_142 = arith.constant 0 : i32
        %dma_start3A_143 = arith.constant 0 : i32
        %dma_start3A_144 = tpu.memref_slice %arg13[%dma_start3A_142, %dma_start3A_143] : memref<10240x128xf32, #tpu.memory_space<vmem_shared>> -> memref<10240x128xf32, #tpu.memory_space<vmem_shared>>
        tpu.enqueue_indirect_dma source(%arg12 : memref<80x128xf32, #tpu.memory_space<vmem>>) target(%dma_start3A_144 : memref<10240x128xf32, #tpu.memory_space<vmem_shared>>) offsets(%dma_start3A_141 : memref<80xi32, #tpu.memory_space<vmem>>) semaphore(%arg21 : memref<!tpu.dma_semaphore, #tpu.memory_space<semaphore_mem>>) {add = true}
        %dma_wait3A_145 = arith.constant 0 : i32
        %dma_wait3A_146 = tpu.memref_slice %arg8[%add3A_96, %dma_wait3A_145] : memref<25x80xi32, #tpu.memory_space<vmem>> -> memref<1x80xi32, #tpu.memory_space<vmem>>
        %dma_wait3A_147 = tpu.memref_squeeze %dma_wait3A_146 : memref<1x80xi32, #tpu.memory_space<vmem>> -> memref<80xi32, #tpu.memory_space<vmem>>
        %dma_wait3A_148 = arith.constant 0 : i32
        %dma_wait3A_149 = arith.constant 0 : i32
        %dma_wait3A_150 = tpu.memref_slice %arg13[%dma_wait3A_148, %dma_wait3A_149] : memref<10240x128xf32, #tpu.memory_space<vmem_shared>> -> memref<10240x128xf32, #tpu.memory_space<vmem_shared>>
        tpu.wait_indirect_dma semaphore(%arg18 : memref<!tpu.dma_semaphore, #tpu.memory_space<semaphore_mem>>) src(%arg9 : memref<80x128xf32, #tpu.memory_space<vmem>>) dst(%dma_wait3A_150 : memref<10240x128xf32, #tpu.memory_space<vmem_shared>>)
        %dma_wait3A_151 = arith.constant 0 : i32
        %dma_wait3A_152 = tpu.memref_slice %arg8[%add3A_110, %dma_wait3A_151] : memref<25x80xi32, #tpu.memory_space<vmem>> -> memref<1x80xi32, #tpu.memory_space<vmem>>
        %dma_wait3A_153 = tpu.memref_squeeze %dma_wait3A_152 : memref<1x80xi32, #tpu.memory_space<vmem>> -> memref<80xi32, #tpu.memory_space<vmem>>
        %dma_wait3A_154 = arith.constant 0 : i32
        %dma_wait3A_155 = arith.constant 0 : i32
        %dma_wait3A_156 = tpu.memref_slice %arg13[%dma_wait3A_154, %dma_wait3A_155] : memref<10240x128xf32, #tpu.memory_space<vmem_shared>> -> memref<10240x128xf32, #tpu.memory_space<vmem_shared>>
        tpu.wait_indirect_dma semaphore(%arg19 : memref<!tpu.dma_semaphore, #tpu.memory_space<semaphore_mem>>) src(%arg10 : memref<80x128xf32, #tpu.memory_space<vmem>>) dst(%dma_wait3A_156 : memref<10240x128xf32, #tpu.memory_space<vmem_shared>>)
        %dma_wait3A_157 = arith.constant 0 : i32
        %dma_wait3A_158 = tpu.memref_slice %arg8[%add3A_124, %dma_wait3A_157] : memref<25x80xi32, #tpu.memory_space<vmem>> -> memref<1x80xi32, #tpu.memory_space<vmem>>
        %dma_wait3A_159 = tpu.memref_squeeze %dma_wait3A_158 : memref<1x80xi32, #tpu.memory_space<vmem>> -> memref<80xi32, #tpu.memory_space<vmem>>
        %dma_wait3A_160 = arith.constant 0 : i32
        %dma_wait3A_161 = arith.constant 0 : i32
        %dma_wait3A_162 = tpu.memref_slice %arg13[%dma_wait3A_160, %dma_wait3A_161] : memref<10240x128xf32, #tpu.memory_space<vmem_shared>> -> memref<10240x128xf32, #tpu.memory_space<vmem_shared>>
        tpu.wait_indirect_dma semaphore(%arg20 : memref<!tpu.dma_semaphore, #tpu.memory_space<semaphore_mem>>) src(%arg11 : memref<80x128xf32, #tpu.memory_space<vmem>>) dst(%dma_wait3A_162 : memref<10240x128xf32, #tpu.memory_space<vmem_shared>>)
        %dma_wait3A_163 = arith.constant 0 : i32
        %dma_wait3A_164 = tpu.memref_slice %arg8[%add3A_138, %dma_wait3A_163] : memref<25x80xi32, #tpu.memory_space<vmem>> -> memref<1x80xi32, #tpu.memory_space<vmem>>
        %dma_wait3A_165 = tpu.memref_squeeze %dma_wait3A_164 : memref<1x80xi32, #tpu.memory_space<vmem>> -> memref<80xi32, #tpu.memory_space<vmem>>
        %dma_wait3A_166 = arith.constant 0 : i32
        %dma_wait3A_167 = arith.constant 0 : i32
        %dma_wait3A_168 = tpu.memref_slice %arg13[%dma_wait3A_166, %dma_wait3A_167] : memref<10240x128xf32, #tpu.memory_space<vmem_shared>> -> memref<10240x128xf32, #tpu.memory_space<vmem_shared>>
        tpu.wait_indirect_dma semaphore(%arg21 : memref<!tpu.dma_semaphore, #tpu.memory_space<semaphore_mem>>) src(%arg12 : memref<80x128xf32, #tpu.memory_space<vmem>>) dst(%dma_wait3A_168 : memref<10240x128xf32, #tpu.memory_space<vmem_shared>>)
      }
      %scan3A_41 = arith.constant 6 : i32
      %dma_start3A = arith.constant 24 : i32
      %dma_start3A_42 = arith.constant 0 : i32
      %dma_start3A_43 = tpu.memref_slice %arg7[%dma_start3A, %dma_start3A_42] : memref<25x80xi32, #tpu.memory_space<vmem>> -> memref<1x80xi32, #tpu.memory_space<vmem>>
      %dma_start3A_44 = tpu.memref_squeeze %dma_start3A_43 : memref<1x80xi32, #tpu.memory_space<vmem>> -> memref<80xi32, #tpu.memory_space<vmem>>
      %dma_start3A_45 = arith.constant 0 : i32
      %dma_start3A_46 = arith.constant 0 : i32
      %dma_start3A_47 = tpu.memref_slice %arg2[%dma_start3A_45, %dma_start3A_46] : memref<40000x128xf32, #tpu.memory_space<hbm>> -> memref<40000x128xf32, #tpu.memory_space<hbm>>
      tpu.enqueue_indirect_dma source(%dma_start3A_47 : memref<40000x128xf32, #tpu.memory_space<hbm>>) target(%arg9 : memref<80x128xf32, #tpu.memory_space<vmem>>) offsets(%dma_start3A_44 : memref<80xi32, #tpu.memory_space<vmem>>) semaphore(%arg14 : memref<!tpu.dma_semaphore, #tpu.memory_space<semaphore_mem>>)
      %dma_wait3A = arith.constant 24 : i32
      %dma_wait3A_48 = arith.constant 0 : i32
      %dma_wait3A_49 = tpu.memref_slice %arg7[%dma_wait3A, %dma_wait3A_48] : memref<25x80xi32, #tpu.memory_space<vmem>> -> memref<1x80xi32, #tpu.memory_space<vmem>>
      %dma_wait3A_50 = tpu.memref_squeeze %dma_wait3A_49 : memref<1x80xi32, #tpu.memory_space<vmem>> -> memref<80xi32, #tpu.memory_space<vmem>>
      %dma_wait3A_51 = arith.constant 0 : i32
      %dma_wait3A_52 = arith.constant 0 : i32
      %dma_wait3A_53 = tpu.memref_slice %arg2[%dma_wait3A_51, %dma_wait3A_52] : memref<40000x128xf32, #tpu.memory_space<hbm>> -> memref<40000x128xf32, #tpu.memory_space<hbm>>
      tpu.wait_indirect_dma semaphore(%arg14 : memref<!tpu.dma_semaphore, #tpu.memory_space<semaphore_mem>>) src(%dma_wait3A_53 : memref<40000x128xf32, #tpu.memory_space<hbm>>) dst(%arg9 : memref<80x128xf32, #tpu.memory_space<vmem>>)
      %run_scoped3A = arith.constant 24 : i32
      "tpu.region"() ({
        %run_scoped3A_54 = tpu.sem_alloc : memref<!tpu.dma_semaphore, #tpu.memory_space<semaphore_mem>>
        %dma_start3A_55 = arith.constant 0 : i32
        %dma_start3A_56 = tpu.memref_slice %arg8[%run_scoped3A, %dma_start3A_55] : memref<25x80xi32, #tpu.memory_space<vmem>> -> memref<1x80xi32, #tpu.memory_space<vmem>>
        %dma_start3A_57 = tpu.memref_squeeze %dma_start3A_56 : memref<1x80xi32, #tpu.memory_space<vmem>> -> memref<80xi32, #tpu.memory_space<vmem>>
        %dma_start3A_58 = arith.constant 0 : i32
        %dma_start3A_59 = arith.constant 0 : i32
        %dma_start3A_60 = tpu.memref_slice %arg13[%dma_start3A_58, %dma_start3A_59] : memref<10240x128xf32, #tpu.memory_space<vmem_shared>> -> memref<10240x128xf32, #tpu.memory_space<vmem_shared>>
        tpu.enqueue_indirect_dma source(%arg9 : memref<80x128xf32, #tpu.memory_space<vmem>>) target(%dma_start3A_60 : memref<10240x128xf32, #tpu.memory_space<vmem_shared>>) offsets(%dma_start3A_57 : memref<80xi32, #tpu.memory_space<vmem>>) semaphore(%run_scoped3A_54 : memref<!tpu.dma_semaphore, #tpu.memory_space<semaphore_mem>>) {add = true}
        %dma_wait3A_61 = arith.constant 0 : i32
        %dma_wait3A_62 = tpu.memref_slice %arg8[%run_scoped3A, %dma_wait3A_61] : memref<25x80xi32, #tpu.memory_space<vmem>> -> memref<1x80xi32, #tpu.memory_space<vmem>>
        %dma_wait3A_63 = tpu.memref_squeeze %dma_wait3A_62 : memref<1x80xi32, #tpu.memory_space<vmem>> -> memref<80xi32, #tpu.memory_space<vmem>>
        %dma_wait3A_64 = arith.constant 0 : i32
        %dma_wait3A_65 = arith.constant 0 : i32
        %dma_wait3A_66 = tpu.memref_slice %arg13[%dma_wait3A_64, %dma_wait3A_65] : memref<10240x128xf32, #tpu.memory_space<vmem_shared>> -> memref<10240x128xf32, #tpu.memory_space<vmem_shared>>
        tpu.wait_indirect_dma semaphore(%run_scoped3A_54 : memref<!tpu.dma_semaphore, #tpu.memory_space<semaphore_mem>>) src(%arg9 : memref<80x128xf32, #tpu.memory_space<vmem>>) dst(%dma_wait3A_66 : memref<10240x128xf32, #tpu.memory_space<vmem_shared>>)
        tpu.yield
      }) : () -> ()
    }
    %scan3A_20 = arith.constant 10 : i32
    %barrier3A_21 = arith.constant 0 : index
    tpu.barrier barrier_id(%barrier3A_21)
    %mul3A_22 = arith.constant 10240 : i32
    %mul3A_23 = arith.muli %add3A_13, %mul3A_22 : i32
    %add3A_24 = arith.addi %mul3A_23, %mul3A_0 : i32
    "tpu.region"() ({
      %run_scoped3A = tpu.sem_alloc : memref<!tpu.dma_semaphore, #tpu.memory_space<semaphore_mem>>
      %dma_start3A = arith.constant 0 : i32
      %dma_start3A_26 = tpu.memref_slice %arg6[%add3A_24, %dma_start3A] : memref<40960x128xf32, #tpu.memory_space<hbm>> -> memref<640x128xf32, #tpu.memory_space<hbm>>
      %dma_start3A_27 = arith.constant 0 : i32
      %dma_start3A_28 = tpu.memref_slice %arg13[%mul3A_0, %dma_start3A_27] : memref<10240x128xf32, #tpu.memory_space<vmem_shared>> -> memref<640x128xf32, #tpu.memory_space<vmem_shared>>
      tpu.enqueue_dma source(%dma_start3A_28 : memref<640x128xf32, #tpu.memory_space<vmem_shared>>) target(%dma_start3A_26 : memref<640x128xf32, #tpu.memory_space<hbm>>) target_semaphore(%run_scoped3A : memref<!tpu.dma_semaphore, #tpu.memory_space<semaphore_mem>>)
      %dma_wait3A = arith.constant 0 : i32
      %dma_wait3A_29 = tpu.memref_slice %arg6[%add3A_24, %dma_wait3A] : memref<40960x128xf32, #tpu.memory_space<hbm>> -> memref<640x128xf32, #tpu.memory_space<hbm>>
      %dma_wait3A_30 = arith.constant 0 : i32
      %dma_wait3A_31 = tpu.memref_slice %arg13[%mul3A_0, %dma_wait3A_30] : memref<10240x128xf32, #tpu.memory_space<vmem_shared>> -> memref<640x128xf32, #tpu.memory_space<vmem_shared>>
      tpu.wait_dma2 semaphore(%run_scoped3A : memref<!tpu.dma_semaphore, #tpu.memory_space<semaphore_mem>>) src(%dma_wait3A_31 : memref<640x128xf32, #tpu.memory_space<vmem_shared>>) dst(%dma_wait3A_29 : memref<640x128xf32, #tpu.memory_space<hbm>>)
      tpu.yield
    }) : () -> ()
    %barrier3A_25 = arith.constant 0 : index
    tpu.barrier barrier_id(%barrier3A_25)
    return
  }
}

module attributes {stable_mosaic.version = 14 : i64} {
  func.func @_tc_layer0_mm(%arg0: i32, %arg1: memref<2000x128xf32, #tpu.memory_space<vmem>>, %arg2: memref<2x2000x128xf32, #tpu.memory_space<vmem>>, %arg3: memref<2x2000x128xf32, #tpu.memory_space<vmem>>, %arg4: memref<4x128x128xf32, #tpu.memory_space<vmem>>, %arg5: memref<4x128x128xf32, #tpu.memory_space<vmem>>, %arg6: memref<8x128xf32, #tpu.memory_space<vmem>>, %arg7: memref<4x2000x128xf32, #tpu.memory_space<vmem>>, %arg8: memref<1x8x128xf32, #tpu.memory_space<vmem>>) attributes {dimension_semantics = [#tpu.dimension_semantics<arbitrary>], iteration_bounds = array<i64: 5>, scalar_prefetch = 0 : i64, scratch_operands = 0 : i64, tpu.core_type = #tpu.core_type<tc>, window_params = [{transform_indices = @transform_0, window_bounds = array<i64: 2000, 128>}, {transform_indices = @transform_1, window_bounds = array<i64: 2, 2000, 128>}, {transform_indices = @transform_2, window_bounds = array<i64: 2, 2000, 128>}, {pipeline_mode = #tpu.pipeline_mode<synchronous>, transform_indices = @transform_3, window_bounds = array<i64: 4, 128, 128>}, {pipeline_mode = #tpu.pipeline_mode<synchronous>, transform_indices = @transform_4, window_bounds = array<i64: 4, 128, 128>}, {pipeline_mode = #tpu.pipeline_mode<synchronous>, transform_indices = @transform_5, window_bounds = array<i64: 8, 128>}, {transform_indices = @transform_6, window_bounds = array<i64: 4, 2000, 128>}, {transform_indices = @transform_7, window_bounds = array<i64: 1, 8, 128>}]} {
    %get3A = arith.constant 0 : index
    %get3A_0 = arith.constant 0 : index
    %get3A_1 = arith.constant 0 : index
    %get3A_2 = vector.load %arg2[%get3A, %get3A_0, %get3A_1] : memref<2x2000x128xf32, #tpu.memory_space<vmem>>, vector<1x2000x128xf32>
    %get3A_3 = vector.shape_cast %get3A_2 : vector<1x2000x128xf32> to vector<2000x128xf32>
    %get3A_4 = arith.constant 1 : index
    %get3A_5 = arith.constant 0 : index
    %get3A_6 = arith.constant 0 : index
    %get3A_7 = vector.load %arg2[%get3A_4, %get3A_5, %get3A_6] : memref<2x2000x128xf32, #tpu.memory_space<vmem>>, vector<1x2000x128xf32>
    %get3A_8 = vector.shape_cast %get3A_7 : vector<1x2000x128xf32> to vector<2000x128xf32>
    %add3A = arith.addf %get3A_3, %get3A_8 : vector<2000x128xf32>
    %get3A_9 = arith.constant 0 : index
    %get3A_10 = arith.constant 0 : index
    %get3A_11 = arith.constant 0 : index
    %get3A_12 = vector.load %arg3[%get3A_9, %get3A_10, %get3A_11] : memref<2x2000x128xf32, #tpu.memory_space<vmem>>, vector<1x2000x1xf32>
    %get3A_13 = vector.shape_cast %get3A_12 : vector<1x2000x1xf32> to vector<2000x1xf32>
    %get3A_14 = arith.constant 1 : index
    %get3A_15 = arith.constant 0 : index
    %get3A_16 = arith.constant 0 : index
    %get3A_17 = vector.load %arg3[%get3A_14, %get3A_15, %get3A_16] : memref<2x2000x128xf32, #tpu.memory_space<vmem>>, vector<1x2000x1xf32>
    %get3A_18 = vector.shape_cast %get3A_17 : vector<1x2000x1xf32> to vector<2000x1xf32>
    %add3A_19 = arith.addf %get3A_13, %get3A_18 : vector<2000x1xf32>
    %max3A = arith.constant 1.000000e+00 : f32
    %max3A_20 = vector.broadcast %max3A : f32 to vector<2000x1xf32>
    %max3A_21 = arith.maximumf %add3A_19, %max3A_20 : vector<2000x1xf32>
    %div3A = vector.broadcast %max3A_21 : vector<2000x1xf32> to vector<2000x128xf32>
    %div3A_22 = arith.divf %add3A, %div3A : vector<2000x128xf32>
    %get3A_23 = arith.constant 0 : index
    %get3A_24 = arith.constant 0 : index
    %get3A_25 = vector.load %arg1[%get3A_23, %get3A_24] : memref<2000x128xf32, #tpu.memory_space<vmem>>, vector<2000x128xf32>
    %get3A_26 = arith.constant 0 : index
    %get3A_27 = arith.constant 0 : index
    %get3A_28 = arith.constant 0 : index
    %get3A_29 = vector.load %arg4[%get3A_26, %get3A_27, %get3A_28] : memref<4x128x128xf32, #tpu.memory_space<vmem>>, vector<1x128x128xf32>
    %get3A_30 = vector.shape_cast %get3A_29 : vector<1x128x128xf32> to vector<128x128xf32>
    %dot_general3A = arith.constant dense<0.000000e+00> : vector<2000x128xf32>
    %dot_general3A_31 = tpu.matmul %get3A_25, %get3A_30, %dot_general3A {dimension_numbers = #tpu.dot_dimension_numbers<[1], [0], [0], [1], [0, 0, 1, 1], [], []>, transpose_lhs_hint = false} : vector<2000x128xf32>, vector<128x128xf32>, vector<2000x128xf32> -> vector<2000x128xf32>
    %get3A_32 = arith.constant 0 : index
    %get3A_33 = arith.constant 0 : index
    %get3A_34 = arith.constant 0 : index
    %get3A_35 = vector.load %arg5[%get3A_32, %get3A_33, %get3A_34] : memref<4x128x128xf32, #tpu.memory_space<vmem>>, vector<1x128x128xf32>
    %get3A_36 = vector.shape_cast %get3A_35 : vector<1x128x128xf32> to vector<128x128xf32>
    %dot_general3A_37 = arith.constant dense<0.000000e+00> : vector<2000x128xf32>
    %dot_general3A_38 = tpu.matmul %div3A_22, %get3A_36, %dot_general3A_37 {dimension_numbers = #tpu.dot_dimension_numbers<[1], [0], [0], [1], [0, 0, 1, 1], [], []>, transpose_lhs_hint = false} : vector<2000x128xf32>, vector<128x128xf32>, vector<2000x128xf32> -> vector<2000x128xf32>
    %add3A_39 = arith.addf %dot_general3A_31, %dot_general3A_38 : vector<2000x128xf32>
    %get3A_40 = arith.constant 0 : index
    %get3A_41 = arith.constant 0 : index
    %get3A_42 = vector.load %arg6[%get3A_40, %get3A_41] : memref<8x128xf32, #tpu.memory_space<vmem>>, vector<1x128xf32>
    %get3A_43 = vector.shape_cast %get3A_42 : vector<1x128xf32> to vector<128xf32>
    %broadcast_in_dim3A = vector.shape_cast %get3A_43 : vector<128xf32> to vector<1x128xf32>
    %add3A_44 = vector.broadcast %broadcast_in_dim3A : vector<1x128xf32> to vector<2000x128xf32>
    %add3A_45 = arith.addf %add3A_39, %add3A_44 : vector<2000x128xf32>
    %swap3A = arith.constant 0 : index
    %swap3A_46 = arith.constant 0 : index
    %swap3A_47 = arith.constant 0 : index
    %swap3A_48 = vector.load %arg7[%swap3A, %swap3A_46, %swap3A_47] : memref<4x2000x128xf32, #tpu.memory_space<vmem>>, vector<1x2000x128xf32>
    %swap3A_49 = vector.shape_cast %swap3A_48 : vector<1x2000x128xf32> to vector<2000x128xf32>
    %swap3A_50 = vector.shape_cast %add3A_45 : vector<2000x128xf32> to vector<1x2000x128xf32>
    tpu.vector_store %arg7[%swap3A, %swap3A_46, %swap3A_47], %swap3A_50 {strides = array<i32>} : memref<4x2000x128xf32, #tpu.memory_space<vmem>>, vector<1x2000x128xf32>,
    %reduce_sum3A = arith.constant dense<0.000000e+00> : vector<128xf32>
    %reduce_sum3A_51 = vector.multi_reduction <add>, %add3A_45, %reduce_sum3A [0] : vector<2000x128xf32> to vector<128xf32>
    %broadcast_in_dim3A_52 = vector.shape_cast %reduce_sum3A_51 : vector<128xf32> to vector<1x128xf32>
    %mul3A = arith.mulf %add3A_45, %add3A_45 : vector<2000x128xf32>
    %reduce_sum3A_53 = arith.constant dense<0.000000e+00> : vector<128xf32>
    %reduce_sum3A_54 = vector.multi_reduction <add>, %mul3A, %reduce_sum3A_53 [0] : vector<2000x128xf32> to vector<128xf32>
    %broadcast_in_dim3A_55 = vector.shape_cast %reduce_sum3A_54 : vector<128xf32> to vector<1x128xf32>
    %get3A_56 = arith.constant 1 : index
    %get3A_57 = arith.constant 0 : index
    %get3A_58 = arith.constant 0 : index
    %get3A_59 = vector.load %arg4[%get3A_56, %get3A_57, %get3A_58] : memref<4x128x128xf32, #tpu.memory_space<vmem>>, vector<1x128x128xf32>
    %get3A_60 = vector.shape_cast %get3A_59 : vector<1x128x128xf32> to vector<128x128xf32>
    %dot_general3A_61 = arith.constant dense<0.000000e+00> : vector<2000x128xf32>
    %dot_general3A_62 = tpu.matmul %get3A_25, %get3A_60, %dot_general3A_61 {dimension_numbers = #tpu.dot_dimension_numbers<[1], [0], [0], [1], [0, 0, 1, 1], [], []>, transpose_lhs_hint = false} : vector<2000x128xf32>, vector<128x128xf32>, vector<2000x128xf32> -> vector<2000x128xf32>
    %get3A_63 = arith.constant 1 : index
    %get3A_64 = arith.constant 0 : index
    %get3A_65 = arith.constant 0 : index
    %get3A_66 = vector.load %arg5[%get3A_63, %get3A_64, %get3A_65] : memref<4x128x128xf32, #tpu.memory_space<vmem>>, vector<1x128x128xf32>
    %get3A_67 = vector.shape_cast %get3A_66 : vector<1x128x128xf32> to vector<128x128xf32>
    %dot_general3A_68 = arith.constant dense<0.000000e+00> : vector<2000x128xf32>
    %dot_general3A_69 = tpu.matmul %div3A_22, %get3A_67, %dot_general3A_68 {dimension_numbers = #tpu.dot_dimension_numbers<[1], [0], [0], [1], [0, 0, 1, 1], [], []>, transpose_lhs_hint = false} : vector<2000x128xf32>, vector<128x128xf32>, vector<2000x128xf32> -> vector<2000x128xf32>
    %add3A_70 = arith.addf %dot_general3A_62, %dot_general3A_69 : vector<2000x128xf32>
    %get3A_71 = arith.constant 1 : index
    %get3A_72 = arith.constant 0 : index
    %get3A_73 = vector.load %arg6[%get3A_71, %get3A_72] : memref<8x128xf32, #tpu.memory_space<vmem>>, vector<1x128xf32>
    %get3A_74 = vector.shape_cast %get3A_73 : vector<1x128xf32> to vector<128xf32>
    %broadcast_in_dim3A_75 = vector.shape_cast %get3A_74 : vector<128xf32> to vector<1x128xf32>
    %add3A_76 = vector.broadcast %broadcast_in_dim3A_75 : vector<1x128xf32> to vector<2000x128xf32>
    %add3A_77 = arith.addf %add3A_70, %add3A_76 : vector<2000x128xf32>
    %swap3A_78 = arith.constant 1 : index
    %swap3A_79 = arith.constant 0 : index
    %swap3A_80 = arith.constant 0 : index
    %swap3A_81 = vector.load %arg7[%swap3A_78, %swap3A_79, %swap3A_80] : memref<4x2000x128xf32, #tpu.memory_space<vmem>>, vector<1x2000x128xf32>
    %swap3A_82 = vector.shape_cast %swap3A_81 : vector<1x2000x128xf32> to vector<2000x128xf32>
    %swap3A_83 = vector.shape_cast %add3A_77 : vector<2000x128xf32> to vector<1x2000x128xf32>
    tpu.vector_store %arg7[%swap3A_78, %swap3A_79, %swap3A_80], %swap3A_83 {strides = array<i32>} : memref<4x2000x128xf32, #tpu.memory_space<vmem>>, vector<1x2000x128xf32>,
    %reduce_sum3A_84 = arith.constant dense<0.000000e+00> : vector<128xf32>
    %reduce_sum3A_85 = vector.multi_reduction <add>, %add3A_77, %reduce_sum3A_84 [0] : vector<2000x128xf32> to vector<128xf32>
    %broadcast_in_dim3A_86 = vector.shape_cast %reduce_sum3A_85 : vector<128xf32> to vector<1x128xf32>
    %mul3A_87 = arith.mulf %add3A_77, %add3A_77 : vector<2000x128xf32>
    %reduce_sum3A_88 = arith.constant dense<0.000000e+00> : vector<128xf32>
    %reduce_sum3A_89 = vector.multi_reduction <add>, %mul3A_87, %reduce_sum3A_88 [0] : vector<2000x128xf32> to vector<128xf32>
    %broadcast_in_dim3A_90 = vector.shape_cast %reduce_sum3A_89 : vector<128xf32> to vector<1x128xf32>
    %get3A_91 = arith.constant 2 : index
    %get3A_92 = arith.constant 0 : index
    %get3A_93 = arith.constant 0 : index
    %get3A_94 = vector.load %arg4[%get3A_91, %get3A_92, %get3A_93] : memref<4x128x128xf32, #tpu.memory_space<vmem>>, vector<1x128x128xf32>
    %get3A_95 = vector.shape_cast %get3A_94 : vector<1x128x128xf32> to vector<128x128xf32>
    %dot_general3A_96 = arith.constant dense<0.000000e+00> : vector<2000x128xf32>
    %dot_general3A_97 = tpu.matmul %get3A_25, %get3A_95, %dot_general3A_96 {dimension_numbers = #tpu.dot_dimension_numbers<[1], [0], [0], [1], [0, 0, 1, 1], [], []>, transpose_lhs_hint = false} : vector<2000x128xf32>, vector<128x128xf32>, vector<2000x128xf32> -> vector<2000x128xf32>
    %get3A_98 = arith.constant 2 : index
    %get3A_99 = arith.constant 0 : index
    %get3A_100 = arith.constant 0 : index
    %get3A_101 = vector.load %arg5[%get3A_98, %get3A_99, %get3A_100] : memref<4x128x128xf32, #tpu.memory_space<vmem>>, vector<1x128x128xf32>
    %get3A_102 = vector.shape_cast %get3A_101 : vector<1x128x128xf32> to vector<128x128xf32>
    %dot_general3A_103 = arith.constant dense<0.000000e+00> : vector<2000x128xf32>
    %dot_general3A_104 = tpu.matmul %div3A_22, %get3A_102, %dot_general3A_103 {dimension_numbers = #tpu.dot_dimension_numbers<[1], [0], [0], [1], [0, 0, 1, 1], [], []>, transpose_lhs_hint = false} : vector<2000x128xf32>, vector<128x128xf32>, vector<2000x128xf32> -> vector<2000x128xf32>
    %add3A_105 = arith.addf %dot_general3A_97, %dot_general3A_104 : vector<2000x128xf32>
    %get3A_106 = arith.constant 2 : index
    %get3A_107 = arith.constant 0 : index
    %get3A_108 = vector.load %arg6[%get3A_106, %get3A_107] : memref<8x128xf32, #tpu.memory_space<vmem>>, vector<1x128xf32>
    %get3A_109 = vector.shape_cast %get3A_108 : vector<1x128xf32> to vector<128xf32>
    %broadcast_in_dim3A_110 = vector.shape_cast %get3A_109 : vector<128xf32> to vector<1x128xf32>
    %add3A_111 = vector.broadcast %broadcast_in_dim3A_110 : vector<1x128xf32> to vector<2000x128xf32>
    %add3A_112 = arith.addf %add3A_105, %add3A_111 : vector<2000x128xf32>
    %swap3A_113 = arith.constant 2 : index
    %swap3A_114 = arith.constant 0 : index
    %swap3A_115 = arith.constant 0 : index
    %swap3A_116 = vector.load %arg7[%swap3A_113, %swap3A_114, %swap3A_115] : memref<4x2000x128xf32, #tpu.memory_space<vmem>>, vector<1x2000x128xf32>
    %swap3A_117 = vector.shape_cast %swap3A_116 : vector<1x2000x128xf32> to vector<2000x128xf32>
    %swap3A_118 = vector.shape_cast %add3A_112 : vector<2000x128xf32> to vector<1x2000x128xf32>
    tpu.vector_store %arg7[%swap3A_113, %swap3A_114, %swap3A_115], %swap3A_118 {strides = array<i32>} : memref<4x2000x128xf32, #tpu.memory_space<vmem>>, vector<1x2000x128xf32>,
    %reduce_sum3A_119 = arith.constant dense<0.000000e+00> : vector<128xf32>
    %reduce_sum3A_120 = vector.multi_reduction <add>, %add3A_112, %reduce_sum3A_119 [0] : vector<2000x128xf32> to vector<128xf32>
    %broadcast_in_dim3A_121 = vector.shape_cast %reduce_sum3A_120 : vector<128xf32> to vector<1x128xf32>
    %mul3A_122 = arith.mulf %add3A_112, %add3A_112 : vector<2000x128xf32>
    %reduce_sum3A_123 = arith.constant dense<0.000000e+00> : vector<128xf32>
    %reduce_sum3A_124 = vector.multi_reduction <add>, %mul3A_122, %reduce_sum3A_123 [0] : vector<2000x128xf32> to vector<128xf32>
    %broadcast_in_dim3A_125 = vector.shape_cast %reduce_sum3A_124 : vector<128xf32> to vector<1x128xf32>
    %get3A_126 = arith.constant 3 : index
    %get3A_127 = arith.constant 0 : index
    %get3A_128 = arith.constant 0 : index
    %get3A_129 = vector.load %arg4[%get3A_126, %get3A_127, %get3A_128] : memref<4x128x128xf32, #tpu.memory_space<vmem>>, vector<1x128x128xf32>
    %get3A_130 = vector.shape_cast %get3A_129 : vector<1x128x128xf32> to vector<128x128xf32>
    %dot_general3A_131 = arith.constant dense<0.000000e+00> : vector<2000x128xf32>
    %dot_general3A_132 = tpu.matmul %get3A_25, %get3A_130, %dot_general3A_131 {dimension_numbers = #tpu.dot_dimension_numbers<[1], [0], [0], [1], [0, 0, 1, 1], [], []>, transpose_lhs_hint = false} : vector<2000x128xf32>, vector<128x128xf32>, vector<2000x128xf32> -> vector<2000x128xf32>
    %get3A_133 = arith.constant 3 : index
    %get3A_134 = arith.constant 0 : index
    %get3A_135 = arith.constant 0 : index
    %get3A_136 = vector.load %arg5[%get3A_133, %get3A_134, %get3A_135] : memref<4x128x128xf32, #tpu.memory_space<vmem>>, vector<1x128x128xf32>
    %get3A_137 = vector.shape_cast %get3A_136 : vector<1x128x128xf32> to vector<128x128xf32>
    %dot_general3A_138 = arith.constant dense<0.000000e+00> : vector<2000x128xf32>
    %dot_general3A_139 = tpu.matmul %div3A_22, %get3A_137, %dot_general3A_138 {dimension_numbers = #tpu.dot_dimension_numbers<[1], [0], [0], [1], [0, 0, 1, 1], [], []>, transpose_lhs_hint = false} : vector<2000x128xf32>, vector<128x128xf32>, vector<2000x128xf32> -> vector<2000x128xf32>
    %add3A_140 = arith.addf %dot_general3A_132, %dot_general3A_139 : vector<2000x128xf32>
    %get3A_141 = arith.constant 3 : index
    %get3A_142 = arith.constant 0 : index
    %get3A_143 = vector.load %arg6[%get3A_141, %get3A_142] : memref<8x128xf32, #tpu.memory_space<vmem>>, vector<1x128xf32>
    %get3A_144 = vector.shape_cast %get3A_143 : vector<1x128xf32> to vector<128xf32>
    %broadcast_in_dim3A_145 = vector.shape_cast %get3A_144 : vector<128xf32> to vector<1x128xf32>
    %add3A_146 = vector.broadcast %broadcast_in_dim3A_145 : vector<1x128xf32> to vector<2000x128xf32>
    %add3A_147 = arith.addf %add3A_140, %add3A_146 : vector<2000x128xf32>
    %swap3A_148 = arith.constant 3 : index
    %swap3A_149 = arith.constant 0 : index
    %swap3A_150 = arith.constant 0 : index
    %swap3A_151 = vector.load %arg7[%swap3A_148, %swap3A_149, %swap3A_150] : memref<4x2000x128xf32, #tpu.memory_space<vmem>>, vector<1x2000x128xf32>
    %swap3A_152 = vector.shape_cast %swap3A_151 : vector<1x2000x128xf32> to vector<2000x128xf32>
    %swap3A_153 = vector.shape_cast %add3A_147 : vector<2000x128xf32> to vector<1x2000x128xf32>
    tpu.vector_store %arg7[%swap3A_148, %swap3A_149, %swap3A_150], %swap3A_153 {strides = array<i32>} : memref<4x2000x128xf32, #tpu.memory_space<vmem>>, vector<1x2000x128xf32>,
    %reduce_sum3A_154 = arith.constant dense<0.000000e+00> : vector<128xf32>
    %reduce_sum3A_155 = vector.multi_reduction <add>, %add3A_147, %reduce_sum3A_154 [0] : vector<2000x128xf32> to vector<128xf32>
    %broadcast_in_dim3A_156 = vector.shape_cast %reduce_sum3A_155 : vector<128xf32> to vector<1x128xf32>
    %mul3A_157 = arith.mulf %add3A_147, %add3A_147 : vector<2000x128xf32>
    %reduce_sum3A_158 = arith.constant dense<0.000000e+00> : vector<128xf32>
    %reduce_sum3A_159 = vector.multi_reduction <add>, %mul3A_157, %reduce_sum3A_158 [0] : vector<2000x128xf32> to vector<128xf32>
    %broadcast_in_dim3A_160 = vector.shape_cast %reduce_sum3A_159 : vector<128xf32> to vector<1x128xf32>
    %concatenate3A = tpu.concatenate %broadcast_in_dim3A_52, %broadcast_in_dim3A_86, %broadcast_in_dim3A_121, %broadcast_in_dim3A_156, %broadcast_in_dim3A_55, %broadcast_in_dim3A_90, %broadcast_in_dim3A_125, %broadcast_in_dim3A_160 in 0 : vector<1x128xf32>, vector<1x128xf32>, vector<1x128xf32>, vector<1x128xf32>, vector<1x128xf32>, vector<1x128xf32>, vector<1x128xf32>, vector<1x128xf32> -> vector<8x128xf32>
    %swap3A_161 = arith.constant 0 : index
    %swap3A_162 = arith.constant 0 : index
    %swap3A_163 = arith.constant 0 : index
    %swap3A_164 = vector.load %arg8[%swap3A_161, %swap3A_162, %swap3A_163] : memref<1x8x128xf32, #tpu.memory_space<vmem>>, vector<1x8x128xf32>
    %swap3A_165 = vector.shape_cast %swap3A_164 : vector<1x8x128xf32> to vector<8x128xf32>
    %swap3A_166 = vector.shape_cast %concatenate3A : vector<8x128xf32> to vector<1x8x128xf32>
    tpu.vector_store %arg8[%swap3A_161, %swap3A_162, %swap3A_163], %swap3A_166 {strides = array<i32>} : memref<1x8x128xf32, #tpu.memory_space<vmem>>, vector<1x8x128xf32>,
    return
  }
  func.func @transform_0(%arg0: i32) -> (i32, i32) {
    %c0_i32 = arith.constant 0 : i32
    %c0_i32_0 = arith.constant 0 : i32
    return %arg0, %c0_i32 : i32, i32
  }
  func.func @transform_1(%arg0: i32) -> (i32, i32, i32) {
    %c0_i32 = arith.constant 0 : i32
    %c0_i32_0 = arith.constant 0 : i32
    %c0_i32_1 = arith.constant 0 : i32
    return %c0_i32, %arg0, %c0_i32_0 : i32, i32, i32
  }
  func.func @transform_2(%arg0: i32) -> (i32, i32, i32) {
    %c0_i32 = arith.constant 0 : i32
    %c0_i32_0 = arith.constant 0 : i32
    %c0_i32_1 = arith.constant 0 : i32
    return %c0_i32, %arg0, %c0_i32_0 : i32, i32, i32
  }
  func.func @transform_3(%arg0: i32) -> (i32, i32, i32) {
    %c0_i32 = arith.constant 0 : i32
    %c0_i32_0 = arith.constant 0 : i32
    %c0_i32_1 = arith.constant 0 : i32
    %c0_i32_2 = arith.constant 0 : i32
    return %c0_i32, %c0_i32_0, %c0_i32_1 : i32, i32, i32
  }
  func.func @transform_4(%arg0: i32) -> (i32, i32, i32) {
    %c0_i32 = arith.constant 0 : i32
    %c0_i32_0 = arith.constant 0 : i32
    %c0_i32_1 = arith.constant 0 : i32
    %c0_i32_2 = arith.constant 0 : i32
    return %c0_i32, %c0_i32_0, %c0_i32_1 : i32, i32, i32
  }
  func.func @transform_5(%arg0: i32) -> (i32, i32) {
    %c0_i32 = arith.constant 0 : i32
    %c0_i32_0 = arith.constant 0 : i32
    %c0_i32_1 = arith.constant 0 : i32
    return %c0_i32, %c0_i32_0 : i32, i32
  }
  func.func @transform_6(%arg0: i32) -> (i32, i32, i32) {
    %c0_i32 = arith.constant 0 : i32
    %c0_i32_0 = arith.constant 0 : i32
    %c0_i32_1 = arith.constant 0 : i32
    return %c0_i32, %arg0, %c0_i32_0 : i32, i32, i32
  }
  func.func @transform_7(%arg0: i32) -> (i32, i32, i32) {
    %c0_i32 = arith.constant 0 : i32
    %c0_i32_0 = arith.constant 0 : i32
    %c0_i32_1 = arith.constant 0 : i32
    return %arg0, %c0_i32, %c0_i32_0 : i32, i32, i32
  }
}

module attributes {stable_mosaic.version = 14 : i64} {
  func.func @_tc_layer1_mm(%arg0: i32, %arg1: memref<4x2000x128xf32, #tpu.memory_space<vmem>>, %arg2: memref<4x2000x128xf32, #tpu.memory_space<vmem>>, %arg3: memref<2x2000x128xf32, #tpu.memory_space<vmem>>, %arg4: memref<4x128x128xf32, #tpu.memory_space<vmem>>, %arg5: memref<4x128x128xf32, #tpu.memory_space<vmem>>, %arg6: memref<8x128xf32, #tpu.memory_space<vmem>>, %arg7: memref<4x2000x128xf32, #tpu.memory_space<vmem>>, %arg8: memref<1x8x128xf32, #tpu.memory_space<vmem>>) attributes {dimension_semantics = [#tpu.dimension_semantics<arbitrary>], iteration_bounds = array<i64: 5>, scalar_prefetch = 0 : i64, scratch_operands = 0 : i64, tpu.core_type = #tpu.core_type<tc>, window_params = [{transform_indices = @transform_0, window_bounds = array<i64: 4, 2000, 128>}, {transform_indices = @transform_1, window_bounds = array<i64: 4, 2000, 128>}, {transform_indices = @transform_2, window_bounds = array<i64: 2, 2000, 128>}, {pipeline_mode = #tpu.pipeline_mode<synchronous>, transform_indices = @transform_3, window_bounds = array<i64: 4, 128, 128>}, {pipeline_mode = #tpu.pipeline_mode<synchronous>, transform_indices = @transform_4, window_bounds = array<i64: 4, 128, 128>}, {pipeline_mode = #tpu.pipeline_mode<synchronous>, transform_indices = @transform_5, window_bounds = array<i64: 8, 128>}, {transform_indices = @transform_6, window_bounds = array<i64: 4, 2000, 128>}, {transform_indices = @transform_7, window_bounds = array<i64: 1, 8, 128>}]} {
    %get3A = arith.constant 0 : index
    %get3A_0 = arith.constant 0 : index
    %get3A_1 = arith.constant 0 : index
    %get3A_2 = vector.load %arg3[%get3A, %get3A_0, %get3A_1] : memref<2x2000x128xf32, #tpu.memory_space<vmem>>, vector<1x2000x1xf32>
    %get3A_3 = vector.shape_cast %get3A_2 : vector<1x2000x1xf32> to vector<2000x1xf32>
    %get3A_4 = arith.constant 1 : index
    %get3A_5 = arith.constant 0 : index
    %get3A_6 = arith.constant 0 : index
    %get3A_7 = vector.load %arg3[%get3A_4, %get3A_5, %get3A_6] : memref<2x2000x128xf32, #tpu.memory_space<vmem>>, vector<1x2000x1xf32>
    %get3A_8 = vector.shape_cast %get3A_7 : vector<1x2000x1xf32> to vector<2000x1xf32>
    %add3A = arith.addf %get3A_3, %get3A_8 : vector<2000x1xf32>
    %max3A = arith.constant 1.000000e+00 : f32
    %max3A_9 = vector.broadcast %max3A : f32 to vector<2000x1xf32>
    %max3A_10 = arith.maximumf %add3A, %max3A_9 : vector<2000x1xf32>
    %get3A_11 = arith.constant 0 : index
    %get3A_12 = arith.constant 0 : index
    %get3A_13 = arith.constant 0 : index
    %get3A_14 = vector.load %arg2[%get3A_11, %get3A_12, %get3A_13] : memref<4x2000x128xf32, #tpu.memory_space<vmem>>, vector<1x2000x128xf32>
    %get3A_15 = vector.shape_cast %get3A_14 : vector<1x2000x128xf32> to vector<2000x128xf32>
    %div3A = vector.broadcast %max3A_10 : vector<2000x1xf32> to vector<2000x128xf32>
    %div3A_16 = arith.divf %get3A_15, %div3A : vector<2000x128xf32>
    %get3A_17 = arith.constant 0 : index
    %get3A_18 = arith.constant 0 : index
    %get3A_19 = arith.constant 0 : index
    %get3A_20 = vector.load %arg1[%get3A_17, %get3A_18, %get3A_19] : memref<4x2000x128xf32, #tpu.memory_space<vmem>>, vector<1x2000x128xf32>
    %get3A_21 = vector.shape_cast %get3A_20 : vector<1x2000x128xf32> to vector<2000x128xf32>
    %get3A_22 = arith.constant 0 : index
    %get3A_23 = arith.constant 0 : index
    %get3A_24 = arith.constant 0 : index
    %get3A_25 = vector.load %arg4[%get3A_22, %get3A_23, %get3A_24] : memref<4x128x128xf32, #tpu.memory_space<vmem>>, vector<1x128x128xf32>
    %get3A_26 = vector.shape_cast %get3A_25 : vector<1x128x128xf32> to vector<128x128xf32>
    %dot_general3A = arith.constant dense<0.000000e+00> : vector<2000x128xf32>
    %dot_general3A_27 = tpu.matmul %get3A_21, %get3A_26, %dot_general3A {dimension_numbers = #tpu.dot_dimension_numbers<[1], [0], [0], [1], [0, 0, 1, 1], [], []>, transpose_lhs_hint = false} : vector<2000x128xf32>, vector<128x128xf32>, vector<2000x128xf32> -> vector<2000x128xf32>
    %get3A_28 = arith.constant 0 : index
    %get3A_29 = arith.constant 0 : index
    %get3A_30 = arith.constant 0 : index
    %get3A_31 = vector.load %arg5[%get3A_28, %get3A_29, %get3A_30] : memref<4x128x128xf32, #tpu.memory_space<vmem>>, vector<1x128x128xf32>
    %get3A_32 = vector.shape_cast %get3A_31 : vector<1x128x128xf32> to vector<128x128xf32>
    %dot_general3A_33 = arith.constant dense<0.000000e+00> : vector<2000x128xf32>
    %dot_general3A_34 = tpu.matmul %div3A_16, %get3A_32, %dot_general3A_33 {dimension_numbers = #tpu.dot_dimension_numbers<[1], [0], [0], [1], [0, 0, 1, 1], [], []>, transpose_lhs_hint = false} : vector<2000x128xf32>, vector<128x128xf32>, vector<2000x128xf32> -> vector<2000x128xf32>
    %add3A_35 = arith.addf %dot_general3A_27, %dot_general3A_34 : vector<2000x128xf32>
    %get3A_36 = arith.constant 0 : index
    %get3A_37 = arith.constant 0 : index
    %get3A_38 = vector.load %arg6[%get3A_36, %get3A_37] : memref<8x128xf32, #tpu.memory_space<vmem>>, vector<1x128xf32>
    %get3A_39 = vector.shape_cast %get3A_38 : vector<1x128xf32> to vector<128xf32>
    %broadcast_in_dim3A = vector.shape_cast %get3A_39 : vector<128xf32> to vector<1x128xf32>
    %add3A_40 = vector.broadcast %broadcast_in_dim3A : vector<1x128xf32> to vector<2000x128xf32>
    %add3A_41 = arith.addf %add3A_35, %add3A_40 : vector<2000x128xf32>
    %swap3A = arith.constant 0 : index
    %swap3A_42 = arith.constant 0 : index
    %swap3A_43 = arith.constant 0 : index
    %swap3A_44 = vector.load %arg7[%swap3A, %swap3A_42, %swap3A_43] : memref<4x2000x128xf32, #tpu.memory_space<vmem>>, vector<1x2000x128xf32>
    %swap3A_45 = vector.shape_cast %swap3A_44 : vector<1x2000x128xf32> to vector<2000x128xf32>
    %swap3A_46 = vector.shape_cast %add3A_41 : vector<2000x128xf32> to vector<1x2000x128xf32>
    tpu.vector_store %arg7[%swap3A, %swap3A_42, %swap3A_43], %swap3A_46 {strides = array<i32>} : memref<4x2000x128xf32, #tpu.memory_space<vmem>>, vector<1x2000x128xf32>,
    %reduce_sum3A = arith.constant dense<0.000000e+00> : vector<128xf32>
    %reduce_sum3A_47 = vector.multi_reduction <add>, %add3A_41, %reduce_sum3A [0] : vector<2000x128xf32> to vector<128xf32>
    %broadcast_in_dim3A_48 = vector.shape_cast %reduce_sum3A_47 : vector<128xf32> to vector<1x128xf32>
    %mul3A = arith.mulf %add3A_41, %add3A_41 : vector<2000x128xf32>
    %reduce_sum3A_49 = arith.constant dense<0.000000e+00> : vector<128xf32>
    %reduce_sum3A_50 = vector.multi_reduction <add>, %mul3A, %reduce_sum3A_49 [0] : vector<2000x128xf32> to vector<128xf32>
    %broadcast_in_dim3A_51 = vector.shape_cast %reduce_sum3A_50 : vector<128xf32> to vector<1x128xf32>
    %get3A_52 = arith.constant 1 : index
    %get3A_53 = arith.constant 0 : index
    %get3A_54 = arith.constant 0 : index
    %get3A_55 = vector.load %arg2[%get3A_52, %get3A_53, %get3A_54] : memref<4x2000x128xf32, #tpu.memory_space<vmem>>, vector<1x2000x128xf32>
    %get3A_56 = vector.shape_cast %get3A_55 : vector<1x2000x128xf32> to vector<2000x128xf32>
    %div3A_57 = vector.broadcast %max3A_10 : vector<2000x1xf32> to vector<2000x128xf32>
    %div3A_58 = arith.divf %get3A_56, %div3A_57 : vector<2000x128xf32>
    %get3A_59 = arith.constant 1 : index
    %get3A_60 = arith.constant 0 : index
    %get3A_61 = arith.constant 0 : index
    %get3A_62 = vector.load %arg1[%get3A_59, %get3A_60, %get3A_61] : memref<4x2000x128xf32, #tpu.memory_space<vmem>>, vector<1x2000x128xf32>
    %get3A_63 = vector.shape_cast %get3A_62 : vector<1x2000x128xf32> to vector<2000x128xf32>
    %get3A_64 = arith.constant 1 : index
    %get3A_65 = arith.constant 0 : index
    %get3A_66 = arith.constant 0 : index
    %get3A_67 = vector.load %arg4[%get3A_64, %get3A_65, %get3A_66] : memref<4x128x128xf32, #tpu.memory_space<vmem>>, vector<1x128x128xf32>
    %get3A_68 = vector.shape_cast %get3A_67 : vector<1x128x128xf32> to vector<128x128xf32>
    %dot_general3A_69 = arith.constant dense<0.000000e+00> : vector<2000x128xf32>
    %dot_general3A_70 = tpu.matmul %get3A_63, %get3A_68, %dot_general3A_69 {dimension_numbers = #tpu.dot_dimension_numbers<[1], [0], [0], [1], [0, 0, 1, 1], [], []>, transpose_lhs_hint = false} : vector<2000x128xf32>, vector<128x128xf32>, vector<2000x128xf32> -> vector<2000x128xf32>
    %get3A_71 = arith.constant 1 : index
    %get3A_72 = arith.constant 0 : index
    %get3A_73 = arith.constant 0 : index
    %get3A_74 = vector.load %arg5[%get3A_71, %get3A_72, %get3A_73] : memref<4x128x128xf32, #tpu.memory_space<vmem>>, vector<1x128x128xf32>
    %get3A_75 = vector.shape_cast %get3A_74 : vector<1x128x128xf32> to vector<128x128xf32>
    %dot_general3A_76 = arith.constant dense<0.000000e+00> : vector<2000x128xf32>
    %dot_general3A_77 = tpu.matmul %div3A_58, %get3A_75, %dot_general3A_76 {dimension_numbers = #tpu.dot_dimension_numbers<[1], [0], [0], [1], [0, 0, 1, 1], [], []>, transpose_lhs_hint = false} : vector<2000x128xf32>, vector<128x128xf32>, vector<2000x128xf32> -> vector<2000x128xf32>
    %add3A_78 = arith.addf %dot_general3A_70, %dot_general3A_77 : vector<2000x128xf32>
    %get3A_79 = arith.constant 1 : index
    %get3A_80 = arith.constant 0 : index
    %get3A_81 = vector.load %arg6[%get3A_79, %get3A_80] : memref<8x128xf32, #tpu.memory_space<vmem>>, vector<1x128xf32>
    %get3A_82 = vector.shape_cast %get3A_81 : vector<1x128xf32> to vector<128xf32>
    %broadcast_in_dim3A_83 = vector.shape_cast %get3A_82 : vector<128xf32> to vector<1x128xf32>
    %add3A_84 = vector.broadcast %broadcast_in_dim3A_83 : vector<1x128xf32> to vector<2000x128xf32>
    %add3A_85 = arith.addf %add3A_78, %add3A_84 : vector<2000x128xf32>
    %swap3A_86 = arith.constant 1 : index
    %swap3A_87 = arith.constant 0 : index
    %swap3A_88 = arith.constant 0 : index
    %swap3A_89 = vector.load %arg7[%swap3A_86, %swap3A_87, %swap3A_88] : memref<4x2000x128xf32, #tpu.memory_space<vmem>>, vector<1x2000x128xf32>
    %swap3A_90 = vector.shape_cast %swap3A_89 : vector<1x2000x128xf32> to vector<2000x128xf32>
    %swap3A_91 = vector.shape_cast %add3A_85 : vector<2000x128xf32> to vector<1x2000x128xf32>
    tpu.vector_store %arg7[%swap3A_86, %swap3A_87, %swap3A_88], %swap3A_91 {strides = array<i32>} : memref<4x2000x128xf32, #tpu.memory_space<vmem>>, vector<1x2000x128xf32>,
    %reduce_sum3A_92 = arith.constant dense<0.000000e+00> : vector<128xf32>
    %reduce_sum3A_93 = vector.multi_reduction <add>, %add3A_85, %reduce_sum3A_92 [0] : vector<2000x128xf32> to vector<128xf32>
    %broadcast_in_dim3A_94 = vector.shape_cast %reduce_sum3A_93 : vector<128xf32> to vector<1x128xf32>
    %mul3A_95 = arith.mulf %add3A_85, %add3A_85 : vector<2000x128xf32>
    %reduce_sum3A_96 = arith.constant dense<0.000000e+00> : vector<128xf32>
    %reduce_sum3A_97 = vector.multi_reduction <add>, %mul3A_95, %reduce_sum3A_96 [0] : vector<2000x128xf32> to vector<128xf32>
    %broadcast_in_dim3A_98 = vector.shape_cast %reduce_sum3A_97 : vector<128xf32> to vector<1x128xf32>
    %get3A_99 = arith.constant 2 : index
    %get3A_100 = arith.constant 0 : index
    %get3A_101 = arith.constant 0 : index
    %get3A_102 = vector.load %arg2[%get3A_99, %get3A_100, %get3A_101] : memref<4x2000x128xf32, #tpu.memory_space<vmem>>, vector<1x2000x128xf32>
    %get3A_103 = vector.shape_cast %get3A_102 : vector<1x2000x128xf32> to vector<2000x128xf32>
    %div3A_104 = vector.broadcast %max3A_10 : vector<2000x1xf32> to vector<2000x128xf32>
    %div3A_105 = arith.divf %get3A_103, %div3A_104 : vector<2000x128xf32>
    %get3A_106 = arith.constant 2 : index
    %get3A_107 = arith.constant 0 : index
    %get3A_108 = arith.constant 0 : index
    %get3A_109 = vector.load %arg1[%get3A_106, %get3A_107, %get3A_108] : memref<4x2000x128xf32, #tpu.memory_space<vmem>>, vector<1x2000x128xf32>
    %get3A_110 = vector.shape_cast %get3A_109 : vector<1x2000x128xf32> to vector<2000x128xf32>
    %get3A_111 = arith.constant 2 : index
    %get3A_112 = arith.constant 0 : index
    %get3A_113 = arith.constant 0 : index
    %get3A_114 = vector.load %arg4[%get3A_111, %get3A_112, %get3A_113] : memref<4x128x128xf32, #tpu.memory_space<vmem>>, vector<1x128x128xf32>
    %get3A_115 = vector.shape_cast %get3A_114 : vector<1x128x128xf32> to vector<128x128xf32>
    %dot_general3A_116 = arith.constant dense<0.000000e+00> : vector<2000x128xf32>
    %dot_general3A_117 = tpu.matmul %get3A_110, %get3A_115, %dot_general3A_116 {dimension_numbers = #tpu.dot_dimension_numbers<[1], [0], [0], [1], [0, 0, 1, 1], [], []>, transpose_lhs_hint = false} : vector<2000x128xf32>, vector<128x128xf32>, vector<2000x128xf32> -> vector<2000x128xf32>
    %get3A_118 = arith.constant 2 : index
    %get3A_119 = arith.constant 0 : index
    %get3A_120 = arith.constant 0 : index
    %get3A_121 = vector.load %arg5[%get3A_118, %get3A_119, %get3A_120] : memref<4x128x128xf32, #tpu.memory_space<vmem>>, vector<1x128x128xf32>
    %get3A_122 = vector.shape_cast %get3A_121 : vector<1x128x128xf32> to vector<128x128xf32>
    %dot_general3A_123 = arith.constant dense<0.000000e+00> : vector<2000x128xf32>
    %dot_general3A_124 = tpu.matmul %div3A_105, %get3A_122, %dot_general3A_123 {dimension_numbers = #tpu.dot_dimension_numbers<[1], [0], [0], [1], [0, 0, 1, 1], [], []>, transpose_lhs_hint = false} : vector<2000x128xf32>, vector<128x128xf32>, vector<2000x128xf32> -> vector<2000x128xf32>
    %add3A_125 = arith.addf %dot_general3A_117, %dot_general3A_124 : vector<2000x128xf32>
    %get3A_126 = arith.constant 2 : index
    %get3A_127 = arith.constant 0 : index
    %get3A_128 = vector.load %arg6[%get3A_126, %get3A_127] : memref<8x128xf32, #tpu.memory_space<vmem>>, vector<1x128xf32>
    %get3A_129 = vector.shape_cast %get3A_128 : vector<1x128xf32> to vector<128xf32>
    %broadcast_in_dim3A_130 = vector.shape_cast %get3A_129 : vector<128xf32> to vector<1x128xf32>
    %add3A_131 = vector.broadcast %broadcast_in_dim3A_130 : vector<1x128xf32> to vector<2000x128xf32>
    %add3A_132 = arith.addf %add3A_125, %add3A_131 : vector<2000x128xf32>
    %swap3A_133 = arith.constant 2 : index
    %swap3A_134 = arith.constant 0 : index
    %swap3A_135 = arith.constant 0 : index
    %swap3A_136 = vector.load %arg7[%swap3A_133, %swap3A_134, %swap3A_135] : memref<4x2000x128xf32, #tpu.memory_space<vmem>>, vector<1x2000x128xf32>
    %swap3A_137 = vector.shape_cast %swap3A_136 : vector<1x2000x128xf32> to vector<2000x128xf32>
    %swap3A_138 = vector.shape_cast %add3A_132 : vector<2000x128xf32> to vector<1x2000x128xf32>
    tpu.vector_store %arg7[%swap3A_133, %swap3A_134, %swap3A_135], %swap3A_138 {strides = array<i32>} : memref<4x2000x128xf32, #tpu.memory_space<vmem>>, vector<1x2000x128xf32>,
    %reduce_sum3A_139 = arith.constant dense<0.000000e+00> : vector<128xf32>
    %reduce_sum3A_140 = vector.multi_reduction <add>, %add3A_132, %reduce_sum3A_139 [0] : vector<2000x128xf32> to vector<128xf32>
    %broadcast_in_dim3A_141 = vector.shape_cast %reduce_sum3A_140 : vector<128xf32> to vector<1x128xf32>
    %mul3A_142 = arith.mulf %add3A_132, %add3A_132 : vector<2000x128xf32>
    %reduce_sum3A_143 = arith.constant dense<0.000000e+00> : vector<128xf32>
    %reduce_sum3A_144 = vector.multi_reduction <add>, %mul3A_142, %reduce_sum3A_143 [0] : vector<2000x128xf32> to vector<128xf32>
    %broadcast_in_dim3A_145 = vector.shape_cast %reduce_sum3A_144 : vector<128xf32> to vector<1x128xf32>
    %get3A_146 = arith.constant 3 : index
    %get3A_147 = arith.constant 0 : index
    %get3A_148 = arith.constant 0 : index
    %get3A_149 = vector.load %arg2[%get3A_146, %get3A_147, %get3A_148] : memref<4x2000x128xf32, #tpu.memory_space<vmem>>, vector<1x2000x128xf32>
    %get3A_150 = vector.shape_cast %get3A_149 : vector<1x2000x128xf32> to vector<2000x128xf32>
    %div3A_151 = vector.broadcast %max3A_10 : vector<2000x1xf32> to vector<2000x128xf32>
    %div3A_152 = arith.divf %get3A_150, %div3A_151 : vector<2000x128xf32>
    %get3A_153 = arith.constant 3 : index
    %get3A_154 = arith.constant 0 : index
    %get3A_155 = arith.constant 0 : index
    %get3A_156 = vector.load %arg1[%get3A_153, %get3A_154, %get3A_155] : memref<4x2000x128xf32, #tpu.memory_space<vmem>>, vector<1x2000x128xf32>
    %get3A_157 = vector.shape_cast %get3A_156 : vector<1x2000x128xf32> to vector<2000x128xf32>
    %get3A_158 = arith.constant 3 : index
    %get3A_159 = arith.constant 0 : index
    %get3A_160 = arith.constant 0 : index
    %get3A_161 = vector.load %arg4[%get3A_158, %get3A_159, %get3A_160] : memref<4x128x128xf32, #tpu.memory_space<vmem>>, vector<1x128x128xf32>
    %get3A_162 = vector.shape_cast %get3A_161 : vector<1x128x128xf32> to vector<128x128xf32>
    %dot_general3A_163 = arith.constant dense<0.000000e+00> : vector<2000x128xf32>
    %dot_general3A_164 = tpu.matmul %get3A_157, %get3A_162, %dot_general3A_163 {dimension_numbers = #tpu.dot_dimension_numbers<[1], [0], [0], [1], [0, 0, 1, 1], [], []>, transpose_lhs_hint = false} : vector<2000x128xf32>, vector<128x128xf32>, vector<2000x128xf32> -> vector<2000x128xf32>
    %get3A_165 = arith.constant 3 : index
    %get3A_166 = arith.constant 0 : index
    %get3A_167 = arith.constant 0 : index
    %get3A_168 = vector.load %arg5[%get3A_165, %get3A_166, %get3A_167] : memref<4x128x128xf32, #tpu.memory_space<vmem>>, vector<1x128x128xf32>
    %get3A_169 = vector.shape_cast %get3A_168 : vector<1x128x128xf32> to vector<128x128xf32>
    %dot_general3A_170 = arith.constant dense<0.000000e+00> : vector<2000x128xf32>
    %dot_general3A_171 = tpu.matmul %div3A_152, %get3A_169, %dot_general3A_170 {dimension_numbers = #tpu.dot_dimension_numbers<[1], [0], [0], [1], [0, 0, 1, 1], [], []>, transpose_lhs_hint = false} : vector<2000x128xf32>, vector<128x128xf32>, vector<2000x128xf32> -> vector<2000x128xf32>
    %add3A_172 = arith.addf %dot_general3A_164, %dot_general3A_171 : vector<2000x128xf32>
    %get3A_173 = arith.constant 3 : index
    %get3A_174 = arith.constant 0 : index
    %get3A_175 = vector.load %arg6[%get3A_173, %get3A_174] : memref<8x128xf32, #tpu.memory_space<vmem>>, vector<1x128xf32>
    %get3A_176 = vector.shape_cast %get3A_175 : vector<1x128xf32> to vector<128xf32>
    %broadcast_in_dim3A_177 = vector.shape_cast %get3A_176 : vector<128xf32> to vector<1x128xf32>
    %add3A_178 = vector.broadcast %broadcast_in_dim3A_177 : vector<1x128xf32> to vector<2000x128xf32>
    %add3A_179 = arith.addf %add3A_172, %add3A_178 : vector<2000x128xf32>
    %swap3A_180 = arith.constant 3 : index
    %swap3A_181 = arith.constant 0 : index
    %swap3A_182 = arith.constant 0 : index
    %swap3A_183 = vector.load %arg7[%swap3A_180, %swap3A_181, %swap3A_182] : memref<4x2000x128xf32, #tpu.memory_space<vmem>>, vector<1x2000x128xf32>
    %swap3A_184 = vector.shape_cast %swap3A_183 : vector<1x2000x128xf32> to vector<2000x128xf32>
    %swap3A_185 = vector.shape_cast %add3A_179 : vector<2000x128xf32> to vector<1x2000x128xf32>
    tpu.vector_store %arg7[%swap3A_180, %swap3A_181, %swap3A_182], %swap3A_185 {strides = array<i32>} : memref<4x2000x128xf32, #tpu.memory_space<vmem>>, vector<1x2000x128xf32>,
    %reduce_sum3A_186 = arith.constant dense<0.000000e+00> : vector<128xf32>
    %reduce_sum3A_187 = vector.multi_reduction <add>, %add3A_179, %reduce_sum3A_186 [0] : vector<2000x128xf32> to vector<128xf32>
    %broadcast_in_dim3A_188 = vector.shape_cast %reduce_sum3A_187 : vector<128xf32> to vector<1x128xf32>
    %mul3A_189 = arith.mulf %add3A_179, %add3A_179 : vector<2000x128xf32>
    %reduce_sum3A_190 = arith.constant dense<0.000000e+00> : vector<128xf32>
    %reduce_sum3A_191 = vector.multi_reduction <add>, %mul3A_189, %reduce_sum3A_190 [0] : vector<2000x128xf32> to vector<128xf32>
    %broadcast_in_dim3A_192 = vector.shape_cast %reduce_sum3A_191 : vector<128xf32> to vector<1x128xf32>
    %concatenate3A = tpu.concatenate %broadcast_in_dim3A_48, %broadcast_in_dim3A_94, %broadcast_in_dim3A_141, %broadcast_in_dim3A_188, %broadcast_in_dim3A_51, %broadcast_in_dim3A_98, %broadcast_in_dim3A_145, %broadcast_in_dim3A_192 in 0 : vector<1x128xf32>, vector<1x128xf32>, vector<1x128xf32>, vector<1x128xf32>, vector<1x128xf32>, vector<1x128xf32>, vector<1x128xf32>, vector<1x128xf32> -> vector<8x128xf32>
    %swap3A_193 = arith.constant 0 : index
    %swap3A_194 = arith.constant 0 : index
    %swap3A_195 = arith.constant 0 : index
    %swap3A_196 = vector.load %arg8[%swap3A_193, %swap3A_194, %swap3A_195] : memref<1x8x128xf32, #tpu.memory_space<vmem>>, vector<1x8x128xf32>
    %swap3A_197 = vector.shape_cast %swap3A_196 : vector<1x8x128xf32> to vector<8x128xf32>
    %swap3A_198 = vector.shape_cast %concatenate3A : vector<8x128xf32> to vector<1x8x128xf32>
    tpu.vector_store %arg8[%swap3A_193, %swap3A_194, %swap3A_195], %swap3A_198 {strides = array<i32>} : memref<1x8x128xf32, #tpu.memory_space<vmem>>, vector<1x8x128xf32>,
    return
  }
  func.func @transform_0(%arg0: i32) -> (i32, i32, i32) {
    %c0_i32 = arith.constant 0 : i32
    %c0_i32_0 = arith.constant 0 : i32
    %c0_i32_1 = arith.constant 0 : i32
    return %c0_i32, %arg0, %c0_i32_0 : i32, i32, i32
  }
  func.func @transform_1(%arg0: i32) -> (i32, i32, i32) {
    %c0_i32 = arith.constant 0 : i32
    %c0_i32_0 = arith.constant 0 : i32
    %c0_i32_1 = arith.constant 0 : i32
    return %c0_i32, %arg0, %c0_i32_0 : i32, i32, i32
  }
  func.func @transform_2(%arg0: i32) -> (i32, i32, i32) {
    %c0_i32 = arith.constant 0 : i32
    %c0_i32_0 = arith.constant 0 : i32
    %c0_i32_1 = arith.constant 0 : i32
    return %c0_i32, %arg0, %c0_i32_0 : i32, i32, i32
  }
  func.func @transform_3(%arg0: i32) -> (i32, i32, i32) {
    %c0_i32 = arith.constant 0 : i32
    %c0_i32_0 = arith.constant 0 : i32
    %c0_i32_1 = arith.constant 0 : i32
    %c0_i32_2 = arith.constant 0 : i32
    return %c0_i32, %c0_i32_0, %c0_i32_1 : i32, i32, i32
  }
  func.func @transform_4(%arg0: i32) -> (i32, i32, i32) {
    %c0_i32 = arith.constant 0 : i32
    %c0_i32_0 = arith.constant 0 : i32
    %c0_i32_1 = arith.constant 0 : i32
    %c0_i32_2 = arith.constant 0 : i32
    return %c0_i32, %c0_i32_0, %c0_i32_1 : i32, i32, i32
  }
  func.func @transform_5(%arg0: i32) -> (i32, i32) {
    %c0_i32 = arith.constant 0 : i32
    %c0_i32_0 = arith.constant 0 : i32
    %c0_i32_1 = arith.constant 0 : i32
    return %c0_i32, %c0_i32_0 : i32, i32
  }
  func.func @transform_6(%arg0: i32) -> (i32, i32, i32) {
    %c0_i32 = arith.constant 0 : i32
    %c0_i32_0 = arith.constant 0 : i32
    %c0_i32_1 = arith.constant 0 : i32
    return %c0_i32, %arg0, %c0_i32_0 : i32, i32, i32
  }
  func.func @transform_7(%arg0: i32) -> (i32, i32, i32) {
    %c0_i32 = arith.constant 0 : i32
    %c0_i32_0 = arith.constant 0 : i32
    %c0_i32_1 = arith.constant 0 : i32
    return %arg0, %c0_i32, %c0_i32_0 : i32, i32, i32
  }
}

module attributes {stable_mosaic.version = 14 : i64} {
  func.func @_tc_bn_relu(%arg0: i32, %arg1: memref<4x2000x128xf32, #tpu.memory_space<vmem>>, %arg2: memref<5x8x128xf32, #tpu.memory_space<vmem>>, %arg3: memref<8x128xf32, #tpu.memory_space<vmem>>, %arg4: memref<4x2000x128xf32, #tpu.memory_space<vmem>>) attributes {dimension_semantics = [#tpu.dimension_semantics<arbitrary>], iteration_bounds = array<i64: 5>, scalar_prefetch = 0 : i64, scratch_operands = 0 : i64, tpu.core_type = #tpu.core_type<tc>, window_params = [{transform_indices = @transform_0, window_bounds = array<i64: 4, 2000, 128>}, {pipeline_mode = #tpu.pipeline_mode<synchronous>, transform_indices = @transform_1, window_bounds = array<i64: 5, 8, 128>}, {pipeline_mode = #tpu.pipeline_mode<synchronous>, transform_indices = @transform_2, window_bounds = array<i64: 8, 128>}, {transform_indices = @transform_3, window_bounds = array<i64: 4, 2000, 128>}]} {
    %get3A = arith.constant 0 : index
    %get3A_0 = arith.constant 0 : index
    %get3A_1 = arith.constant 0 : index
    %get3A_2 = vector.load %arg2[%get3A, %get3A_0, %get3A_1] : memref<5x8x128xf32, #tpu.memory_space<vmem>>, vector<5x8x128xf32>
    %reduce_sum3A = arith.constant dense<0.000000e+00> : vector<8x128xf32>
    %reduce_sum3A_3 = vector.multi_reduction <add>, %get3A_2, %reduce_sum3A [0] : vector<5x8x128xf32> to vector<8x128xf32>
    %slice3A = vector.extract_strided_slice %reduce_sum3A_3 {offsets = [0, 0], sizes = [1, 128], strides = [1, 1]} : vector<8x128xf32> to vector<1x128xf32>
    %squeeze3A = vector.shape_cast %slice3A : vector<1x128xf32> to vector<128xf32>
    %div3A = arith.constant 1.000000e+04 : f32
    %div3A_4 = vector.broadcast %div3A : f32 to vector<128xf32>
    %div3A_5 = arith.divf %squeeze3A, %div3A_4 : vector<128xf32>
    %slice3A_6 = vector.extract_strided_slice %reduce_sum3A_3 {offsets = [4, 0], sizes = [1, 128], strides = [1, 1]} : vector<8x128xf32> to vector<1x128xf32>
    %squeeze3A_7 = vector.shape_cast %slice3A_6 : vector<1x128xf32> to vector<128xf32>
    %div3A_8 = arith.constant 1.000000e+04 : f32
    %div3A_9 = vector.broadcast %div3A_8 : f32 to vector<128xf32>
    %div3A_10 = arith.divf %squeeze3A_7, %div3A_9 : vector<128xf32>
    %mul3A = arith.mulf %div3A_5, %div3A_5 : vector<128xf32>
    %sub3A = arith.subf %div3A_10, %mul3A : vector<128xf32>
    %get3A_11 = arith.constant 0 : index
    %get3A_12 = arith.constant 0 : index
    %get3A_13 = vector.load %arg3[%get3A_11, %get3A_12] : memref<8x128xf32, #tpu.memory_space<vmem>>, vector<1x128xf32>
    %get3A_14 = vector.shape_cast %get3A_13 : vector<1x128xf32> to vector<128xf32>
    %add3A = arith.constant 9.99999974E-6 : f32
    %add3A_15 = vector.broadcast %add3A : f32 to vector<128xf32>
    %add3A_16 = arith.addf %sub3A, %add3A_15 : vector<128xf32>
    %rsqrt3A = math.rsqrt %add3A_16 : vector<128xf32>
    %mul3A_17 = arith.mulf %get3A_14, %rsqrt3A : vector<128xf32>
    %broadcast_in_dim3A = vector.shape_cast %mul3A_17 : vector<128xf32> to vector<1x128xf32>
    %get3A_18 = arith.constant 0 : index
    %get3A_19 = arith.constant 0 : index
    %get3A_20 = arith.constant 0 : index
    %get3A_21 = vector.load %arg1[%get3A_18, %get3A_19, %get3A_20] : memref<4x2000x128xf32, #tpu.memory_space<vmem>>, vector<1x2000x128xf32>
    %get3A_22 = vector.shape_cast %get3A_21 : vector<1x2000x128xf32> to vector<2000x128xf32>
    %broadcast_in_dim3A_23 = vector.shape_cast %div3A_5 : vector<128xf32> to vector<1x128xf32>
    %sub3A_24 = vector.broadcast %broadcast_in_dim3A_23 : vector<1x128xf32> to vector<2000x128xf32>
    %sub3A_25 = arith.subf %get3A_22, %sub3A_24 : vector<2000x128xf32>
    %mul3A_26 = vector.broadcast %broadcast_in_dim3A : vector<1x128xf32> to vector<2000x128xf32>
    %mul3A_27 = arith.mulf %mul3A_26, %sub3A_25 : vector<2000x128xf32>
    %get3A_28 = arith.constant 4 : index
    %get3A_29 = arith.constant 0 : index
    %get3A_30 = vector.load %arg3[%get3A_28, %get3A_29] : memref<8x128xf32, #tpu.memory_space<vmem>>, vector<1x128xf32>
    %get3A_31 = vector.shape_cast %get3A_30 : vector<1x128xf32> to vector<128xf32>
    %broadcast_in_dim3A_32 = vector.shape_cast %get3A_31 : vector<128xf32> to vector<1x128xf32>
    %add3A_33 = vector.broadcast %broadcast_in_dim3A_32 : vector<1x128xf32> to vector<2000x128xf32>
    %add3A_34 = arith.addf %mul3A_27, %add3A_33 : vector<2000x128xf32>
    %max3A = arith.constant 0.000000e+00 : f32
    %max3A_35 = vector.broadcast %max3A : f32 to vector<2000x128xf32>
    %max3A_36 = arith.maximumf %add3A_34, %max3A_35 : vector<2000x128xf32>
    %swap3A = arith.constant 0 : index
    %swap3A_37 = arith.constant 0 : index
    %swap3A_38 = arith.constant 0 : index
    %swap3A_39 = vector.load %arg4[%swap3A, %swap3A_37, %swap3A_38] : memref<4x2000x128xf32, #tpu.memory_space<vmem>>, vector<1x2000x128xf32>
    %swap3A_40 = vector.shape_cast %swap3A_39 : vector<1x2000x128xf32> to vector<2000x128xf32>
    %swap3A_41 = vector.shape_cast %max3A_36 : vector<2000x128xf32> to vector<1x2000x128xf32>
    tpu.vector_store %arg4[%swap3A, %swap3A_37, %swap3A_38], %swap3A_41 {strides = array<i32>} : memref<4x2000x128xf32, #tpu.memory_space<vmem>>, vector<1x2000x128xf32>,
    %slice3A_42 = vector.extract_strided_slice %reduce_sum3A_3 {offsets = [1, 0], sizes = [1, 128], strides = [1, 1]} : vector<8x128xf32> to vector<1x128xf32>
    %squeeze3A_43 = vector.shape_cast %slice3A_42 : vector<1x128xf32> to vector<128xf32>
    %div3A_44 = arith.constant 1.000000e+04 : f32
    %div3A_45 = vector.broadcast %div3A_44 : f32 to vector<128xf32>
    %div3A_46 = arith.divf %squeeze3A_43, %div3A_45 : vector<128xf32>
    %slice3A_47 = vector.extract_strided_slice %reduce_sum3A_3 {offsets = [5, 0], sizes = [1, 128], strides = [1, 1]} : vector<8x128xf32> to vector<1x128xf32>
    %squeeze3A_48 = vector.shape_cast %slice3A_47 : vector<1x128xf32> to vector<128xf32>
    %div3A_49 = arith.constant 1.000000e+04 : f32
    %div3A_50 = vector.broadcast %div3A_49 : f32 to vector<128xf32>
    %div3A_51 = arith.divf %squeeze3A_48, %div3A_50 : vector<128xf32>
    %mul3A_52 = arith.mulf %div3A_46, %div3A_46 : vector<128xf32>
    %sub3A_53 = arith.subf %div3A_51, %mul3A_52 : vector<128xf32>
    %get3A_54 = arith.constant 1 : index
    %get3A_55 = arith.constant 0 : index
    %get3A_56 = vector.load %arg3[%get3A_54, %get3A_55] : memref<8x128xf32, #tpu.memory_space<vmem>>, vector<1x128xf32>
    %get3A_57 = vector.shape_cast %get3A_56 : vector<1x128xf32> to vector<128xf32>
    %add3A_58 = arith.constant 9.99999974E-6 : f32
    %add3A_59 = vector.broadcast %add3A_58 : f32 to vector<128xf32>
    %add3A_60 = arith.addf %sub3A_53, %add3A_59 : vector<128xf32>
    %rsqrt3A_61 = math.rsqrt %add3A_60 : vector<128xf32>
    %mul3A_62 = arith.mulf %get3A_57, %rsqrt3A_61 : vector<128xf32>
    %broadcast_in_dim3A_63 = vector.shape_cast %mul3A_62 : vector<128xf32> to vector<1x128xf32>
    %get3A_64 = arith.constant 1 : index
    %get3A_65 = arith.constant 0 : index
    %get3A_66 = arith.constant 0 : index
    %get3A_67 = vector.load %arg1[%get3A_64, %get3A_65, %get3A_66] : memref<4x2000x128xf32, #tpu.memory_space<vmem>>, vector<1x2000x128xf32>
    %get3A_68 = vector.shape_cast %get3A_67 : vector<1x2000x128xf32> to vector<2000x128xf32>
    %broadcast_in_dim3A_69 = vector.shape_cast %div3A_46 : vector<128xf32> to vector<1x128xf32>
    %sub3A_70 = vector.broadcast %broadcast_in_dim3A_69 : vector<1x128xf32> to vector<2000x128xf32>
    %sub3A_71 = arith.subf %get3A_68, %sub3A_70 : vector<2000x128xf32>
    %mul3A_72 = vector.broadcast %broadcast_in_dim3A_63 : vector<1x128xf32> to vector<2000x128xf32>
    %mul3A_73 = arith.mulf %mul3A_72, %sub3A_71 : vector<2000x128xf32>
    %get3A_74 = arith.constant 5 : index
    %get3A_75 = arith.constant 0 : index
    %get3A_76 = vector.load %arg3[%get3A_74, %get3A_75] : memref<8x128xf32, #tpu.memory_space<vmem>>, vector<1x128xf32>
    %get3A_77 = vector.shape_cast %get3A_76 : vector<1x128xf32> to vector<128xf32>
    %broadcast_in_dim3A_78 = vector.shape_cast %get3A_77 : vector<128xf32> to vector<1x128xf32>
    %add3A_79 = vector.broadcast %broadcast_in_dim3A_78 : vector<1x128xf32> to vector<2000x128xf32>
    %add3A_80 = arith.addf %mul3A_73, %add3A_79 : vector<2000x128xf32>
    %max3A_81 = arith.constant 0.000000e+00 : f32
    %max3A_82 = vector.broadcast %max3A_81 : f32 to vector<2000x128xf32>
    %max3A_83 = arith.maximumf %add3A_80, %max3A_82 : vector<2000x128xf32>
    %swap3A_84 = arith.constant 1 : index
    %swap3A_85 = arith.constant 0 : index
    %swap3A_86 = arith.constant 0 : index
    %swap3A_87 = vector.load %arg4[%swap3A_84, %swap3A_85, %swap3A_86] : memref<4x2000x128xf32, #tpu.memory_space<vmem>>, vector<1x2000x128xf32>
    %swap3A_88 = vector.shape_cast %swap3A_87 : vector<1x2000x128xf32> to vector<2000x128xf32>
    %swap3A_89 = vector.shape_cast %max3A_83 : vector<2000x128xf32> to vector<1x2000x128xf32>
    tpu.vector_store %arg4[%swap3A_84, %swap3A_85, %swap3A_86], %swap3A_89 {strides = array<i32>} : memref<4x2000x128xf32, #tpu.memory_space<vmem>>, vector<1x2000x128xf32>,
    %slice3A_90 = vector.extract_strided_slice %reduce_sum3A_3 {offsets = [2, 0], sizes = [1, 128], strides = [1, 1]} : vector<8x128xf32> to vector<1x128xf32>
    %squeeze3A_91 = vector.shape_cast %slice3A_90 : vector<1x128xf32> to vector<128xf32>
    %div3A_92 = arith.constant 1.000000e+04 : f32
    %div3A_93 = vector.broadcast %div3A_92 : f32 to vector<128xf32>
    %div3A_94 = arith.divf %squeeze3A_91, %div3A_93 : vector<128xf32>
    %slice3A_95 = vector.extract_strided_slice %reduce_sum3A_3 {offsets = [6, 0], sizes = [1, 128], strides = [1, 1]} : vector<8x128xf32> to vector<1x128xf32>
    %squeeze3A_96 = vector.shape_cast %slice3A_95 : vector<1x128xf32> to vector<128xf32>
    %div3A_97 = arith.constant 1.000000e+04 : f32
    %div3A_98 = vector.broadcast %div3A_97 : f32 to vector<128xf32>
    %div3A_99 = arith.divf %squeeze3A_96, %div3A_98 : vector<128xf32>
    %mul3A_100 = arith.mulf %div3A_94, %div3A_94 : vector<128xf32>
    %sub3A_101 = arith.subf %div3A_99, %mul3A_100 : vector<128xf32>
    %get3A_102 = arith.constant 2 : index
    %get3A_103 = arith.constant 0 : index
    %get3A_104 = vector.load %arg3[%get3A_102, %get3A_103] : memref<8x128xf32, #tpu.memory_space<vmem>>, vector<1x128xf32>
    %get3A_105 = vector.shape_cast %get3A_104 : vector<1x128xf32> to vector<128xf32>
    %add3A_106 = arith.constant 9.99999974E-6 : f32
    %add3A_107 = vector.broadcast %add3A_106 : f32 to vector<128xf32>
    %add3A_108 = arith.addf %sub3A_101, %add3A_107 : vector<128xf32>
    %rsqrt3A_109 = math.rsqrt %add3A_108 : vector<128xf32>
    %mul3A_110 = arith.mulf %get3A_105, %rsqrt3A_109 : vector<128xf32>
    %broadcast_in_dim3A_111 = vector.shape_cast %mul3A_110 : vector<128xf32> to vector<1x128xf32>
    %get3A_112 = arith.constant 2 : index
    %get3A_113 = arith.constant 0 : index
    %get3A_114 = arith.constant 0 : index
    %get3A_115 = vector.load %arg1[%get3A_112, %get3A_113, %get3A_114] : memref<4x2000x128xf32, #tpu.memory_space<vmem>>, vector<1x2000x128xf32>
    %get3A_116 = vector.shape_cast %get3A_115 : vector<1x2000x128xf32> to vector<2000x128xf32>
    %broadcast_in_dim3A_117 = vector.shape_cast %div3A_94 : vector<128xf32> to vector<1x128xf32>
    %sub3A_118 = vector.broadcast %broadcast_in_dim3A_117 : vector<1x128xf32> to vector<2000x128xf32>
    %sub3A_119 = arith.subf %get3A_116, %sub3A_118 : vector<2000x128xf32>
    %mul3A_120 = vector.broadcast %broadcast_in_dim3A_111 : vector<1x128xf32> to vector<2000x128xf32>
    %mul3A_121 = arith.mulf %mul3A_120, %sub3A_119 : vector<2000x128xf32>
    %get3A_122 = arith.constant 6 : index
    %get3A_123 = arith.constant 0 : index
    %get3A_124 = vector.load %arg3[%get3A_122, %get3A_123] : memref<8x128xf32, #tpu.memory_space<vmem>>, vector<1x128xf32>
    %get3A_125 = vector.shape_cast %get3A_124 : vector<1x128xf32> to vector<128xf32>
    %broadcast_in_dim3A_126 = vector.shape_cast %get3A_125 : vector<128xf32> to vector<1x128xf32>
    %add3A_127 = vector.broadcast %broadcast_in_dim3A_126 : vector<1x128xf32> to vector<2000x128xf32>
    %add3A_128 = arith.addf %mul3A_121, %add3A_127 : vector<2000x128xf32>
    %max3A_129 = arith.constant 0.000000e+00 : f32
    %max3A_130 = vector.broadcast %max3A_129 : f32 to vector<2000x128xf32>
    %max3A_131 = arith.maximumf %add3A_128, %max3A_130 : vector<2000x128xf32>
    %swap3A_132 = arith.constant 2 : index
    %swap3A_133 = arith.constant 0 : index
    %swap3A_134 = arith.constant 0 : index
    %swap3A_135 = vector.load %arg4[%swap3A_132, %swap3A_133, %swap3A_134] : memref<4x2000x128xf32, #tpu.memory_space<vmem>>, vector<1x2000x128xf32>
    %swap3A_136 = vector.shape_cast %swap3A_135 : vector<1x2000x128xf32> to vector<2000x128xf32>
    %swap3A_137 = vector.shape_cast %max3A_131 : vector<2000x128xf32> to vector<1x2000x128xf32>
    tpu.vector_store %arg4[%swap3A_132, %swap3A_133, %swap3A_134], %swap3A_137 {strides = array<i32>} : memref<4x2000x128xf32, #tpu.memory_space<vmem>>, vector<1x2000x128xf32>,
    %slice3A_138 = vector.extract_strided_slice %reduce_sum3A_3 {offsets = [3, 0], sizes = [1, 128], strides = [1, 1]} : vector<8x128xf32> to vector<1x128xf32>
    %squeeze3A_139 = vector.shape_cast %slice3A_138 : vector<1x128xf32> to vector<128xf32>
    %div3A_140 = arith.constant 1.000000e+04 : f32
    %div3A_141 = vector.broadcast %div3A_140 : f32 to vector<128xf32>
    %div3A_142 = arith.divf %squeeze3A_139, %div3A_141 : vector<128xf32>
    %slice3A_143 = vector.extract_strided_slice %reduce_sum3A_3 {offsets = [7, 0], sizes = [1, 128], strides = [1, 1]} : vector<8x128xf32> to vector<1x128xf32>
    %squeeze3A_144 = vector.shape_cast %slice3A_143 : vector<1x128xf32> to vector<128xf32>
    %div3A_145 = arith.constant 1.000000e+04 : f32
    %div3A_146 = vector.broadcast %div3A_145 : f32 to vector<128xf32>
    %div3A_147 = arith.divf %squeeze3A_144, %div3A_146 : vector<128xf32>
    %mul3A_148 = arith.mulf %div3A_142, %div3A_142 : vector<128xf32>
    %sub3A_149 = arith.subf %div3A_147, %mul3A_148 : vector<128xf32>
    %get3A_150 = arith.constant 3 : index
    %get3A_151 = arith.constant 0 : index
    %get3A_152 = vector.load %arg3[%get3A_150, %get3A_151] : memref<8x128xf32, #tpu.memory_space<vmem>>, vector<1x128xf32>
    %get3A_153 = vector.shape_cast %get3A_152 : vector<1x128xf32> to vector<128xf32>
    %add3A_154 = arith.constant 9.99999974E-6 : f32
    %add3A_155 = vector.broadcast %add3A_154 : f32 to vector<128xf32>
    %add3A_156 = arith.addf %sub3A_149, %add3A_155 : vector<128xf32>
    %rsqrt3A_157 = math.rsqrt %add3A_156 : vector<128xf32>
    %mul3A_158 = arith.mulf %get3A_153, %rsqrt3A_157 : vector<128xf32>
    %broadcast_in_dim3A_159 = vector.shape_cast %mul3A_158 : vector<128xf32> to vector<1x128xf32>
    %get3A_160 = arith.constant 3 : index
    %get3A_161 = arith.constant 0 : index
    %get3A_162 = arith.constant 0 : index
    %get3A_163 = vector.load %arg1[%get3A_160, %get3A_161, %get3A_162] : memref<4x2000x128xf32, #tpu.memory_space<vmem>>, vector<1x2000x128xf32>
    %get3A_164 = vector.shape_cast %get3A_163 : vector<1x2000x128xf32> to vector<2000x128xf32>
    %broadcast_in_dim3A_165 = vector.shape_cast %div3A_142 : vector<128xf32> to vector<1x128xf32>
    %sub3A_166 = vector.broadcast %broadcast_in_dim3A_165 : vector<1x128xf32> to vector<2000x128xf32>
    %sub3A_167 = arith.subf %get3A_164, %sub3A_166 : vector<2000x128xf32>
    %mul3A_168 = vector.broadcast %broadcast_in_dim3A_159 : vector<1x128xf32> to vector<2000x128xf32>
    %mul3A_169 = arith.mulf %mul3A_168, %sub3A_167 : vector<2000x128xf32>
    %get3A_170 = arith.constant 7 : index
    %get3A_171 = arith.constant 0 : index
    %get3A_172 = vector.load %arg3[%get3A_170, %get3A_171] : memref<8x128xf32, #tpu.memory_space<vmem>>, vector<1x128xf32>
    %get3A_173 = vector.shape_cast %get3A_172 : vector<1x128xf32> to vector<128xf32>
    %broadcast_in_dim3A_174 = vector.shape_cast %get3A_173 : vector<128xf32> to vector<1x128xf32>
    %add3A_175 = vector.broadcast %broadcast_in_dim3A_174 : vector<1x128xf32> to vector<2000x128xf32>
    %add3A_176 = arith.addf %mul3A_169, %add3A_175 : vector<2000x128xf32>
    %max3A_177 = arith.constant 0.000000e+00 : f32
    %max3A_178 = vector.broadcast %max3A_177 : f32 to vector<2000x128xf32>
    %max3A_179 = arith.maximumf %add3A_176, %max3A_178 : vector<2000x128xf32>
    %swap3A_180 = arith.constant 3 : index
    %swap3A_181 = arith.constant 0 : index
    %swap3A_182 = arith.constant 0 : index
    %swap3A_183 = vector.load %arg4[%swap3A_180, %swap3A_181, %swap3A_182] : memref<4x2000x128xf32, #tpu.memory_space<vmem>>, vector<1x2000x128xf32>
    %swap3A_184 = vector.shape_cast %swap3A_183 : vector<1x2000x128xf32> to vector<2000x128xf32>
    %swap3A_185 = vector.shape_cast %max3A_179 : vector<2000x128xf32> to vector<1x2000x128xf32>
    tpu.vector_store %arg4[%swap3A_180, %swap3A_181, %swap3A_182], %swap3A_185 {strides = array<i32>} : memref<4x2000x128xf32, #tpu.memory_space<vmem>>, vector<1x2000x128xf32>,
    return
  }
  func.func @transform_0(%arg0: i32) -> (i32, i32, i32) {
    %c0_i32 = arith.constant 0 : i32
    %c0_i32_0 = arith.constant 0 : i32
    %c0_i32_1 = arith.constant 0 : i32
    return %c0_i32, %arg0, %c0_i32_0 : i32, i32, i32
  }
  func.func @transform_1(%arg0: i32) -> (i32, i32, i32) {
    %c0_i32 = arith.constant 0 : i32
    %c0_i32_0 = arith.constant 0 : i32
    %c0_i32_1 = arith.constant 0 : i32
    %c0_i32_2 = arith.constant 0 : i32
    return %c0_i32, %c0_i32_0, %c0_i32_1 : i32, i32, i32
  }
  func.func @transform_2(%arg0: i32) -> (i32, i32) {
    %c0_i32 = arith.constant 0 : i32
    %c0_i32_0 = arith.constant 0 : i32
    %c0_i32_1 = arith.constant 0 : i32
    return %c0_i32, %c0_i32_0 : i32, i32
  }
  func.func @transform_3(%arg0: i32) -> (i32, i32, i32) {
    %c0_i32 = arith.constant 0 : i32
    %c0_i32_0 = arith.constant 0 : i32
    %c0_i32_1 = arith.constant 0 : i32
    return %c0_i32, %arg0, %c0_i32_0 : i32, i32, i32
  }
}

</mosaic_0001>

<sc_bundles>
// kernel: kernel.11.cloned.1.call-start
scs
__scs_entry_jumppad:
0x0: {  	(pc) =	sbr.rel $0x88, $3  }
0x1: {  	(tag) =	ssettag $0x0;
	lr =	simm.s32 $0x1  }
0x2: {  	[smem:$0x3F9A] =	sst lr;
	_ =	strace $0xD0000000  }
0x3: {  	_ = 	snop  }
0x4: {  	_ = 	snop  }
0x5: {  	_ = 	snop  }
0x6: {  	_ = 	snop  }
0x7: {  	_ = 	snop  }
__scs_overlays_trampoline_lowered:
0x8: {  	[smem:$0x3FA9] =	sst s0  }
0x9: {  	[smem:$0x3FAA] =	sst s1  }
0xa: {  	[smem:$0x3FAB] =	sst s2  }
0xb: {  	[smem:$0x3FAC] =	sst s3  }
0xc: {  	[smem:$0x3FAD] =	sst s4  }
0xd: {  	[smem:$0x3FAE] =	sst s5  }
0xe: {  	[smem:$0x3FAF] =	sst s6  }
0xf: {  	[smem:$0x3FB0] =	sst s7  }
0x10: {  	[smem:$0x3FB1] =	sst s8  }
0x11: {  	[smem:$0x3FB2] =	sst s9;
	s0 =	simm.s32 @!p0 $0x0  }
0x12: {  	s1 =	sld [smem:$0x3F98];
	s0 =	simm.s32 @p0 $0x1  }
0x13: {  	[smem:$0x3FB3] =	sst s0;
	s0 =	simm.s32 @!p1 $0x0  }
0x14: {  	s2 =	sld [smem:$0x3F97];
	s0 =	simm.s32 @p1 $0x1  }
0x15: {  	[smem:$0x3FB4] =	sst s0;
	s0 =	simm.s32 @!p2 $0x0  }
0x16: {  	s3 =	sld [smem:$0x3FDB];
	s0 =	simm.s32 @p2 $0x1  }
0x17: {  	s4 =	simm.s32 $0x1BF5;
	[smem:$0x3FB6] =	sst s0  }
0x18: {  	s0 =	sld [smem:$0x3F99];
	_ =	swait.ge [sflag:s4], $0x0  }
0x19: {  	s7 =	sld [smem:$0x3F9A]  }
0x1a: {  	s8 =	sadd.s32 $0xFFFFE003, lr  }
0x1b: {  	s9 =	sadd.s32 $0xFFFFFEF7, lr;
	s5 =	simm.s32 $0xFFFFFFFF;
	p2 =	slt.u32 s8, $0xFFFFF086  }
0x1c: {  	p1 =	slt.u32 s9, $0xF7A;
	s5 =	simm.s32 @!p2 $0x0  }
0x1d: {  	s5 =	simm.s32 @p1 $0x1;
	p0 =	seq.s32 s7, s2  }
0x1e: {  	s7 =	smul.u32 @!p0 $0xF7A, s2;
	p2 =	seq.s32 @!p0 s5, $0x0  }
0x1f: {  	s9 =	smul.u32 $0xF7A, s1;
	s8 =	simm.s32 @!p0 $0x1BF5;
	p2 =	por !p2, p0  }
0x20: {  	[sflag:s8] =	ssyncset.s32 @!p0 $0xFFFFF086;
	s6 =	sadd.s32 @!p0 s3, s7;
	s7 =	simm.s32 @!p0 $0x108  }
0x21: {  	s3 =	sadd.s32 s3, s9;
	s6 =	sadd.s32 @!p0 $0x88, s6;
	s7 =	simm.s32 @p2 $0x1082  }
0x22: {  	[simem:s7], [sflag:s8] =	dma.local @!p0 [hbm:s6], $0xF7A  }
0x23: {  	s9 =	sor.u32 $0xD0000000, s2;
	s6 =	simm.s32 $0x108;
	_ =	swait.ge @!p0 [sflag:s8], $0x0  }
0x24: {  	s3 =	sadd.s32 $0x88, s3;
	s6 =	simm.s32 @!p1 $0x1082;
	[sflag:s4] =	ssyncset.s32 $0xFFFFF086  }
0x25: {  	[simem:s6], [sflag:s4] =	dma.local [hbm:s3], $0xF7A  }
0x26: {  	[smem:$0x3F9A] =	sst s1;
	(tag) =	ssettag s2;
	_ =	strace s9  }
0x27: {  	s1 =	sld [smem:$0x3FAA]  }
0x28: {  	s2 =	sld [smem:$0x3FAB]  }
0x29: {  	s4 =	sld [smem:$0x3FAD]  }
0x2a: {  	p0 =	seq.s32 s5, $0x0;
	s5 =	sld [smem:$0x3FAE]  }
0x2b: {  	s6 =	sld [smem:$0x3FAF]  }
0x2c: {  	s7 =	sld [smem:$0x3FB0]  }
0x2d: {  	s3 =	simm.s32 $0x108;
	s8 =	sld [smem:$0x3FB1]  }
0x2e: {  	s3 =	simm.s32 @!p0 $0x1082;
	s9 =	sld [smem:$0x3FB2]  }
0x2f: {  	lr =	sadd.s32 s0, s3;
	s0 =	sld [smem:$0x3FA9]  }
0x30: {  	s3 =	sld [smem:$0x3FAC]  }
0x31: {  	[smem:$0x3FB5] =	sst s10  }
0x32: {  	s10 =	sld [smem:$0x3FB3];
	_ =	sdelay $0x3  }
0x33: {  	p0 =	seq.s32 s10, $0x1;
	s10 =	sld [smem:$0x3FB5];
	_ =	sdelay $0x3  }
0x34: {  	[smem:$0x3FB5] =	sst s10  }
0x35: {  	s10 =	sld [smem:$0x3FB4];
	_ =	sdelay $0x3  }
0x36: {  	p1 =	seq.s32 s10, $0x1;
	s10 =	sld [smem:$0x3FB5];
	_ =	sdelay $0x3  }
0x37: {  	[smem:$0x3FB5] =	sst s10  }
0x38: {  	s10 =	sld [smem:$0x3FB6]  }
0x39: {  	_ = 	snop;
	(pc) =	sbr.ind lr, $3  }
0x3a: {  	_ = 	snop  }
0x3b: {  	_ = 	snop  }
0x3c: {  	p2 =	seq.s32 s10, $0x1;
	s10 =	sld [smem:$0x3FB5]  }
0x3d: {  	_ =	shalt  }
0x3e: {  	_ =	shalt  }
0x3f: {  	_ =	shalt  }
0x40: {  	_ =	shalt  }
0x41: {  	_ =	shalt  }
0x42: {  	_ =	shalt  }
0x43: {  	_ =	shalt  }
0x44: {  	_ =	shalt  }
0x45: {  	_ =	shalt  }
0x46: {  	_ =	shalt  }
0x47: {  	_ =	shalt  }
0x48: {  	_ =	shalt  }
0x49: {  	_ =	shalt  }
0x4a: {  	_ =	shalt  }
0x4b: {  	_ =	shalt  }
0x4c: {  	_ =	shalt  }
0x4d: {  	_ =	shalt  }
0x4e: {  	_ =	shalt  }
0x4f: {  	_ =	shalt  }
0x50: {  	_ =	shalt  }
0x51: {  	_ =	shalt  }
0x52: {  	_ =	shalt  }
0x53: {  	_ =	shalt  }
0x54: {  	_ =	shalt  }
0x55: {  	_ =	shalt  }
0x56: {  	_ =	shalt  }
0x57: {  	_ =	shalt  }
0x58: {  	_ =	shalt  }
0x59: {  	_ =	shalt  }
0x5a: {  	_ =	shalt  }
0x5b: {  	_ =	shalt  }
0x5c: {  	_ =	shalt  }
0x5d: {  	_ =	shalt  }
0x5e: {  	_ =	shalt  }
0x5f: {  	_ =	shalt  }
0x60: {  	_ =	shalt  }
0x61: {  	_ =	shalt  }
0x62: {  	_ =	shalt  }
0x63: {  	_ =	shalt  }
0x64: {  	_ =	shalt  }
0x65: {  	_ =	shalt  }
0x66: {  	_ =	shalt  }
0x67: {  	_ =	shalt  }
0x68: {  	_ =	shalt  }
0x69: {  	_ =	shalt  }
0x6a: {  	_ =	shalt  }
0x6b: {  	_ =	shalt  }
0x6c: {  	_ =	shalt  }
0x6d: {  	_ =	shalt  }
0x6e: {  	_ =	shalt  }
0x6f: {  	_ =	shalt  }
0x70: {  	_ =	shalt  }
0x71: {  	_ =	shalt  }
0x72: {  	_ =	shalt  }
0x73: {  	_ =	shalt  }
0x74: {  	_ =	shalt  }
0x75: {  	_ =	shalt  }
0x76: {  	_ =	shalt  }
0x77: {  	_ =	shalt  }
0x78: {  	_ =	shalt  }
0x79: {  	_ =	shalt  }
0x7a: {  	_ =	shalt  }
0x7b: {  	_ =	shalt  }
0x7c: {  	_ =	shalt  }
0x7d: {  	_ =	shalt  }
0x7e: {  	_ =	shalt  }
0x7f: {  	_ =	shalt  }
0x80: {  	_ =	shalt  }
0x81: {  	_ =	shalt  }
0x82: {  	_ =	shalt  }
0x83: {  	_ =	shalt  }
0x84: {  	_ =	shalt  }
0x85: {  	_ =	shalt  }
0x86: {  	_ =	shalt  }
0x87: {  	_ =	shalt  }
.Lfunc_end0:
.L_simem_size_0:
called_computation.1_lowered:
.L_overlay_start_0:
0x88: {  	s2 =	sld [smem:$0x3FD9]  }
0x89: {  	s3 =	sld [smem:$0x3FFE];
	_ =	sdelay $0x1  }
0x8a: {  	s1 =	srdreg.scid  }
0x8b: {  	s0 =	sand.u32 $0x1, s1  }
0x8c: {  	s17 =	sshll.u32 s0, $0xA;
	s2 =	sadd.s32 s3, s2  }
0x8d: {  	s2 =	sadd.s32 s2, s17  }
0x8e: {  	[smem:$0x3FC1] =	sst s2  }
0x8f: {  	_ = 	snop  }
0x90: {  	s2 =	sld [smem:$0x3FD0];
	(tm) =	ssettm $0x1  }
0x91: {  	s18 =	sld [smem:$0x3FFB];
	_ =	sdelay $0x3  }
0x92: {  	_ =	strace s18  }
0x93: {  	s3 =	sld [smem:$0x3FFC];
	_ =	sdelay $0x3  }
0x94: {  	_ =	strace s3  }
0x95: {  	s3 =	sld [smem:$0x3FFD];
	_ =	sdelay $0x3  }
0x96: {  	_ =	strace s3  }
0x97: {  	_ =	strace $0x8FFFFFFF  }
0x98: {  	s19 =	sld [smem:$0x3FDB];
	_ =	sdelay $0x1  }
0x99: {  	s4 =	simm.s32 $_scs_section_size  }
0x9a: {  	s5 =	simm.s32 $_size__tile_overlayer_lowered;
	s6 =	simm.s32 $_tile_overlayer_lowered  }
0x9b: {  	s22 =	simm.s32 $0x1BFF;
	s21 =	sshll.u32 s6, $0x1;
	s3 =	sadd.s32 s4, s19  }
0x9c: {  	s7 =	simm.s32 $0x0;
	s20 =	sshll.u32 s5, $0x1;
	s5 =	sadd.s32 s21, s3  }
0x9d: {  	[timem:s7], [sflag:s22] =	dma.local [hbm:s5], s20  }
0x9e: {  	_ =	swait.ge [sflag:s22], s20  }
0x9f: {  	s4 =	ssub.s32 $0x0, s20;
	[sflag:s22] =	ssyncset.done $0x0  }
0xa0: {  	[sflag:s22] =	ssyncadd.s32 s4;
	_ =	sdelay $0x1  }
0xa1: {  	s23 =	simm.s32 $0x1B8B  }
0xa2: {  	_ =	swait.ge [sflag:s23], $0x1  }
0xa3: {  	[sflag:s23] =	ssyncset.done $0x0  }
0xa4: {  	s25 =	simm.s32 $0x1B8E;
	s24 =	sld [smem:$0x3FFE];
	[sflag:s23] =	ssyncadd.s32 $0xFFFFFFFF  }
0xa5: {  	s26 =	simm.s32 $execute0_lowered;
	[smem:$0x3FD2] =	sst s25  }
0xa6: {  	s5 =	sshll.u32 s26, $0x1;
	_ =	strace $0x80000049;
	[dreg:$0x1] =	wrdreg $0xFFFFFFFF  }
0xa7: {  	s28 =	simm.s32 $_size_execute0_lowered;
	s3 =	sadd.s32 s3, s5;
	[dreg:$0x0] =	wrdreg $0x0  }
0xa8: {  	s5 =	sshll.u32 s28, $0x1;
	[dreg:$0x2] =	wrdreg s3  }
0xa9: {  	[dreg:$0x3] =	wrdreg s5  }
0xaa: {  	[dreg:$0x4] =	wrdreg $0xC0  }
0xab: {  	_ =	task [dreg:s7], $0x5FFFF  }
0xac: {  	[dreg:$0x1] =	wrdreg $0xFFFFFFFF  }
0xad: {  	[dreg:$0x0] =	wrdreg $0x60  }
0xae: {  	[dreg:$0x2] =	wrdreg s2  }
0xaf: {  	[dreg:$0x3] =	wrdreg s24  }
0xb0: {  	[dreg:$0x4] =	wrdreg $0xC0000  }
0xb1: {  	[dreg:$0x5] =	wrdreg $0x9  }
0xb2: {  	_ =	task.clear_ibuf [dreg:s7], $0x6FFFF;
	_ =	strace $0x90000049  }
0xb3: {  	s29 =	simm.s32 $0x9;
	_ =	strace $0x8000004B  }
0xb4: {  	_ =	swait.ge [sflag:s29], $0x1  }
0xb5: {  	[sflag:s29] =	ssyncadd.s32 $0xFFFFFFFF  }
0xb6: {  	_ =	strace $0x9000004B  }
0xb7: {  	_ =	sfence  }
0xb8: {  	s30 =	sld [smem:$0x0];
	_ =	sdelay $0x2  }
0xb9: {  	s31 =	sshll.u32 s1, $0xD;
	s1 =	sshrl.u32 s1, $0x2  }
0xba: {  	s3 =	sand.u32 $0x4000, s31;
	s1 =	sadd.s32 s1, s30  }
0xbb: {  	s0 =	sor.u32 s3, s0;
	s1 =	sshll.u32 s1, $0x11  }
0xbc: {  	s0 =	sor.u32 s1, s0  }
0xbd: {  	s0 =	sadd.s32 $0x8F2B, s0  }
0xbe: {  	[sflag:s0] =	ssyncadd.remote.s32 $0x1  }
0xbf: {  	_ =	sfence.sel $0xFFFF  }
0xc0: {  	[dreg:$0x0] =	wrdreg $0xFFFFFFFF;
	(pc) =	sbr.abs _section_cstart, $3  }
0xc1: {  	[dreg:$0x1] =	wrdreg $0xFFFFFFFF  }
0xc2: {  	_ =	task.clear_ibuf [dreg:s7], $0x2FFFF;
	_ =	strace $0x9FFFFFFF  }
0xc3: {  	(tm) =	ssettm $0x7FFFFFFF  }
tec
execute0_lowered:
.L_overlay_start_1:
0x0: {  	(tag) =	ssettag $0x1  }
0x1: {  	s1 =	rddreg [dreg:$0x0];
	s15 =	stileid.u32  }
0x2: {  	s0 =	rddreg [dreg:$0x1];
	s2 =	smul.u32 $0x1400, s15  }
0x3: {  	s3 =	rddreg [dreg:$0x2];
	s5 =	smul.u32 $0x2800, s15  }
0x4: {  	s4 =	simm.s32 $0x0;
	s6 =	srdreg.scid;
	s10 =	smul.u32 $0x50000, s15  }
0x5: {  	s28 =	simm.s32 $0x4;
	s30 =	simm.s32 $0x5;
	s12 =	smul.u32 $0x280, s15  }
0x6: {  	s31 =	simm.s32 $0x6;
	s6 =	sand.u32 $0x1, s6;
	s19 =	smul.u32 $0xA, s15  }
0x7: {  	s29 =	simm.s32 $0x1C00;
	[smem:$0x7FF] =	sst s4;
	s13 =	smul.u32 $0x2800, s6  }
0x8: {  	s7 =	sadd.s32 $0xA3A00, s0;
	_ =	strace $0x8000004A;
	s16 =	smul.u32 $0xA0, s6  }
0x9: {  	s9 =	ssub.s32 $0x2, s6;
	s14 =	sor.u32 $0x2, s6;
	s6 =	smul.u32 $0x14000, s6  }
0xa: {  	s8 =	sadd.s32 s2, s0;
	s5 =	sadd.s32 s5, s0;
	s0 =	sadd.s32 $0xF3A00, s0  }
0xb: {  	s11 =	sshrl.u32 s9, $0x1;
	s10 =	sshrl.u32 s10, $0x2;
	s26 =	smul.u32 $0x2800, s14  }
0xc: {  	s14 =	sshll.u32 s15, $0x6;
	s15 =	simm.s32 $0x2000;
	s9 =	ssub.s32 s9, s11  }
0xd: {  	s11 =	sadd.s32 s10, s3;
	s5 =	sadd.s32 $0x2BA00, s5;
	s18 =	sor.u32 $0x1C09, s14  }
0xe: {  	s17 =	sadd.s32 s12, s13;
	s21 =	sadd.s32 s19, s16;
	s22 =	sadd.s32 s6, s7  }
0xf: {  	s13 =	simm.s32 $0x1000;
	s14 =	simm.s32 $0x50;
	s19 =	simm.s32 $0x7000  }
0x10: {  	s6 =	simm.s32 $0x1A80;
	[dreg:$0x6] =	wrdreg s5;
	s5 =	sshll.u32 s17, $0x4  }
0x11: {  	s10 =	sadd.s32 s12, s26;
	s23 =	sshll.u32 s21, $0x9;
	s24 =	smax.u32 s9, $0x1  }
0x12: {  	s12 =	simm.s32 $0x9;
	s17 =	simm.s32 $0x4800;
	s21 =	simm.s32 $0x9800  }
0x13: {  	[dreg:$0x7] =	wrdreg s18;
	s9 =	simm.s32 $0xB80;
	s5 =	sadd.s32 s0, s5  }
0x14: {  	s20 =	sshll.u32 s10, $0x4;
	[dreg:$0xa] =	wrdreg s24;
	s25 =	sadd.s32 s7, s23  }
0x15: {  	s10 =	sadd.s32 $0x3400, s8;
	s23 =	simm.s32 $0x2;
	s7 =	simm.s32 $0xA80  }
0x16: {  	s8 =	simm.s32 $0xB00;
	s24 =	simm.s32 $0x1B80;
	[dreg:$0x8] =	wrdreg s5  }
0x17: {  	s0 =	sadd.s32 s0, s20;
	s26 =	sadd.s32 $0x28000, s25;
	s20 =	sshrl.u32 s11, $0x3  }
0x18: {  	s25 =	simm.s32 $0x3;
	s5 =	simm.s32 $0x0;
	[dreg:$0x9] =	wrdreg s0  }
0x19: {  	s11 =	simm.s32 $0x1B00;
	s0 =	sadd.s32 s2, s22;
	[dreg:$0x5] =	wrdreg s26  }
0x1a: {  	s22 =	simm.s32 $0x1;
	s2 =	simm.s32 $0x8;
	[dreg:$0xb] =	wrdreg s20  }
0x1b: {  	s26 =	simm.s32 $0xC00;
	[dreg:$0x4] =	wrdreg s0;
	s0 =	simm.s32 $0x7  }
.LBB2_1:
0x1c: {  	[dreg:$0xc] =	wrdreg s5  }
0x1d: {  	s16 =	rddreg [dreg:$0x6]  }
0x1e: {  	[spmem:s20], [sflag:s18] =	dma.local [hbm:s16], $0x2800  }
0x1f: {  	_ =	swait.ge [sflag:s12], $0x2800  }
0x20: {  	[sflag:s12] =	ssyncset.done $0x0  }
0x21: {  	[sflag:s12] =	ssyncadd.s32 $0xFFFFD800  }
0x22: {  	[bflag:$0x0] =	sbarrier.arrive $0xFFFF  }
0x23: {  	s20 =	rddreg [dreg:$0x4]  }
0x24: {  	s16 =	sadd.s32 $0x0, s20  }
0x25: {  	[tilespmem:s4], [sflag:$0x9] =	stream.linear.gather [hbm4b:s16+s4], $0xC80, $0x38;
	v63 =	vld [tilespmem:$0x0]  }
0x26: {  	_ =	swait.ge [sflag:s12], $0xC80  }
0x27: {  	[sflag:s12] =	ssyncset.done $0x0  }
0x28: {  	s5 =	sadd.s32 $0x0, s10;
	[sflag:s12] =	ssyncadd.s32 $0xFFFFF380  }
0x29: {  	[tilespmem:s13], [sflag:$0x9] =	stream.linear.gather [hbm4b:s5+s4], $0xC80, $0x38;
	v63 =	vld [tilespmem:$0x0]  }
0x2a: {  	_ =	swait.ge [sflag:s12], $0xC80  }
0x2b: {  	[sflag:s12] =	ssyncset.done $0x0  }
0x2c: {  	[sflag:s12] =	ssyncadd.s32 $0xFFFFF380  }
0x2d: {  	[tilespmem:s15], [sflag:$0x1] =	stream.indirect.gather [hbm4b:s1+s14], $0x80, s4, s14, $0xb8;
	v63 =	vld [tilespmem:$0x0]  }
0x2e: {  	s16 =	simm.s32 $0x80  }
0x2f: {  	[tilespmem:s17], [sflag:$0x2] =	stream.indirect.gather [hbm4b:s1+s14], $0x80, s16, s14, $0xb8;
	v63 =	vld [tilespmem:$0x0]  }
0x30: {  	s18 =	simm.s32 $0x100  }
0x31: {  	[tilespmem:s19], [sflag:$0x3] =	stream.indirect.gather [hbm4b:s1+s14], $0x80, s18, s14, $0xb8;
	v63 =	vld [tilespmem:$0x0]  }
0x32: {  	s20 =	simm.s32 $0x180  }
0x33: {  	[tilespmem:s21], [sflag:$0x4] =	stream.indirect.gather [hbm4b:s1+s14], $0x80, s20, s14, $0xb8;
	v63 =	vld [tilespmem:$0x0]  }
0x34: {  	_ =	swait.ge [sflag:s22], $0x2800  }
0x35: {  	[sflag:s22] =	ssyncset.done $0x0  }
0x36: {  	[sflag:s22] =	ssyncadd.s32 $0xFFFFD800  }
0x37: {  	[spmem:s3] =	stream.indirect.scatter.add.f32 [tilespmem:s15], [sflag:$0x5], $0x80, s13, s14, $0xb8;
	v63 =	vld [tilespmem:$0x0]  }
0x38: {  	_ =	swait.ge [sflag:s23], $0x2800  }
0x39: {  	[sflag:s23] =	ssyncset.done $0x0  }
0x3a: {  	s16 =	simm.s32 $0x1080;
	[sflag:s23] =	ssyncadd.s32 $0xFFFFD800  }
0x3b: {  	[spmem:s3] =	stream.indirect.scatter.add.f32 [tilespmem:s17], [sflag:$0x6], $0x80, s16, s14, $0xb8;
	v63 =	vld [tilespmem:$0x0]  }
0x3c: {  	_ =	swait.ge [sflag:s25], $0x2800  }
0x3d: {  	[sflag:s25] =	ssyncset.done $0x0  }
0x3e: {  	s18 =	simm.s32 $0x1100;
	[sflag:s25] =	ssyncadd.s32 $0xFFFFD800  }
0x3f: {  	[spmem:s3] =	stream.indirect.scatter.add.f32 [tilespmem:s19], [sflag:$0x7], $0x80, s18, s14, $0xb8;
	v63 =	vld [tilespmem:$0x0]  }
0x40: {  	_ =	swait.ge [sflag:s28], $0x2800  }
0x41: {  	[sflag:s28] =	ssyncset.done $0x0  }
0x42: {  	s20 =	simm.s32 $0x1180;
	[sflag:s28] =	ssyncadd.s32 $0xFFFFD800  }
0x43: {  	[spmem:s3] =	stream.indirect.scatter.add.f32 [tilespmem:s21], [sflag:$0x8], $0x80, s20, s14, $0xb8;
	v63 =	vld [tilespmem:$0x0]  }
0x44: {  	_ =	swait.ge [sflag:s30], $0x2800  }
0x45: {  	[sflag:s30] =	ssyncset.done $0x0  }
0x46: {  	[sflag:s30] =	ssyncadd.s32 $0xFFFFD800  }
0x47: {  	_ =	swait.ge [sflag:s31], $0x2800  }
0x48: {  	[sflag:s31] =	ssyncset.done $0x0  }
0x49: {  	[sflag:s31] =	ssyncadd.s32 $0xFFFFD800  }
0x4a: {  	_ =	swait.ge [sflag:s0], $0x2800  }
0x4b: {  	[sflag:s0] =	ssyncset.done $0x0  }
0x4c: {  	[sflag:s0] =	ssyncadd.s32 $0xFFFFD800  }
0x4d: {  	_ =	swait.ge [sflag:s2], $0x2800  }
0x4e: {  	[sflag:s2] =	ssyncset.done $0x0  }
0x4f: {  	s16 =	simm.s32 $0x200;
	[sflag:s2] =	ssyncadd.s32 $0xFFFFD800  }
0x50: {  	[tilespmem:s15], [sflag:$0x1] =	stream.indirect.gather [hbm4b:s1+s14], $0x80, s16, s14, $0xb8;
	v63 =	vld [tilespmem:$0x0]  }
0x51: {  	s18 =	simm.s32 $0x280  }
0x52: {  	[tilespmem:s17], [sflag:$0x2] =	stream.indirect.gather [hbm4b:s1+s14], $0x80, s18, s14, $0xb8;
	v63 =	vld [tilespmem:$0x0]  }
0x53: {  	s20 =	simm.s32 $0x300  }
0x54: {  	[tilespmem:s19], [sflag:$0x3] =	stream.indirect.gather [hbm4b:s1+s14], $0x80, s20, s14, $0xb8;
	v63 =	vld [tilespmem:$0x0]  }
0x55: {  	s16 =	simm.s32 $0x380  }
0x56: {  	[tilespmem:s21], [sflag:$0x4] =	stream.indirect.gather [hbm4b:s1+s14], $0x80, s16, s14, $0xb8;
	v63 =	vld [tilespmem:$0x0]  }
0x57: {  	_ =	swait.ge [sflag:s22], $0x2800  }
0x58: {  	[sflag:s22] =	ssyncset.done $0x0  }
0x59: {  	s18 =	simm.s32 $0x1200;
	[sflag:s22] =	ssyncadd.s32 $0xFFFFD800  }
0x5a: {  	[spmem:s3] =	stream.indirect.scatter.add.f32 [tilespmem:s15], [sflag:$0x5], $0x80, s18, s14, $0xb8;
	v63 =	vld [tilespmem:$0x0]  }
0x5b: {  	_ =	swait.ge [sflag:s23], $0x2800  }
0x5c: {  	[sflag:s23] =	ssyncset.done $0x0  }
0x5d: {  	s20 =	simm.s32 $0x1280;
	[sflag:s23] =	ssyncadd.s32 $0xFFFFD800  }
0x5e: {  	[spmem:s3] =	stream.indirect.scatter.add.f32 [tilespmem:s17], [sflag:$0x6], $0x80, s20, s14, $0xb8;
	v63 =	vld [tilespmem:$0x0]  }
0x5f: {  	_ =	swait.ge [sflag:s25], $0x2800  }
0x60: {  	[sflag:s25] =	ssyncset.done $0x0  }
0x61: {  	s16 =	simm.s32 $0x1300;
	[sflag:s25] =	ssyncadd.s32 $0xFFFFD800  }
0x62: {  	[spmem:s3] =	stream.indirect.scatter.add.f32 [tilespmem:s19], [sflag:$0x7], $0x80, s16, s14, $0xb8;
	v63 =	vld [tilespmem:$0x0]  }
0x63: {  	_ =	swait.ge [sflag:s28], $0x2800  }
0x64: {  	[sflag:s28] =	ssyncset.done $0x0  }
0x65: {  	s18 =	simm.s32 $0x1380;
	[sflag:s28] =	ssyncadd.s32 $0xFFFFD800  }
0x66: {  	[spmem:s3] =	stream.indirect.scatter.add.f32 [tilespmem:s21], [sflag:$0x8], $0x80, s18, s14, $0xb8;
	v63 =	vld [tilespmem:$0x0]  }
0x67: {  	_ =	swait.ge [sflag:s30], $0x2800  }
0x68: {  	[sflag:s30] =	ssyncset.done $0x0  }
0x69: {  	[sflag:s30] =	ssyncadd.s32 $0xFFFFD800  }
0x6a: {  	_ =	swait.ge [sflag:s31], $0x2800  }
0x6b: {  	[sflag:s31] =	ssyncset.done $0x0  }
0x6c: {  	[sflag:s31] =	ssyncadd.s32 $0xFFFFD800  }
0x6d: {  	_ =	swait.ge [sflag:s0], $0x2800  }
0x6e: {  	[sflag:s0] =	ssyncset.done $0x0  }
0x6f: {  	[sflag:s0] =	ssyncadd.s32 $0xFFFFD800  }
0x70: {  	_ =	swait.ge [sflag:s2], $0x2800  }
0x71: {  	[sflag:s2] =	ssyncset.done $0x0  }
0x72: {  	s20 =	simm.s32 $0x400;
	[sflag:s2] =	ssyncadd.s32 $0xFFFFD800  }
0x73: {  	[tilespmem:s15], [sflag:$0x1] =	stream.indirect.gather [hbm4b:s1+s14], $0x80, s20, s14, $0xb8;
	v63 =	vld [tilespmem:$0x0]  }
0x74: {  	s16 =	simm.s32 $0x480  }
0x75: {  	[tilespmem:s17], [sflag:$0x2] =	stream.indirect.gather [hbm4b:s1+s14], $0x80, s16, s14, $0xb8;
	v63 =	vld [tilespmem:$0x0]  }
0x76: {  	s18 =	simm.s32 $0x500  }
0x77: {  	[tilespmem:s19], [sflag:$0x3] =	stream.indirect.gather [hbm4b:s1+s14], $0x80, s18, s14, $0xb8;
	v63 =	vld [tilespmem:$0x0]  }
0x78: {  	s20 =	simm.s32 $0x580  }
0x79: {  	[tilespmem:s21], [sflag:$0x4] =	stream.indirect.gather [hbm4b:s1+s14], $0x80, s20, s14, $0xb8;
	v63 =	vld [tilespmem:$0x0]  }
0x7a: {  	_ =	swait.ge [sflag:s22], $0x2800  }
0x7b: {  	[sflag:s22] =	ssyncset.done $0x0  }
0x7c: {  	s16 =	simm.s32 $0x1400;
	[sflag:s22] =	ssyncadd.s32 $0xFFFFD800  }
0x7d: {  	[spmem:s3] =	stream.indirect.scatter.add.f32 [tilespmem:s15], [sflag:$0x5], $0x80, s16, s14, $0xb8;
	v63 =	vld [tilespmem:$0x0]  }
0x7e: {  	_ =	swait.ge [sflag:s23], $0x2800  }
0x7f: {  	[sflag:s23] =	ssyncset.done $0x0  }
0x80: {  	s18 =	simm.s32 $0x1480;
	[sflag:s23] =	ssyncadd.s32 $0xFFFFD800  }
0x81: {  	[spmem:s3] =	stream.indirect.scatter.add.f32 [tilespmem:s17], [sflag:$0x6], $0x80, s18, s14, $0xb8;
	v63 =	vld [tilespmem:$0x0]  }
0x82: {  	_ =	swait.ge [sflag:s25], $0x2800  }
0x83: {  	[sflag:s25] =	ssyncset.done $0x0  }
0x84: {  	s20 =	simm.s32 $0x1500;
	[sflag:s25] =	ssyncadd.s32 $0xFFFFD800  }
0x85: {  	[spmem:s3] =	stream.indirect.scatter.add.f32 [tilespmem:s19], [sflag:$0x7], $0x80, s20, s14, $0xb8;
	v63 =	vld [tilespmem:$0x0]  }
0x86: {  	_ =	swait.ge [sflag:s28], $0x2800  }
0x87: {  	[sflag:s28] =	ssyncset.done $0x0  }
0x88: {  	s16 =	simm.s32 $0x1580;
	[sflag:s28] =	ssyncadd.s32 $0xFFFFD800  }
0x89: {  	[spmem:s3] =	stream.indirect.scatter.add.f32 [tilespmem:s21], [sflag:$0x8], $0x80, s16, s14, $0xb8;
	v63 =	vld [tilespmem:$0x0]  }
0x8a: {  	_ =	swait.ge [sflag:s30], $0x2800  }
0x8b: {  	[sflag:s30] =	ssyncset.done $0x0  }
0x8c: {  	[sflag:s30] =	ssyncadd.s32 $0xFFFFD800  }
0x8d: {  	_ =	swait.ge [sflag:s31], $0x2800  }
0x8e: {  	[sflag:s31] =	ssyncset.done $0x0  }
0x8f: {  	[sflag:s31] =	ssyncadd.s32 $0xFFFFD800  }
0x90: {  	_ =	swait.ge [sflag:s0], $0x2800  }
0x91: {  	[sflag:s0] =	ssyncset.done $0x0  }
0x92: {  	[sflag:s0] =	ssyncadd.s32 $0xFFFFD800  }
0x93: {  	_ =	swait.ge [sflag:s2], $0x2800  }
0x94: {  	[sflag:s2] =	ssyncset.done $0x0  }
0x95: {  	s18 =	simm.s32 $0x600;
	[sflag:s2] =	ssyncadd.s32 $0xFFFFD800  }
0x96: {  	[tilespmem:s15], [sflag:$0x1] =	stream.indirect.gather [hbm4b:s1+s14], $0x80, s18, s14, $0xb8;
	v63 =	vld [tilespmem:$0x0]  }
0x97: {  	s20 =	simm.s32 $0x680  }
0x98: {  	[tilespmem:s17], [sflag:$0x2] =	stream.indirect.gather [hbm4b:s1+s14], $0x80, s20, s14, $0xb8;
	v63 =	vld [tilespmem:$0x0]  }
0x99: {  	s16 =	simm.s32 $0x700  }
0x9a: {  	[tilespmem:s19], [sflag:$0x3] =	stream.indirect.gather [hbm4b:s1+s14], $0x80, s16, s14, $0xb8;
	v63 =	vld [tilespmem:$0x0]  }
0x9b: {  	s18 =	simm.s32 $0x780  }
0x9c: {  	[tilespmem:s21], [sflag:$0x4] =	stream.indirect.gather [hbm4b:s1+s14], $0x80, s18, s14, $0xb8;
	v63 =	vld [tilespmem:$0x0]  }
0x9d: {  	_ =	swait.ge [sflag:s22], $0x2800  }
0x9e: {  	[sflag:s22] =	ssyncset.done $0x0  }
0x9f: {  	s20 =	simm.s32 $0x1600;
	[sflag:s22] =	ssyncadd.s32 $0xFFFFD800  }
0xa0: {  	[spmem:s3] =	stream.indirect.scatter.add.f32 [tilespmem:s15], [sflag:$0x5], $0x80, s20, s14, $0xb8;
	v63 =	vld [tilespmem:$0x0]  }
0xa1: {  	_ =	swait.ge [sflag:s23], $0x2800  }
0xa2: {  	[sflag:s23] =	ssyncset.done $0x0  }
0xa3: {  	s16 =	simm.s32 $0x1680;
	[sflag:s23] =	ssyncadd.s32 $0xFFFFD800  }
0xa4: {  	[spmem:s3] =	stream.indirect.scatter.add.f32 [tilespmem:s17], [sflag:$0x6], $0x80, s16, s14, $0xb8;
	v63 =	vld [tilespmem:$0x0]  }
0xa5: {  	_ =	swait.ge [sflag:s25], $0x2800  }
0xa6: {  	[sflag:s25] =	ssyncset.done $0x0  }
0xa7: {  	s18 =	simm.s32 $0x1700;
	[sflag:s25] =	ssyncadd.s32 $0xFFFFD800  }
0xa8: {  	[spmem:s3] =	stream.indirect.scatter.add.f32 [tilespmem:s19], [sflag:$0x7], $0x80, s18, s14, $0xb8;
	v63 =	vld [tilespmem:$0x0]  }
0xa9: {  	_ =	swait.ge [sflag:s28], $0x2800  }
0xaa: {  	[sflag:s28] =	ssyncset.done $0x0  }
0xab: {  	s20 =	simm.s32 $0x1780;
	[sflag:s28] =	ssyncadd.s32 $0xFFFFD800  }
0xac: {  	[spmem:s3] =	stream.indirect.scatter.add.f32 [tilespmem:s21], [sflag:$0x8], $0x80, s20, s14, $0xb8;
	v63 =	vld [tilespmem:$0x0]  }
0xad: {  	_ =	swait.ge [sflag:s30], $0x2800  }
0xae: {  	[sflag:s30] =	ssyncset.done $0x0  }
0xaf: {  	[sflag:s30] =	ssyncadd.s32 $0xFFFFD800  }
0xb0: {  	_ =	swait.ge [sflag:s31], $0x2800  }
0xb1: {  	[sflag:s31] =	ssyncset.done $0x0  }
0xb2: {  	[sflag:s31] =	ssyncadd.s32 $0xFFFFD800  }
0xb3: {  	_ =	swait.ge [sflag:s0], $0x2800  }
0xb4: {  	[sflag:s0] =	ssyncset.done $0x0  }
0xb5: {  	[sflag:s0] =	ssyncadd.s32 $0xFFFFD800  }
0xb6: {  	_ =	swait.ge [sflag:s2], $0x2800  }
0xb7: {  	[sflag:s2] =	ssyncset.done $0x0  }
0xb8: {  	s16 =	simm.s32 $0x800;
	[sflag:s2] =	ssyncadd.s32 $0xFFFFD800  }
0xb9: {  	[tilespmem:s15], [sflag:$0x1] =	stream.indirect.gather [hbm4b:s1+s14], $0x80, s16, s14, $0xb8;
	v63 =	vld [tilespmem:$0x0]  }
0xba: {  	s18 =	simm.s32 $0x880  }
0xbb: {  	[tilespmem:s17], [sflag:$0x2] =	stream.indirect.gather [hbm4b:s1+s14], $0x80, s18, s14, $0xb8;
	v63 =	vld [tilespmem:$0x0]  }
0xbc: {  	s20 =	simm.s32 $0x900  }
0xbd: {  	[tilespmem:s19], [sflag:$0x3] =	stream.indirect.gather [hbm4b:s1+s14], $0x80, s20, s14, $0xb8;
	v63 =	vld [tilespmem:$0x0]  }
0xbe: {  	s16 =	simm.s32 $0x980  }
0xbf: {  	[tilespmem:s21], [sflag:$0x4] =	stream.indirect.gather [hbm4b:s1+s14], $0x80, s16, s14, $0xb8;
	v63 =	vld [tilespmem:$0x0]  }
0xc0: {  	_ =	swait.ge [sflag:s22], $0x2800  }
0xc1: {  	[sflag:s22] =	ssyncset.done $0x0  }
0xc2: {  	s18 =	simm.s32 $0x1800;
	[sflag:s22] =	ssyncadd.s32 $0xFFFFD800  }
0xc3: {  	[spmem:s3] =	stream.indirect.scatter.add.f32 [tilespmem:s15], [sflag:$0x5], $0x80, s18, s14, $0xb8;
	v63 =	vld [tilespmem:$0x0]  }
0xc4: {  	_ =	swait.ge [sflag:s23], $0x2800  }
0xc5: {  	[sflag:s23] =	ssyncset.done $0x0  }
0xc6: {  	s20 =	simm.s32 $0x1880;
	[sflag:s23] =	ssyncadd.s32 $0xFFFFD800  }
0xc7: {  	[spmem:s3] =	stream.indirect.scatter.add.f32 [tilespmem:s17], [sflag:$0x6], $0x80, s20, s14, $0xb8;
	v63 =	vld [tilespmem:$0x0]  }
0xc8: {  	_ =	swait.ge [sflag:s25], $0x2800  }
0xc9: {  	[sflag:s25] =	ssyncset.done $0x0  }
0xca: {  	s16 =	simm.s32 $0x1900;
	[sflag:s25] =	ssyncadd.s32 $0xFFFFD800  }
0xcb: {  	[spmem:s3] =	stream.indirect.scatter.add.f32 [tilespmem:s19], [sflag:$0x7], $0x80, s16, s14, $0xb8;
	v63 =	vld [tilespmem:$0x0]  }
0xcc: {  	_ =	swait.ge [sflag:s28], $0x2800  }
0xcd: {  	[sflag:s28] =	ssyncset.done $0x0  }
0xce: {  	s18 =	simm.s32 $0x1980;
	[sflag:s28] =	ssyncadd.s32 $0xFFFFD800  }
0xcf: {  	[spmem:s3] =	stream.indirect.scatter.add.f32 [tilespmem:s21], [sflag:$0x8], $0x80, s18, s14, $0xb8;
	v63 =	vld [tilespmem:$0x0]  }
0xd0: {  	_ =	swait.ge [sflag:s30], $0x2800  }
0xd1: {  	[sflag:s30] =	ssyncset.done $0x0  }
0xd2: {  	[sflag:s30] =	ssyncadd.s32 $0xFFFFD800  }
0xd3: {  	_ =	swait.ge [sflag:s31], $0x2800  }
0xd4: {  	[sflag:s31] =	ssyncset.done $0x0  }
0xd5: {  	[sflag:s31] =	ssyncadd.s32 $0xFFFFD800  }
0xd6: {  	_ =	swait.ge [sflag:s0], $0x2800  }
0xd7: {  	[sflag:s0] =	ssyncset.done $0x0  }
0xd8: {  	[sflag:s0] =	ssyncadd.s32 $0xFFFFD800  }
0xd9: {  	_ =	swait.ge [sflag:s2], $0x2800  }
0xda: {  	[sflag:s2] =	ssyncset.done $0x0  }
0xdb: {  	s20 =	simm.s32 $0xA00;
	[sflag:s2] =	ssyncadd.s32 $0xFFFFD800  }
0xdc: {  	[tilespmem:s15], [sflag:$0x1] =	stream.indirect.gather [hbm4b:s1+s14], $0x80, s20, s14, $0xb8;
	v63 =	vld [tilespmem:$0x0]  }
0xdd: {  	_ = 	snop  }
0xde: {  	[tilespmem:s17], [sflag:$0x2] =	stream.indirect.gather [hbm4b:s1+s14], $0x80, s7, s14, $0xb8;
	v63 =	vld [tilespmem:$0x0]  }
0xdf: {  	_ = 	snop  }
0xe0: {  	[tilespmem:s19], [sflag:$0x3] =	stream.indirect.gather [hbm4b:s1+s14], $0x80, s8, s14, $0xb8;
	v63 =	vld [tilespmem:$0x0]  }
0xe1: {  	_ = 	snop  }
0xe2: {  	[tilespmem:s21], [sflag:$0x4] =	stream.indirect.gather [hbm4b:s1+s14], $0x80, s9, s14, $0xb8;
	v63 =	vld [tilespmem:$0x0]  }
0xe3: {  	_ =	swait.ge [sflag:s22], $0x2800  }
0xe4: {  	[sflag:s22] =	ssyncset.done $0x0  }
0xe5: {  	s5 =	simm.s32 $0x1A00;
	[sflag:s22] =	ssyncadd.s32 $0xFFFFD800  }
0xe6: {  	[spmem:s3] =	stream.indirect.scatter.add.f32 [tilespmem:s15], [sflag:$0x5], $0x80, s5, s14, $0xb8;
	v63 =	vld [tilespmem:$0x0]  }
0xe7: {  	_ =	swait.ge [sflag:s23], $0x2800  }
0xe8: {  	[sflag:s23] =	ssyncset.done $0x0  }
0xe9: {  	[sflag:s23] =	ssyncadd.s32 $0xFFFFD800  }
0xea: {  	[spmem:s3] =	stream.indirect.scatter.add.f32 [tilespmem:s17], [sflag:$0x6], $0x80, s6, s14, $0xb8;
	v63 =	vld [tilespmem:$0x0]  }
0xeb: {  	_ =	swait.ge [sflag:s25], $0x2800  }
0xec: {  	[sflag:s25] =	ssyncset.done $0x0  }
0xed: {  	[sflag:s25] =	ssyncadd.s32 $0xFFFFD800  }
0xee: {  	[spmem:s3] =	stream.indirect.scatter.add.f32 [tilespmem:s19], [sflag:$0x7], $0x80, s11, s14, $0xb8;
	v63 =	vld [tilespmem:$0x0]  }
0xef: {  	_ =	swait.ge [sflag:s28], $0x2800  }
0xf0: {  	[sflag:s28] =	ssyncset.done $0x0  }
0xf1: {  	[sflag:s28] =	ssyncadd.s32 $0xFFFFD800  }
0xf2: {  	[spmem:s3] =	stream.indirect.scatter.add.f32 [tilespmem:s21], [sflag:$0x8], $0x80, s24, s14, $0xb8;
	v63 =	vld [tilespmem:$0x0]  }
0xf3: {  	_ =	swait.ge [sflag:s30], $0x2800  }
0xf4: {  	[sflag:s30] =	ssyncset.done $0x0  }
0xf5: {  	[sflag:s30] =	ssyncadd.s32 $0xFFFFD800  }
0xf6: {  	_ =	swait.ge [sflag:s31], $0x2800  }
0xf7: {  	[sflag:s31] =	ssyncset.done $0x0  }
0xf8: {  	[sflag:s31] =	ssyncadd.s32 $0xFFFFD800  }
0xf9: {  	_ =	swait.ge [sflag:s0], $0x2800  }
0xfa: {  	[sflag:s0] =	ssyncset.done $0x0  }
0xfb: {  	[sflag:s0] =	ssyncadd.s32 $0xFFFFD800  }
0xfc: {  	_ =	swait.ge [sflag:s2], $0x2800  }
0xfd: {  	[sflag:s2] =	ssyncset.done $0x0  }
0xfe: {  	[sflag:s2] =	ssyncadd.s32 $0xFFFFD800  }
0xff: {  	[tilespmem:s15], [sflag:$0x1] =	stream.indirect.gather [hbm4b:s1+s14], $0x80, s26, s14, $0xb8;
	v63 =	vld [tilespmem:$0x0]  }
0x100: {  	_ =	swait.ge [sflag:s22], $0x2800  }
0x101: {  	[sflag:s22] =	ssyncset.done $0x0  }
0x102: {  	[sflag:s22] =	ssyncadd.s32 $0xFFFFD800  }
0x103: {  	[spmem:s3] =	stream.indirect.scatter.add.f32 [tilespmem:s15], [sflag:$0x9], $0x80, s29, s14, $0xb8;
	v63 =	vld [tilespmem:$0x0]  }
0x104: {  	s16 =	simm.s32 $0x200;
	_ =	swait.ge [sflag:s12], $0x2800  }
.LBB2_2:
0x105: {  	s18 =	rddreg [dreg:$0x4];
	s20 =	smov.u32 s16;
	[sflag:s12] =	ssyncset.done $0x0  }
0x106: {  	s18 =	sadd.s32 s20, s18;
	[sflag:s12] =	ssyncadd.s32 $0xFFFFD800  }
0x107: {  	[tilespmem:s4], [sflag:$0x9] =	stream.linear.gather [hbm4b:s18+s4], $0xC80, $0x38;
	v63 =	vld [tilespmem:$0x0]  }
0x108: {  	_ =	swait.ge [sflag:s12], $0xC80  }
0x109: {  	[sflag:s12] =	ssyncset.done $0x0  }
0x10a: {  	s20 =	sadd.s32 s20, s10;
	[sflag:s12] =	ssyncadd.s32 $0xFFFFF380  }
0x10b: {  	[tilespmem:s13], [sflag:$0x9] =	stream.linear.gather [hbm4b:s20+s4], $0xC80, $0x38;
	v63 =	vld [tilespmem:$0x0]  }
0x10c: {  	_ =	swait.ge [sflag:s12], $0xC80  }
0x10d: {  	[sflag:s12] =	ssyncset.done $0x0  }
0x10e: {  	[sflag:s12] =	ssyncadd.s32 $0xFFFFF380  }
0x10f: {  	[tilespmem:s15], [sflag:$0x1] =	stream.indirect.gather [hbm4b:s1+s14], $0x80, s4, s14, $0xb8;
	v63 =	vld [tilespmem:$0x0]  }
0x110: {  	s20 =	simm.s32 $0x80  }
0x111: {  	[tilespmem:s17], [sflag:$0x2] =	stream.indirect.gather [hbm4b:s1+s14], $0x80, s20, s14, $0xb8;
	v63 =	vld [tilespmem:$0x0]  }
0x112: {  	s20 =	simm.s32 $0x100  }
0x113: {  	[tilespmem:s19], [sflag:$0x3] =	stream.indirect.gather [hbm4b:s1+s14], $0x80, s20, s14, $0xb8;
	v63 =	vld [tilespmem:$0x0]  }
0x114: {  	s20 =	simm.s32 $0x180  }
0x115: {  	[tilespmem:s21], [sflag:$0x4] =	stream.indirect.gather [hbm4b:s1+s14], $0x80, s20, s14, $0xb8;
	v63 =	vld [tilespmem:$0x0]  }
0x116: {  	_ =	swait.ge [sflag:s22], $0x2800  }
0x117: {  	[sflag:s22] =	ssyncset.done $0x0  }
0x118: {  	[sflag:s22] =	ssyncadd.s32 $0xFFFFD800  }
0x119: {  	[spmem:s3] =	stream.indirect.scatter.add.f32 [tilespmem:s15], [sflag:$0x5], $0x80, s13, s14, $0xb8;
	v63 =	vld [tilespmem:$0x0]  }
0x11a: {  	_ =	swait.ge [sflag:s23], $0x2800  }
0x11b: {  	[sflag:s23] =	ssyncset.done $0x0  }
0x11c: {  	s20 =	simm.s32 $0x1080;
	[sflag:s23] =	ssyncadd.s32 $0xFFFFD800  }
0x11d: {  	[spmem:s3] =	stream.indirect.scatter.add.f32 [tilespmem:s17], [sflag:$0x6], $0x80, s20, s14, $0xb8;
	v63 =	vld [tilespmem:$0x0]  }
0x11e: {  	_ =	swait.ge [sflag:s25], $0x2800  }
0x11f: {  	[sflag:s25] =	ssyncset.done $0x0  }
0x120: {  	s20 =	simm.s32 $0x1100;
	[sflag:s25] =	ssyncadd.s32 $0xFFFFD800  }
0x121: {  	[spmem:s3] =	stream.indirect.scatter.add.f32 [tilespmem:s19], [sflag:$0x7], $0x80, s20, s14, $0xb8;
	v63 =	vld [tilespmem:$0x0]  }
0x122: {  	_ =	swait.ge [sflag:s28], $0x2800  }
0x123: {  	[sflag:s28] =	ssyncset.done $0x0  }
0x124: {  	s20 =	simm.s32 $0x1180;
	[sflag:s28] =	ssyncadd.s32 $0xFFFFD800  }
0x125: {  	[spmem:s3] =	stream.indirect.scatter.add.f32 [tilespmem:s21], [sflag:$0x8], $0x80, s20, s14, $0xb8;
	v63 =	vld [tilespmem:$0x0]  }
0x126: {  	_ =	swait.ge [sflag:s30], $0x2800  }
0x127: {  	[sflag:s30] =	ssyncset.done $0x0  }
0x128: {  	[sflag:s30] =	ssyncadd.s32 $0xFFFFD800  }
0x129: {  	_ =	swait.ge [sflag:s31], $0x2800  }
0x12a: {  	[sflag:s31] =	ssyncset.done $0x0  }
0x12b: {  	[sflag:s31] =	ssyncadd.s32 $0xFFFFD800  }
0x12c: {  	_ =	swait.ge [sflag:s0], $0x2800  }
0x12d: {  	[sflag:s0] =	ssyncset.done $0x0  }
0x12e: {  	[sflag:s0] =	ssyncadd.s32 $0xFFFFD800  }
0x12f: {  	_ =	swait.ge [sflag:s2], $0x2800  }
0x130: {  	[sflag:s2] =	ssyncset.done $0x0  }
0x131: {  	s20 =	simm.s32 $0x200;
	[sflag:s2] =	ssyncadd.s32 $0xFFFFD800  }
0x132: {  	[tilespmem:s15], [sflag:$0x1] =	stream.indirect.gather [hbm4b:s1+s14], $0x80, s20, s14, $0xb8;
	v63 =	vld [tilespmem:$0x0]  }
0x133: {  	s20 =	simm.s32 $0x280  }
0x134: {  	[tilespmem:s17], [sflag:$0x2] =	stream.indirect.gather [hbm4b:s1+s14], $0x80, s20, s14, $0xb8;
	v63 =	vld [tilespmem:$0x0]  }
0x135: {  	s20 =	simm.s32 $0x300  }
0x136: {  	[tilespmem:s19], [sflag:$0x3] =	stream.indirect.gather [hbm4b:s1+s14], $0x80, s20, s14, $0xb8;
	v63 =	vld [tilespmem:$0x0]  }
0x137: {  	s20 =	simm.s32 $0x380  }
0x138: {  	[tilespmem:s21], [sflag:$0x4] =	stream.indirect.gather [hbm4b:s1+s14], $0x80, s20, s14, $0xb8;
	v63 =	vld [tilespmem:$0x0]  }
0x139: {  	_ =	swait.ge [sflag:s22], $0x2800  }
0x13a: {  	[sflag:s22] =	ssyncset.done $0x0  }
0x13b: {  	s20 =	simm.s32 $0x1200;
	[sflag:s22] =	ssyncadd.s32 $0xFFFFD800  }
0x13c: {  	[spmem:s3] =	stream.indirect.scatter.add.f32 [tilespmem:s15], [sflag:$0x5], $0x80, s20, s14, $0xb8;
	v63 =	vld [tilespmem:$0x0]  }
0x13d: {  	_ =	swait.ge [sflag:s23], $0x2800  }
0x13e: {  	[sflag:s23] =	ssyncset.done $0x0  }
0x13f: {  	s20 =	simm.s32 $0x1280;
	[sflag:s23] =	ssyncadd.s32 $0xFFFFD800  }
0x140: {  	[spmem:s3] =	stream.indirect.scatter.add.f32 [tilespmem:s17], [sflag:$0x6], $0x80, s20, s14, $0xb8;
	v63 =	vld [tilespmem:$0x0]  }
0x141: {  	_ =	swait.ge [sflag:s25], $0x2800  }
0x142: {  	[sflag:s25] =	ssyncset.done $0x0  }
0x143: {  	s20 =	simm.s32 $0x1300;
	[sflag:s25] =	ssyncadd.s32 $0xFFFFD800  }
0x144: {  	[spmem:s3] =	stream.indirect.scatter.add.f32 [tilespmem:s19], [sflag:$0x7], $0x80, s20, s14, $0xb8;
	v63 =	vld [tilespmem:$0x0]  }
0x145: {  	_ =	swait.ge [sflag:s28], $0x2800  }
0x146: {  	[sflag:s28] =	ssyncset.done $0x0  }
0x147: {  	s20 =	simm.s32 $0x1380;
	[sflag:s28] =	ssyncadd.s32 $0xFFFFD800  }
0x148: {  	[spmem:s3] =	stream.indirect.scatter.add.f32 [tilespmem:s21], [sflag:$0x8], $0x80, s20, s14, $0xb8;
	v63 =	vld [tilespmem:$0x0]  }
0x149: {  	_ =	swait.ge [sflag:s30], $0x2800  }
0x14a: {  	[sflag:s30] =	ssyncset.done $0x0  }
0x14b: {  	[sflag:s30] =	ssyncadd.s32 $0xFFFFD800  }
0x14c: {  	_ =	swait.ge [sflag:s31], $0x2800  }
0x14d: {  	[sflag:s31] =	ssyncset.done $0x0  }
0x14e: {  	[sflag:s31] =	ssyncadd.s32 $0xFFFFD800  }
0x14f: {  	_ =	swait.ge [sflag:s0], $0x2800  }
0x150: {  	[sflag:s0] =	ssyncset.done $0x0  }
0x151: {  	[sflag:s0] =	ssyncadd.s32 $0xFFFFD800  }
0x152: {  	_ =	swait.ge [sflag:s2], $0x2800  }
0x153: {  	[sflag:s2] =	ssyncset.done $0x0  }
0x154: {  	s20 =	simm.s32 $0x400;
	[sflag:s2] =	ssyncadd.s32 $0xFFFFD800  }
0x155: {  	[tilespmem:s15], [sflag:$0x1] =	stream.indirect.gather [hbm4b:s1+s14], $0x80, s20, s14, $0xb8;
	v63 =	vld [tilespmem:$0x0]  }
0x156: {  	s20 =	simm.s32 $0x480  }
0x157: {  	[tilespmem:s17], [sflag:$0x2] =	stream.indirect.gather [hbm4b:s1+s14], $0x80, s20, s14, $0xb8;
	v63 =	vld [tilespmem:$0x0]  }
0x158: {  	s20 =	simm.s32 $0x500  }
0x159: {  	[tilespmem:s19], [sflag:$0x3] =	stream.indirect.gather [hbm4b:s1+s14], $0x80, s20, s14, $0xb8;
	v63 =	vld [tilespmem:$0x0]  }
0x15a: {  	s20 =	simm.s32 $0x580  }
0x15b: {  	[tilespmem:s21], [sflag:$0x4] =	stream.indirect.gather [hbm4b:s1+s14], $0x80, s20, s14, $0xb8;
	v63 =	vld [tilespmem:$0x0]  }
0x15c: {  	_ =	swait.ge [sflag:s22], $0x2800  }
0x15d: {  	[sflag:s22] =	ssyncset.done $0x0  }
0x15e: {  	s20 =	simm.s32 $0x1400;
	[sflag:s22] =	ssyncadd.s32 $0xFFFFD800  }
0x15f: {  	[spmem:s3] =	stream.indirect.scatter.add.f32 [tilespmem:s15], [sflag:$0x5], $0x80, s20, s14, $0xb8;
	v63 =	vld [tilespmem:$0x0]  }
0x160: {  	_ =	swait.ge [sflag:s23], $0x2800  }
0x161: {  	[sflag:s23] =	ssyncset.done $0x0  }
0x162: {  	s20 =	simm.s32 $0x1480;
	[sflag:s23] =	ssyncadd.s32 $0xFFFFD800  }
0x163: {  	[spmem:s3] =	stream.indirect.scatter.add.f32 [tilespmem:s17], [sflag:$0x6], $0x80, s20, s14, $0xb8;
	v63 =	vld [tilespmem:$0x0]  }
0x164: {  	_ =	swait.ge [sflag:s25], $0x2800  }
0x165: {  	[sflag:s25] =	ssyncset.done $0x0  }
0x166: {  	s20 =	simm.s32 $0x1500;
	[sflag:s25] =	ssyncadd.s32 $0xFFFFD800  }
0x167: {  	[spmem:s3] =	stream.indirect.scatter.add.f32 [tilespmem:s19], [sflag:$0x7], $0x80, s20, s14, $0xb8;
	v63 =	vld [tilespmem:$0x0]  }
0x168: {  	_ =	swait.ge [sflag:s28], $0x2800  }
0x169: {  	[sflag:s28] =	ssyncset.done $0x0  }
0x16a: {  	s20 =	simm.s32 $0x1580;
	[sflag:s28] =	ssyncadd.s32 $0xFFFFD800  }
0x16b: {  	[spmem:s3] =	stream.indirect.scatter.add.f32 [tilespmem:s21], [sflag:$0x8], $0x80, s20, s14, $0xb8;
	v63 =	vld [tilespmem:$0x0]  }
0x16c: {  	_ =	swait.ge [sflag:s30], $0x2800  }
0x16d: {  	[sflag:s30] =	ssyncset.done $0x0  }
0x16e: {  	[sflag:s30] =	ssyncadd.s32 $0xFFFFD800  }
0x16f: {  	_ =	swait.ge [sflag:s31], $0x2800  }
0x170: {  	[sflag:s31] =	ssyncset.done $0x0  }
0x171: {  	[sflag:s31] =	ssyncadd.s32 $0xFFFFD800  }
0x172: {  	_ =	swait.ge [sflag:s0], $0x2800  }
0x173: {  	[sflag:s0] =	ssyncset.done $0x0  }
0x174: {  	[sflag:s0] =	ssyncadd.s32 $0xFFFFD800  }
0x175: {  	_ =	swait.ge [sflag:s2], $0x2800  }
0x176: {  	[sflag:s2] =	ssyncset.done $0x0  }
0x177: {  	s20 =	simm.s32 $0x600;
	[sflag:s2] =	ssyncadd.s32 $0xFFFFD800  }
0x178: {  	[tilespmem:s15], [sflag:$0x1] =	stream.indirect.gather [hbm4b:s1+s14], $0x80, s20, s14, $0xb8;
	v63 =	vld [tilespmem:$0x0]  }
0x179: {  	s20 =	simm.s32 $0x680  }
0x17a: {  	[tilespmem:s17], [sflag:$0x2] =	stream.indirect.gather [hbm4b:s1+s14], $0x80, s20, s14, $0xb8;
	v63 =	vld [tilespmem:$0x0]  }
0x17b: {  	s20 =	simm.s32 $0x700  }
0x17c: {  	[tilespmem:s19], [sflag:$0x3] =	stream.indirect.gather [hbm4b:s1+s14], $0x80, s20, s14, $0xb8;
	v63 =	vld [tilespmem:$0x0]  }
0x17d: {  	s20 =	simm.s32 $0x780  }
0x17e: {  	[tilespmem:s21], [sflag:$0x4] =	stream.indirect.gather [hbm4b:s1+s14], $0x80, s20, s14, $0xb8;
	v63 =	vld [tilespmem:$0x0]  }
0x17f: {  	_ =	swait.ge [sflag:s22], $0x2800  }
0x180: {  	[sflag:s22] =	ssyncset.done $0x0  }
0x181: {  	s20 =	simm.s32 $0x1600;
	[sflag:s22] =	ssyncadd.s32 $0xFFFFD800  }
0x182: {  	[spmem:s3] =	stream.indirect.scatter.add.f32 [tilespmem:s15], [sflag:$0x5], $0x80, s20, s14, $0xb8;
	v63 =	vld [tilespmem:$0x0]  }
0x183: {  	_ =	swait.ge [sflag:s23], $0x2800  }
0x184: {  	[sflag:s23] =	ssyncset.done $0x0  }
0x185: {  	s20 =	simm.s32 $0x1680;
	[sflag:s23] =	ssyncadd.s32 $0xFFFFD800  }
0x186: {  	[spmem:s3] =	stream.indirect.scatter.add.f32 [tilespmem:s17], [sflag:$0x6], $0x80, s20, s14, $0xb8;
	v63 =	vld [tilespmem:$0x0]  }
0x187: {  	_ =	swait.ge [sflag:s25], $0x2800  }
0x188: {  	[sflag:s25] =	ssyncset.done $0x0  }
0x189: {  	s20 =	simm.s32 $0x1700;
	[sflag:s25] =	ssyncadd.s32 $0xFFFFD800  }
0x18a: {  	[spmem:s3] =	stream.indirect.scatter.add.f32 [tilespmem:s19], [sflag:$0x7], $0x80, s20, s14, $0xb8;
	v63 =	vld [tilespmem:$0x0]  }
0x18b: {  	_ =	swait.ge [sflag:s28], $0x2800  }
0x18c: {  	[sflag:s28] =	ssyncset.done $0x0  }
0x18d: {  	s20 =	simm.s32 $0x1780;
	[sflag:s28] =	ssyncadd.s32 $0xFFFFD800  }
0x18e: {  	[spmem:s3] =	stream.indirect.scatter.add.f32 [tilespmem:s21], [sflag:$0x8], $0x80, s20, s14, $0xb8;
	v63 =	vld [tilespmem:$0x0]  }
0x18f: {  	_ =	swait.ge [sflag:s30], $0x2800  }
0x190: {  	[sflag:s30] =	ssyncset.done $0x0  }
0x191: {  	[sflag:s30] =	ssyncadd.s32 $0xFFFFD800  }
0x192: {  	_ =	swait.ge [sflag:s31], $0x2800  }
0x193: {  	[sflag:s31] =	ssyncset.done $0x0  }
0x194: {  	[sflag:s31] =	ssyncadd.s32 $0xFFFFD800  }
0x195: {  	_ =	swait.ge [sflag:s0], $0x2800  }
0x196: {  	[sflag:s0] =	ssyncset.done $0x0  }
0x197: {  	[sflag:s0] =	ssyncadd.s32 $0xFFFFD800  }
0x198: {  	_ =	swait.ge [sflag:s2], $0x2800  }
0x199: {  	[sflag:s2] =	ssyncset.done $0x0  }
0x19a: {  	s20 =	simm.s32 $0x800;
	[sflag:s2] =	ssyncadd.s32 $0xFFFFD800  }
0x19b: {  	[tilespmem:s15], [sflag:$0x1] =	stream.indirect.gather [hbm4b:s1+s14], $0x80, s20, s14, $0xb8;
	v63 =	vld [tilespmem:$0x0]  }
0x19c: {  	s20 =	simm.s32 $0x880  }
0x19d: {  	[tilespmem:s17], [sflag:$0x2] =	stream.indirect.gather [hbm4b:s1+s14], $0x80, s20, s14, $0xb8;
	v63 =	vld [tilespmem:$0x0]  }
0x19e: {  	s20 =	simm.s32 $0x900  }
0x19f: {  	[tilespmem:s19], [sflag:$0x3] =	stream.indirect.gather [hbm4b:s1+s14], $0x80, s20, s14, $0xb8;
	v63 =	vld [tilespmem:$0x0]  }
0x1a0: {  	s20 =	simm.s32 $0x980  }
0x1a1: {  	[tilespmem:s21], [sflag:$0x4] =	stream.indirect.gather [hbm4b:s1+s14], $0x80, s20, s14, $0xb8;
	v63 =	vld [tilespmem:$0x0]  }
0x1a2: {  	_ =	swait.ge [sflag:s22], $0x2800  }
0x1a3: {  	[sflag:s22] =	ssyncset.done $0x0  }
0x1a4: {  	s20 =	simm.s32 $0x1800;
	[sflag:s22] =	ssyncadd.s32 $0xFFFFD800  }
0x1a5: {  	[spmem:s3] =	stream.indirect.scatter.add.f32 [tilespmem:s15], [sflag:$0x5], $0x80, s20, s14, $0xb8;
	v63 =	vld [tilespmem:$0x0]  }
0x1a6: {  	_ =	swait.ge [sflag:s23], $0x2800  }
0x1a7: {  	[sflag:s23] =	ssyncset.done $0x0  }
0x1a8: {  	s20 =	simm.s32 $0x1880;
	[sflag:s23] =	ssyncadd.s32 $0xFFFFD800  }
0x1a9: {  	[spmem:s3] =	stream.indirect.scatter.add.f32 [tilespmem:s17], [sflag:$0x6], $0x80, s20, s14, $0xb8;
	v63 =	vld [tilespmem:$0x0]  }
0x1aa: {  	_ =	swait.ge [sflag:s25], $0x2800  }
0x1ab: {  	[sflag:s25] =	ssyncset.done $0x0  }
0x1ac: {  	s20 =	simm.s32 $0x1900;
	[sflag:s25] =	ssyncadd.s32 $0xFFFFD800  }
0x1ad: {  	[spmem:s3] =	stream.indirect.scatter.add.f32 [tilespmem:s19], [sflag:$0x7], $0x80, s20, s14, $0xb8;
	v63 =	vld [tilespmem:$0x0]  }
0x1ae: {  	_ =	swait.ge [sflag:s28], $0x2800  }
0x1af: {  	[sflag:s28] =	ssyncset.done $0x0  }
0x1b0: {  	s20 =	simm.s32 $0x1980;
	[sflag:s28] =	ssyncadd.s32 $0xFFFFD800  }
0x1b1: {  	[spmem:s3] =	stream.indirect.scatter.add.f32 [tilespmem:s21], [sflag:$0x8], $0x80, s20, s14, $0xb8;
	v63 =	vld [tilespmem:$0x0]  }
0x1b2: {  	_ =	swait.ge [sflag:s30], $0x2800  }
0x1b3: {  	[sflag:s30] =	ssyncset.done $0x0  }
0x1b4: {  	[sflag:s30] =	ssyncadd.s32 $0xFFFFD800  }
0x1b5: {  	_ =	swait.ge [sflag:s31], $0x2800  }
0x1b6: {  	[sflag:s31] =	ssyncset.done $0x0  }
0x1b7: {  	[sflag:s31] =	ssyncadd.s32 $0xFFFFD800  }
0x1b8: {  	_ =	swait.ge [sflag:s0], $0x2800  }
0x1b9: {  	[sflag:s0] =	ssyncset.done $0x0  }
0x1ba: {  	[sflag:s0] =	ssyncadd.s32 $0xFFFFD800  }
0x1bb: {  	_ =	swait.ge [sflag:s2], $0x2800  }
0x1bc: {  	[sflag:s2] =	ssyncset.done $0x0  }
0x1bd: {  	s20 =	simm.s32 $0xA00;
	[sflag:s2] =	ssyncadd.s32 $0xFFFFD800  }
0x1be: {  	[tilespmem:s15], [sflag:$0x1] =	stream.indirect.gather [hbm4b:s1+s14], $0x80, s20, s14, $0xb8;
	v63 =	vld [tilespmem:$0x0]  }
0x1bf: {  	_ = 	snop  }
0x1c0: {  	[tilespmem:s17], [sflag:$0x2] =	stream.indirect.gather [hbm4b:s1+s14], $0x80, s7, s14, $0xb8;
	v63 =	vld [tilespmem:$0x0]  }
0x1c1: {  	_ = 	snop  }
0x1c2: {  	[tilespmem:s19], [sflag:$0x3] =	stream.indirect.gather [hbm4b:s1+s14], $0x80, s8, s14, $0xb8;
	v63 =	vld [tilespmem:$0x0]  }
0x1c3: {  	_ = 	snop  }
0x1c4: {  	[tilespmem:s21], [sflag:$0x4] =	stream.indirect.gather [hbm4b:s1+s14], $0x80, s9, s14, $0xb8;
	v63 =	vld [tilespmem:$0x0]  }
0x1c5: {  	_ =	swait.ge [sflag:s22], $0x2800  }
0x1c6: {  	[sflag:s22] =	ssyncset.done $0x0  }
0x1c7: {  	[sflag:s22] =	ssyncadd.s32 $0xFFFFD800  }
0x1c8: {  	[spmem:s3] =	stream.indirect.scatter.add.f32 [tilespmem:s15], [sflag:$0x5], $0x80, s5, s14, $0xb8;
	v63 =	vld [tilespmem:$0x0]  }
0x1c9: {  	_ =	swait.ge [sflag:s23], $0x2800  }
0x1ca: {  	[sflag:s23] =	ssyncset.done $0x0  }
0x1cb: {  	[sflag:s23] =	ssyncadd.s32 $0xFFFFD800  }
0x1cc: {  	[spmem:s3] =	stream.indirect.scatter.add.f32 [tilespmem:s17], [sflag:$0x6], $0x80, s6, s14, $0xb8;
	v63 =	vld [tilespmem:$0x0]  }
0x1cd: {  	_ =	swait.ge [sflag:s25], $0x2800  }
0x1ce: {  	[sflag:s25] =	ssyncset.done $0x0  }
0x1cf: {  	[sflag:s25] =	ssyncadd.s32 $0xFFFFD800  }
0x1d0: {  	[spmem:s3] =	stream.indirect.scatter.add.f32 [tilespmem:s19], [sflag:$0x7], $0x80, s11, s14, $0xb8;
	v63 =	vld [tilespmem:$0x0]  }
0x1d1: {  	_ =	swait.ge [sflag:s28], $0x2800  }
0x1d2: {  	[sflag:s28] =	ssyncset.done $0x0  }
0x1d3: {  	[sflag:s28] =	ssyncadd.s32 $0xFFFFD800  }
0x1d4: {  	[spmem:s3] =	stream.indirect.scatter.add.f32 [tilespmem:s21], [sflag:$0x8], $0x80, s24, s14, $0xb8;
	v63 =	vld [tilespmem:$0x0]  }
0x1d5: {  	_ =	swait.ge [sflag:s30], $0x2800  }
0x1d6: {  	[sflag:s30] =	ssyncset.done $0x0  }
0x1d7: {  	[sflag:s30] =	ssyncadd.s32 $0xFFFFD800  }
0x1d8: {  	_ =	swait.ge [sflag:s31], $0x2800  }
0x1d9: {  	[sflag:s31] =	ssyncset.done $0x0  }
0x1da: {  	[sflag:s31] =	ssyncadd.s32 $0xFFFFD800  }
0x1db: {  	_ =	swait.ge [sflag:s0], $0x2800  }
0x1dc: {  	[sflag:s0] =	ssyncset.done $0x0  }
0x1dd: {  	[sflag:s0] =	ssyncadd.s32 $0xFFFFD800  }
0x1de: {  	_ =	swait.ge [sflag:s2], $0x2800  }
0x1df: {  	[sflag:s2] =	ssyncset.done $0x0  }
0x1e0: {  	p0 =	sne.s32 s16, $0x1200;
	[sflag:s2] =	ssyncadd.s32 $0xFFFFD800  }
0x1e1: {  	[tilespmem:s15], [sflag:$0x1] =	stream.indirect.gather [hbm4b:s1+s14], $0x80, s26, s14, $0xb8;
	v63 =	vld [tilespmem:$0x0]  }
.Ltmp0:
0x1e2: {  	_ =	swait.ge [sflag:s22], $0x2800;
	(pc) =	sbr.rel @p0 .LBB2_2-.Ltmp0, $4  }
0x1e3: {  	[sflag:s22] =	ssyncset.done $0x0  }
0x1e4: {  	[sflag:s22] =	ssyncadd.s32 $0xFFFFD800  }
0x1e5: {  	[spmem:s3] =	stream.indirect.scatter.add.f32 [tilespmem:s15], [sflag:$0x9], $0x80, s29, s14, $0xb8;
	v63 =	vld [tilespmem:$0x0]  }
0x1e6: {  	s16 =	sadd.s32 $0x200, s16;
	_ =	swait.ge [sflag:s12], $0x2800  }
0x1e7: {  	[sflag:s12] =	ssyncset.done $0x0  }
0x1e8: {  	[sflag:s12] =	ssyncadd.s32 $0xFFFFD800  }
0x1e9: {  	[bflag:$0x0] =	sbarrier.arrive $0xFFFF  }
0x1ea: {  	s18 =	rddreg [dreg:$0x7]  }
0x1eb: {  	s16 =	rddreg [dreg:$0x8]  }
0x1ec: {  	s20 =	rddreg [dreg:$0xb]  }
0x1ed: {  	[hbm:s16], [sflag:s18] =	dma.local [spmem:s20], $0x2800  }
0x1ee: {  	_ =	swait.ge [sflag:s12], $0x2800  }
0x1ef: {  	[sflag:s12] =	ssyncset.done $0x0  }
0x1f0: {  	[sflag:s12] =	ssyncadd.s32 $0xFFFFD800  }
0x1f1: {  	[bflag:$0x0] =	sbarrier.arrive $0xFFFF  }
0x1f2: {  	s16 =	rddreg [dreg:$0x6]  }
0x1f3: {  	[spmem:s20], [sflag:s18] =	dma.local [hbm:s16], $0x2800  }
0x1f4: {  	_ =	swait.ge [sflag:s12], $0x2800  }
0x1f5: {  	[sflag:s12] =	ssyncset.done $0x0  }
0x1f6: {  	[sflag:s12] =	ssyncadd.s32 $0xFFFFD800  }
0x1f7: {  	[bflag:$0x0] =	sbarrier.arrive $0xFFFF  }
0x1f8: {  	s20 =	rddreg [dreg:$0x5]  }
0x1f9: {  	s16 =	sadd.s32 $0x0, s20  }
0x1fa: {  	[tilespmem:s4], [sflag:$0x9] =	stream.linear.gather [hbm4b:s16+s4], $0xC80, $0x38;
	v63 =	vld [tilespmem:$0x0]  }
0x1fb: {  	_ =	swait.ge [sflag:s12], $0xC80  }
0x1fc: {  	[sflag:s12] =	ssyncset.done $0x0  }
0x1fd: {  	s18 =	sadd.s32 $0x0, s10;
	[sflag:s12] =	ssyncadd.s32 $0xFFFFF380  }
0x1fe: {  	[tilespmem:s13], [sflag:$0x9] =	stream.linear.gather [hbm4b:s18+s4], $0xC80, $0x38;
	v63 =	vld [tilespmem:$0x0]  }
0x1ff: {  	_ =	swait.ge [sflag:s12], $0xC80  }
0x200: {  	[sflag:s12] =	ssyncset.done $0x0  }
0x201: {  	[sflag:s12] =	ssyncadd.s32 $0xFFFFF380  }
0x202: {  	[tilespmem:s15], [sflag:$0x1] =	stream.indirect.gather [hbm4b:s1+s14], $0x80, s4, s14, $0xb8;
	v63 =	vld [tilespmem:$0x0]  }
0x203: {  	s20 =	simm.s32 $0x80  }
0x204: {  	[tilespmem:s17], [sflag:$0x2] =	stream.indirect.gather [hbm4b:s1+s14], $0x80, s20, s14, $0xb8;
	v63 =	vld [tilespmem:$0x0]  }
0x205: {  	s18 =	simm.s32 $0x100  }
0x206: {  	[tilespmem:s19], [sflag:$0x3] =	stream.indirect.gather [hbm4b:s1+s14], $0x80, s18, s14, $0xb8;
	v63 =	vld [tilespmem:$0x0]  }
0x207: {  	s20 =	simm.s32 $0x180  }
0x208: {  	[tilespmem:s21], [sflag:$0x4] =	stream.indirect.gather [hbm4b:s1+s14], $0x80, s20, s14, $0xb8;
	v63 =	vld [tilespmem:$0x0]  }
0x209: {  	_ =	swait.ge [sflag:s22], $0x2800  }
0x20a: {  	[sflag:s22] =	ssyncset.done $0x0  }
0x20b: {  	[sflag:s22] =	ssyncadd.s32 $0xFFFFD800  }
0x20c: {  	[spmem:s3] =	stream.indirect.scatter.add.f32 [tilespmem:s15], [sflag:$0x5], $0x80, s13, s14, $0xb8;
	v63 =	vld [tilespmem:$0x0]  }
0x20d: {  	_ =	swait.ge [sflag:s23], $0x2800  }
0x20e: {  	[sflag:s23] =	ssyncset.done $0x0  }
0x20f: {  	s18 =	simm.s32 $0x1080;
	[sflag:s23] =	ssyncadd.s32 $0xFFFFD800  }
0x210: {  	[spmem:s3] =	stream.indirect.scatter.add.f32 [tilespmem:s17], [sflag:$0x6], $0x80, s18, s14, $0xb8;
	v63 =	vld [tilespmem:$0x0]  }
0x211: {  	_ =	swait.ge [sflag:s25], $0x2800  }
0x212: {  	[sflag:s25] =	ssyncset.done $0x0  }
0x213: {  	s20 =	simm.s32 $0x1100;
	[sflag:s25] =	ssyncadd.s32 $0xFFFFD800  }
0x214: {  	[spmem:s3] =	stream.indirect.scatter.add.f32 [tilespmem:s19], [sflag:$0x7], $0x80, s20, s14, $0xb8;
	v63 =	vld [tilespmem:$0x0]  }
0x215: {  	_ =	swait.ge [sflag:s28], $0x2800  }
0x216: {  	[sflag:s28] =	ssyncset.done $0x0  }
0x217: {  	s18 =	simm.s32 $0x1180;
	[sflag:s28] =	ssyncadd.s32 $0xFFFFD800  }
0x218: {  	[spmem:s3] =	stream.indirect.scatter.add.f32 [tilespmem:s21], [sflag:$0x8], $0x80, s18, s14, $0xb8;
	v63 =	vld [tilespmem:$0x0]  }
0x219: {  	_ =	swait.ge [sflag:s30], $0x2800  }
0x21a: {  	[sflag:s30] =	ssyncset.done $0x0  }
0x21b: {  	[sflag:s30] =	ssyncadd.s32 $0xFFFFD800  }
0x21c: {  	_ =	swait.ge [sflag:s31], $0x2800  }
0x21d: {  	[sflag:s31] =	ssyncset.done $0x0  }
0x21e: {  	[sflag:s31] =	ssyncadd.s32 $0xFFFFD800  }
0x21f: {  	_ =	swait.ge [sflag:s0], $0x2800  }
0x220: {  	[sflag:s0] =	ssyncset.done $0x0  }
0x221: {  	[sflag:s0] =	ssyncadd.s32 $0xFFFFD800  }
0x222: {  	_ =	swait.ge [sflag:s2], $0x2800  }
0x223: {  	[sflag:s2] =	ssyncset.done $0x0  }
0x224: {  	s20 =	simm.s32 $0x200;
	[sflag:s2] =	ssyncadd.s32 $0xFFFFD800  }
0x225: {  	[tilespmem:s15], [sflag:$0x1] =	stream.indirect.gather [hbm4b:s1+s14], $0x80, s20, s14, $0xb8;
	v63 =	vld [tilespmem:$0x0]  }
0x226: {  	s18 =	simm.s32 $0x280  }
0x227: {  	[tilespmem:s17], [sflag:$0x2] =	stream.indirect.gather [hbm4b:s1+s14], $0x80, s18, s14, $0xb8;
	v63 =	vld [tilespmem:$0x0]  }
0x228: {  	s20 =	simm.s32 $0x300  }
0x229: {  	[tilespmem:s19], [sflag:$0x3] =	stream.indirect.gather [hbm4b:s1+s14], $0x80, s20, s14, $0xb8;
	v63 =	vld [tilespmem:$0x0]  }
0x22a: {  	s18 =	simm.s32 $0x380  }
0x22b: {  	[tilespmem:s21], [sflag:$0x4] =	stream.indirect.gather [hbm4b:s1+s14], $0x80, s18, s14, $0xb8;
	v63 =	vld [tilespmem:$0x0]  }
0x22c: {  	_ =	swait.ge [sflag:s22], $0x2800  }
0x22d: {  	[sflag:s22] =	ssyncset.done $0x0  }
0x22e: {  	s20 =	simm.s32 $0x1200;
	[sflag:s22] =	ssyncadd.s32 $0xFFFFD800  }
0x22f: {  	[spmem:s3] =	stream.indirect.scatter.add.f32 [tilespmem:s15], [sflag:$0x5], $0x80, s20, s14, $0xb8;
	v63 =	vld [tilespmem:$0x0]  }
0x230: {  	_ =	swait.ge [sflag:s23], $0x2800  }
0x231: {  	[sflag:s23] =	ssyncset.done $0x0  }
0x232: {  	s18 =	simm.s32 $0x1280;
	[sflag:s23] =	ssyncadd.s32 $0xFFFFD800  }
0x233: {  	[spmem:s3] =	stream.indirect.scatter.add.f32 [tilespmem:s17], [sflag:$0x6], $0x80, s18, s14, $0xb8;
	v63 =	vld [tilespmem:$0x0]  }
0x234: {  	_ =	swait.ge [sflag:s25], $0x2800  }
0x235: {  	[sflag:s25] =	ssyncset.done $0x0  }
0x236: {  	s20 =	simm.s32 $0x1300;
	[sflag:s25] =	ssyncadd.s32 $0xFFFFD800  }
0x237: {  	[spmem:s3] =	stream.indirect.scatter.add.f32 [tilespmem:s19], [sflag:$0x7], $0x80, s20, s14, $0xb8;
	v63 =	vld [tilespmem:$0x0]  }
0x238: {  	_ =	swait.ge [sflag:s28], $0x2800  }
0x239: {  	[sflag:s28] =	ssyncset.done $0x0  }
0x23a: {  	s18 =	simm.s32 $0x1380;
	[sflag:s28] =	ssyncadd.s32 $0xFFFFD800  }
0x23b: {  	[spmem:s3] =	stream.indirect.scatter.add.f32 [tilespmem:s21], [sflag:$0x8], $0x80, s18, s14, $0xb8;
	v63 =	vld [tilespmem:$0x0]  }
0x23c: {  	_ =	swait.ge [sflag:s30], $0x2800  }
0x23d: {  	[sflag:s30] =	ssyncset.done $0x0  }
0x23e: {  	[sflag:s30] =	ssyncadd.s32 $0xFFFFD800  }
0x23f: {  	_ =	swait.ge [sflag:s31], $0x2800  }
0x240: {  	[sflag:s31] =	ssyncset.done $0x0  }
0x241: {  	[sflag:s31] =	ssyncadd.s32 $0xFFFFD800  }
0x242: {  	_ =	swait.ge [sflag:s0], $0x2800  }
0x243: {  	[sflag:s0] =	ssyncset.done $0x0  }
0x244: {  	[sflag:s0] =	ssyncadd.s32 $0xFFFFD800  }
0x245: {  	_ =	swait.ge [sflag:s2], $0x2800  }
0x246: {  	[sflag:s2] =	ssyncset.done $0x0  }
0x247: {  	s20 =	simm.s32 $0x400;
	[sflag:s2] =	ssyncadd.s32 $0xFFFFD800  }
0x248: {  	[tilespmem:s15], [sflag:$0x1] =	stream.indirect.gather [hbm4b:s1+s14], $0x80, s20, s14, $0xb8;
	v63 =	vld [tilespmem:$0x0]  }
0x249: {  	s18 =	simm.s32 $0x480  }
0x24a: {  	[tilespmem:s17], [sflag:$0x2] =	stream.indirect.gather [hbm4b:s1+s14], $0x80, s18, s14, $0xb8;
	v63 =	vld [tilespmem:$0x0]  }
0x24b: {  	s20 =	simm.s32 $0x500  }
0x24c: {  	[tilespmem:s19], [sflag:$0x3] =	stream.indirect.gather [hbm4b:s1+s14], $0x80, s20, s14, $0xb8;
	v63 =	vld [tilespmem:$0x0]  }
0x24d: {  	s18 =	simm.s32 $0x580  }
0x24e: {  	[tilespmem:s21], [sflag:$0x4] =	stream.indirect.gather [hbm4b:s1+s14], $0x80, s18, s14, $0xb8;
	v63 =	vld [tilespmem:$0x0]  }
0x24f: {  	_ =	swait.ge [sflag:s22], $0x2800  }
0x250: {  	[sflag:s22] =	ssyncset.done $0x0  }
0x251: {  	s20 =	simm.s32 $0x1400;
	[sflag:s22] =	ssyncadd.s32 $0xFFFFD800  }
0x252: {  	[spmem:s3] =	stream.indirect.scatter.add.f32 [tilespmem:s15], [sflag:$0x5], $0x80, s20, s14, $0xb8;
	v63 =	vld [tilespmem:$0x0]  }
0x253: {  	_ =	swait.ge [sflag:s23], $0x2800  }
0x254: {  	[sflag:s23] =	ssyncset.done $0x0  }
0x255: {  	s18 =	simm.s32 $0x1480;
	[sflag:s23] =	ssyncadd.s32 $0xFFFFD800  }
0x256: {  	[spmem:s3] =	stream.indirect.scatter.add.f32 [tilespmem:s17], [sflag:$0x6], $0x80, s18, s14, $0xb8;
	v63 =	vld [tilespmem:$0x0]  }
0x257: {  	_ =	swait.ge [sflag:s25], $0x2800  }
0x258: {  	[sflag:s25] =	ssyncset.done $0x0  }
0x259: {  	s20 =	simm.s32 $0x1500;
	[sflag:s25] =	ssyncadd.s32 $0xFFFFD800  }
0x25a: {  	[spmem:s3] =	stream.indirect.scatter.add.f32 [tilespmem:s19], [sflag:$0x7], $0x80, s20, s14, $0xb8;
	v63 =	vld [tilespmem:$0x0]  }
0x25b: {  	_ =	swait.ge [sflag:s28], $0x2800  }
0x25c: {  	[sflag:s28] =	ssyncset.done $0x0  }
0x25d: {  	s18 =	simm.s32 $0x1580;
	[sflag:s28] =	ssyncadd.s32 $0xFFFFD800  }
0x25e: {  	[spmem:s3] =	stream.indirect.scatter.add.f32 [tilespmem:s21], [sflag:$0x8], $0x80, s18, s14, $0xb8;
	v63 =	vld [tilespmem:$0x0]  }
0x25f: {  	_ =	swait.ge [sflag:s30], $0x2800  }
0x260: {  	[sflag:s30] =	ssyncset.done $0x0  }
0x261: {  	[sflag:s30] =	ssyncadd.s32 $0xFFFFD800  }
0x262: {  	_ =	swait.ge [sflag:s31], $0x2800  }
0x263: {  	[sflag:s31] =	ssyncset.done $0x0  }
0x264: {  	[sflag:s31] =	ssyncadd.s32 $0xFFFFD800  }
0x265: {  	_ =	swait.ge [sflag:s0], $0x2800  }
0x266: {  	[sflag:s0] =	ssyncset.done $0x0  }
0x267: {  	[sflag:s0] =	ssyncadd.s32 $0xFFFFD800  }
0x268: {  	_ =	swait.ge [sflag:s2], $0x2800  }
0x269: {  	[sflag:s2] =	ssyncset.done $0x0  }
0x26a: {  	s20 =	simm.s32 $0x600;
	[sflag:s2] =	ssyncadd.s32 $0xFFFFD800  }
0x26b: {  	[tilespmem:s15], [sflag:$0x1] =	stream.indirect.gather [hbm4b:s1+s14], $0x80, s20, s14, $0xb8;
	v63 =	vld [tilespmem:$0x0]  }
0x26c: {  	s18 =	simm.s32 $0x680  }
0x26d: {  	[tilespmem:s17], [sflag:$0x2] =	stream.indirect.gather [hbm4b:s1+s14], $0x80, s18, s14, $0xb8;
	v63 =	vld [tilespmem:$0x0]  }
0x26e: {  	s20 =	simm.s32 $0x700  }
0x26f: {  	[tilespmem:s19], [sflag:$0x3] =	stream.indirect.gather [hbm4b:s1+s14], $0x80, s20, s14, $0xb8;
	v63 =	vld [tilespmem:$0x0]  }
0x270: {  	s18 =	simm.s32 $0x780  }
0x271: {  	[tilespmem:s21], [sflag:$0x4] =	stream.indirect.gather [hbm4b:s1+s14], $0x80, s18, s14, $0xb8;
	v63 =	vld [tilespmem:$0x0]  }
0x272: {  	_ =	swait.ge [sflag:s22], $0x2800  }
0x273: {  	[sflag:s22] =	ssyncset.done $0x0  }
0x274: {  	s20 =	simm.s32 $0x1600;
	[sflag:s22] =	ssyncadd.s32 $0xFFFFD800  }
0x275: {  	[spmem:s3] =	stream.indirect.scatter.add.f32 [tilespmem:s15], [sflag:$0x5], $0x80, s20, s14, $0xb8;
	v63 =	vld [tilespmem:$0x0]  }
0x276: {  	_ =	swait.ge [sflag:s23], $0x2800  }
0x277: {  	[sflag:s23] =	ssyncset.done $0x0  }
0x278: {  	s18 =	simm.s32 $0x1680;
	[sflag:s23] =	ssyncadd.s32 $0xFFFFD800  }
0x279: {  	[spmem:s3] =	stream.indirect.scatter.add.f32 [tilespmem:s17], [sflag:$0x6], $0x80, s18, s14, $0xb8;
	v63 =	vld [tilespmem:$0x0]  }
0x27a: {  	_ =	swait.ge [sflag:s25], $0x2800  }
0x27b: {  	[sflag:s25] =	ssyncset.done $0x0  }
0x27c: {  	s20 =	simm.s32 $0x1700;
	[sflag:s25] =	ssyncadd.s32 $0xFFFFD800  }
0x27d: {  	[spmem:s3] =	stream.indirect.scatter.add.f32 [tilespmem:s19], [sflag:$0x7], $0x80, s20, s14, $0xb8;
	v63 =	vld [tilespmem:$0x0]  }
0x27e: {  	_ =	swait.ge [sflag:s28], $0x2800  }
0x27f: {  	[sflag:s28] =	ssyncset.done $0x0  }
0x280: {  	s18 =	simm.s32 $0x1780;
	[sflag:s28] =	ssyncadd.s32 $0xFFFFD800  }
0x281: {  	[spmem:s3] =	stream.indirect.scatter.add.f32 [tilespmem:s21], [sflag:$0x8], $0x80, s18, s14, $0xb8;
	v63 =	vld [tilespmem:$0x0]  }
0x282: {  	_ =	swait.ge [sflag:s30], $0x2800  }
0x283: {  	[sflag:s30] =	ssyncset.done $0x0  }
0x284: {  	[sflag:s30] =	ssyncadd.s32 $0xFFFFD800  }
0x285: {  	_ =	swait.ge [sflag:s31], $0x2800  }
0x286: {  	[sflag:s31] =	ssyncset.done $0x0  }
0x287: {  	[sflag:s31] =	ssyncadd.s32 $0xFFFFD800  }
0x288: {  	_ =	swait.ge [sflag:s0], $0x2800  }
0x289: {  	[sflag:s0] =	ssyncset.done $0x0  }
0x28a: {  	[sflag:s0] =	ssyncadd.s32 $0xFFFFD800  }
0x28b: {  	_ =	swait.ge [sflag:s2], $0x2800  }
0x28c: {  	[sflag:s2] =	ssyncset.done $0x0  }
0x28d: {  	s20 =	simm.s32 $0x800;
	[sflag:s2] =	ssyncadd.s32 $0xFFFFD800  }
0x28e: {  	[tilespmem:s15], [sflag:$0x1] =	stream.indirect.gather [hbm4b:s1+s14], $0x80, s20, s14, $0xb8;
	v63 =	vld [tilespmem:$0x0]  }
0x28f: {  	s18 =	simm.s32 $0x880  }
0x290: {  	[tilespmem:s17], [sflag:$0x2] =	stream.indirect.gather [hbm4b:s1+s14], $0x80, s18, s14, $0xb8;
	v63 =	vld [tilespmem:$0x0]  }
0x291: {  	s20 =	simm.s32 $0x900  }
0x292: {  	[tilespmem:s19], [sflag:$0x3] =	stream.indirect.gather [hbm4b:s1+s14], $0x80, s20, s14, $0xb8;
	v63 =	vld [tilespmem:$0x0]  }
0x293: {  	s18 =	simm.s32 $0x980  }
0x294: {  	[tilespmem:s21], [sflag:$0x4] =	stream.indirect.gather [hbm4b:s1+s14], $0x80, s18, s14, $0xb8;
	v63 =	vld [tilespmem:$0x0]  }
0x295: {  	_ =	swait.ge [sflag:s22], $0x2800  }
0x296: {  	[sflag:s22] =	ssyncset.done $0x0  }
0x297: {  	s20 =	simm.s32 $0x1800;
	[sflag:s22] =	ssyncadd.s32 $0xFFFFD800  }
0x298: {  	[spmem:s3] =	stream.indirect.scatter.add.f32 [tilespmem:s15], [sflag:$0x5], $0x80, s20, s14, $0xb8;
	v63 =	vld [tilespmem:$0x0]  }
0x299: {  	_ =	swait.ge [sflag:s23], $0x2800  }
0x29a: {  	[sflag:s23] =	ssyncset.done $0x0  }
0x29b: {  	s18 =	simm.s32 $0x1880;
	[sflag:s23] =	ssyncadd.s32 $0xFFFFD800  }
0x29c: {  	[spmem:s3] =	stream.indirect.scatter.add.f32 [tilespmem:s17], [sflag:$0x6], $0x80, s18, s14, $0xb8;
	v63 =	vld [tilespmem:$0x0]  }
0x29d: {  	_ =	swait.ge [sflag:s25], $0x2800  }
0x29e: {  	[sflag:s25] =	ssyncset.done $0x0  }
0x29f: {  	s20 =	simm.s32 $0x1900;
	[sflag:s25] =	ssyncadd.s32 $0xFFFFD800  }
0x2a0: {  	[spmem:s3] =	stream.indirect.scatter.add.f32 [tilespmem:s19], [sflag:$0x7], $0x80, s20, s14, $0xb8;
	v63 =	vld [tilespmem:$0x0]  }
0x2a1: {  	_ =	swait.ge [sflag:s28], $0x2800  }
0x2a2: {  	[sflag:s28] =	ssyncset.done $0x0  }
0x2a3: {  	s18 =	simm.s32 $0x1980;
	[sflag:s28] =	ssyncadd.s32 $0xFFFFD800  }
0x2a4: {  	[spmem:s3] =	stream.indirect.scatter.add.f32 [tilespmem:s21], [sflag:$0x8], $0x80, s18, s14, $0xb8;
	v63 =	vld [tilespmem:$0x0]  }
0x2a5: {  	_ =	swait.ge [sflag:s30], $0x2800  }
0x2a6: {  	[sflag:s30] =	ssyncset.done $0x0  }
0x2a7: {  	[sflag:s30] =	ssyncadd.s32 $0xFFFFD800  }
0x2a8: {  	_ =	swait.ge [sflag:s31], $0x2800  }
0x2a9: {  	[sflag:s31] =	ssyncset.done $0x0  }
0x2aa: {  	[sflag:s31] =	ssyncadd.s32 $0xFFFFD800  }
0x2ab: {  	_ =	swait.ge [sflag:s0], $0x2800  }
0x2ac: {  	[sflag:s0] =	ssyncset.done $0x0  }
0x2ad: {  	[sflag:s0] =	ssyncadd.s32 $0xFFFFD800  }
0x2ae: {  	_ =	swait.ge [sflag:s2], $0x2800  }
0x2af: {  	[sflag:s2] =	ssyncset.done $0x0  }
0x2b0: {  	s20 =	simm.s32 $0xA00;
	[sflag:s2] =	ssyncadd.s32 $0xFFFFD800  }
0x2b1: {  	[tilespmem:s15], [sflag:$0x1] =	stream.indirect.gather [hbm4b:s1+s14], $0x80, s20, s14, $0xb8;
	v63 =	vld [tilespmem:$0x0]  }
0x2b2: {  	_ = 	snop  }
0x2b3: {  	[tilespmem:s17], [sflag:$0x2] =	stream.indirect.gather [hbm4b:s1+s14], $0x80, s7, s14, $0xb8;
	v63 =	vld [tilespmem:$0x0]  }
0x2b4: {  	_ = 	snop  }
0x2b5: {  	[tilespmem:s19], [sflag:$0x3] =	stream.indirect.gather [hbm4b:s1+s14], $0x80, s8, s14, $0xb8;
	v63 =	vld [tilespmem:$0x0]  }
0x2b6: {  	_ = 	snop  }
0x2b7: {  	[tilespmem:s21], [sflag:$0x4] =	stream.indirect.gather [hbm4b:s1+s14], $0x80, s9, s14, $0xb8;
	v63 =	vld [tilespmem:$0x0]  }
0x2b8: {  	_ =	swait.ge [sflag:s22], $0x2800  }
0x2b9: {  	[sflag:s22] =	ssyncset.done $0x0  }
0x2ba: {  	[sflag:s22] =	ssyncadd.s32 $0xFFFFD800  }
0x2bb: {  	[spmem:s3] =	stream.indirect.scatter.add.f32 [tilespmem:s15], [sflag:$0x5], $0x80, s5, s14, $0xb8;
	v63 =	vld [tilespmem:$0x0]  }
0x2bc: {  	_ =	swait.ge [sflag:s23], $0x2800  }
0x2bd: {  	[sflag:s23] =	ssyncset.done $0x0  }
0x2be: {  	[sflag:s23] =	ssyncadd.s32 $0xFFFFD800  }
0x2bf: {  	[spmem:s3] =	stream.indirect.scatter.add.f32 [tilespmem:s17], [sflag:$0x6], $0x80, s6, s14, $0xb8;
	v63 =	vld [tilespmem:$0x0]  }
0x2c0: {  	_ =	swait.ge [sflag:s25], $0x2800  }
0x2c1: {  	[sflag:s25] =	ssyncset.done $0x0  }
0x2c2: {  	[sflag:s25] =	ssyncadd.s32 $0xFFFFD800  }
0x2c3: {  	[spmem:s3] =	stream.indirect.scatter.add.f32 [tilespmem:s19], [sflag:$0x7], $0x80, s11, s14, $0xb8;
	v63 =	vld [tilespmem:$0x0]  }
0x2c4: {  	_ =	swait.ge [sflag:s28], $0x2800  }
0x2c5: {  	[sflag:s28] =	ssyncset.done $0x0  }
0x2c6: {  	[sflag:s28] =	ssyncadd.s32 $0xFFFFD800  }
0x2c7: {  	[spmem:s3] =	stream.indirect.scatter.add.f32 [tilespmem:s21], [sflag:$0x8], $0x80, s24, s14, $0xb8;
	v63 =	vld [tilespmem:$0x0]  }
0x2c8: {  	_ =	swait.ge [sflag:s30], $0x2800  }
0x2c9: {  	[sflag:s30] =	ssyncset.done $0x0  }
0x2ca: {  	[sflag:s30] =	ssyncadd.s32 $0xFFFFD800  }
0x2cb: {  	_ =	swait.ge [sflag:s31], $0x2800  }
0x2cc: {  	[sflag:s31] =	ssyncset.done $0x0  }
0x2cd: {  	[sflag:s31] =	ssyncadd.s32 $0xFFFFD800  }
0x2ce: {  	_ =	swait.ge [sflag:s0], $0x2800  }
0x2cf: {  	[sflag:s0] =	ssyncset.done $0x0  }
0x2d0: {  	[sflag:s0] =	ssyncadd.s32 $0xFFFFD800  }
0x2d1: {  	_ =	swait.ge [sflag:s2], $0x2800  }
0x2d2: {  	[sflag:s2] =	ssyncset.done $0x0  }
0x2d3: {  	[sflag:s2] =	ssyncadd.s32 $0xFFFFD800  }
0x2d4: {  	[tilespmem:s15], [sflag:$0x1] =	stream.indirect.gather [hbm4b:s1+s14], $0x80, s26, s14, $0xb8;
	v63 =	vld [tilespmem:$0x0]  }
0x2d5: {  	_ =	swait.ge [sflag:s22], $0x2800  }
0x2d6: {  	[sflag:s22] =	ssyncset.done $0x0  }
0x2d7: {  	[sflag:s22] =	ssyncadd.s32 $0xFFFFD800  }
0x2d8: {  	[spmem:s3] =	stream.indirect.scatter.add.f32 [tilespmem:s15], [sflag:$0x9], $0x80, s29, s14, $0xb8;
	v63 =	vld [tilespmem:$0x0]  }
0x2d9: {  	s16 =	simm.s32 $0x200;
	_ =	swait.ge [sflag:s12], $0x2800  }
.LBB2_4:
0x2da: {  	s18 =	rddreg [dreg:$0x5];
	s20 =	smov.u32 s16;
	[sflag:s12] =	ssyncset.done $0x0  }
0x2db: {  	s18 =	sadd.s32 s20, s18;
	[sflag:s12] =	ssyncadd.s32 $0xFFFFD800  }
0x2dc: {  	[tilespmem:s4], [sflag:$0x9] =	stream.linear.gather [hbm4b:s18+s4], $0xC80, $0x38;
	v63 =	vld [tilespmem:$0x0]  }
0x2dd: {  	_ =	swait.ge [sflag:s12], $0xC80  }
0x2de: {  	[sflag:s12] =	ssyncset.done $0x0  }
0x2df: {  	s20 =	sadd.s32 s20, s10;
	[sflag:s12] =	ssyncadd.s32 $0xFFFFF380  }
0x2e0: {  	[tilespmem:s13], [sflag:$0x9] =	stream.linear.gather [hbm4b:s20+s4], $0xC80, $0x38;
	v63 =	vld [tilespmem:$0x0]  }
0x2e1: {  	_ =	swait.ge [sflag:s12], $0xC80  }
0x2e2: {  	[sflag:s12] =	ssyncset.done $0x0  }
0x2e3: {  	[sflag:s12] =	ssyncadd.s32 $0xFFFFF380  }
0x2e4: {  	[tilespmem:s15], [sflag:$0x1] =	stream.indirect.gather [hbm4b:s1+s14], $0x80, s4, s14, $0xb8;
	v63 =	vld [tilespmem:$0x0]  }
0x2e5: {  	s20 =	simm.s32 $0x80  }
0x2e6: {  	[tilespmem:s17], [sflag:$0x2] =	stream.indirect.gather [hbm4b:s1+s14], $0x80, s20, s14, $0xb8;
	v63 =	vld [tilespmem:$0x0]  }
0x2e7: {  	s20 =	simm.s32 $0x100  }
0x2e8: {  	[tilespmem:s19], [sflag:$0x3] =	stream.indirect.gather [hbm4b:s1+s14], $0x80, s20, s14, $0xb8;
	v63 =	vld [tilespmem:$0x0]  }
0x2e9: {  	s20 =	simm.s32 $0x180  }
0x2ea: {  	[tilespmem:s21], [sflag:$0x4] =	stream.indirect.gather [hbm4b:s1+s14], $0x80, s20, s14, $0xb8;
	v63 =	vld [tilespmem:$0x0]  }
0x2eb: {  	_ =	swait.ge [sflag:s22], $0x2800  }
0x2ec: {  	[sflag:s22] =	ssyncset.done $0x0  }
0x2ed: {  	[sflag:s22] =	ssyncadd.s32 $0xFFFFD800  }
0x2ee: {  	[spmem:s3] =	stream.indirect.scatter.add.f32 [tilespmem:s15], [sflag:$0x5], $0x80, s13, s14, $0xb8;
	v63 =	vld [tilespmem:$0x0]  }
0x2ef: {  	_ =	swait.ge [sflag:s23], $0x2800  }
0x2f0: {  	[sflag:s23] =	ssyncset.done $0x0  }
0x2f1: {  	s20 =	simm.s32 $0x1080;
	[sflag:s23] =	ssyncadd.s32 $0xFFFFD800  }
0x2f2: {  	[spmem:s3] =	stream.indirect.scatter.add.f32 [tilespmem:s17], [sflag:$0x6], $0x80, s20, s14, $0xb8;
	v63 =	vld [tilespmem:$0x0]  }
0x2f3: {  	_ =	swait.ge [sflag:s25], $0x2800  }
0x2f4: {  	[sflag:s25] =	ssyncset.done $0x0  }
0x2f5: {  	s20 =	simm.s32 $0x1100;
	[sflag:s25] =	ssyncadd.s32 $0xFFFFD800  }
0x2f6: {  	[spmem:s3] =	stream.indirect.scatter.add.f32 [tilespmem:s19], [sflag:$0x7], $0x80, s20, s14, $0xb8;
	v63 =	vld [tilespmem:$0x0]  }
0x2f7: {  	_ =	swait.ge [sflag:s28], $0x2800  }
0x2f8: {  	[sflag:s28] =	ssyncset.done $0x0  }
0x2f9: {  	s20 =	simm.s32 $0x1180;
	[sflag:s28] =	ssyncadd.s32 $0xFFFFD800  }
0x2fa: {  	[spmem:s3] =	stream.indirect.scatter.add.f32 [tilespmem:s21], [sflag:$0x8], $0x80, s20, s14, $0xb8;
	v63 =	vld [tilespmem:$0x0]  }
0x2fb: {  	_ =	swait.ge [sflag:s30], $0x2800  }
0x2fc: {  	[sflag:s30] =	ssyncset.done $0x0  }
0x2fd: {  	[sflag:s30] =	ssyncadd.s32 $0xFFFFD800  }
0x2fe: {  	_ =	swait.ge [sflag:s31], $0x2800  }
0x2ff: {  	[sflag:s31] =	ssyncset.done $0x0  }
0x300: {  	[sflag:s31] =	ssyncadd.s32 $0xFFFFD800  }
0x301: {  	_ =	swait.ge [sflag:s0], $0x2800  }
0x302: {  	[sflag:s0] =	ssyncset.done $0x0  }
0x303: {  	[sflag:s0] =	ssyncadd.s32 $0xFFFFD800  }
0x304: {  	_ =	swait.ge [sflag:s2], $0x2800  }
0x305: {  	[sflag:s2] =	ssyncset.done $0x0  }
0x306: {  	s20 =	simm.s32 $0x200;
	[sflag:s2] =	ssyncadd.s32 $0xFFFFD800  }
0x307: {  	[tilespmem:s15], [sflag:$0x1] =	stream.indirect.gather [hbm4b:s1+s14], $0x80, s20, s14, $0xb8;
	v63 =	vld [tilespmem:$0x0]  }
0x308: {  	s20 =	simm.s32 $0x280  }
0x309: {  	[tilespmem:s17], [sflag:$0x2] =	stream.indirect.gather [hbm4b:s1+s14], $0x80, s20, s14, $0xb8;
	v63 =	vld [tilespmem:$0x0]  }
0x30a: {  	s20 =	simm.s32 $0x300  }
0x30b: {  	[tilespmem:s19], [sflag:$0x3] =	stream.indirect.gather [hbm4b:s1+s14], $0x80, s20, s14, $0xb8;
	v63 =	vld [tilespmem:$0x0]  }
0x30c: {  	s20 =	simm.s32 $0x380  }
0x30d: {  	[tilespmem:s21], [sflag:$0x4] =	stream.indirect.gather [hbm4b:s1+s14], $0x80, s20, s14, $0xb8;
	v63 =	vld [tilespmem:$0x0]  }
0x30e: {  	_ =	swait.ge [sflag:s22], $0x2800  }
0x30f: {  	[sflag:s22] =	ssyncset.done $0x0  }
0x310: {  	s20 =	simm.s32 $0x1200;
	[sflag:s22] =	ssyncadd.s32 $0xFFFFD800  }
0x311: {  	[spmem:s3] =	stream.indirect.scatter.add.f32 [tilespmem:s15], [sflag:$0x5], $0x80, s20, s14, $0xb8;
	v63 =	vld [tilespmem:$0x0]  }
0x312: {  	_ =	swait.ge [sflag:s23], $0x2800  }
0x313: {  	[sflag:s23] =	ssyncset.done $0x0  }
0x314: {  	s20 =	simm.s32 $0x1280;
	[sflag:s23] =	ssyncadd.s32 $0xFFFFD800  }
0x315: {  	[spmem:s3] =	stream.indirect.scatter.add.f32 [tilespmem:s17], [sflag:$0x6], $0x80, s20, s14, $0xb8;
	v63 =	vld [tilespmem:$0x0]  }
0x316: {  	_ =	swait.ge [sflag:s25], $0x2800  }
0x317: {  	[sflag:s25] =	ssyncset.done $0x0  }
0x318: {  	s20 =	simm.s32 $0x1300;
	[sflag:s25] =	ssyncadd.s32 $0xFFFFD800  }
0x319: {  	[spmem:s3] =	stream.indirect.scatter.add.f32 [tilespmem:s19], [sflag:$0x7], $0x80, s20, s14, $0xb8;
	v63 =	vld [tilespmem:$0x0]  }
0x31a: {  	_ =	swait.ge [sflag:s28], $0x2800  }
0x31b: {  	[sflag:s28] =	ssyncset.done $0x0  }
0x31c: {  	s20 =	simm.s32 $0x1380;
	[sflag:s28] =	ssyncadd.s32 $0xFFFFD800  }
0x31d: {  	[spmem:s3] =	stream.indirect.scatter.add.f32 [tilespmem:s21], [sflag:$0x8], $0x80, s20, s14, $0xb8;
	v63 =	vld [tilespmem:$0x0]  }
0x31e: {  	_ =	swait.ge [sflag:s30], $0x2800  }
0x31f: {  	[sflag:s30] =	ssyncset.done $0x0  }
0x320: {  	[sflag:s30] =	ssyncadd.s32 $0xFFFFD800  }
0x321: {  	_ =	swait.ge [sflag:s31], $0x2800  }
0x322: {  	[sflag:s31] =	ssyncset.done $0x0  }
0x323: {  	[sflag:s31] =	ssyncadd.s32 $0xFFFFD800  }
0x324: {  	_ =	swait.ge [sflag:s0], $0x2800  }
0x325: {  	[sflag:s0] =	ssyncset.done $0x0  }
0x326: {  	[sflag:s0] =	ssyncadd.s32 $0xFFFFD800  }
0x327: {  	_ =	swait.ge [sflag:s2], $0x2800  }
0x328: {  	[sflag:s2] =	ssyncset.done $0x0  }
0x329: {  	s20 =	simm.s32 $0x400;
	[sflag:s2] =	ssyncadd.s32 $0xFFFFD800  }
0x32a: {  	[tilespmem:s15], [sflag:$0x1] =	stream.indirect.gather [hbm4b:s1+s14], $0x80, s20, s14, $0xb8;
	v63 =	vld [tilespmem:$0x0]  }
0x32b: {  	s20 =	simm.s32 $0x480  }
0x32c: {  	[tilespmem:s17], [sflag:$0x2] =	stream.indirect.gather [hbm4b:s1+s14], $0x80, s20, s14, $0xb8;
	v63 =	vld [tilespmem:$0x0]  }
0x32d: {  	s20 =	simm.s32 $0x500  }
0x32e: {  	[tilespmem:s19], [sflag:$0x3] =	stream.indirect.gather [hbm4b:s1+s14], $0x80, s20, s14, $0xb8;
	v63 =	vld [tilespmem:$0x0]  }
0x32f: {  	s20 =	simm.s32 $0x580  }
0x330: {  	[tilespmem:s21], [sflag:$0x4] =	stream.indirect.gather [hbm4b:s1+s14], $0x80, s20, s14, $0xb8;
	v63 =	vld [tilespmem:$0x0]  }
0x331: {  	_ =	swait.ge [sflag:s22], $0x2800  }
0x332: {  	[sflag:s22] =	ssyncset.done $0x0  }
0x333: {  	s20 =	simm.s32 $0x1400;
	[sflag:s22] =	ssyncadd.s32 $0xFFFFD800  }
0x334: {  	[spmem:s3] =	stream.indirect.scatter.add.f32 [tilespmem:s15], [sflag:$0x5], $0x80, s20, s14, $0xb8;
	v63 =	vld [tilespmem:$0x0]  }
0x335: {  	_ =	swait.ge [sflag:s23], $0x2800  }
0x336: {  	[sflag:s23] =	ssyncset.done $0x0  }
0x337: {  	s20 =	simm.s32 $0x1480;
	[sflag:s23] =	ssyncadd.s32 $0xFFFFD800  }
0x338: {  	[spmem:s3] =	stream.indirect.scatter.add.f32 [tilespmem:s17], [sflag:$0x6], $0x80, s20, s14, $0xb8;
	v63 =	vld [tilespmem:$0x0]  }
0x339: {  	_ =	swait.ge [sflag:s25], $0x2800  }
0x33a: {  	[sflag:s25] =	ssyncset.done $0x0  }
0x33b: {  	s20 =	simm.s32 $0x1500;
	[sflag:s25] =	ssyncadd.s32 $0xFFFFD800  }
0x33c: {  	[spmem:s3] =	stream.indirect.scatter.add.f32 [tilespmem:s19], [sflag:$0x7], $0x80, s20, s14, $0xb8;
	v63 =	vld [tilespmem:$0x0]  }
0x33d: {  	_ =	swait.ge [sflag:s28], $0x2800  }
0x33e: {  	[sflag:s28] =	ssyncset.done $0x0  }
0x33f: {  	s20 =	simm.s32 $0x1580;
	[sflag:s28] =	ssyncadd.s32 $0xFFFFD800  }
0x340: {  	[spmem:s3] =	stream.indirect.scatter.add.f32 [tilespmem:s21], [sflag:$0x8], $0x80, s20, s14, $0xb8;
	v63 =	vld [tilespmem:$0x0]  }
0x341: {  	_ =	swait.ge [sflag:s30], $0x2800  }
0x342: {  	[sflag:s30] =	ssyncset.done $0x0  }
0x343: {  	[sflag:s30] =	ssyncadd.s32 $0xFFFFD800  }
0x344: {  	_ =	swait.ge [sflag:s31], $0x2800  }
0x345: {  	[sflag:s31] =	ssyncset.done $0x0  }
0x346: {  	[sflag:s31] =	ssyncadd.s32 $0xFFFFD800  }
0x347: {  	_ =	swait.ge [sflag:s0], $0x2800  }
0x348: {  	[sflag:s0] =	ssyncset.done $0x0  }
0x349: {  	[sflag:s0] =	ssyncadd.s32 $0xFFFFD800  }
0x34a: {  	_ =	swait.ge [sflag:s2], $0x2800  }
0x34b: {  	[sflag:s2] =	ssyncset.done $0x0  }
0x34c: {  	s20 =	simm.s32 $0x600;
	[sflag:s2] =	ssyncadd.s32 $0xFFFFD800  }
0x34d: {  	[tilespmem:s15], [sflag:$0x1] =	stream.indirect.gather [hbm4b:s1+s14], $0x80, s20, s14, $0xb8;
	v63 =	vld [tilespmem:$0x0]  }
0x34e: {  	s20 =	simm.s32 $0x680  }
0x34f: {  	[tilespmem:s17], [sflag:$0x2] =	stream.indirect.gather [hbm4b:s1+s14], $0x80, s20, s14, $0xb8;
	v63 =	vld [tilespmem:$0x0]  }
0x350: {  	s20 =	simm.s32 $0x700  }
0x351: {  	[tilespmem:s19], [sflag:$0x3] =	stream.indirect.gather [hbm4b:s1+s14], $0x80, s20, s14, $0xb8;
	v63 =	vld [tilespmem:$0x0]  }
0x352: {  	s20 =	simm.s32 $0x780  }
0x353: {  	[tilespmem:s21], [sflag:$0x4] =	stream.indirect.gather [hbm4b:s1+s14], $0x80, s20, s14, $0xb8;
	v63 =	vld [tilespmem:$0x0]  }
0x354: {  	_ =	swait.ge [sflag:s22], $0x2800  }
0x355: {  	[sflag:s22] =	ssyncset.done $0x0  }
0x356: {  	s20 =	simm.s32 $0x1600;
	[sflag:s22] =	ssyncadd.s32 $0xFFFFD800  }
0x357: {  	[spmem:s3] =	stream.indirect.scatter.add.f32 [tilespmem:s15], [sflag:$0x5], $0x80, s20, s14, $0xb8;
	v63 =	vld [tilespmem:$0x0]  }
0x358: {  	_ =	swait.ge [sflag:s23], $0x2800  }
0x359: {  	[sflag:s23] =	ssyncset.done $0x0  }
0x35a: {  	s20 =	simm.s32 $0x1680;
	[sflag:s23] =	ssyncadd.s32 $0xFFFFD800  }
0x35b: {  	[spmem:s3] =	stream.indirect.scatter.add.f32 [tilespmem:s17], [sflag:$0x6], $0x80, s20, s14, $0xb8;
	v63 =	vld [tilespmem:$0x0]  }
0x35c: {  	_ =	swait.ge [sflag:s25], $0x2800  }
0x35d: {  	[sflag:s25] =	ssyncset.done $0x0  }
0x35e: {  	s20 =	simm.s32 $0x1700;
	[sflag:s25] =	ssyncadd.s32 $0xFFFFD800  }
0x35f: {  	[spmem:s3] =	stream.indirect.scatter.add.f32 [tilespmem:s19], [sflag:$0x7], $0x80, s20, s14, $0xb8;
	v63 =	vld [tilespmem:$0x0]  }
0x360: {  	_ =	swait.ge [sflag:s28], $0x2800  }
0x361: {  	[sflag:s28] =	ssyncset.done $0x0  }
0x362: {  	s20 =	simm.s32 $0x1780;
	[sflag:s28] =	ssyncadd.s32 $0xFFFFD800  }
0x363: {  	[spmem:s3] =	stream.indirect.scatter.add.f32 [tilespmem:s21], [sflag:$0x8], $0x80, s20, s14, $0xb8;
	v63 =	vld [tilespmem:$0x0]  }
0x364: {  	_ =	swait.ge [sflag:s30], $0x2800  }
0x365: {  	[sflag:s30] =	ssyncset.done $0x0  }
0x366: {  	[sflag:s30] =	ssyncadd.s32 $0xFFFFD800  }
0x367: {  	_ =	swait.ge [sflag:s31], $0x2800  }
0x368: {  	[sflag:s31] =	ssyncset.done $0x0  }
0x369: {  	[sflag:s31] =	ssyncadd.s32 $0xFFFFD800  }
0x36a: {  	_ =	swait.ge [sflag:s0], $0x2800  }
0x36b: {  	[sflag:s0] =	ssyncset.done $0x0  }
0x36c: {  	[sflag:s0] =	ssyncadd.s32 $0xFFFFD800  }
0x36d: {  	_ =	swait.ge [sflag:s2], $0x2800  }
0x36e: {  	[sflag:s2] =	ssyncset.done $0x0  }
0x36f: {  	s20 =	simm.s32 $0x800;
	[sflag:s2] =	ssyncadd.s32 $0xFFFFD800  }
0x370: {  	[tilespmem:s15], [sflag:$0x1] =	stream.indirect.gather [hbm4b:s1+s14], $0x80, s20, s14, $0xb8;
	v63 =	vld [tilespmem:$0x0]  }
0x371: {  	s20 =	simm.s32 $0x880  }
0x372: {  	[tilespmem:s17], [sflag:$0x2] =	stream.indirect.gather [hbm4b:s1+s14], $0x80, s20, s14, $0xb8;
	v63 =	vld [tilespmem:$0x0]  }
0x373: {  	s20 =	simm.s32 $0x900  }
0x374: {  	[tilespmem:s19], [sflag:$0x3] =	stream.indirect.gather [hbm4b:s1+s14], $0x80, s20, s14, $0xb8;
	v63 =	vld [tilespmem:$0x0]  }
0x375: {  	s20 =	simm.s32 $0x980  }
0x376: {  	[tilespmem:s21], [sflag:$0x4] =	stream.indirect.gather [hbm4b:s1+s14], $0x80, s20, s14, $0xb8;
	v63 =	vld [tilespmem:$0x0]  }
0x377: {  	_ =	swait.ge [sflag:s22], $0x2800  }
0x378: {  	[sflag:s22] =	ssyncset.done $0x0  }
0x379: {  	s20 =	simm.s32 $0x1800;
	[sflag:s22] =	ssyncadd.s32 $0xFFFFD800  }
0x37a: {  	[spmem:s3] =	stream.indirect.scatter.add.f32 [tilespmem:s15], [sflag:$0x5], $0x80, s20, s14, $0xb8;
	v63 =	vld [tilespmem:$0x0]  }
0x37b: {  	_ =	swait.ge [sflag:s23], $0x2800  }
0x37c: {  	[sflag:s23] =	ssyncset.done $0x0  }
0x37d: {  	s20 =	simm.s32 $0x1880;
	[sflag:s23] =	ssyncadd.s32 $0xFFFFD800  }
0x37e: {  	[spmem:s3] =	stream.indirect.scatter.add.f32 [tilespmem:s17], [sflag:$0x6], $0x80, s20, s14, $0xb8;
	v63 =	vld [tilespmem:$0x0]  }
0x37f: {  	_ =	swait.ge [sflag:s25], $0x2800  }
0x380: {  	[sflag:s25] =	ssyncset.done $0x0  }
0x381: {  	s20 =	simm.s32 $0x1900;
	[sflag:s25] =	ssyncadd.s32 $0xFFFFD800  }
0x382: {  	[spmem:s3] =	stream.indirect.scatter.add.f32 [tilespmem:s19], [sflag:$0x7], $0x80, s20, s14, $0xb8;
	v63 =	vld [tilespmem:$0x0]  }
0x383: {  	_ =	swait.ge [sflag:s28], $0x2800  }
0x384: {  	[sflag:s28] =	ssyncset.done $0x0  }
0x385: {  	s20 =	simm.s32 $0x1980;
	[sflag:s28] =	ssyncadd.s32 $0xFFFFD800  }
0x386: {  	[spmem:s3] =	stream.indirect.scatter.add.f32 [tilespmem:s21], [sflag:$0x8], $0x80, s20, s14, $0xb8;
	v63 =	vld [tilespmem:$0x0]  }
0x387: {  	_ =	swait.ge [sflag:s30], $0x2800  }
0x388: {  	[sflag:s30] =	ssyncset.done $0x0  }
0x389: {  	[sflag:s30] =	ssyncadd.s32 $0xFFFFD800  }
0x38a: {  	_ =	swait.ge [sflag:s31], $0x2800  }
0x38b: {  	[sflag:s31] =	ssyncset.done $0x0  }
0x38c: {  	[sflag:s31] =	ssyncadd.s32 $0xFFFFD800  }
0x38d: {  	_ =	swait.ge [sflag:s0], $0x2800  }
0x38e: {  	[sflag:s0] =	ssyncset.done $0x0  }
0x38f: {  	[sflag:s0] =	ssyncadd.s32 $0xFFFFD800  }
0x390: {  	_ =	swait.ge [sflag:s2], $0x2800  }
0x391: {  	[sflag:s2] =	ssyncset.done $0x0  }
0x392: {  	s20 =	simm.s32 $0xA00;
	[sflag:s2] =	ssyncadd.s32 $0xFFFFD800  }
0x393: {  	[tilespmem:s15], [sflag:$0x1] =	stream.indirect.gather [hbm4b:s1+s14], $0x80, s20, s14, $0xb8;
	v63 =	vld [tilespmem:$0x0]  }
0x394: {  	_ = 	snop  }
0x395: {  	[tilespmem:s17], [sflag:$0x2] =	stream.indirect.gather [hbm4b:s1+s14], $0x80, s7, s14, $0xb8;
	v63 =	vld [tilespmem:$0x0]  }
0x396: {  	_ = 	snop  }
0x397: {  	[tilespmem:s19], [sflag:$0x3] =	stream.indirect.gather [hbm4b:s1+s14], $0x80, s8, s14, $0xb8;
	v63 =	vld [tilespmem:$0x0]  }
0x398: {  	_ = 	snop  }
0x399: {  	[tilespmem:s21], [sflag:$0x4] =	stream.indirect.gather [hbm4b:s1+s14], $0x80, s9, s14, $0xb8;
	v63 =	vld [tilespmem:$0x0]  }
0x39a: {  	_ =	swait.ge [sflag:s22], $0x2800  }
0x39b: {  	[sflag:s22] =	ssyncset.done $0x0  }
0x39c: {  	[sflag:s22] =	ssyncadd.s32 $0xFFFFD800  }
0x39d: {  	[spmem:s3] =	stream.indirect.scatter.add.f32 [tilespmem:s15], [sflag:$0x5], $0x80, s5, s14, $0xb8;
	v63 =	vld [tilespmem:$0x0]  }
0x39e: {  	_ =	swait.ge [sflag:s23], $0x2800  }
0x39f: {  	[sflag:s23] =	ssyncset.done $0x0  }
0x3a0: {  	[sflag:s23] =	ssyncadd.s32 $0xFFFFD800  }
0x3a1: {  	[spmem:s3] =	stream.indirect.scatter.add.f32 [tilespmem:s17], [sflag:$0x6], $0x80, s6, s14, $0xb8;
	v63 =	vld [tilespmem:$0x0]  }
0x3a2: {  	_ =	swait.ge [sflag:s25], $0x2800  }
0x3a3: {  	[sflag:s25] =	ssyncset.done $0x0  }
0x3a4: {  	[sflag:s25] =	ssyncadd.s32 $0xFFFFD800  }
0x3a5: {  	[spmem:s3] =	stream.indirect.scatter.add.f32 [tilespmem:s19], [sflag:$0x7], $0x80, s11, s14, $0xb8;
	v63 =	vld [tilespmem:$0x0]  }
0x3a6: {  	_ =	swait.ge [sflag:s28], $0x2800  }
0x3a7: {  	[sflag:s28] =	ssyncset.done $0x0  }
0x3a8: {  	[sflag:s28] =	ssyncadd.s32 $0xFFFFD800  }
0x3a9: {  	[spmem:s3] =	stream.indirect.scatter.add.f32 [tilespmem:s21], [sflag:$0x8], $0x80, s24, s14, $0xb8;
	v63 =	vld [tilespmem:$0x0]  }
0x3aa: {  	_ =	swait.ge [sflag:s30], $0x2800  }
0x3ab: {  	[sflag:s30] =	ssyncset.done $0x0  }
0x3ac: {  	[sflag:s30] =	ssyncadd.s32 $0xFFFFD800  }
0x3ad: {  	_ =	swait.ge [sflag:s31], $0x2800  }
0x3ae: {  	[sflag:s31] =	ssyncset.done $0x0  }
0x3af: {  	[sflag:s31] =	ssyncadd.s32 $0xFFFFD800  }
0x3b0: {  	_ =	swait.ge [sflag:s0], $0x2800  }
0x3b1: {  	[sflag:s0] =	ssyncset.done $0x0  }
0x3b2: {  	[sflag:s0] =	ssyncadd.s32 $0xFFFFD800  }
0x3b3: {  	_ =	swait.ge [sflag:s2], $0x2800  }
0x3b4: {  	[sflag:s2] =	ssyncset.done $0x0  }
0x3b5: {  	p0 =	sne.s32 s16, $0x1200;
	[sflag:s2] =	ssyncadd.s32 $0xFFFFD800  }
0x3b6: {  	[tilespmem:s15], [sflag:$0x1] =	stream.indirect.gather [hbm4b:s1+s14], $0x80, s26, s14, $0xb8;
	v63 =	vld [tilespmem:$0x0]  }
.Ltmp1:
0x3b7: {  	_ =	swait.ge [sflag:s22], $0x2800;
	(pc) =	sbr.rel @p0 .LBB2_4-.Ltmp1, $4  }
0x3b8: {  	[sflag:s22] =	ssyncset.done $0x0  }
0x3b9: {  	[sflag:s22] =	ssyncadd.s32 $0xFFFFD800  }
0x3ba: {  	[spmem:s3] =	stream.indirect.scatter.add.f32 [tilespmem:s15], [sflag:$0x9], $0x80, s29, s14, $0xb8;
	v63 =	vld [tilespmem:$0x0]  }
0x3bb: {  	s16 =	sadd.s32 $0x200, s16;
	_ =	swait.ge [sflag:s12], $0x2800  }
0x3bc: {  	[sflag:s12] =	ssyncset.done $0x0  }
0x3bd: {  	[sflag:s12] =	ssyncadd.s32 $0xFFFFD800  }
0x3be: {  	[bflag:$0x0] =	sbarrier.arrive $0xFFFF  }
0x3bf: {  	s18 =	rddreg [dreg:$0x7]  }
0x3c0: {  	s16 =	rddreg [dreg:$0x9]  }
0x3c1: {  	s20 =	rddreg [dreg:$0xb]  }
0x3c2: {  	[hbm:s16], [sflag:s18] =	dma.local [spmem:s20], $0x2800  }
0x3c3: {  	_ =	swait.ge [sflag:s12], $0x2800  }
0x3c4: {  	s5 =	rddreg [dreg:$0xc]  }
0x3c5: {  	s16 =	rddreg [dreg:$0xa];
	s5 =	sadd.s32 $0x1, s5  }
0x3c6: {  	p0 =	sne.s32 s5, s16  }
.Ltmp2:
0x3c7: {  	_ = 	snop;
	(pc) =	sbr.rel @p0 .LBB2_1-.Ltmp2, $3  }
0x3c8: {  	[sflag:s12] =	ssyncset.done $0x0  }
0x3c9: {  	[sflag:s12] =	ssyncadd.s32 $0xFFFFD800  }
0x3ca: {  	[bflag:$0x0] =	sbarrier.arrive $0xFFFF;
	_ =	sdelay $0x1  }
0x3cb: {  	_ =	sfence.sel $0x180000  }
0x3cc: {  	[bflag:$0x0] =	sbarrier.arrive $0xFFFF  }
0x3cd: {  	_ =	strace $0x9000004A  }
0x3ce: {  	s0 =	stileid.u32;
	[bflag:$0x2] =	sbarrier.arrive $0xFFFF  }
0x3cf: {  	p0 =	sne.s32 s0, $0x0;
	s0 =	rddreg [dreg:$0x3]  }
0x3d0: {  	s0 =	sadd.s32 @!p0 $0x100000, s0  }
0x3d1: {  	[sflag:s0] =	ssyncadd.tile.s32 @!p0 $0x1;
	_ =	shalt  }
.Lfunc_end2:
_tile_overlayer_lowered:
.L_overlay_start_2:
0x3d2: {  	(tag) =	ssettag $0x2  }
0x3d3: {  	s0 =	rddreg [dreg:$0x0];
	s2 =	stileid.u32  }
0x3d4: {  	s1 =	rddreg [dreg:$0x1];
	p0 =	sne.s32 s2, $0x0  }
0x3d5: {  	s3 =	rddreg [dreg:$0x2];
	[bflag:$0x3] =	sbarrier.arrive $0xFFFF;
	s2 =	simm.s32 @!p0 $0x1C09  }
0x3d6: {  	[timem:s3], [sflag:s2] =	dma.local @!p0 [hbm:s0], s1  }
0x3d7: {  	s0 =	simm.s32 @!p0 $0x9  }
0x3d8: {  	_ =	swait.ge @!p0 [sflag:s0], s1  }
0x3d9: {  	s1 =	ssub.s32 @!p0 $0x0, s1;
	[sflag:s0] =	ssyncset.done @!p0 $0x0  }
0x3da: {  	[sflag:s0] =	ssyncadd.s32 @!p0 s1  }
0x3db: {  	[bflag:$0x3] =	sbarrier.arrive $0xFFFF  }
0x3dc: {  	_ =	shalt  }

// kernel: kernel.8.cloned.1.call-start
scs
__scs_entry_jumppad:
0x0: {  	(pc) =	sbr.rel $0x88, $3  }
0x1: {  	(tag) =	ssettag $0x0;
	lr =	simm.s32 $0x1  }
0x2: {  	[smem:$0x3F9A] =	sst lr;
	_ =	strace $0xD0000000  }
0x3: {  	_ = 	snop  }
0x4: {  	_ = 	snop  }
0x5: {  	_ = 	snop  }
0x6: {  	_ = 	snop  }
0x7: {  	_ = 	snop  }
__scs_overlays_trampoline_lowered:
0x8: {  	[smem:$0x3FA9] =	sst s0  }
0x9: {  	[smem:$0x3FAA] =	sst s1  }
0xa: {  	[smem:$0x3FAB] =	sst s2  }
0xb: {  	[smem:$0x3FAC] =	sst s3  }
0xc: {  	[smem:$0x3FAD] =	sst s4  }
0xd: {  	[smem:$0x3FAE] =	sst s5  }
0xe: {  	[smem:$0x3FAF] =	sst s6  }
0xf: {  	[smem:$0x3FB0] =	sst s7  }
0x10: {  	[smem:$0x3FB1] =	sst s8  }
0x11: {  	[smem:$0x3FB2] =	sst s9;
	s0 =	simm.s32 @!p0 $0x0  }
0x12: {  	s1 =	sld [smem:$0x3F98];
	s0 =	simm.s32 @p0 $0x1  }
0x13: {  	[smem:$0x3FB3] =	sst s0;
	s0 =	simm.s32 @!p1 $0x0  }
0x14: {  	s2 =	sld [smem:$0x3F97];
	s0 =	simm.s32 @p1 $0x1  }
0x15: {  	[smem:$0x3FB4] =	sst s0;
	s0 =	simm.s32 @!p2 $0x0  }
0x16: {  	s3 =	sld [smem:$0x3FDB];
	s0 =	simm.s32 @p2 $0x1  }
0x17: {  	s4 =	simm.s32 $0x1BF5;
	[smem:$0x3FB6] =	sst s0  }
0x18: {  	s0 =	sld [smem:$0x3F99];
	_ =	swait.ge [sflag:s4], $0x0  }
0x19: {  	s7 =	sld [smem:$0x3F9A]  }
0x1a: {  	s8 =	sadd.s32 $0xFFFFE003, lr  }
0x1b: {  	s9 =	sadd.s32 $0xFFFFFEF7, lr;
	s5 =	simm.s32 $0xFFFFFFFF;
	p2 =	slt.u32 s8, $0xFFFFF086  }
0x1c: {  	p1 =	slt.u32 s9, $0xF7A;
	s5 =	simm.s32 @!p2 $0x0  }
0x1d: {  	s5 =	simm.s32 @p1 $0x1;
	p0 =	seq.s32 s7, s2  }
0x1e: {  	s7 =	smul.u32 @!p0 $0xF7A, s2;
	p2 =	seq.s32 @!p0 s5, $0x0  }
0x1f: {  	s9 =	smul.u32 $0xF7A, s1;
	s8 =	simm.s32 @!p0 $0x1BF5;
	p2 =	por !p2, p0  }
0x20: {  	[sflag:s8] =	ssyncset.s32 @!p0 $0xFFFFF086;
	s6 =	sadd.s32 @!p0 s3, s7;
	s7 =	simm.s32 @!p0 $0x108  }
0x21: {  	s3 =	sadd.s32 s3, s9;
	s6 =	sadd.s32 @!p0 $0x88, s6;
	s7 =	simm.s32 @p2 $0x1082  }
0x22: {  	[simem:s7], [sflag:s8] =	dma.local @!p0 [hbm:s6], $0xF7A  }
0x23: {  	s9 =	sor.u32 $0xD0000000, s2;
	s6 =	simm.s32 $0x108;
	_ =	swait.ge @!p0 [sflag:s8], $0x0  }
0x24: {  	s3 =	sadd.s32 $0x88, s3;
	s6 =	simm.s32 @!p1 $0x1082;
	[sflag:s4] =	ssyncset.s32 $0xFFFFF086  }
0x25: {  	[simem:s6], [sflag:s4] =	dma.local [hbm:s3], $0xF7A  }
0x26: {  	[smem:$0x3F9A] =	sst s1;
	(tag) =	ssettag s2;
	_ =	strace s9  }
0x27: {  	s1 =	sld [smem:$0x3FAA]  }
0x28: {  	s2 =	sld [smem:$0x3FAB]  }
0x29: {  	s4 =	sld [smem:$0x3FAD]  }
0x2a: {  	p0 =	seq.s32 s5, $0x0;
	s5 =	sld [smem:$0x3FAE]  }
0x2b: {  	s6 =	sld [smem:$0x3FAF]  }
0x2c: {  	s7 =	sld [smem:$0x3FB0]  }
0x2d: {  	s3 =	simm.s32 $0x108;
	s8 =	sld [smem:$0x3FB1]  }
0x2e: {  	s3 =	simm.s32 @!p0 $0x1082;
	s9 =	sld [smem:$0x3FB2]  }
0x2f: {  	lr =	sadd.s32 s0, s3;
	s0 =	sld [smem:$0x3FA9]  }
0x30: {  	s3 =	sld [smem:$0x3FAC]  }
0x31: {  	[smem:$0x3FB5] =	sst s10  }
0x32: {  	s10 =	sld [smem:$0x3FB3];
	_ =	sdelay $0x3  }
0x33: {  	p0 =	seq.s32 s10, $0x1;
	s10 =	sld [smem:$0x3FB5];
	_ =	sdelay $0x3  }
0x34: {  	[smem:$0x3FB5] =	sst s10  }
0x35: {  	s10 =	sld [smem:$0x3FB4];
	_ =	sdelay $0x3  }
0x36: {  	p1 =	seq.s32 s10, $0x1;
	s10 =	sld [smem:$0x3FB5];
	_ =	sdelay $0x3  }
0x37: {  	[smem:$0x3FB5] =	sst s10  }
0x38: {  	s10 =	sld [smem:$0x3FB6]  }
0x39: {  	_ = 	snop;
	(pc) =	sbr.ind lr, $3  }
0x3a: {  	_ = 	snop  }
0x3b: {  	_ = 	snop  }
0x3c: {  	p2 =	seq.s32 s10, $0x1;
	s10 =	sld [smem:$0x3FB5]  }
0x3d: {  	_ =	shalt  }
0x3e: {  	_ =	shalt  }
0x3f: {  	_ =	shalt  }
0x40: {  	_ =	shalt  }
0x41: {  	_ =	shalt  }
0x42: {  	_ =	shalt  }
0x43: {  	_ =	shalt  }
0x44: {  	_ =	shalt  }
0x45: {  	_ =	shalt  }
0x46: {  	_ =	shalt  }
0x47: {  	_ =	shalt  }
0x48: {  	_ =	shalt  }
0x49: {  	_ =	shalt  }
0x4a: {  	_ =	shalt  }
0x4b: {  	_ =	shalt  }
0x4c: {  	_ =	shalt  }
0x4d: {  	_ =	shalt  }
0x4e: {  	_ =	shalt  }
0x4f: {  	_ =	shalt  }
0x50: {  	_ =	shalt  }
0x51: {  	_ =	shalt  }
0x52: {  	_ =	shalt  }
0x53: {  	_ =	shalt  }
0x54: {  	_ =	shalt  }
0x55: {  	_ =	shalt  }
0x56: {  	_ =	shalt  }
0x57: {  	_ =	shalt  }
0x58: {  	_ =	shalt  }
0x59: {  	_ =	shalt  }
0x5a: {  	_ =	shalt  }
0x5b: {  	_ =	shalt  }
0x5c: {  	_ =	shalt  }
0x5d: {  	_ =	shalt  }
0x5e: {  	_ =	shalt  }
0x5f: {  	_ =	shalt  }
0x60: {  	_ =	shalt  }
0x61: {  	_ =	shalt  }
0x62: {  	_ =	shalt  }
0x63: {  	_ =	shalt  }
0x64: {  	_ =	shalt  }
0x65: {  	_ =	shalt  }
0x66: {  	_ =	shalt  }
0x67: {  	_ =	shalt  }
0x68: {  	_ =	shalt  }
0x69: {  	_ =	shalt  }
0x6a: {  	_ =	shalt  }
0x6b: {  	_ =	shalt  }
0x6c: {  	_ =	shalt  }
0x6d: {  	_ =	shalt  }
0x6e: {  	_ =	shalt  }
0x6f: {  	_ =	shalt  }
0x70: {  	_ =	shalt  }
0x71: {  	_ =	shalt  }
0x72: {  	_ =	shalt  }
0x73: {  	_ =	shalt  }
0x74: {  	_ =	shalt  }
0x75: {  	_ =	shalt  }
0x76: {  	_ =	shalt  }
0x77: {  	_ =	shalt  }
0x78: {  	_ =	shalt  }
0x79: {  	_ =	shalt  }
0x7a: {  	_ =	shalt  }
0x7b: {  	_ =	shalt  }
0x7c: {  	_ =	shalt  }
0x7d: {  	_ =	shalt  }
0x7e: {  	_ =	shalt  }
0x7f: {  	_ =	shalt  }
0x80: {  	_ =	shalt  }
0x81: {  	_ =	shalt  }
0x82: {  	_ =	shalt  }
0x83: {  	_ =	shalt  }
0x84: {  	_ =	shalt  }
0x85: {  	_ =	shalt  }
0x86: {  	_ =	shalt  }
0x87: {  	_ =	shalt  }
.Lfunc_end0:
.L_simem_size_0:
called_computation_lowered:
.L_overlay_start_0:
0x88: {  	s2 =	sld [smem:$0x3FD9]  }
0x89: {  	s3 =	sld [smem:$0x3FFE];
	_ =	sdelay $0x1  }
0x8a: {  	s1 =	srdreg.scid  }
0x8b: {  	s0 =	sand.u32 $0x1, s1  }
0x8c: {  	s17 =	sshll.u32 s0, $0xA;
	s2 =	sadd.s32 s3, s2  }
0x8d: {  	s2 =	sadd.s32 s2, s17  }
0x8e: {  	[smem:$0x3FC1] =	sst s2  }
0x8f: {  	_ = 	snop  }
0x90: {  	s2 =	sld [smem:$0x3FC9]  }
0x91: {  	s18 =	sld [smem:$0x3FD0];
	(tm) =	ssettm $0x1  }
0x92: {  	s4 =	sld [smem:$0x3FFB];
	_ =	sdelay $0x3  }
0x93: {  	_ =	strace s4  }
0x94: {  	s4 =	sld [smem:$0x3FFC];
	_ =	sdelay $0x3  }
0x95: {  	_ =	strace s4  }
0x96: {  	s4 =	sld [smem:$0x3FFD];
	_ =	sdelay $0x3  }
0x97: {  	_ =	strace s4  }
0x98: {  	_ =	strace $0x8FFFFFFF  }
0x99: {  	s19 =	sld [smem:$0x3FDB];
	_ =	sdelay $0x1  }
0x9a: {  	s5 =	simm.s32 $_scs_section_size  }
0x9b: {  	s6 =	simm.s32 $_size__tile_overlayer_lowered;
	s7 =	simm.s32 $_tile_overlayer_lowered  }
0x9c: {  	s22 =	simm.s32 $0x1BFF;
	s21 =	sshll.u32 s7, $0x1;
	s4 =	sadd.s32 s5, s19  }
0x9d: {  	s8 =	simm.s32 $0x0;
	s20 =	sshll.u32 s6, $0x1;
	s6 =	sadd.s32 s21, s4  }
0x9e: {  	[timem:s8], [sflag:s22] =	dma.local [hbm:s6], s20  }
0x9f: {  	_ =	swait.ge [sflag:s22], s20  }
0xa0: {  	s5 =	ssub.s32 $0x0, s20;
	[sflag:s22] =	ssyncset.done $0x0  }
0xa1: {  	[sflag:s22] =	ssyncadd.s32 s5;
	_ =	sdelay $0x1  }
0xa2: {  	s23 =	simm.s32 $0x1B8B  }
0xa3: {  	_ =	swait.ge [sflag:s23], $0x1  }
0xa4: {  	[sflag:s23] =	ssyncset.done $0x0  }
0xa5: {  	s25 =	simm.s32 $0x1B8E;
	s24 =	sld [smem:$0x3FFE];
	[sflag:s23] =	ssyncadd.s32 $0xFFFFFFFF  }
0xa6: {  	s26 =	simm.s32 $execute0_lowered;
	[smem:$0x3FD2] =	sst s25  }
0xa7: {  	s6 =	sshll.u32 s26, $0x1;
	_ =	strace $0x80000046;
	[dreg:$0x1] =	wrdreg $0xFFFFFFFF  }
0xa8: {  	s28 =	simm.s32 $_size_execute0_lowered;
	s4 =	sadd.s32 s4, s6;
	[dreg:$0x0] =	wrdreg $0x0  }
0xa9: {  	s6 =	sshll.u32 s28, $0x1;
	[dreg:$0x2] =	wrdreg s4  }
0xaa: {  	[dreg:$0x3] =	wrdreg s6  }
0xab: {  	[dreg:$0x4] =	wrdreg $0xC0  }
0xac: {  	_ =	task [dreg:s8], $0x5FFFF  }
0xad: {  	[dreg:$0x1] =	wrdreg $0xFFFFFFFF  }
0xae: {  	[dreg:$0x0] =	wrdreg $0x60  }
0xaf: {  	[dreg:$0x2] =	wrdreg s2  }
0xb0: {  	[dreg:$0x3] =	wrdreg s24  }
0xb1: {  	[dreg:$0x4] =	wrdreg s18  }
0xb2: {  	[dreg:$0x5] =	wrdreg $0xC0000  }
0xb3: {  	[dreg:$0x6] =	wrdreg $0x9  }
0xb4: {  	_ =	task.clear_ibuf [dreg:s8], $0x7FFFF;
	_ =	strace $0x90000046  }
0xb5: {  	s29 =	simm.s32 $0x9;
	_ =	strace $0x80000048  }
0xb6: {  	_ =	swait.ge [sflag:s29], $0x1  }
0xb7: {  	[sflag:s29] =	ssyncadd.s32 $0xFFFFFFFF  }
0xb8: {  	_ =	strace $0x90000048  }
0xb9: {  	_ =	sfence  }
0xba: {  	s30 =	sld [smem:$0x0];
	_ =	sdelay $0x2  }
0xbb: {  	s31 =	sshll.u32 s1, $0xD;
	s1 =	sshrl.u32 s1, $0x2  }
0xbc: {  	s3 =	sand.u32 $0x4000, s31;
	s1 =	sadd.s32 s1, s30  }
0xbd: {  	s0 =	sor.u32 s3, s0;
	s1 =	sshll.u32 s1, $0x11  }
0xbe: {  	s0 =	sor.u32 s1, s0  }
0xbf: {  	s0 =	sadd.s32 $0x8F2B, s0  }
0xc0: {  	[sflag:s0] =	ssyncadd.remote.s32 $0x1  }
0xc1: {  	_ =	sfence.sel $0xFFFF  }
0xc2: {  	[dreg:$0x0] =	wrdreg $0xFFFFFFFF;
	(pc) =	sbr.abs _section_cstart, $3  }
0xc3: {  	[dreg:$0x1] =	wrdreg $0xFFFFFFFF  }
0xc4: {  	_ =	task.clear_ibuf [dreg:s8], $0x2FFFF;
	_ =	strace $0x9FFFFFFF  }
0xc5: {  	(tm) =	ssettm $0x7FFFFFFF  }
tec
execute0_lowered:
.L_overlay_start_1:
0x0: {  	(tag) =	ssettag $0x1  }
0x1: {  	s1 =	rddreg [dreg:$0x0]  }
0x2: {  	s0 =	rddreg [dreg:$0x1]  }
0x3: {  	s2 =	rddreg [dreg:$0x2]  }
0x4: {  	s3 =	rddreg [dreg:$0x3]  }
0x5: {  	s12 =	stileid.u32;
	s6 =	srdreg.scid;
	s4 =	simm.s32 $0x0  }
0x6: {  	s26 =	simm.s32 $0x80;
	s13 =	simm.s32 $0x180;
	s15 =	simm.s32 $0x200  }
0x7: {  	s16 =	simm.s32 $0x280;
	[smem:$0x7FF] =	sst s4;
	s10 =	sadd.s32 $0x2B400, s0  }
0x8: {  	s17 =	simm.s32 $0x300;
	_ =	strace $0x80000047;
	[dreg:$0x1f] =	wrdreg s10  }
0x9: {  	s19 =	simm.s32 $0x380;
	s4 =	simm.s32 $0x100;
	[dreg:$0x6] =	wrdreg s26  }
0xa: {  	s20 =	simm.s32 $0x400;
	s21 =	simm.s32 $0x480;
	[dreg:$0x7] =	wrdreg s4  }
0xb: {  	s28 =	simm.s32 $0x5;
	s29 =	simm.s32 $0x6;
	[dreg:$0x8] =	wrdreg s13  }
0xc: {  	s30 =	simm.s32 $0x7;
	s5 =	smul.u32 $0x1400, s12;
	[dreg:$0x9] =	wrdreg s15  }
0xd: {  	s31 =	simm.s32 $0x8;
	s7 =	smul.u32 $0x14000, s12;
	[dreg:$0xa] =	wrdreg s16  }
0xe: {  	s6 =	sand.u32 $0x1, s6;
	s11 =	smul.u32 $0x50000, s12;
	[dreg:$0xb] =	wrdreg s17  }
0xf: {  	s18 =	sshll.u32 s12, $0x6;
	s8 =	smul.u32 $0x140000, s6;
	[dreg:$0xc] =	wrdreg s19  }
0x10: {  	s12 =	simm.s32 $0xA00;
	s9 =	smul.u32 $0xA00, s6;
	[dreg:$0xd] =	wrdreg s20  }
0x11: {  	s6 =	ssub.s32 $0x2, s6;
	s22 =	sor.u32 $0x1C09, s18;
	[dreg:$0xe] =	wrdreg s21  }
0x12: {  	s4 =	simm.s32 $0x600;
	s13 =	simm.s32 $0x9;
	s15 =	simm.s32 $0x50  }
0x13: {  	s16 =	simm.s32 $0x2000;
	s17 =	simm.s32 $0x4800;
	s18 =	simm.s32 $0x7000  }
0x14: {  	[dreg:$0x19] =	wrdreg s12;
	s5 =	sadd.s32 s5, s0;
	s23 =	sshrl.u32 s7, $0x3  }
0x15: {  	s25 =	sshrl.u32 s6, $0x1;
	s14 =	sshrl.u32 s11, $0x2;
	[dreg:$0x11] =	wrdreg s4  }
0x16: {  	s11 =	simm.s32 $0x980;
	[smem:$0x7FC] =	sst s22;
	s24 =	sadd.s32 s23, s0  }
0x17: {  	s5 =	sadd.s32 s9, s5;
	s23 =	simm.s32 $0x500;
	[dreg:$0x18] =	wrdreg s11  }
0x18: {  	s6 =	ssub.s32 s6, s25;
	s25 =	simm.s32 $0x580;
	[dreg:$0xf] =	wrdreg s23  }
0x19: {  	s10 =	sadd.s32 s14, s3;
	s14 =	simm.s32 $0xA80;
	[dreg:$0x10] =	wrdreg s25  }
0x1a: {  	s19 =	simm.s32 $0x9800;
	s9 =	sadd.s32 $0x17400, s5;
	[dreg:$0x1a] =	wrdreg s14  }
0x1b: {  	s7 =	sadd.s32 s7, s8;
	s8 =	sadd.s32 $0x2BA00, s24;
	[dreg:$0x5] =	wrdreg s9  }
0x1c: {  	s20 =	simm.s32 $0x1;
	s24 =	smax.u32 s6, $0x1;
	[smem:$0x7F8] =	sst s8  }
0x1d: {  	s21 =	simm.s32 $0x2;
	s26 =	sadd.s32 $0x3400, s5;
	[smem:$0x7FB] =	sst s24  }
0x1e: {  	s12 =	simm.s32 $0x1880;
	s5 =	simm.s32 $0x680;
	[dreg:$0x1e] =	wrdreg s26  }
0x1f: {  	s4 =	simm.s32 $0x1900;
	s6 =	simm.s32 $0x700;
	[dreg:$0x12] =	wrdreg s5  }
0x20: {  	s11 =	simm.s32 $0x0;
	s23 =	simm.s32 $0xB00;
	[dreg:$0x13] =	wrdreg s6  }
0x21: {  	s7 =	sshrl.u32 s7, $0x3;
	s25 =	simm.s32 $0xB80;
	[dreg:$0x1b] =	wrdreg s23  }
0x22: {  	s0 =	sadd.s32 s7, s0;
	s2 =	sadd.s32 s2, s7;
	[dreg:$0x1c] =	wrdreg s25  }
0x23: {  	s24 =	sshrl.u32 s10, $0x3;
	s7 =	simm.s32 $0x780;
	[smem:$0x7F9] =	sst s2  }
0x24: {  	s8 =	simm.s32 $0x800;
	s9 =	simm.s32 $0x880;
	[dreg:$0x14] =	wrdreg s7  }
0x25: {  	s10 =	simm.s32 $0x900;
	s23 =	simm.s32 $0x3;
	[dreg:$0x15] =	wrdreg s8  }
0x26: {  	s26 =	simm.s32 $0xC00;
	s25 =	simm.s32 $0x4;
	[dreg:$0x16] =	wrdreg s9  }
0x27: {  	s5 =	simm.s32 $0x1A00;
	s6 =	simm.s32 $0x1C00;
	[dreg:$0x17] =	wrdreg s10  }
0x28: {  	s0 =	sadd.s32 $0x53A00, s0;
	[dreg:$0x1d] =	wrdreg s26;
	s7 =	simm.s32 $0x1800  }
0x29: {  	s2 =	simm.s32 $0x1980;
	s8 =	simm.s32 $0x1A80;
	[smem:$0x7FD] =	sst s24  }
0x2a: {  	s9 =	simm.s32 $0x1B00;
	s10 =	simm.s32 $0x1B80;
	[smem:$0x7FA] =	sst s0  }
.LBB2_1:
0x2b: {  	s0 =	sld [smem:$0x7F8];
	_ =	sdelay $0x1  }
0x2c: {  	[smem:$0x7F7] =	sst s11  }
0x2d: {  	[spmem:s24], [sflag:s22] =	dma.local [hbm:s0], $0x2800  }
0x2e: {  	_ =	swait.ge [sflag:s13], $0x2800  }
0x2f: {  	[sflag:s13] =	ssyncset.done $0x0  }
0x30: {  	[sflag:s13] =	ssyncadd.s32 $0xFFFFD800  }
0x31: {  	[bflag:$0x0] =	sbarrier.arrive $0xFFFF  }
0x32: {  	s24 =	rddreg [dreg:$0x5]  }
0x33: {  	s0 =	simm.s32 $0x0;
	s22 =	sadd.s32 $0x0, s24  }
0x34: {  	[tilespmem:s0], [sflag:$0x9] =	stream.linear.gather [hbm4b:s22+s0], $0xC80, $0x38;
	v63 =	vld [tilespmem:$0x0]  }
0x35: {  	_ =	swait.ge [sflag:s13], $0xC80  }
0x36: {  	[sflag:s13] =	ssyncset.done $0x0;
	s26 =	rddreg [dreg:$0x1e]  }
0x37: {  	s14 =	simm.s32 $0x1000;
	[sflag:s13] =	ssyncadd.s32 $0xFFFFF380;
	s11 =	sadd.s32 $0x0, s26  }
0x38: {  	[tilespmem:s14], [sflag:$0x9] =	stream.linear.gather [hbm4b:s11+s0], $0xC80, $0x38;
	v63 =	vld [tilespmem:$0x0]  }
0x39: {  	_ =	swait.ge [sflag:s13], $0xC80  }
0x3a: {  	[sflag:s13] =	ssyncset.done $0x0  }
0x3b: {  	[sflag:s13] =	ssyncadd.s32 $0xFFFFF380  }
0x3c: {  	[tilespmem:s16], [sflag:$0x1] =	stream.indirect.gather [hbm4b:s1+s15], $0x80, s0, s15, $0xb8;
	v63 =	vld [tilespmem:$0x0]  }
0x3d: {  	s24 =	rddreg [dreg:$0x6]  }
0x3e: {  	[tilespmem:s17], [sflag:$0x2] =	stream.indirect.gather [hbm4b:s1+s15], $0x80, s24, s15, $0xb8;
	v63 =	vld [tilespmem:$0x0]  }
0x3f: {  	s26 =	rddreg [dreg:$0x7]  }
0x40: {  	[tilespmem:s18], [sflag:$0x3] =	stream.indirect.gather [hbm4b:s1+s15], $0x80, s26, s15, $0xb8;
	v63 =	vld [tilespmem:$0x0]  }
0x41: {  	s0 =	rddreg [dreg:$0x8]  }
0x42: {  	[tilespmem:s19], [sflag:$0x4] =	stream.indirect.gather [hbm4b:s1+s15], $0x80, s0, s15, $0xb8;
	v63 =	vld [tilespmem:$0x0]  }
0x43: {  	_ =	swait.ge [sflag:s20], $0x2800  }
0x44: {  	[sflag:s20] =	ssyncset.done $0x0  }
0x45: {  	[sflag:s20] =	ssyncadd.s32 $0xFFFFD800  }
0x46: {  	[spmem:s3] =	stream.indirect.scatter.add.f32 [tilespmem:s16], [sflag:$0x5], $0x80, s14, s15, $0xb8;
	v63 =	vld [tilespmem:$0x0]  }
0x47: {  	_ =	swait.ge [sflag:s21], $0x2800  }
0x48: {  	[sflag:s21] =	ssyncset.done $0x0  }
0x49: {  	s14 =	simm.s32 $0x1080;
	[sflag:s21] =	ssyncadd.s32 $0xFFFFD800  }
0x4a: {  	[spmem:s3] =	stream.indirect.scatter.add.f32 [tilespmem:s17], [sflag:$0x6], $0x80, s14, s15, $0xb8;
	v63 =	vld [tilespmem:$0x0]  }
0x4b: {  	_ =	swait.ge [sflag:s23], $0x2800  }
0x4c: {  	[sflag:s23] =	ssyncset.done $0x0  }
0x4d: {  	s22 =	simm.s32 $0x1100;
	[sflag:s23] =	ssyncadd.s32 $0xFFFFD800  }
0x4e: {  	[spmem:s3] =	stream.indirect.scatter.add.f32 [tilespmem:s18], [sflag:$0x7], $0x80, s22, s15, $0xb8;
	v63 =	vld [tilespmem:$0x0]  }
0x4f: {  	_ =	swait.ge [sflag:s25], $0x2800  }
0x50: {  	[sflag:s25] =	ssyncset.done $0x0  }
0x51: {  	s24 =	simm.s32 $0x1180;
	[sflag:s25] =	ssyncadd.s32 $0xFFFFD800  }
0x52: {  	[spmem:s3] =	stream.indirect.scatter.add.f32 [tilespmem:s19], [sflag:$0x8], $0x80, s24, s15, $0xb8;
	v63 =	vld [tilespmem:$0x0]  }
0x53: {  	_ =	swait.ge [sflag:s28], $0x2800  }
0x54: {  	[sflag:s28] =	ssyncset.done $0x0  }
0x55: {  	[sflag:s28] =	ssyncadd.s32 $0xFFFFD800  }
0x56: {  	_ =	swait.ge [sflag:s29], $0x2800  }
0x57: {  	[sflag:s29] =	ssyncset.done $0x0  }
0x58: {  	[sflag:s29] =	ssyncadd.s32 $0xFFFFD800  }
0x59: {  	_ =	swait.ge [sflag:s30], $0x2800  }
0x5a: {  	[sflag:s30] =	ssyncset.done $0x0  }
0x5b: {  	[sflag:s30] =	ssyncadd.s32 $0xFFFFD800  }
0x5c: {  	_ =	swait.ge [sflag:s31], $0x2800  }
0x5d: {  	[sflag:s31] =	ssyncset.done $0x0  }
0x5e: {  	s26 =	rddreg [dreg:$0x9];
	[sflag:s31] =	ssyncadd.s32 $0xFFFFD800  }
0x5f: {  	[tilespmem:s16], [sflag:$0x1] =	stream.indirect.gather [hbm4b:s1+s15], $0x80, s26, s15, $0xb8;
	v63 =	vld [tilespmem:$0x0]  }
0x60: {  	s0 =	rddreg [dreg:$0xa]  }
0x61: {  	[tilespmem:s17], [sflag:$0x2] =	stream.indirect.gather [hbm4b:s1+s15], $0x80, s0, s15, $0xb8;
	v63 =	vld [tilespmem:$0x0]  }
0x62: {  	s11 =	rddreg [dreg:$0xb]  }
0x63: {  	[tilespmem:s18], [sflag:$0x3] =	stream.indirect.gather [hbm4b:s1+s15], $0x80, s11, s15, $0xb8;
	v63 =	vld [tilespmem:$0x0]  }
0x64: {  	s14 =	rddreg [dreg:$0xc]  }
0x65: {  	[tilespmem:s19], [sflag:$0x4] =	stream.indirect.gather [hbm4b:s1+s15], $0x80, s14, s15, $0xb8;
	v63 =	vld [tilespmem:$0x0]  }
0x66: {  	_ =	swait.ge [sflag:s20], $0x2800  }
0x67: {  	[sflag:s20] =	ssyncset.done $0x0  }
0x68: {  	s26 =	simm.s32 $0x1200;
	[sflag:s20] =	ssyncadd.s32 $0xFFFFD800  }
0x69: {  	[spmem:s3] =	stream.indirect.scatter.add.f32 [tilespmem:s16], [sflag:$0x5], $0x80, s26, s15, $0xb8;
	v63 =	vld [tilespmem:$0x0]  }
0x6a: {  	_ =	swait.ge [sflag:s21], $0x2800  }
0x6b: {  	[sflag:s21] =	ssyncset.done $0x0  }
0x6c: {  	s11 =	simm.s32 $0x1280;
	[sflag:s21] =	ssyncadd.s32 $0xFFFFD800  }
0x6d: {  	[spmem:s3] =	stream.indirect.scatter.add.f32 [tilespmem:s17], [sflag:$0x6], $0x80, s11, s15, $0xb8;
	v63 =	vld [tilespmem:$0x0]  }
0x6e: {  	_ =	swait.ge [sflag:s23], $0x2800  }
0x6f: {  	[sflag:s23] =	ssyncset.done $0x0  }
0x70: {  	s14 =	simm.s32 $0x1300;
	[sflag:s23] =	ssyncadd.s32 $0xFFFFD800  }
0x71: {  	[spmem:s3] =	stream.indirect.scatter.add.f32 [tilespmem:s18], [sflag:$0x7], $0x80, s14, s15, $0xb8;
	v63 =	vld [tilespmem:$0x0]  }
0x72: {  	_ =	swait.ge [sflag:s25], $0x2800  }
0x73: {  	[sflag:s25] =	ssyncset.done $0x0  }
0x74: {  	s22 =	simm.s32 $0x1380;
	[sflag:s25] =	ssyncadd.s32 $0xFFFFD800  }
0x75: {  	[spmem:s3] =	stream.indirect.scatter.add.f32 [tilespmem:s19], [sflag:$0x8], $0x80, s22, s15, $0xb8;
	v63 =	vld [tilespmem:$0x0]  }
0x76: {  	_ =	swait.ge [sflag:s28], $0x2800  }
0x77: {  	[sflag:s28] =	ssyncset.done $0x0  }
0x78: {  	[sflag:s28] =	ssyncadd.s32 $0xFFFFD800  }
0x79: {  	_ =	swait.ge [sflag:s29], $0x2800  }
0x7a: {  	[sflag:s29] =	ssyncset.done $0x0  }
0x7b: {  	[sflag:s29] =	ssyncadd.s32 $0xFFFFD800  }
0x7c: {  	_ =	swait.ge [sflag:s30], $0x2800  }
0x7d: {  	[sflag:s30] =	ssyncset.done $0x0  }
0x7e: {  	[sflag:s30] =	ssyncadd.s32 $0xFFFFD800  }
0x7f: {  	_ =	swait.ge [sflag:s31], $0x2800  }
0x80: {  	[sflag:s31] =	ssyncset.done $0x0  }
0x81: {  	s24 =	rddreg [dreg:$0xd];
	[sflag:s31] =	ssyncadd.s32 $0xFFFFD800  }
0x82: {  	[tilespmem:s16], [sflag:$0x1] =	stream.indirect.gather [hbm4b:s1+s15], $0x80, s24, s15, $0xb8;
	v63 =	vld [tilespmem:$0x0]  }
0x83: {  	s26 =	rddreg [dreg:$0xe]  }
0x84: {  	[tilespmem:s17], [sflag:$0x2] =	stream.indirect.gather [hbm4b:s1+s15], $0x80, s26, s15, $0xb8;
	v63 =	vld [tilespmem:$0x0]  }
0x85: {  	s0 =	rddreg [dreg:$0xf]  }
0x86: {  	[tilespmem:s18], [sflag:$0x3] =	stream.indirect.gather [hbm4b:s1+s15], $0x80, s0, s15, $0xb8;
	v63 =	vld [tilespmem:$0x0]  }
0x87: {  	s11 =	rddreg [dreg:$0x10]  }
0x88: {  	[tilespmem:s19], [sflag:$0x4] =	stream.indirect.gather [hbm4b:s1+s15], $0x80, s11, s15, $0xb8;
	v63 =	vld [tilespmem:$0x0]  }
0x89: {  	_ =	swait.ge [sflag:s20], $0x2800  }
0x8a: {  	[sflag:s20] =	ssyncset.done $0x0  }
0x8b: {  	s14 =	simm.s32 $0x1400;
	[sflag:s20] =	ssyncadd.s32 $0xFFFFD800  }
0x8c: {  	[spmem:s3] =	stream.indirect.scatter.add.f32 [tilespmem:s16], [sflag:$0x5], $0x80, s14, s15, $0xb8;
	v63 =	vld [tilespmem:$0x0]  }
0x8d: {  	_ =	swait.ge [sflag:s21], $0x2800  }
0x8e: {  	[sflag:s21] =	ssyncset.done $0x0  }
0x8f: {  	s22 =	simm.s32 $0x1480;
	[sflag:s21] =	ssyncadd.s32 $0xFFFFD800  }
0x90: {  	[spmem:s3] =	stream.indirect.scatter.add.f32 [tilespmem:s17], [sflag:$0x6], $0x80, s22, s15, $0xb8;
	v63 =	vld [tilespmem:$0x0]  }
0x91: {  	_ =	swait.ge [sflag:s23], $0x2800  }
0x92: {  	[sflag:s23] =	ssyncset.done $0x0  }
0x93: {  	s24 =	simm.s32 $0x1500;
	[sflag:s23] =	ssyncadd.s32 $0xFFFFD800  }
0x94: {  	[spmem:s3] =	stream.indirect.scatter.add.f32 [tilespmem:s18], [sflag:$0x7], $0x80, s24, s15, $0xb8;
	v63 =	vld [tilespmem:$0x0]  }
0x95: {  	_ =	swait.ge [sflag:s25], $0x2800  }
0x96: {  	[sflag:s25] =	ssyncset.done $0x0  }
0x97: {  	s26 =	simm.s32 $0x1580;
	[sflag:s25] =	ssyncadd.s32 $0xFFFFD800  }
0x98: {  	[spmem:s3] =	stream.indirect.scatter.add.f32 [tilespmem:s19], [sflag:$0x8], $0x80, s26, s15, $0xb8;
	v63 =	vld [tilespmem:$0x0]  }
0x99: {  	_ =	swait.ge [sflag:s28], $0x2800  }
0x9a: {  	[sflag:s28] =	ssyncset.done $0x0  }
0x9b: {  	[sflag:s28] =	ssyncadd.s32 $0xFFFFD800  }
0x9c: {  	_ =	swait.ge [sflag:s29], $0x2800  }
0x9d: {  	[sflag:s29] =	ssyncset.done $0x0  }
0x9e: {  	[sflag:s29] =	ssyncadd.s32 $0xFFFFD800  }
0x9f: {  	_ =	swait.ge [sflag:s30], $0x2800  }
0xa0: {  	[sflag:s30] =	ssyncset.done $0x0  }
0xa1: {  	[sflag:s30] =	ssyncadd.s32 $0xFFFFD800  }
0xa2: {  	_ =	swait.ge [sflag:s31], $0x2800  }
0xa3: {  	[sflag:s31] =	ssyncset.done $0x0  }
0xa4: {  	s11 =	rddreg [dreg:$0x11];
	[sflag:s31] =	ssyncadd.s32 $0xFFFFD800  }
0xa5: {  	[tilespmem:s16], [sflag:$0x1] =	stream.indirect.gather [hbm4b:s1+s15], $0x80, s11, s15, $0xb8;
	v63 =	vld [tilespmem:$0x0]  }
0xa6: {  	s14 =	rddreg [dreg:$0x12]  }
0xa7: {  	[tilespmem:s17], [sflag:$0x2] =	stream.indirect.gather [hbm4b:s1+s15], $0x80, s14, s15, $0xb8;
	v63 =	vld [tilespmem:$0x0]  }
0xa8: {  	s26 =	rddreg [dreg:$0x13]  }
0xa9: {  	[tilespmem:s18], [sflag:$0x3] =	stream.indirect.gather [hbm4b:s1+s15], $0x80, s26, s15, $0xb8;
	v63 =	vld [tilespmem:$0x0]  }
0xaa: {  	s0 =	rddreg [dreg:$0x14]  }
0xab: {  	[tilespmem:s19], [sflag:$0x4] =	stream.indirect.gather [hbm4b:s1+s15], $0x80, s0, s15, $0xb8;
	v63 =	vld [tilespmem:$0x0]  }
0xac: {  	_ =	swait.ge [sflag:s20], $0x2800  }
0xad: {  	[sflag:s20] =	ssyncset.done $0x0  }
0xae: {  	s11 =	simm.s32 $0x1600;
	[sflag:s20] =	ssyncadd.s32 $0xFFFFD800  }
0xaf: {  	[spmem:s3] =	stream.indirect.scatter.add.f32 [tilespmem:s16], [sflag:$0x5], $0x80, s11, s15, $0xb8;
	v63 =	vld [tilespmem:$0x0]  }
0xb0: {  	_ =	swait.ge [sflag:s21], $0x2800  }
0xb1: {  	[sflag:s21] =	ssyncset.done $0x0  }
0xb2: {  	s14 =	simm.s32 $0x1680;
	[sflag:s21] =	ssyncadd.s32 $0xFFFFD800  }
0xb3: {  	[spmem:s3] =	stream.indirect.scatter.add.f32 [tilespmem:s17], [sflag:$0x6], $0x80, s14, s15, $0xb8;
	v63 =	vld [tilespmem:$0x0]  }
0xb4: {  	_ =	swait.ge [sflag:s23], $0x2800  }
0xb5: {  	[sflag:s23] =	ssyncset.done $0x0  }
0xb6: {  	s22 =	simm.s32 $0x1700;
	[sflag:s23] =	ssyncadd.s32 $0xFFFFD800  }
0xb7: {  	[spmem:s3] =	stream.indirect.scatter.add.f32 [tilespmem:s18], [sflag:$0x7], $0x80, s22, s15, $0xb8;
	v63 =	vld [tilespmem:$0x0]  }
0xb8: {  	_ =	swait.ge [sflag:s25], $0x2800  }
0xb9: {  	[sflag:s25] =	ssyncset.done $0x0  }
0xba: {  	s24 =	simm.s32 $0x1780;
	[sflag:s25] =	ssyncadd.s32 $0xFFFFD800  }
0xbb: {  	[spmem:s3] =	stream.indirect.scatter.add.f32 [tilespmem:s19], [sflag:$0x8], $0x80, s24, s15, $0xb8;
	v63 =	vld [tilespmem:$0x0]  }
0xbc: {  	_ =	swait.ge [sflag:s28], $0x2800  }
0xbd: {  	[sflag:s28] =	ssyncset.done $0x0  }
0xbe: {  	[sflag:s28] =	ssyncadd.s32 $0xFFFFD800  }
0xbf: {  	_ =	swait.ge [sflag:s29], $0x2800  }
0xc0: {  	[sflag:s29] =	ssyncset.done $0x0  }
0xc1: {  	[sflag:s29] =	ssyncadd.s32 $0xFFFFD800  }
0xc2: {  	_ =	swait.ge [sflag:s30], $0x2800  }
0xc3: {  	[sflag:s30] =	ssyncset.done $0x0  }
0xc4: {  	[sflag:s30] =	ssyncadd.s32 $0xFFFFD800  }
0xc5: {  	_ =	swait.ge [sflag:s31], $0x2800  }
0xc6: {  	[sflag:s31] =	ssyncset.done $0x0  }
0xc7: {  	s26 =	rddreg [dreg:$0x15];
	[sflag:s31] =	ssyncadd.s32 $0xFFFFD800  }
0xc8: {  	[tilespmem:s16], [sflag:$0x1] =	stream.indirect.gather [hbm4b:s1+s15], $0x80, s26, s15, $0xb8;
	v63 =	vld [tilespmem:$0x0]  }
0xc9: {  	s0 =	rddreg [dreg:$0x16]  }
0xca: {  	[tilespmem:s17], [sflag:$0x2] =	stream.indirect.gather [hbm4b:s1+s15], $0x80, s0, s15, $0xb8;
	v63 =	vld [tilespmem:$0x0]  }
0xcb: {  	s11 =	rddreg [dreg:$0x17]  }
0xcc: {  	[tilespmem:s18], [sflag:$0x3] =	stream.indirect.gather [hbm4b:s1+s15], $0x80, s11, s15, $0xb8;
	v63 =	vld [tilespmem:$0x0]  }
0xcd: {  	s14 =	rddreg [dreg:$0x18]  }
0xce: {  	[tilespmem:s19], [sflag:$0x4] =	stream.indirect.gather [hbm4b:s1+s15], $0x80, s14, s15, $0xb8;
	v63 =	vld [tilespmem:$0x0]  }
0xcf: {  	_ =	swait.ge [sflag:s20], $0x2800  }
0xd0: {  	[sflag:s20] =	ssyncset.done $0x0  }
0xd1: {  	[sflag:s20] =	ssyncadd.s32 $0xFFFFD800  }
0xd2: {  	[spmem:s3] =	stream.indirect.scatter.add.f32 [tilespmem:s16], [sflag:$0x5], $0x80, s7, s15, $0xb8;
	v63 =	vld [tilespmem:$0x0]  }
0xd3: {  	_ =	swait.ge [sflag:s21], $0x2800  }
0xd4: {  	[sflag:s21] =	ssyncset.done $0x0  }
0xd5: {  	[sflag:s21] =	ssyncadd.s32 $0xFFFFD800  }
0xd6: {  	[spmem:s3] =	stream.indirect.scatter.add.f32 [tilespmem:s17], [sflag:$0x6], $0x80, s12, s15, $0xb8;
	v63 =	vld [tilespmem:$0x0]  }
0xd7: {  	_ =	swait.ge [sflag:s23], $0x2800  }
0xd8: {  	[sflag:s23] =	ssyncset.done $0x0  }
0xd9: {  	[sflag:s23] =	ssyncadd.s32 $0xFFFFD800  }
0xda: {  	[spmem:s3] =	stream.indirect.scatter.add.f32 [tilespmem:s18], [sflag:$0x7], $0x80, s4, s15, $0xb8;
	v63 =	vld [tilespmem:$0x0]  }
0xdb: {  	_ =	swait.ge [sflag:s25], $0x2800  }
0xdc: {  	[sflag:s25] =	ssyncset.done $0x0  }
0xdd: {  	[sflag:s25] =	ssyncadd.s32 $0xFFFFD800  }
0xde: {  	[spmem:s3] =	stream.indirect.scatter.add.f32 [tilespmem:s19], [sflag:$0x8], $0x80, s2, s15, $0xb8;
	v63 =	vld [tilespmem:$0x0]  }
0xdf: {  	_ =	swait.ge [sflag:s28], $0x2800  }
0xe0: {  	[sflag:s28] =	ssyncset.done $0x0  }
0xe1: {  	[sflag:s28] =	ssyncadd.s32 $0xFFFFD800  }
0xe2: {  	_ =	swait.ge [sflag:s29], $0x2800  }
0xe3: {  	[sflag:s29] =	ssyncset.done $0x0  }
0xe4: {  	[sflag:s29] =	ssyncadd.s32 $0xFFFFD800  }
0xe5: {  	_ =	swait.ge [sflag:s30], $0x2800  }
0xe6: {  	[sflag:s30] =	ssyncset.done $0x0  }
0xe7: {  	[sflag:s30] =	ssyncadd.s32 $0xFFFFD800  }
0xe8: {  	_ =	swait.ge [sflag:s31], $0x2800  }
0xe9: {  	[sflag:s31] =	ssyncset.done $0x0  }
0xea: {  	s26 =	rddreg [dreg:$0x19];
	[sflag:s31] =	ssyncadd.s32 $0xFFFFD800  }
0xeb: {  	[tilespmem:s16], [sflag:$0x1] =	stream.indirect.gather [hbm4b:s1+s15], $0x80, s26, s15, $0xb8;
	v63 =	vld [tilespmem:$0x0]  }
0xec: {  	s0 =	rddreg [dreg:$0x1a]  }
0xed: {  	[tilespmem:s17], [sflag:$0x2] =	stream.indirect.gather [hbm4b:s1+s15], $0x80, s0, s15, $0xb8;
	v63 =	vld [tilespmem:$0x0]  }
0xee: {  	s11 =	rddreg [dreg:$0x1b]  }
0xef: {  	[tilespmem:s18], [sflag:$0x3] =	stream.indirect.gather [hbm4b:s1+s15], $0x80, s11, s15, $0xb8;
	v63 =	vld [tilespmem:$0x0]  }
0xf0: {  	s14 =	rddreg [dreg:$0x1c]  }
0xf1: {  	[tilespmem:s19], [sflag:$0x4] =	stream.indirect.gather [hbm4b:s1+s15], $0x80, s14, s15, $0xb8;
	v63 =	vld [tilespmem:$0x0]  }
0xf2: {  	_ =	swait.ge [sflag:s20], $0x2800  }
0xf3: {  	[sflag:s20] =	ssyncset.done $0x0  }
0xf4: {  	[sflag:s20] =	ssyncadd.s32 $0xFFFFD800  }
0xf5: {  	[spmem:s3] =	stream.indirect.scatter.add.f32 [tilespmem:s16], [sflag:$0x5], $0x80, s5, s15, $0xb8;
	v63 =	vld [tilespmem:$0x0]  }
0xf6: {  	_ =	swait.ge [sflag:s21], $0x2800  }
0xf7: {  	[sflag:s21] =	ssyncset.done $0x0  }
0xf8: {  	[sflag:s21] =	ssyncadd.s32 $0xFFFFD800  }
0xf9: {  	[spmem:s3] =	stream.indirect.scatter.add.f32 [tilespmem:s17], [sflag:$0x6], $0x80, s8, s15, $0xb8;
	v63 =	vld [tilespmem:$0x0]  }
0xfa: {  	_ =	swait.ge [sflag:s23], $0x2800  }
0xfb: {  	[sflag:s23] =	ssyncset.done $0x0  }
0xfc: {  	[sflag:s23] =	ssyncadd.s32 $0xFFFFD800  }
0xfd: {  	[spmem:s3] =	stream.indirect.scatter.add.f32 [tilespmem:s18], [sflag:$0x7], $0x80, s9, s15, $0xb8;
	v63 =	vld [tilespmem:$0x0]  }
0xfe: {  	_ =	swait.ge [sflag:s25], $0x2800  }
0xff: {  	[sflag:s25] =	ssyncset.done $0x0  }
0x100: {  	[sflag:s25] =	ssyncadd.s32 $0xFFFFD800  }
0x101: {  	[spmem:s3] =	stream.indirect.scatter.add.f32 [tilespmem:s19], [sflag:$0x8], $0x80, s10, s15, $0xb8;
	v63 =	vld [tilespmem:$0x0]  }
0x102: {  	_ =	swait.ge [sflag:s28], $0x2800  }
0x103: {  	[sflag:s28] =	ssyncset.done $0x0  }
0x104: {  	[sflag:s28] =	ssyncadd.s32 $0xFFFFD800  }
0x105: {  	_ =	swait.ge [sflag:s29], $0x2800  }
0x106: {  	[sflag:s29] =	ssyncset.done $0x0  }
0x107: {  	[sflag:s29] =	ssyncadd.s32 $0xFFFFD800  }
0x108: {  	_ =	swait.ge [sflag:s30], $0x2800  }
0x109: {  	[sflag:s30] =	ssyncset.done $0x0  }
0x10a: {  	[sflag:s30] =	ssyncadd.s32 $0xFFFFD800  }
0x10b: {  	_ =	swait.ge [sflag:s31], $0x2800  }
0x10c: {  	[sflag:s31] =	ssyncset.done $0x0  }
0x10d: {  	s26 =	rddreg [dreg:$0x1d];
	[sflag:s31] =	ssyncadd.s32 $0xFFFFD800  }
0x10e: {  	[tilespmem:s16], [sflag:$0x1] =	stream.indirect.gather [hbm4b:s1+s15], $0x80, s26, s15, $0xb8;
	v63 =	vld [tilespmem:$0x0]  }
0x10f: {  	_ =	swait.ge [sflag:s20], $0x2800  }
0x110: {  	[sflag:s20] =	ssyncset.done $0x0  }
0x111: {  	[sflag:s20] =	ssyncadd.s32 $0xFFFFD800  }
0x112: {  	[spmem:s3] =	stream.indirect.scatter.add.f32 [tilespmem:s16], [sflag:$0x9], $0x80, s6, s15, $0xb8;
	v63 =	vld [tilespmem:$0x0]  }
0x113: {  	s22 =	simm.s32 $0x200;
	_ =	swait.ge [sflag:s13], $0x2800  }
0x114: {  	s24 =	simm.s32 $0x400;
	s26 =	rddreg [dreg:$0x5];
	[sflag:s13] =	ssyncset.done $0x0  }
.LBB2_2:
0x115: {  	[sflag:s13] =	ssyncadd.s32 $0xFFFFD800;
	s26 =	sadd.s32 s22, s26;
	s11 =	simm.s32 $0x0  }
0x116: {  	[tilespmem:s11], [sflag:$0x9] =	stream.linear.gather [hbm4b:s26+s11], $0xC80, $0x38;
	v63 =	vld [tilespmem:$0x0]  }
0x117: {  	_ =	swait.ge [sflag:s13], $0xC80  }
0x118: {  	[sflag:s13] =	ssyncset.done $0x0;
	s14 =	rddreg [dreg:$0x1e]  }
0x119: {  	[sflag:s13] =	ssyncadd.s32 $0xFFFFF380;
	s26 =	sadd.s32 s22, s14;
	s14 =	simm.s32 $0x1000  }
0x11a: {  	[tilespmem:s14], [sflag:$0x9] =	stream.linear.gather [hbm4b:s26+s11], $0xC80, $0x38;
	v63 =	vld [tilespmem:$0x0]  }
0x11b: {  	_ =	swait.ge [sflag:s13], $0xC80  }
0x11c: {  	[sflag:s13] =	ssyncset.done $0x0  }
0x11d: {  	s0 =	smov.u32 s24;
	[sflag:s13] =	ssyncadd.s32 $0xFFFFF380  }
0x11e: {  	[tilespmem:s16], [sflag:$0x1] =	stream.indirect.gather [hbm4b:s1+s15], $0x80, s11, s15, $0xb8;
	v63 =	vld [tilespmem:$0x0]  }
0x11f: {  	s22 =	smov.u32 s0;
	s0 =	rddreg [dreg:$0x6]  }
0x120: {  	[tilespmem:s17], [sflag:$0x2] =	stream.indirect.gather [hbm4b:s1+s15], $0x80, s0, s15, $0xb8;
	v63 =	vld [tilespmem:$0x0]  }
0x121: {  	s26 =	rddreg [dreg:$0x7]  }
0x122: {  	[tilespmem:s18], [sflag:$0x3] =	stream.indirect.gather [hbm4b:s1+s15], $0x80, s26, s15, $0xb8;
	v63 =	vld [tilespmem:$0x0]  }
0x123: {  	s11 =	rddreg [dreg:$0x8]  }
0x124: {  	[tilespmem:s19], [sflag:$0x4] =	stream.indirect.gather [hbm4b:s1+s15], $0x80, s11, s15, $0xb8;
	v63 =	vld [tilespmem:$0x0]  }
0x125: {  	_ =	swait.ge [sflag:s20], $0x2800  }
0x126: {  	[sflag:s20] =	ssyncset.done $0x0  }
0x127: {  	[sflag:s20] =	ssyncadd.s32 $0xFFFFD800  }
0x128: {  	[spmem:s3] =	stream.indirect.scatter.add.f32 [tilespmem:s16], [sflag:$0x5], $0x80, s14, s15, $0xb8;
	v63 =	vld [tilespmem:$0x0]  }
0x129: {  	_ =	swait.ge [sflag:s21], $0x2800  }
0x12a: {  	[sflag:s21] =	ssyncset.done $0x0  }
0x12b: {  	s11 =	simm.s32 $0x1080;
	[sflag:s21] =	ssyncadd.s32 $0xFFFFD800  }
0x12c: {  	[spmem:s3] =	stream.indirect.scatter.add.f32 [tilespmem:s17], [sflag:$0x6], $0x80, s11, s15, $0xb8;
	v63 =	vld [tilespmem:$0x0]  }
0x12d: {  	_ =	swait.ge [sflag:s23], $0x2800  }
0x12e: {  	[sflag:s23] =	ssyncset.done $0x0  }
0x12f: {  	s14 =	simm.s32 $0x1100;
	[sflag:s23] =	ssyncadd.s32 $0xFFFFD800  }
0x130: {  	[spmem:s3] =	stream.indirect.scatter.add.f32 [tilespmem:s18], [sflag:$0x7], $0x80, s14, s15, $0xb8;
	v63 =	vld [tilespmem:$0x0]  }
0x131: {  	_ =	swait.ge [sflag:s25], $0x2800  }
0x132: {  	[sflag:s25] =	ssyncset.done $0x0  }
0x133: {  	s26 =	simm.s32 $0x1180;
	[sflag:s25] =	ssyncadd.s32 $0xFFFFD800  }
0x134: {  	[spmem:s3] =	stream.indirect.scatter.add.f32 [tilespmem:s19], [sflag:$0x8], $0x80, s26, s15, $0xb8;
	v63 =	vld [tilespmem:$0x0]  }
0x135: {  	_ =	swait.ge [sflag:s28], $0x2800  }
0x136: {  	[sflag:s28] =	ssyncset.done $0x0  }
0x137: {  	[sflag:s28] =	ssyncadd.s32 $0xFFFFD800  }
0x138: {  	_ =	swait.ge [sflag:s29], $0x2800  }
0x139: {  	[sflag:s29] =	ssyncset.done $0x0  }
0x13a: {  	[sflag:s29] =	ssyncadd.s32 $0xFFFFD800  }
0x13b: {  	_ =	swait.ge [sflag:s30], $0x2800  }
0x13c: {  	[sflag:s30] =	ssyncset.done $0x0  }
0x13d: {  	[sflag:s30] =	ssyncadd.s32 $0xFFFFD800  }
0x13e: {  	_ =	swait.ge [sflag:s31], $0x2800  }
0x13f: {  	[sflag:s31] =	ssyncset.done $0x0  }
0x140: {  	s11 =	rddreg [dreg:$0x9];
	[sflag:s31] =	ssyncadd.s32 $0xFFFFD800  }
0x141: {  	[tilespmem:s16], [sflag:$0x1] =	stream.indirect.gather [hbm4b:s1+s15], $0x80, s11, s15, $0xb8;
	v63 =	vld [tilespmem:$0x0]  }
0x142: {  	s14 =	rddreg [dreg:$0xa]  }
0x143: {  	[tilespmem:s17], [sflag:$0x2] =	stream.indirect.gather [hbm4b:s1+s15], $0x80, s14, s15, $0xb8;
	v63 =	vld [tilespmem:$0x0]  }
0x144: {  	s11 =	rddreg [dreg:$0xb]  }
0x145: {  	[tilespmem:s18], [sflag:$0x3] =	stream.indirect.gather [hbm4b:s1+s15], $0x80, s11, s15, $0xb8;
	v63 =	vld [tilespmem:$0x0]  }
0x146: {  	s14 =	rddreg [dreg:$0xc]  }
0x147: {  	[tilespmem:s19], [sflag:$0x4] =	stream.indirect.gather [hbm4b:s1+s15], $0x80, s14, s15, $0xb8;
	v63 =	vld [tilespmem:$0x0]  }
0x148: {  	_ =	swait.ge [sflag:s20], $0x2800  }
0x149: {  	[sflag:s20] =	ssyncset.done $0x0  }
0x14a: {  	s26 =	simm.s32 $0x1200;
	[sflag:s20] =	ssyncadd.s32 $0xFFFFD800  }
0x14b: {  	[spmem:s3] =	stream.indirect.scatter.add.f32 [tilespmem:s16], [sflag:$0x5], $0x80, s26, s15, $0xb8;
	v63 =	vld [tilespmem:$0x0]  }
0x14c: {  	_ =	swait.ge [sflag:s21], $0x2800  }
0x14d: {  	[sflag:s21] =	ssyncset.done $0x0  }
0x14e: {  	s11 =	simm.s32 $0x1280;
	[sflag:s21] =	ssyncadd.s32 $0xFFFFD800  }
0x14f: {  	[spmem:s3] =	stream.indirect.scatter.add.f32 [tilespmem:s17], [sflag:$0x6], $0x80, s11, s15, $0xb8;
	v63 =	vld [tilespmem:$0x0]  }
0x150: {  	_ =	swait.ge [sflag:s23], $0x2800  }
0x151: {  	[sflag:s23] =	ssyncset.done $0x0  }
0x152: {  	s14 =	simm.s32 $0x1300;
	[sflag:s23] =	ssyncadd.s32 $0xFFFFD800  }
0x153: {  	[spmem:s3] =	stream.indirect.scatter.add.f32 [tilespmem:s18], [sflag:$0x7], $0x80, s14, s15, $0xb8;
	v63 =	vld [tilespmem:$0x0]  }
0x154: {  	_ =	swait.ge [sflag:s25], $0x2800  }
0x155: {  	[sflag:s25] =	ssyncset.done $0x0  }
0x156: {  	s26 =	simm.s32 $0x1380;
	[sflag:s25] =	ssyncadd.s32 $0xFFFFD800  }
0x157: {  	[spmem:s3] =	stream.indirect.scatter.add.f32 [tilespmem:s19], [sflag:$0x8], $0x80, s26, s15, $0xb8;
	v63 =	vld [tilespmem:$0x0]  }
0x158: {  	_ =	swait.ge [sflag:s28], $0x2800  }
0x159: {  	[sflag:s28] =	ssyncset.done $0x0  }
0x15a: {  	[sflag:s28] =	ssyncadd.s32 $0xFFFFD800  }
0x15b: {  	_ =	swait.ge [sflag:s29], $0x2800  }
0x15c: {  	[sflag:s29] =	ssyncset.done $0x0  }
0x15d: {  	[sflag:s29] =	ssyncadd.s32 $0xFFFFD800  }
0x15e: {  	_ =	swait.ge [sflag:s30], $0x2800  }
0x15f: {  	[sflag:s30] =	ssyncset.done $0x0  }
0x160: {  	[sflag:s30] =	ssyncadd.s32 $0xFFFFD800  }
0x161: {  	_ =	swait.ge [sflag:s31], $0x2800  }
0x162: {  	[sflag:s31] =	ssyncset.done $0x0  }
0x163: {  	s11 =	rddreg [dreg:$0xd];
	[sflag:s31] =	ssyncadd.s32 $0xFFFFD800  }
0x164: {  	[tilespmem:s16], [sflag:$0x1] =	stream.indirect.gather [hbm4b:s1+s15], $0x80, s11, s15, $0xb8;
	v63 =	vld [tilespmem:$0x0]  }
0x165: {  	s14 =	rddreg [dreg:$0xe]  }
0x166: {  	[tilespmem:s17], [sflag:$0x2] =	stream.indirect.gather [hbm4b:s1+s15], $0x80, s14, s15, $0xb8;
	v63 =	vld [tilespmem:$0x0]  }
0x167: {  	s11 =	rddreg [dreg:$0xf]  }
0x168: {  	[tilespmem:s18], [sflag:$0x3] =	stream.indirect.gather [hbm4b:s1+s15], $0x80, s11, s15, $0xb8;
	v63 =	vld [tilespmem:$0x0]  }
0x169: {  	s14 =	rddreg [dreg:$0x10]  }
0x16a: {  	[tilespmem:s19], [sflag:$0x4] =	stream.indirect.gather [hbm4b:s1+s15], $0x80, s14, s15, $0xb8;
	v63 =	vld [tilespmem:$0x0]  }
0x16b: {  	_ =	swait.ge [sflag:s20], $0x2800  }
0x16c: {  	[sflag:s20] =	ssyncset.done $0x0  }
0x16d: {  	s26 =	simm.s32 $0x1400;
	[sflag:s20] =	ssyncadd.s32 $0xFFFFD800  }
0x16e: {  	[spmem:s3] =	stream.indirect.scatter.add.f32 [tilespmem:s16], [sflag:$0x5], $0x80, s26, s15, $0xb8;
	v63 =	vld [tilespmem:$0x0]  }
0x16f: {  	_ =	swait.ge [sflag:s21], $0x2800  }
0x170: {  	[sflag:s21] =	ssyncset.done $0x0  }
0x171: {  	s11 =	simm.s32 $0x1480;
	[sflag:s21] =	ssyncadd.s32 $0xFFFFD800  }
0x172: {  	[spmem:s3] =	stream.indirect.scatter.add.f32 [tilespmem:s17], [sflag:$0x6], $0x80, s11, s15, $0xb8;
	v63 =	vld [tilespmem:$0x0]  }
0x173: {  	_ =	swait.ge [sflag:s23], $0x2800  }
0x174: {  	[sflag:s23] =	ssyncset.done $0x0  }
0x175: {  	s14 =	simm.s32 $0x1500;
	[sflag:s23] =	ssyncadd.s32 $0xFFFFD800  }
0x176: {  	[spmem:s3] =	stream.indirect.scatter.add.f32 [tilespmem:s18], [sflag:$0x7], $0x80, s14, s15, $0xb8;
	v63 =	vld [tilespmem:$0x0]  }
0x177: {  	_ =	swait.ge [sflag:s25], $0x2800  }
0x178: {  	[sflag:s25] =	ssyncset.done $0x0  }
0x179: {  	s26 =	simm.s32 $0x1580;
	[sflag:s25] =	ssyncadd.s32 $0xFFFFD800  }
0x17a: {  	[spmem:s3] =	stream.indirect.scatter.add.f32 [tilespmem:s19], [sflag:$0x8], $0x80, s26, s15, $0xb8;
	v63 =	vld [tilespmem:$0x0]  }
0x17b: {  	_ =	swait.ge [sflag:s28], $0x2800  }
0x17c: {  	[sflag:s28] =	ssyncset.done $0x0  }
0x17d: {  	[sflag:s28] =	ssyncadd.s32 $0xFFFFD800  }
0x17e: {  	_ =	swait.ge [sflag:s29], $0x2800  }
0x17f: {  	[sflag:s29] =	ssyncset.done $0x0  }
0x180: {  	[sflag:s29] =	ssyncadd.s32 $0xFFFFD800  }
0x181: {  	_ =	swait.ge [sflag:s30], $0x2800  }
0x182: {  	[sflag:s30] =	ssyncset.done $0x0  }
0x183: {  	[sflag:s30] =	ssyncadd.s32 $0xFFFFD800  }
0x184: {  	_ =	swait.ge [sflag:s31], $0x2800  }
0x185: {  	[sflag:s31] =	ssyncset.done $0x0  }
0x186: {  	s11 =	rddreg [dreg:$0x11];
	[sflag:s31] =	ssyncadd.s32 $0xFFFFD800  }
0x187: {  	[tilespmem:s16], [sflag:$0x1] =	stream.indirect.gather [hbm4b:s1+s15], $0x80, s11, s15, $0xb8;
	v63 =	vld [tilespmem:$0x0]  }
0x188: {  	s14 =	rddreg [dreg:$0x12]  }
0x189: {  	[tilespmem:s17], [sflag:$0x2] =	stream.indirect.gather [hbm4b:s1+s15], $0x80, s14, s15, $0xb8;
	v63 =	vld [tilespmem:$0x0]  }
0x18a: {  	s11 =	rddreg [dreg:$0x13]  }
0x18b: {  	[tilespmem:s18], [sflag:$0x3] =	stream.indirect.gather [hbm4b:s1+s15], $0x80, s11, s15, $0xb8;
	v63 =	vld [tilespmem:$0x0]  }
0x18c: {  	s14 =	rddreg [dreg:$0x14]  }
0x18d: {  	[tilespmem:s19], [sflag:$0x4] =	stream.indirect.gather [hbm4b:s1+s15], $0x80, s14, s15, $0xb8;
	v63 =	vld [tilespmem:$0x0]  }
0x18e: {  	_ =	swait.ge [sflag:s20], $0x2800  }
0x18f: {  	[sflag:s20] =	ssyncset.done $0x0  }
0x190: {  	s26 =	simm.s32 $0x1600;
	[sflag:s20] =	ssyncadd.s32 $0xFFFFD800  }
0x191: {  	[spmem:s3] =	stream.indirect.scatter.add.f32 [tilespmem:s16], [sflag:$0x5], $0x80, s26, s15, $0xb8;
	v63 =	vld [tilespmem:$0x0]  }
0x192: {  	_ =	swait.ge [sflag:s21], $0x2800  }
0x193: {  	[sflag:s21] =	ssyncset.done $0x0  }
0x194: {  	s11 =	simm.s32 $0x1680;
	[sflag:s21] =	ssyncadd.s32 $0xFFFFD800  }
0x195: {  	[spmem:s3] =	stream.indirect.scatter.add.f32 [tilespmem:s17], [sflag:$0x6], $0x80, s11, s15, $0xb8;
	v63 =	vld [tilespmem:$0x0]  }
0x196: {  	_ =	swait.ge [sflag:s23], $0x2800  }
0x197: {  	[sflag:s23] =	ssyncset.done $0x0  }
0x198: {  	s14 =	simm.s32 $0x1700;
	[sflag:s23] =	ssyncadd.s32 $0xFFFFD800  }
0x199: {  	[spmem:s3] =	stream.indirect.scatter.add.f32 [tilespmem:s18], [sflag:$0x7], $0x80, s14, s15, $0xb8;
	v63 =	vld [tilespmem:$0x0]  }
0x19a: {  	_ =	swait.ge [sflag:s25], $0x2800  }
0x19b: {  	[sflag:s25] =	ssyncset.done $0x0  }
0x19c: {  	s26 =	simm.s32 $0x1780;
	[sflag:s25] =	ssyncadd.s32 $0xFFFFD800  }
0x19d: {  	[spmem:s3] =	stream.indirect.scatter.add.f32 [tilespmem:s19], [sflag:$0x8], $0x80, s26, s15, $0xb8;
	v63 =	vld [tilespmem:$0x0]  }
0x19e: {  	_ =	swait.ge [sflag:s28], $0x2800  }
0x19f: {  	[sflag:s28] =	ssyncset.done $0x0  }
0x1a0: {  	[sflag:s28] =	ssyncadd.s32 $0xFFFFD800  }
0x1a1: {  	_ =	swait.ge [sflag:s29], $0x2800  }
0x1a2: {  	[sflag:s29] =	ssyncset.done $0x0  }
0x1a3: {  	[sflag:s29] =	ssyncadd.s32 $0xFFFFD800  }
0x1a4: {  	_ =	swait.ge [sflag:s30], $0x2800  }
0x1a5: {  	[sflag:s30] =	ssyncset.done $0x0  }
0x1a6: {  	[sflag:s30] =	ssyncadd.s32 $0xFFFFD800  }
0x1a7: {  	_ =	swait.ge [sflag:s31], $0x2800  }
0x1a8: {  	[sflag:s31] =	ssyncset.done $0x0  }
0x1a9: {  	s11 =	rddreg [dreg:$0x15];
	[sflag:s31] =	ssyncadd.s32 $0xFFFFD800  }
0x1aa: {  	[tilespmem:s16], [sflag:$0x1] =	stream.indirect.gather [hbm4b:s1+s15], $0x80, s11, s15, $0xb8;
	v63 =	vld [tilespmem:$0x0]  }
0x1ab: {  	s14 =	rddreg [dreg:$0x16]  }
0x1ac: {  	[tilespmem:s17], [sflag:$0x2] =	stream.indirect.gather [hbm4b:s1+s15], $0x80, s14, s15, $0xb8;
	v63 =	vld [tilespmem:$0x0]  }
0x1ad: {  	s11 =	rddreg [dreg:$0x17]  }
0x1ae: {  	[tilespmem:s18], [sflag:$0x3] =	stream.indirect.gather [hbm4b:s1+s15], $0x80, s11, s15, $0xb8;
	v63 =	vld [tilespmem:$0x0]  }
0x1af: {  	s14 =	rddreg [dreg:$0x18]  }
0x1b0: {  	[tilespmem:s19], [sflag:$0x4] =	stream.indirect.gather [hbm4b:s1+s15], $0x80, s14, s15, $0xb8;
	v63 =	vld [tilespmem:$0x0]  }
0x1b1: {  	_ =	swait.ge [sflag:s20], $0x2800  }
0x1b2: {  	[sflag:s20] =	ssyncset.done $0x0  }
0x1b3: {  	[sflag:s20] =	ssyncadd.s32 $0xFFFFD800  }
0x1b4: {  	[spmem:s3] =	stream.indirect.scatter.add.f32 [tilespmem:s16], [sflag:$0x5], $0x80, s7, s15, $0xb8;
	v63 =	vld [tilespmem:$0x0]  }
0x1b5: {  	_ =	swait.ge [sflag:s21], $0x2800  }
0x1b6: {  	[sflag:s21] =	ssyncset.done $0x0  }
0x1b7: {  	[sflag:s21] =	ssyncadd.s32 $0xFFFFD800  }
0x1b8: {  	[spmem:s3] =	stream.indirect.scatter.add.f32 [tilespmem:s17], [sflag:$0x6], $0x80, s12, s15, $0xb8;
	v63 =	vld [tilespmem:$0x0]  }
0x1b9: {  	_ =	swait.ge [sflag:s23], $0x2800  }
0x1ba: {  	[sflag:s23] =	ssyncset.done $0x0  }
0x1bb: {  	[sflag:s23] =	ssyncadd.s32 $0xFFFFD800  }
0x1bc: {  	[spmem:s3] =	stream.indirect.scatter.add.f32 [tilespmem:s18], [sflag:$0x7], $0x80, s4, s15, $0xb8;
	v63 =	vld [tilespmem:$0x0]  }
0x1bd: {  	_ =	swait.ge [sflag:s25], $0x2800  }
0x1be: {  	[sflag:s25] =	ssyncset.done $0x0  }
0x1bf: {  	[sflag:s25] =	ssyncadd.s32 $0xFFFFD800  }
0x1c0: {  	[spmem:s3] =	stream.indirect.scatter.add.f32 [tilespmem:s19], [sflag:$0x8], $0x80, s2, s15, $0xb8;
	v63 =	vld [tilespmem:$0x0]  }
0x1c1: {  	_ =	swait.ge [sflag:s28], $0x2800  }
0x1c2: {  	[sflag:s28] =	ssyncset.done $0x0  }
0x1c3: {  	[sflag:s28] =	ssyncadd.s32 $0xFFFFD800  }
0x1c4: {  	_ =	swait.ge [sflag:s29], $0x2800  }
0x1c5: {  	[sflag:s29] =	ssyncset.done $0x0  }
0x1c6: {  	[sflag:s29] =	ssyncadd.s32 $0xFFFFD800  }
0x1c7: {  	_ =	swait.ge [sflag:s30], $0x2800  }
0x1c8: {  	[sflag:s30] =	ssyncset.done $0x0  }
0x1c9: {  	[sflag:s30] =	ssyncadd.s32 $0xFFFFD800  }
0x1ca: {  	_ =	swait.ge [sflag:s31], $0x2800  }
0x1cb: {  	[sflag:s31] =	ssyncset.done $0x0  }
0x1cc: {  	s11 =	rddreg [dreg:$0x19];
	[sflag:s31] =	ssyncadd.s32 $0xFFFFD800  }
0x1cd: {  	[tilespmem:s16], [sflag:$0x1] =	stream.indirect.gather [hbm4b:s1+s15], $0x80, s11, s15, $0xb8;
	v63 =	vld [tilespmem:$0x0]  }
0x1ce: {  	s14 =	rddreg [dreg:$0x1a]  }
0x1cf: {  	[tilespmem:s17], [sflag:$0x2] =	stream.indirect.gather [hbm4b:s1+s15], $0x80, s14, s15, $0xb8;
	v63 =	vld [tilespmem:$0x0]  }
0x1d0: {  	s11 =	rddreg [dreg:$0x1b]  }
0x1d1: {  	[tilespmem:s18], [sflag:$0x3] =	stream.indirect.gather [hbm4b:s1+s15], $0x80, s11, s15, $0xb8;
	v63 =	vld [tilespmem:$0x0]  }
0x1d2: {  	s14 =	rddreg [dreg:$0x1c]  }
0x1d3: {  	[tilespmem:s19], [sflag:$0x4] =	stream.indirect.gather [hbm4b:s1+s15], $0x80, s14, s15, $0xb8;
	v63 =	vld [tilespmem:$0x0]  }
0x1d4: {  	_ =	swait.ge [sflag:s20], $0x2800  }
0x1d5: {  	[sflag:s20] =	ssyncset.done $0x0  }
0x1d6: {  	[sflag:s20] =	ssyncadd.s32 $0xFFFFD800  }
0x1d7: {  	[spmem:s3] =	stream.indirect.scatter.add.f32 [tilespmem:s16], [sflag:$0x5], $0x80, s5, s15, $0xb8;
	v63 =	vld [tilespmem:$0x0]  }
0x1d8: {  	_ =	swait.ge [sflag:s21], $0x2800  }
0x1d9: {  	[sflag:s21] =	ssyncset.done $0x0  }
0x1da: {  	[sflag:s21] =	ssyncadd.s32 $0xFFFFD800  }
0x1db: {  	[spmem:s3] =	stream.indirect.scatter.add.f32 [tilespmem:s17], [sflag:$0x6], $0x80, s8, s15, $0xb8;
	v63 =	vld [tilespmem:$0x0]  }
0x1dc: {  	_ =	swait.ge [sflag:s23], $0x2800  }
0x1dd: {  	[sflag:s23] =	ssyncset.done $0x0  }
0x1de: {  	[sflag:s23] =	ssyncadd.s32 $0xFFFFD800  }
0x1df: {  	[spmem:s3] =	stream.indirect.scatter.add.f32 [tilespmem:s18], [sflag:$0x7], $0x80, s9, s15, $0xb8;
	v63 =	vld [tilespmem:$0x0]  }
0x1e0: {  	_ =	swait.ge [sflag:s25], $0x2800  }
0x1e1: {  	[sflag:s25] =	ssyncset.done $0x0  }
0x1e2: {  	[sflag:s25] =	ssyncadd.s32 $0xFFFFD800  }
0x1e3: {  	[spmem:s3] =	stream.indirect.scatter.add.f32 [tilespmem:s19], [sflag:$0x8], $0x80, s10, s15, $0xb8;
	v63 =	vld [tilespmem:$0x0]  }
0x1e4: {  	_ =	swait.ge [sflag:s28], $0x2800  }
0x1e5: {  	[sflag:s28] =	ssyncset.done $0x0  }
0x1e6: {  	[sflag:s28] =	ssyncadd.s32 $0xFFFFD800  }
0x1e7: {  	_ =	swait.ge [sflag:s29], $0x2800  }
0x1e8: {  	[sflag:s29] =	ssyncset.done $0x0  }
0x1e9: {  	[sflag:s29] =	ssyncadd.s32 $0xFFFFD800  }
0x1ea: {  	_ =	swait.ge [sflag:s30], $0x2800  }
0x1eb: {  	[sflag:s30] =	ssyncset.done $0x0  }
0x1ec: {  	[sflag:s30] =	ssyncadd.s32 $0xFFFFD800  }
0x1ed: {  	_ =	swait.ge [sflag:s31], $0x2800  }
0x1ee: {  	[sflag:s31] =	ssyncset.done $0x0  }
0x1ef: {  	s26 =	rddreg [dreg:$0x1d];
	[sflag:s31] =	ssyncadd.s32 $0xFFFFD800  }
0x1f0: {  	[tilespmem:s16], [sflag:$0x1] =	stream.indirect.gather [hbm4b:s1+s15], $0x80, s26, s15, $0xb8;
	v63 =	vld [tilespmem:$0x0]  }
0x1f1: {  	p0 =	sne.s32 s24, $0x800;
	_ =	swait.ge [sflag:s20], $0x2800  }
.Ltmp0:
0x1f2: {  	[sflag:s20] =	ssyncset.done $0x0;
	(pc) =	sbr.rel @p0 .LBB2_2-.Ltmp0, $4  }
0x1f3: {  	[sflag:s20] =	ssyncadd.s32 $0xFFFFD800  }
0x1f4: {  	[spmem:s3] =	stream.indirect.scatter.add.f32 [tilespmem:s16], [sflag:$0x9], $0x80, s6, s15, $0xb8;
	v63 =	vld [tilespmem:$0x0]  }
0x1f5: {  	_ =	swait.ge [sflag:s13], $0x2800  }
0x1f6: {  	s24 =	sadd.s32 $0x200, s24;
	s26 =	rddreg [dreg:$0x5];
	[sflag:s13] =	ssyncset.done $0x0  }
0x1f7: {  	[sflag:s13] =	ssyncadd.s32 $0xFFFFD800;
	s0 =	sadd.s32 s22, s26;
	s4 =	simm.s32 $0x0  }
0x1f8: {  	[tilespmem:s4], [sflag:$0x9] =	stream.linear.gather [hbm4b:s0+s4], $0xC80, $0x38;
	v63 =	vld [tilespmem:$0x0]  }
0x1f9: {  	_ =	swait.ge [sflag:s13], $0xC80  }
0x1fa: {  	[sflag:s13] =	ssyncset.done $0x0;
	s7 =	rddreg [dreg:$0x1e]  }
0x1fb: {  	s2 =	simm.s32 $0x1000;
	[sflag:s13] =	ssyncadd.s32 $0xFFFFF380;
	s24 =	sadd.s32 s22, s7  }
0x1fc: {  	[tilespmem:s2], [sflag:$0x9] =	stream.linear.gather [hbm4b:s24+s4], $0xC80, $0x38;
	v63 =	vld [tilespmem:$0x0]  }
0x1fd: {  	_ =	swait.ge [sflag:s13], $0xC80  }
0x1fe: {  	[sflag:s13] =	ssyncset.done $0x0  }
0x1ff: {  	[sflag:s13] =	ssyncadd.s32 $0xFFFFF380  }
0x200: {  	[tilespmem:s16], [sflag:$0x1] =	stream.indirect.gather [hbm4b:s1+s15], $0x80, s4, s15, $0xb8;
	v63 =	vld [tilespmem:$0x0]  }
0x201: {  	s26 =	rddreg [dreg:$0x6]  }
0x202: {  	[tilespmem:s17], [sflag:$0x2] =	stream.indirect.gather [hbm4b:s1+s15], $0x80, s26, s15, $0xb8;
	v63 =	vld [tilespmem:$0x0]  }
0x203: {  	s5 =	rddreg [dreg:$0x7]  }
0x204: {  	[tilespmem:s18], [sflag:$0x3] =	stream.indirect.gather [hbm4b:s1+s15], $0x80, s5, s15, $0xb8;
	v63 =	vld [tilespmem:$0x0]  }
0x205: {  	s6 =	rddreg [dreg:$0x8]  }
0x206: {  	[tilespmem:s19], [sflag:$0x4] =	stream.indirect.gather [hbm4b:s1+s15], $0x80, s6, s15, $0xb8;
	v63 =	vld [tilespmem:$0x0]  }
0x207: {  	_ =	swait.ge [sflag:s20], $0x2800  }
0x208: {  	[sflag:s20] =	ssyncset.done $0x0  }
0x209: {  	[sflag:s20] =	ssyncadd.s32 $0xFFFFD800  }
0x20a: {  	[spmem:s3] =	stream.indirect.scatter.add.f32 [tilespmem:s16], [sflag:$0x5], $0x80, s2, s15, $0xb8;
	v63 =	vld [tilespmem:$0x0]  }
0x20b: {  	_ =	swait.ge [sflag:s21], $0x2800  }
0x20c: {  	[sflag:s21] =	ssyncset.done $0x0  }
0x20d: {  	s8 =	simm.s32 $0x1080;
	[sflag:s21] =	ssyncadd.s32 $0xFFFFD800  }
0x20e: {  	[spmem:s3] =	stream.indirect.scatter.add.f32 [tilespmem:s17], [sflag:$0x6], $0x80, s8, s15, $0xb8;
	v63 =	vld [tilespmem:$0x0]  }
0x20f: {  	_ =	swait.ge [sflag:s23], $0x2800  }
0x210: {  	[sflag:s23] =	ssyncset.done $0x0  }
0x211: {  	s9 =	simm.s32 $0x1100;
	[sflag:s23] =	ssyncadd.s32 $0xFFFFD800  }
0x212: {  	[spmem:s3] =	stream.indirect.scatter.add.f32 [tilespmem:s18], [sflag:$0x7], $0x80, s9, s15, $0xb8;
	v63 =	vld [tilespmem:$0x0]  }
0x213: {  	_ =	swait.ge [sflag:s25], $0x2800  }
0x214: {  	[sflag:s25] =	ssyncset.done $0x0  }
0x215: {  	s10 =	simm.s32 $0x1180;
	[sflag:s25] =	ssyncadd.s32 $0xFFFFD800  }
0x216: {  	[spmem:s3] =	stream.indirect.scatter.add.f32 [tilespmem:s19], [sflag:$0x8], $0x80, s10, s15, $0xb8;
	v63 =	vld [tilespmem:$0x0]  }
0x217: {  	_ =	swait.ge [sflag:s28], $0x2800  }
0x218: {  	[sflag:s28] =	ssyncset.done $0x0  }
0x219: {  	[sflag:s28] =	ssyncadd.s32 $0xFFFFD800  }
0x21a: {  	_ =	swait.ge [sflag:s29], $0x2800  }
0x21b: {  	[sflag:s29] =	ssyncset.done $0x0  }
0x21c: {  	[sflag:s29] =	ssyncadd.s32 $0xFFFFD800  }
0x21d: {  	_ =	swait.ge [sflag:s30], $0x2800  }
0x21e: {  	[sflag:s30] =	ssyncset.done $0x0  }
0x21f: {  	[sflag:s30] =	ssyncadd.s32 $0xFFFFD800  }
0x220: {  	_ =	swait.ge [sflag:s31], $0x2800  }
0x221: {  	[sflag:s31] =	ssyncset.done $0x0  }
0x222: {  	s11 =	rddreg [dreg:$0x9];
	[sflag:s31] =	ssyncadd.s32 $0xFFFFD800  }
0x223: {  	[tilespmem:s16], [sflag:$0x1] =	stream.indirect.gather [hbm4b:s1+s15], $0x80, s11, s15, $0xb8;
	v63 =	vld [tilespmem:$0x0]  }
0x224: {  	s12 =	rddreg [dreg:$0xa]  }
0x225: {  	[tilespmem:s17], [sflag:$0x2] =	stream.indirect.gather [hbm4b:s1+s15], $0x80, s12, s15, $0xb8;
	v63 =	vld [tilespmem:$0x0]  }
0x226: {  	s14 =	rddreg [dreg:$0xb]  }
0x227: {  	[tilespmem:s18], [sflag:$0x3] =	stream.indirect.gather [hbm4b:s1+s15], $0x80, s14, s15, $0xb8;
	v63 =	vld [tilespmem:$0x0]  }
0x228: {  	s24 =	rddreg [dreg:$0xc]  }
0x229: {  	[tilespmem:s19], [sflag:$0x4] =	stream.indirect.gather [hbm4b:s1+s15], $0x80, s24, s15, $0xb8;
	v63 =	vld [tilespmem:$0x0]  }
0x22a: {  	_ =	swait.ge [sflag:s20], $0x2800  }
0x22b: {  	[sflag:s20] =	ssyncset.done $0x0  }
0x22c: {  	s26 =	simm.s32 $0x1200;
	[sflag:s20] =	ssyncadd.s32 $0xFFFFD800  }
0x22d: {  	[spmem:s3] =	stream.indirect.scatter.add.f32 [tilespmem:s16], [sflag:$0x5], $0x80, s26, s15, $0xb8;
	v63 =	vld [tilespmem:$0x0]  }
0x22e: {  	_ =	swait.ge [sflag:s21], $0x2800  }
0x22f: {  	[sflag:s21] =	ssyncset.done $0x0  }
0x230: {  	s5 =	simm.s32 $0x1280;
	[sflag:s21] =	ssyncadd.s32 $0xFFFFD800  }
0x231: {  	[spmem:s3] =	stream.indirect.scatter.add.f32 [tilespmem:s17], [sflag:$0x6], $0x80, s5, s15, $0xb8;
	v63 =	vld [tilespmem:$0x0]  }
0x232: {  	_ =	swait.ge [sflag:s23], $0x2800  }
0x233: {  	[sflag:s23] =	ssyncset.done $0x0  }
0x234: {  	s6 =	simm.s32 $0x1300;
	[sflag:s23] =	ssyncadd.s32 $0xFFFFD800  }
0x235: {  	[spmem:s3] =	stream.indirect.scatter.add.f32 [tilespmem:s18], [sflag:$0x7], $0x80, s6, s15, $0xb8;
	v63 =	vld [tilespmem:$0x0]  }
0x236: {  	_ =	swait.ge [sflag:s25], $0x2800  }
0x237: {  	[sflag:s25] =	ssyncset.done $0x0  }
0x238: {  	s8 =	simm.s32 $0x1380;
	[sflag:s25] =	ssyncadd.s32 $0xFFFFD800  }
0x239: {  	[spmem:s3] =	stream.indirect.scatter.add.f32 [tilespmem:s19], [sflag:$0x8], $0x80, s8, s15, $0xb8;
	v63 =	vld [tilespmem:$0x0]  }
0x23a: {  	_ =	swait.ge [sflag:s28], $0x2800  }
0x23b: {  	[sflag:s28] =	ssyncset.done $0x0  }
0x23c: {  	[sflag:s28] =	ssyncadd.s32 $0xFFFFD800  }
0x23d: {  	_ =	swait.ge [sflag:s29], $0x2800  }
0x23e: {  	[sflag:s29] =	ssyncset.done $0x0  }
0x23f: {  	[sflag:s29] =	ssyncadd.s32 $0xFFFFD800  }
0x240: {  	_ =	swait.ge [sflag:s30], $0x2800  }
0x241: {  	[sflag:s30] =	ssyncset.done $0x0  }
0x242: {  	[sflag:s30] =	ssyncadd.s32 $0xFFFFD800  }
0x243: {  	_ =	swait.ge [sflag:s31], $0x2800  }
0x244: {  	[sflag:s31] =	ssyncset.done $0x0  }
0x245: {  	s9 =	rddreg [dreg:$0xd];
	[sflag:s31] =	ssyncadd.s32 $0xFFFFD800  }
0x246: {  	[tilespmem:s16], [sflag:$0x1] =	stream.indirect.gather [hbm4b:s1+s15], $0x80, s9, s15, $0xb8;
	v63 =	vld [tilespmem:$0x0]  }
0x247: {  	s10 =	rddreg [dreg:$0xe]  }
0x248: {  	[tilespmem:s17], [sflag:$0x2] =	stream.indirect.gather [hbm4b:s1+s15], $0x80, s10, s15, $0xb8;
	v63 =	vld [tilespmem:$0x0]  }
0x249: {  	s11 =	rddreg [dreg:$0xf]  }
0x24a: {  	[tilespmem:s18], [sflag:$0x3] =	stream.indirect.gather [hbm4b:s1+s15], $0x80, s11, s15, $0xb8;
	v63 =	vld [tilespmem:$0x0]  }
0x24b: {  	s12 =	rddreg [dreg:$0x10]  }
0x24c: {  	[tilespmem:s19], [sflag:$0x4] =	stream.indirect.gather [hbm4b:s1+s15], $0x80, s12, s15, $0xb8;
	v63 =	vld [tilespmem:$0x0]  }
0x24d: {  	_ =	swait.ge [sflag:s20], $0x2800  }
0x24e: {  	[sflag:s20] =	ssyncset.done $0x0  }
0x24f: {  	s14 =	simm.s32 $0x1400;
	[sflag:s20] =	ssyncadd.s32 $0xFFFFD800  }
0x250: {  	[spmem:s3] =	stream.indirect.scatter.add.f32 [tilespmem:s16], [sflag:$0x5], $0x80, s14, s15, $0xb8;
	v63 =	vld [tilespmem:$0x0]  }
0x251: {  	_ =	swait.ge [sflag:s21], $0x2800  }
0x252: {  	[sflag:s21] =	ssyncset.done $0x0  }
0x253: {  	s22 =	simm.s32 $0x1480;
	[sflag:s21] =	ssyncadd.s32 $0xFFFFD800  }
0x254: {  	[spmem:s3] =	stream.indirect.scatter.add.f32 [tilespmem:s17], [sflag:$0x6], $0x80, s22, s15, $0xb8;
	v63 =	vld [tilespmem:$0x0]  }
0x255: {  	_ =	swait.ge [sflag:s23], $0x2800  }
0x256: {  	[sflag:s23] =	ssyncset.done $0x0  }
0x257: {  	s24 =	simm.s32 $0x1500;
	[sflag:s23] =	ssyncadd.s32 $0xFFFFD800  }
0x258: {  	[spmem:s3] =	stream.indirect.scatter.add.f32 [tilespmem:s18], [sflag:$0x7], $0x80, s24, s15, $0xb8;
	v63 =	vld [tilespmem:$0x0]  }
0x259: {  	_ =	swait.ge [sflag:s25], $0x2800  }
0x25a: {  	[sflag:s25] =	ssyncset.done $0x0  }
0x25b: {  	s26 =	simm.s32 $0x1580;
	[sflag:s25] =	ssyncadd.s32 $0xFFFFD800  }
0x25c: {  	[spmem:s3] =	stream.indirect.scatter.add.f32 [tilespmem:s19], [sflag:$0x8], $0x80, s26, s15, $0xb8;
	v63 =	vld [tilespmem:$0x0]  }
0x25d: {  	_ =	swait.ge [sflag:s28], $0x2800  }
0x25e: {  	[sflag:s28] =	ssyncset.done $0x0  }
0x25f: {  	[sflag:s28] =	ssyncadd.s32 $0xFFFFD800  }
0x260: {  	_ =	swait.ge [sflag:s29], $0x2800  }
0x261: {  	[sflag:s29] =	ssyncset.done $0x0  }
0x262: {  	[sflag:s29] =	ssyncadd.s32 $0xFFFFD800  }
0x263: {  	_ =	swait.ge [sflag:s30], $0x2800  }
0x264: {  	[sflag:s30] =	ssyncset.done $0x0  }
0x265: {  	[sflag:s30] =	ssyncadd.s32 $0xFFFFD800  }
0x266: {  	_ =	swait.ge [sflag:s31], $0x2800  }
0x267: {  	[sflag:s31] =	ssyncset.done $0x0  }
0x268: {  	s5 =	rddreg [dreg:$0x11];
	[sflag:s31] =	ssyncadd.s32 $0xFFFFD800  }
0x269: {  	[tilespmem:s16], [sflag:$0x1] =	stream.indirect.gather [hbm4b:s1+s15], $0x80, s5, s15, $0xb8;
	v63 =	vld [tilespmem:$0x0]  }
0x26a: {  	s6 =	rddreg [dreg:$0x12]  }
0x26b: {  	[tilespmem:s17], [sflag:$0x2] =	stream.indirect.gather [hbm4b:s1+s15], $0x80, s6, s15, $0xb8;
	v63 =	vld [tilespmem:$0x0]  }
0x26c: {  	s8 =	rddreg [dreg:$0x13]  }
0x26d: {  	[tilespmem:s18], [sflag:$0x3] =	stream.indirect.gather [hbm4b:s1+s15], $0x80, s8, s15, $0xb8;
	v63 =	vld [tilespmem:$0x0]  }
0x26e: {  	s9 =	rddreg [dreg:$0x14]  }
0x26f: {  	[tilespmem:s19], [sflag:$0x4] =	stream.indirect.gather [hbm4b:s1+s15], $0x80, s9, s15, $0xb8;
	v63 =	vld [tilespmem:$0x0]  }
0x270: {  	_ =	swait.ge [sflag:s20], $0x2800  }
0x271: {  	[sflag:s20] =	ssyncset.done $0x0  }
0x272: {  	s10 =	simm.s32 $0x1600;
	[sflag:s20] =	ssyncadd.s32 $0xFFFFD800  }
0x273: {  	[spmem:s3] =	stream.indirect.scatter.add.f32 [tilespmem:s16], [sflag:$0x5], $0x80, s10, s15, $0xb8;
	v63 =	vld [tilespmem:$0x0]  }
0x274: {  	_ =	swait.ge [sflag:s21], $0x2800  }
0x275: {  	[sflag:s21] =	ssyncset.done $0x0  }
0x276: {  	s11 =	simm.s32 $0x1680;
	[sflag:s21] =	ssyncadd.s32 $0xFFFFD800  }
0x277: {  	[spmem:s3] =	stream.indirect.scatter.add.f32 [tilespmem:s17], [sflag:$0x6], $0x80, s11, s15, $0xb8;
	v63 =	vld [tilespmem:$0x0]  }
0x278: {  	_ =	swait.ge [sflag:s23], $0x2800  }
0x279: {  	[sflag:s23] =	ssyncset.done $0x0  }
0x27a: {  	s12 =	simm.s32 $0x1700;
	[sflag:s23] =	ssyncadd.s32 $0xFFFFD800  }
0x27b: {  	[spmem:s3] =	stream.indirect.scatter.add.f32 [tilespmem:s18], [sflag:$0x7], $0x80, s12, s15, $0xb8;
	v63 =	vld [tilespmem:$0x0]  }
0x27c: {  	_ =	swait.ge [sflag:s25], $0x2800  }
0x27d: {  	[sflag:s25] =	ssyncset.done $0x0  }
0x27e: {  	s14 =	simm.s32 $0x1780;
	[sflag:s25] =	ssyncadd.s32 $0xFFFFD800  }
0x27f: {  	[spmem:s3] =	stream.indirect.scatter.add.f32 [tilespmem:s19], [sflag:$0x8], $0x80, s14, s15, $0xb8;
	v63 =	vld [tilespmem:$0x0]  }
0x280: {  	_ =	swait.ge [sflag:s28], $0x2800  }
0x281: {  	[sflag:s28] =	ssyncset.done $0x0  }
0x282: {  	[sflag:s28] =	ssyncadd.s32 $0xFFFFD800  }
0x283: {  	_ =	swait.ge [sflag:s29], $0x2800  }
0x284: {  	[sflag:s29] =	ssyncset.done $0x0  }
0x285: {  	[sflag:s29] =	ssyncadd.s32 $0xFFFFD800  }
0x286: {  	_ =	swait.ge [sflag:s30], $0x2800  }
0x287: {  	[sflag:s30] =	ssyncset.done $0x0  }
0x288: {  	[sflag:s30] =	ssyncadd.s32 $0xFFFFD800  }
0x289: {  	_ =	swait.ge [sflag:s31], $0x2800  }
0x28a: {  	[sflag:s31] =	ssyncset.done $0x0  }
0x28b: {  	s22 =	rddreg [dreg:$0x15];
	[sflag:s31] =	ssyncadd.s32 $0xFFFFD800  }
0x28c: {  	[tilespmem:s16], [sflag:$0x1] =	stream.indirect.gather [hbm4b:s1+s15], $0x80, s22, s15, $0xb8;
	v63 =	vld [tilespmem:$0x0]  }
0x28d: {  	s24 =	rddreg [dreg:$0x16]  }
0x28e: {  	[tilespmem:s17], [sflag:$0x2] =	stream.indirect.gather [hbm4b:s1+s15], $0x80, s24, s15, $0xb8;
	v63 =	vld [tilespmem:$0x0]  }
0x28f: {  	s26 =	rddreg [dreg:$0x17]  }
0x290: {  	[tilespmem:s18], [sflag:$0x3] =	stream.indirect.gather [hbm4b:s1+s15], $0x80, s26, s15, $0xb8;
	v63 =	vld [tilespmem:$0x0]  }
0x291: {  	s5 =	rddreg [dreg:$0x18]  }
0x292: {  	[tilespmem:s19], [sflag:$0x4] =	stream.indirect.gather [hbm4b:s1+s15], $0x80, s5, s15, $0xb8;
	v63 =	vld [tilespmem:$0x0]  }
0x293: {  	_ =	swait.ge [sflag:s20], $0x2800  }
0x294: {  	[sflag:s20] =	ssyncset.done $0x0  }
0x295: {  	s12 =	simm.s32 $0x1800;
	[sflag:s20] =	ssyncadd.s32 $0xFFFFD800  }
0x296: {  	[spmem:s3] =	stream.indirect.scatter.add.f32 [tilespmem:s16], [sflag:$0x5], $0x80, s12, s15, $0xb8;
	v63 =	vld [tilespmem:$0x0]  }
0x297: {  	_ =	swait.ge [sflag:s21], $0x2800  }
0x298: {  	[sflag:s21] =	ssyncset.done $0x0  }
0x299: {  	s5 =	simm.s32 $0x1880;
	[sflag:s21] =	ssyncadd.s32 $0xFFFFD800  }
0x29a: {  	[spmem:s3] =	stream.indirect.scatter.add.f32 [tilespmem:s17], [sflag:$0x6], $0x80, s5, s15, $0xb8;
	v63 =	vld [tilespmem:$0x0]  }
0x29b: {  	_ =	swait.ge [sflag:s23], $0x2800  }
0x29c: {  	[sflag:s23] =	ssyncset.done $0x0  }
0x29d: {  	s6 =	simm.s32 $0x1900;
	[sflag:s23] =	ssyncadd.s32 $0xFFFFD800  }
0x29e: {  	[spmem:s3] =	stream.indirect.scatter.add.f32 [tilespmem:s18], [sflag:$0x7], $0x80, s6, s15, $0xb8;
	v63 =	vld [tilespmem:$0x0]  }
0x29f: {  	_ =	swait.ge [sflag:s25], $0x2800  }
0x2a0: {  	[sflag:s25] =	ssyncset.done $0x0  }
0x2a1: {  	s9 =	simm.s32 $0x1980;
	[sflag:s25] =	ssyncadd.s32 $0xFFFFD800  }
0x2a2: {  	[spmem:s3] =	stream.indirect.scatter.add.f32 [tilespmem:s19], [sflag:$0x8], $0x80, s9, s15, $0xb8;
	v63 =	vld [tilespmem:$0x0]  }
0x2a3: {  	_ =	swait.ge [sflag:s28], $0x2800  }
0x2a4: {  	[sflag:s28] =	ssyncset.done $0x0  }
0x2a5: {  	[sflag:s28] =	ssyncadd.s32 $0xFFFFD800  }
0x2a6: {  	_ =	swait.ge [sflag:s29], $0x2800  }
0x2a7: {  	[sflag:s29] =	ssyncset.done $0x0  }
0x2a8: {  	[sflag:s29] =	ssyncadd.s32 $0xFFFFD800  }
0x2a9: {  	_ =	swait.ge [sflag:s30], $0x2800  }
0x2aa: {  	[sflag:s30] =	ssyncset.done $0x0  }
0x2ab: {  	[sflag:s30] =	ssyncadd.s32 $0xFFFFD800  }
0x2ac: {  	_ =	swait.ge [sflag:s31], $0x2800  }
0x2ad: {  	[sflag:s31] =	ssyncset.done $0x0  }
0x2ae: {  	s8 =	rddreg [dreg:$0x19];
	[sflag:s31] =	ssyncadd.s32 $0xFFFFD800  }
0x2af: {  	[tilespmem:s16], [sflag:$0x1] =	stream.indirect.gather [hbm4b:s1+s15], $0x80, s8, s15, $0xb8;
	v63 =	vld [tilespmem:$0x0]  }
0x2b0: {  	s10 =	rddreg [dreg:$0x1a]  }
0x2b1: {  	[tilespmem:s17], [sflag:$0x2] =	stream.indirect.gather [hbm4b:s1+s15], $0x80, s10, s15, $0xb8;
	v63 =	vld [tilespmem:$0x0]  }
0x2b2: {  	s11 =	rddreg [dreg:$0x1b]  }
0x2b3: {  	[tilespmem:s18], [sflag:$0x3] =	stream.indirect.gather [hbm4b:s1+s15], $0x80, s11, s15, $0xb8;
	v63 =	vld [tilespmem:$0x0]  }
0x2b4: {  	s14 =	rddreg [dreg:$0x1c]  }
0x2b5: {  	[tilespmem:s19], [sflag:$0x4] =	stream.indirect.gather [hbm4b:s1+s15], $0x80, s14, s15, $0xb8;
	v63 =	vld [tilespmem:$0x0]  }
0x2b6: {  	_ =	swait.ge [sflag:s20], $0x2800  }
0x2b7: {  	[sflag:s20] =	ssyncset.done $0x0  }
0x2b8: {  	s8 =	simm.s32 $0x1A00;
	[sflag:s20] =	ssyncadd.s32 $0xFFFFD800  }
0x2b9: {  	[spmem:s3] =	stream.indirect.scatter.add.f32 [tilespmem:s16], [sflag:$0x5], $0x80, s8, s15, $0xb8;
	v63 =	vld [tilespmem:$0x0]  }
0x2ba: {  	_ =	swait.ge [sflag:s21], $0x2800  }
0x2bb: {  	[sflag:s21] =	ssyncset.done $0x0  }
0x2bc: {  	s6 =	simm.s32 $0x1A80;
	[sflag:s21] =	ssyncadd.s32 $0xFFFFD800  }
0x2bd: {  	[spmem:s3] =	stream.indirect.scatter.add.f32 [tilespmem:s17], [sflag:$0x6], $0x80, s6, s15, $0xb8;
	v63 =	vld [tilespmem:$0x0]  }
0x2be: {  	_ =	swait.ge [sflag:s23], $0x2800  }
0x2bf: {  	[sflag:s23] =	ssyncset.done $0x0  }
0x2c0: {  	s10 =	simm.s32 $0x1B00;
	[sflag:s23] =	ssyncadd.s32 $0xFFFFD800  }
0x2c1: {  	[spmem:s3] =	stream.indirect.scatter.add.f32 [tilespmem:s18], [sflag:$0x7], $0x80, s10, s15, $0xb8;
	v63 =	vld [tilespmem:$0x0]  }
0x2c2: {  	_ =	swait.ge [sflag:s25], $0x2800  }
0x2c3: {  	[sflag:s25] =	ssyncset.done $0x0  }
0x2c4: {  	s26 =	simm.s32 $0x1B80;
	[sflag:s25] =	ssyncadd.s32 $0xFFFFD800  }
0x2c5: {  	[spmem:s3] =	stream.indirect.scatter.add.f32 [tilespmem:s19], [sflag:$0x8], $0x80, s26, s15, $0xb8;
	v63 =	vld [tilespmem:$0x0]  }
0x2c6: {  	_ =	swait.ge [sflag:s28], $0x2800  }
0x2c7: {  	[sflag:s28] =	ssyncset.done $0x0  }
0x2c8: {  	[sflag:s28] =	ssyncadd.s32 $0xFFFFD800  }
0x2c9: {  	_ =	swait.ge [sflag:s29], $0x2800  }
0x2ca: {  	[sflag:s29] =	ssyncset.done $0x0  }
0x2cb: {  	[sflag:s29] =	ssyncadd.s32 $0xFFFFD800  }
0x2cc: {  	_ =	swait.ge [sflag:s30], $0x2800  }
0x2cd: {  	[sflag:s30] =	ssyncset.done $0x0  }
0x2ce: {  	[sflag:s30] =	ssyncadd.s32 $0xFFFFD800  }
0x2cf: {  	_ =	swait.ge [sflag:s31], $0x2800  }
0x2d0: {  	[sflag:s31] =	ssyncset.done $0x0  }
0x2d1: {  	s24 =	rddreg [dreg:$0x1d];
	[sflag:s31] =	ssyncadd.s32 $0xFFFFD800  }
0x2d2: {  	[tilespmem:s16], [sflag:$0x1] =	stream.indirect.gather [hbm4b:s1+s15], $0x80, s24, s15, $0xb8;
	v63 =	vld [tilespmem:$0x0]  }
0x2d3: {  	_ =	swait.ge [sflag:s20], $0x2800  }
0x2d4: {  	[sflag:s20] =	ssyncset.done $0x0  }
0x2d5: {  	s14 =	simm.s32 $0x1C00;
	[sflag:s20] =	ssyncadd.s32 $0xFFFFD800  }
0x2d6: {  	[spmem:s3] =	stream.indirect.scatter.add.f32 [tilespmem:s16], [sflag:$0x9], $0x80, s14, s15, $0xb8;
	v63 =	vld [tilespmem:$0x0]  }
0x2d7: {  	_ =	swait.ge [sflag:s13], $0x2800  }
0x2d8: {  	[sflag:s13] =	ssyncset.done $0x0  }
0x2d9: {  	[sflag:s13] =	ssyncadd.s32 $0xFFFFD800  }
0x2da: {  	[bflag:$0x0] =	sbarrier.arrive $0xFFFF  }
0x2db: {  	s22 =	sld [smem:$0x7FC]  }
0x2dc: {  	s11 =	sld [smem:$0x7F9]  }
0x2dd: {  	s24 =	sld [smem:$0x7FD];
	_ =	sdelay $0x2  }
0x2de: {  	[hbm:s11], [sflag:s22] =	dma.local [spmem:s24], $0x2800  }
0x2df: {  	_ =	swait.ge [sflag:s13], $0x2800  }
0x2e0: {  	s11 =	sld [smem:$0x7F8]  }
0x2e1: {  	[sflag:s13] =	ssyncset.done $0x0  }
0x2e2: {  	[sflag:s13] =	ssyncadd.s32 $0xFFFFD800  }
0x2e3: {  	[spmem:s24], [sflag:s22] =	dma.local [hbm:s11], $0x2800  }
0x2e4: {  	_ =	swait.ge [sflag:s13], $0x2800  }
0x2e5: {  	[sflag:s13] =	ssyncset.done $0x0  }
0x2e6: {  	s24 =	simm.s32 $0x0;
	s11 =	rddreg [dreg:$0x1f];
	[sflag:s13] =	ssyncadd.s32 $0xFFFFD800  }
0x2e7: {  	[tilespmem:s16], [sflag:$0x9] =	stream.linear.gather [hbm4b:s11+s24], $0x2800, $0x38;
	v63 =	vld [tilespmem:$0x0]  }
0x2e8: {  	_ =	swait.ge [sflag:s13], $0x2800  }
0x2e9: {  	[sflag:s13] =	ssyncset.done $0x0  }
0x2ea: {  	[sflag:s13] =	ssyncadd.s32 $0xFFFFD800  }
0x2eb: {  	s22 =	sadd.s32 $0x0, s7;
	[bflag:$0x0] =	sbarrier.arrive $0xFFFF  }
0x2ec: {  	[tilespmem:s2], [sflag:$0x9] =	stream.linear.gather [hbm4b:s22+s4], $0xC80, $0x38;
	v63 =	vld [tilespmem:$0x0]  }
0x2ed: {  	_ =	swait.ge [sflag:s13], $0xC80  }
0x2ee: {  	[sflag:s13] =	ssyncset.done $0x0  }
0x2ef: {  	[sflag:s13] =	ssyncadd.s32 $0xFFFFF380  }
0x2f0: {  	[spmem:s3] =	stream.indirect.scatter.add.f32 [tilespmem:s16], [sflag:$0x1], $0x80, s2, s15, $0xb8;
	v63 =	vld [tilespmem:$0x0]  }
0x2f1: {  	s24 =	simm.s32 $0x1080  }
0x2f2: {  	[spmem:s3] =	stream.indirect.scatter.add.f32 [tilespmem:s16], [sflag:$0x2], $0x80, s24, s15, $0xb8;
	v63 =	vld [tilespmem:$0x0]  }
0x2f3: {  	_ =	swait.ge [sflag:s20], $0x2800  }
0x2f4: {  	[sflag:s20] =	ssyncset.done $0x0  }
0x2f5: {  	[sflag:s20] =	ssyncadd.s32 $0xFFFFD800  }
0x2f6: {  	_ =	swait.ge [sflag:s21], $0x2800  }
0x2f7: {  	[sflag:s21] =	ssyncset.done $0x0  }
0x2f8: {  	s2 =	simm.s32 $0x1100;
	[sflag:s21] =	ssyncadd.s32 $0xFFFFD800  }
0x2f9: {  	[spmem:s3] =	stream.indirect.scatter.add.f32 [tilespmem:s16], [sflag:$0x1], $0x80, s2, s15, $0xb8;
	v63 =	vld [tilespmem:$0x0]  }
0x2fa: {  	s4 =	simm.s32 $0x1180  }
0x2fb: {  	[spmem:s3] =	stream.indirect.scatter.add.f32 [tilespmem:s16], [sflag:$0x2], $0x80, s4, s15, $0xb8;
	v63 =	vld [tilespmem:$0x0]  }
0x2fc: {  	_ =	swait.ge [sflag:s20], $0x2800  }
0x2fd: {  	[sflag:s20] =	ssyncset.done $0x0  }
0x2fe: {  	[sflag:s20] =	ssyncadd.s32 $0xFFFFD800  }
0x2ff: {  	_ =	swait.ge [sflag:s21], $0x2800  }
0x300: {  	[sflag:s21] =	ssyncset.done $0x0  }
0x301: {  	s7 =	simm.s32 $0x1200;
	[sflag:s21] =	ssyncadd.s32 $0xFFFFD800  }
0x302: {  	[spmem:s3] =	stream.indirect.scatter.add.f32 [tilespmem:s16], [sflag:$0x1], $0x80, s7, s15, $0xb8;
	v63 =	vld [tilespmem:$0x0]  }
0x303: {  	s22 =	simm.s32 $0x1280  }
0x304: {  	[spmem:s3] =	stream.indirect.scatter.add.f32 [tilespmem:s16], [sflag:$0x2], $0x80, s22, s15, $0xb8;
	v63 =	vld [tilespmem:$0x0]  }
0x305: {  	_ =	swait.ge [sflag:s20], $0x2800  }
0x306: {  	[sflag:s20] =	ssyncset.done $0x0  }
0x307: {  	[sflag:s20] =	ssyncadd.s32 $0xFFFFD800  }
0x308: {  	_ =	swait.ge [sflag:s21], $0x2800  }
0x309: {  	[sflag:s21] =	ssyncset.done $0x0  }
0x30a: {  	s24 =	simm.s32 $0x1300;
	[sflag:s21] =	ssyncadd.s32 $0xFFFFD800  }
0x30b: {  	[spmem:s3] =	stream.indirect.scatter.add.f32 [tilespmem:s16], [sflag:$0x1], $0x80, s24, s15, $0xb8;
	v63 =	vld [tilespmem:$0x0]  }
0x30c: {  	s2 =	simm.s32 $0x1380  }
0x30d: {  	[spmem:s3] =	stream.indirect.scatter.add.f32 [tilespmem:s16], [sflag:$0x2], $0x80, s2, s15, $0xb8;
	v63 =	vld [tilespmem:$0x0]  }
0x30e: {  	_ =	swait.ge [sflag:s20], $0x2800  }
0x30f: {  	[sflag:s20] =	ssyncset.done $0x0  }
0x310: {  	[sflag:s20] =	ssyncadd.s32 $0xFFFFD800  }
0x311: {  	_ =	swait.ge [sflag:s21], $0x2800  }
0x312: {  	[sflag:s21] =	ssyncset.done $0x0  }
0x313: {  	s4 =	simm.s32 $0x1400;
	[sflag:s21] =	ssyncadd.s32 $0xFFFFD800  }
0x314: {  	[spmem:s3] =	stream.indirect.scatter.add.f32 [tilespmem:s16], [sflag:$0x1], $0x80, s4, s15, $0xb8;
	v63 =	vld [tilespmem:$0x0]  }
0x315: {  	s7 =	simm.s32 $0x1480  }
0x316: {  	[spmem:s3] =	stream.indirect.scatter.add.f32 [tilespmem:s16], [sflag:$0x2], $0x80, s7, s15, $0xb8;
	v63 =	vld [tilespmem:$0x0]  }
0x317: {  	_ =	swait.ge [sflag:s20], $0x2800  }
0x318: {  	[sflag:s20] =	ssyncset.done $0x0  }
0x319: {  	[sflag:s20] =	ssyncadd.s32 $0xFFFFD800  }
0x31a: {  	_ =	swait.ge [sflag:s21], $0x2800  }
0x31b: {  	[sflag:s21] =	ssyncset.done $0x0  }
0x31c: {  	s22 =	simm.s32 $0x1500;
	[sflag:s21] =	ssyncadd.s32 $0xFFFFD800  }
0x31d: {  	[spmem:s3] =	stream.indirect.scatter.add.f32 [tilespmem:s16], [sflag:$0x1], $0x80, s22, s15, $0xb8;
	v63 =	vld [tilespmem:$0x0]  }
0x31e: {  	s24 =	simm.s32 $0x1580  }
0x31f: {  	[spmem:s3] =	stream.indirect.scatter.add.f32 [tilespmem:s16], [sflag:$0x2], $0x80, s24, s15, $0xb8;
	v63 =	vld [tilespmem:$0x0]  }
0x320: {  	_ =	swait.ge [sflag:s20], $0x2800  }
0x321: {  	[sflag:s20] =	ssyncset.done $0x0  }
0x322: {  	[sflag:s20] =	ssyncadd.s32 $0xFFFFD800  }
0x323: {  	_ =	swait.ge [sflag:s21], $0x2800  }
0x324: {  	[sflag:s21] =	ssyncset.done $0x0  }
0x325: {  	s2 =	simm.s32 $0x1600;
	[sflag:s21] =	ssyncadd.s32 $0xFFFFD800  }
0x326: {  	[spmem:s3] =	stream.indirect.scatter.add.f32 [tilespmem:s16], [sflag:$0x1], $0x80, s2, s15, $0xb8;
	v63 =	vld [tilespmem:$0x0]  }
0x327: {  	s4 =	simm.s32 $0x1680  }
0x328: {  	[spmem:s3] =	stream.indirect.scatter.add.f32 [tilespmem:s16], [sflag:$0x2], $0x80, s4, s15, $0xb8;
	v63 =	vld [tilespmem:$0x0]  }
0x329: {  	_ =	swait.ge [sflag:s20], $0x2800  }
0x32a: {  	[sflag:s20] =	ssyncset.done $0x0  }
0x32b: {  	[sflag:s20] =	ssyncadd.s32 $0xFFFFD800  }
0x32c: {  	_ =	swait.ge [sflag:s21], $0x2800  }
0x32d: {  	[sflag:s21] =	ssyncset.done $0x0  }
0x32e: {  	s7 =	simm.s32 $0x1700;
	[sflag:s21] =	ssyncadd.s32 $0xFFFFD800  }
0x32f: {  	[spmem:s3] =	stream.indirect.scatter.add.f32 [tilespmem:s16], [sflag:$0x1], $0x80, s7, s15, $0xb8;
	v63 =	vld [tilespmem:$0x0]  }
0x330: {  	s22 =	simm.s32 $0x1780  }
0x331: {  	[spmem:s3] =	stream.indirect.scatter.add.f32 [tilespmem:s16], [sflag:$0x2], $0x80, s22, s15, $0xb8;
	v63 =	vld [tilespmem:$0x0]  }
0x332: {  	_ =	swait.ge [sflag:s20], $0x2800  }
0x333: {  	[sflag:s20] =	ssyncset.done $0x0  }
0x334: {  	[sflag:s20] =	ssyncadd.s32 $0xFFFFD800  }
0x335: {  	_ =	swait.ge [sflag:s21], $0x2800  }
0x336: {  	[sflag:s21] =	ssyncset.done $0x0  }
0x337: {  	[sflag:s21] =	ssyncadd.s32 $0xFFFFD800  }
0x338: {  	[spmem:s3] =	stream.indirect.scatter.add.f32 [tilespmem:s16], [sflag:$0x1], $0x80, s12, s15, $0xb8;
	v63 =	vld [tilespmem:$0x0]  }
0x339: {  	_ = 	snop  }
0x33a: {  	[spmem:s3] =	stream.indirect.scatter.add.f32 [tilespmem:s16], [sflag:$0x2], $0x80, s5, s15, $0xb8;
	v63 =	vld [tilespmem:$0x0]  }
0x33b: {  	_ =	swait.ge [sflag:s20], $0x2800  }
0x33c: {  	[sflag:s20] =	ssyncset.done $0x0  }
0x33d: {  	[sflag:s20] =	ssyncadd.s32 $0xFFFFD800  }
0x33e: {  	_ =	swait.ge [sflag:s21], $0x2800  }
0x33f: {  	[sflag:s21] =	ssyncset.done $0x0  }
0x340: {  	s24 =	simm.s32 $0x1900;
	[sflag:s21] =	ssyncadd.s32 $0xFFFFD800  }
0x341: {  	[spmem:s3] =	stream.indirect.scatter.add.f32 [tilespmem:s16], [sflag:$0x1], $0x80, s24, s15, $0xb8;
	v63 =	vld [tilespmem:$0x0]  }
0x342: {  	_ = 	snop  }
0x343: {  	[spmem:s3] =	stream.indirect.scatter.add.f32 [tilespmem:s16], [sflag:$0x2], $0x80, s9, s15, $0xb8;
	v63 =	vld [tilespmem:$0x0]  }
0x344: {  	_ =	swait.ge [sflag:s20], $0x2800  }
0x345: {  	[sflag:s20] =	ssyncset.done $0x0  }
0x346: {  	[sflag:s20] =	ssyncadd.s32 $0xFFFFD800  }
0x347: {  	_ =	swait.ge [sflag:s21], $0x2800  }
0x348: {  	[sflag:s21] =	ssyncset.done $0x0  }
0x349: {  	[sflag:s21] =	ssyncadd.s32 $0xFFFFD800  }
0x34a: {  	[spmem:s3] =	stream.indirect.scatter.add.f32 [tilespmem:s16], [sflag:$0x1], $0x80, s8, s15, $0xb8;
	v63 =	vld [tilespmem:$0x0]  }
0x34b: {  	_ = 	snop  }
0x34c: {  	[spmem:s3] =	stream.indirect.scatter.add.f32 [tilespmem:s16], [sflag:$0x2], $0x80, s6, s15, $0xb8;
	v63 =	vld [tilespmem:$0x0]  }
0x34d: {  	_ =	swait.ge [sflag:s20], $0x2800  }
0x34e: {  	[sflag:s20] =	ssyncset.done $0x0  }
0x34f: {  	[sflag:s20] =	ssyncadd.s32 $0xFFFFD800  }
0x350: {  	_ =	swait.ge [sflag:s21], $0x2800  }
0x351: {  	[sflag:s21] =	ssyncset.done $0x0  }
0x352: {  	[sflag:s21] =	ssyncadd.s32 $0xFFFFD800  }
0x353: {  	[spmem:s3] =	stream.indirect.scatter.add.f32 [tilespmem:s16], [sflag:$0x1], $0x80, s10, s15, $0xb8;
	v63 =	vld [tilespmem:$0x0]  }
0x354: {  	_ = 	snop  }
0x355: {  	[spmem:s3] =	stream.indirect.scatter.add.f32 [tilespmem:s16], [sflag:$0x2], $0x80, s26, s15, $0xb8;
	v63 =	vld [tilespmem:$0x0]  }
0x356: {  	_ =	swait.ge [sflag:s20], $0x2800  }
0x357: {  	[sflag:s20] =	ssyncset.done $0x0  }
0x358: {  	s11 =	simm.s32 $0x0;
	s2 =	simm.s32 $0x1980;
	[sflag:s20] =	ssyncadd.s32 $0xFFFFD800  }
0x359: {  	s4 =	simm.s32 $0x1900;
	s7 =	simm.s32 $0x1800;
	_ =	swait.ge [sflag:s21], $0x2800  }
0x35a: {  	s22 =	simm.s32 $0x200;
	s12 =	simm.s32 $0x1880;
	[sflag:s21] =	ssyncset.done $0x0  }
0x35b: {  	s5 =	simm.s32 $0x1A00;
	s9 =	simm.s32 $0x1B00;
	[sflag:s21] =	ssyncadd.s32 $0xFFFFD800  }
0x35c: {  	[spmem:s3] =	stream.indirect.scatter.add.f32 [tilespmem:s16], [sflag:$0x1], $0x80, s14, s15, $0xb8;
	v63 =	vld [tilespmem:$0x0]  }
0x35d: {  	s8 =	simm.s32 $0x1A80;
	s6 =	simm.s32 $0x1C00;
	_ =	swait.ge [sflag:s20], $0x2800  }
0x35e: {  	s10 =	simm.s32 $0x1B80;
	s26 =	simm.s32 $0x400;
	[sflag:s20] =	ssyncset.done $0x0  }
.LBB2_4:
0x35f: {  	s0 =	rddreg [dreg:$0x1e]  }
0x360: {  	[sflag:s20] =	ssyncadd.s32 $0xFFFFD800;
	s14 =	simm.s32 $0x1000;
	s0 =	sadd.s32 s22, s0  }
0x361: {  	[tilespmem:s14], [sflag:$0x9] =	stream.linear.gather [hbm4b:s0+s11], $0xC80, $0x38;
	v63 =	vld [tilespmem:$0x0]  }
0x362: {  	_ =	swait.ge [sflag:s13], $0xC80  }
0x363: {  	[sflag:s13] =	ssyncset.done $0x0  }
0x364: {  	s24 =	sadd.s32 $0x200, s26;
	[sflag:s13] =	ssyncadd.s32 $0xFFFFF380  }
0x365: {  	[spmem:s3] =	stream.indirect.scatter.add.f32 [tilespmem:s16], [sflag:$0x1], $0x80, s14, s15, $0xb8;
	v63 =	vld [tilespmem:$0x0]  }
0x366: {  	p0 =	sne.s32 s26, $0x800;
	s22 =	smov.u32 s26;
	s26 =	simm.s32 $0x1080  }
0x367: {  	[spmem:s3] =	stream.indirect.scatter.add.f32 [tilespmem:s16], [sflag:$0x2], $0x80, s26, s15, $0xb8;
	v63 =	vld [tilespmem:$0x0]  }
0x368: {  	_ =	swait.ge [sflag:s20], $0x2800  }
0x369: {  	[sflag:s20] =	ssyncset.done $0x0  }
0x36a: {  	[sflag:s20] =	ssyncadd.s32 $0xFFFFD800  }
0x36b: {  	_ =	swait.ge [sflag:s21], $0x2800  }
0x36c: {  	[sflag:s21] =	ssyncset.done $0x0  }
0x36d: {  	s14 =	simm.s32 $0x1100;
	[sflag:s21] =	ssyncadd.s32 $0xFFFFD800  }
0x36e: {  	[spmem:s3] =	stream.indirect.scatter.add.f32 [tilespmem:s16], [sflag:$0x1], $0x80, s14, s15, $0xb8;
	v63 =	vld [tilespmem:$0x0]  }
0x36f: {  	s26 =	simm.s32 $0x1180  }
0x370: {  	[spmem:s3] =	stream.indirect.scatter.add.f32 [tilespmem:s16], [sflag:$0x2], $0x80, s26, s15, $0xb8;
	v63 =	vld [tilespmem:$0x0]  }
0x371: {  	_ =	swait.ge [sflag:s20], $0x2800  }
0x372: {  	[sflag:s20] =	ssyncset.done $0x0  }
0x373: {  	[sflag:s20] =	ssyncadd.s32 $0xFFFFD800  }
0x374: {  	_ =	swait.ge [sflag:s21], $0x2800  }
0x375: {  	[sflag:s21] =	ssyncset.done $0x0  }
0x376: {  	s14 =	simm.s32 $0x1200;
	[sflag:s21] =	ssyncadd.s32 $0xFFFFD800  }
0x377: {  	[spmem:s3] =	stream.indirect.scatter.add.f32 [tilespmem:s16], [sflag:$0x1], $0x80, s14, s15, $0xb8;
	v63 =	vld [tilespmem:$0x0]  }
0x378: {  	s26 =	simm.s32 $0x1280  }
0x379: {  	[spmem:s3] =	stream.indirect.scatter.add.f32 [tilespmem:s16], [sflag:$0x2], $0x80, s26, s15, $0xb8;
	v63 =	vld [tilespmem:$0x0]  }
0x37a: {  	_ =	swait.ge [sflag:s20], $0x2800  }
0x37b: {  	[sflag:s20] =	ssyncset.done $0x0  }
0x37c: {  	[sflag:s20] =	ssyncadd.s32 $0xFFFFD800  }
0x37d: {  	_ =	swait.ge [sflag:s21], $0x2800  }
0x37e: {  	[sflag:s21] =	ssyncset.done $0x0  }
0x37f: {  	s14 =	simm.s32 $0x1300;
	[sflag:s21] =	ssyncadd.s32 $0xFFFFD800  }
0x380: {  	[spmem:s3] =	stream.indirect.scatter.add.f32 [tilespmem:s16], [sflag:$0x1], $0x80, s14, s15, $0xb8;
	v63 =	vld [tilespmem:$0x0]  }
0x381: {  	s26 =	simm.s32 $0x1380  }
0x382: {  	[spmem:s3] =	stream.indirect.scatter.add.f32 [tilespmem:s16], [sflag:$0x2], $0x80, s26, s15, $0xb8;
	v63 =	vld [tilespmem:$0x0]  }
0x383: {  	_ =	swait.ge [sflag:s20], $0x2800  }
0x384: {  	[sflag:s20] =	ssyncset.done $0x0  }
0x385: {  	[sflag:s20] =	ssyncadd.s32 $0xFFFFD800  }
0x386: {  	_ =	swait.ge [sflag:s21], $0x2800  }
0x387: {  	[sflag:s21] =	ssyncset.done $0x0  }
0x388: {  	s14 =	simm.s32 $0x1400;
	[sflag:s21] =	ssyncadd.s32 $0xFFFFD800  }
0x389: {  	[spmem:s3] =	stream.indirect.scatter.add.f32 [tilespmem:s16], [sflag:$0x1], $0x80, s14, s15, $0xb8;
	v63 =	vld [tilespmem:$0x0]  }
0x38a: {  	s26 =	simm.s32 $0x1480  }
0x38b: {  	[spmem:s3] =	stream.indirect.scatter.add.f32 [tilespmem:s16], [sflag:$0x2], $0x80, s26, s15, $0xb8;
	v63 =	vld [tilespmem:$0x0]  }
0x38c: {  	_ =	swait.ge [sflag:s20], $0x2800  }
0x38d: {  	[sflag:s20] =	ssyncset.done $0x0  }
0x38e: {  	[sflag:s20] =	ssyncadd.s32 $0xFFFFD800  }
0x38f: {  	_ =	swait.ge [sflag:s21], $0x2800  }
0x390: {  	[sflag:s21] =	ssyncset.done $0x0  }
0x391: {  	s14 =	simm.s32 $0x1500;
	[sflag:s21] =	ssyncadd.s32 $0xFFFFD800  }
0x392: {  	[spmem:s3] =	stream.indirect.scatter.add.f32 [tilespmem:s16], [sflag:$0x1], $0x80, s14, s15, $0xb8;
	v63 =	vld [tilespmem:$0x0]  }
0x393: {  	s26 =	simm.s32 $0x1580  }
0x394: {  	[spmem:s3] =	stream.indirect.scatter.add.f32 [tilespmem:s16], [sflag:$0x2], $0x80, s26, s15, $0xb8;
	v63 =	vld [tilespmem:$0x0]  }
0x395: {  	_ =	swait.ge [sflag:s20], $0x2800  }
0x396: {  	[sflag:s20] =	ssyncset.done $0x0  }
0x397: {  	[sflag:s20] =	ssyncadd.s32 $0xFFFFD800  }
0x398: {  	_ =	swait.ge [sflag:s21], $0x2800  }
0x399: {  	[sflag:s21] =	ssyncset.done $0x0  }
0x39a: {  	s14 =	simm.s32 $0x1600;
	[sflag:s21] =	ssyncadd.s32 $0xFFFFD800  }
0x39b: {  	[spmem:s3] =	stream.indirect.scatter.add.f32 [tilespmem:s16], [sflag:$0x1], $0x80, s14, s15, $0xb8;
	v63 =	vld [tilespmem:$0x0]  }
0x39c: {  	s26 =	simm.s32 $0x1680  }
0x39d: {  	[spmem:s3] =	stream.indirect.scatter.add.f32 [tilespmem:s16], [sflag:$0x2], $0x80, s26, s15, $0xb8;
	v63 =	vld [tilespmem:$0x0]  }
0x39e: {  	_ =	swait.ge [sflag:s20], $0x2800  }
0x39f: {  	[sflag:s20] =	ssyncset.done $0x0  }
0x3a0: {  	[sflag:s20] =	ssyncadd.s32 $0xFFFFD800  }
0x3a1: {  	_ =	swait.ge [sflag:s21], $0x2800  }
0x3a2: {  	[sflag:s21] =	ssyncset.done $0x0  }
0x3a3: {  	s14 =	simm.s32 $0x1700;
	[sflag:s21] =	ssyncadd.s32 $0xFFFFD800  }
0x3a4: {  	[spmem:s3] =	stream.indirect.scatter.add.f32 [tilespmem:s16], [sflag:$0x1], $0x80, s14, s15, $0xb8;
	v63 =	vld [tilespmem:$0x0]  }
0x3a5: {  	s26 =	simm.s32 $0x1780  }
0x3a6: {  	[spmem:s3] =	stream.indirect.scatter.add.f32 [tilespmem:s16], [sflag:$0x2], $0x80, s26, s15, $0xb8;
	v63 =	vld [tilespmem:$0x0]  }
0x3a7: {  	_ =	swait.ge [sflag:s20], $0x2800  }
0x3a8: {  	[sflag:s20] =	ssyncset.done $0x0  }
0x3a9: {  	[sflag:s20] =	ssyncadd.s32 $0xFFFFD800  }
0x3aa: {  	_ =	swait.ge [sflag:s21], $0x2800  }
0x3ab: {  	[sflag:s21] =	ssyncset.done $0x0  }
0x3ac: {  	[sflag:s21] =	ssyncadd.s32 $0xFFFFD800  }
0x3ad: {  	[spmem:s3] =	stream.indirect.scatter.add.f32 [tilespmem:s16], [sflag:$0x1], $0x80, s7, s15, $0xb8;
	v63 =	vld [tilespmem:$0x0]  }
0x3ae: {  	_ = 	snop  }
0x3af: {  	[spmem:s3] =	stream.indirect.scatter.add.f32 [tilespmem:s16], [sflag:$0x2], $0x80, s12, s15, $0xb8;
	v63 =	vld [tilespmem:$0x0]  }
0x3b0: {  	_ =	swait.ge [sflag:s20], $0x2800  }
0x3b1: {  	[sflag:s20] =	ssyncset.done $0x0  }
0x3b2: {  	[sflag:s20] =	ssyncadd.s32 $0xFFFFD800  }
0x3b3: {  	_ =	swait.ge [sflag:s21], $0x2800  }
0x3b4: {  	[sflag:s21] =	ssyncset.done $0x0  }
0x3b5: {  	[sflag:s21] =	ssyncadd.s32 $0xFFFFD800  }
0x3b6: {  	[spmem:s3] =	stream.indirect.scatter.add.f32 [tilespmem:s16], [sflag:$0x1], $0x80, s4, s15, $0xb8;
	v63 =	vld [tilespmem:$0x0]  }
0x3b7: {  	_ = 	snop  }
0x3b8: {  	[spmem:s3] =	stream.indirect.scatter.add.f32 [tilespmem:s16], [sflag:$0x2], $0x80, s2, s15, $0xb8;
	v63 =	vld [tilespmem:$0x0]  }
0x3b9: {  	_ =	swait.ge [sflag:s20], $0x2800  }
0x3ba: {  	[sflag:s20] =	ssyncset.done $0x0  }
0x3bb: {  	[sflag:s20] =	ssyncadd.s32 $0xFFFFD800  }
0x3bc: {  	_ =	swait.ge [sflag:s21], $0x2800  }
0x3bd: {  	[sflag:s21] =	ssyncset.done $0x0  }
0x3be: {  	[sflag:s21] =	ssyncadd.s32 $0xFFFFD800  }
0x3bf: {  	[spmem:s3] =	stream.indirect.scatter.add.f32 [tilespmem:s16], [sflag:$0x1], $0x80, s5, s15, $0xb8;
	v63 =	vld [tilespmem:$0x0]  }
0x3c0: {  	_ = 	snop  }
0x3c1: {  	[spmem:s3] =	stream.indirect.scatter.add.f32 [tilespmem:s16], [sflag:$0x2], $0x80, s8, s15, $0xb8;
	v63 =	vld [tilespmem:$0x0]  }
0x3c2: {  	_ =	swait.ge [sflag:s20], $0x2800  }
0x3c3: {  	[sflag:s20] =	ssyncset.done $0x0  }
0x3c4: {  	[sflag:s20] =	ssyncadd.s32 $0xFFFFD800  }
0x3c5: {  	_ =	swait.ge [sflag:s21], $0x2800  }
0x3c6: {  	[sflag:s21] =	ssyncset.done $0x0  }
0x3c7: {  	[sflag:s21] =	ssyncadd.s32 $0xFFFFD800  }
0x3c8: {  	[spmem:s3] =	stream.indirect.scatter.add.f32 [tilespmem:s16], [sflag:$0x1], $0x80, s9, s15, $0xb8;
	v63 =	vld [tilespmem:$0x0]  }
0x3c9: {  	_ = 	snop  }
0x3ca: {  	[spmem:s3] =	stream.indirect.scatter.add.f32 [tilespmem:s16], [sflag:$0x2], $0x80, s10, s15, $0xb8;
	v63 =	vld [tilespmem:$0x0]  }
0x3cb: {  	_ =	swait.ge [sflag:s20], $0x2800  }
0x3cc: {  	[sflag:s20] =	ssyncset.done $0x0  }
0x3cd: {  	[sflag:s20] =	ssyncadd.s32 $0xFFFFD800  }
0x3ce: {  	_ =	swait.ge [sflag:s21], $0x2800  }
.Ltmp1:
0x3cf: {  	[sflag:s21] =	ssyncset.done $0x0;
	(pc) =	sbr.rel @p0 .LBB2_4-.Ltmp1, $4  }
0x3d0: {  	[sflag:s21] =	ssyncadd.s32 $0xFFFFD800  }
0x3d1: {  	[spmem:s3] =	stream.indirect.scatter.add.f32 [tilespmem:s16], [sflag:$0x1], $0x80, s6, s15, $0xb8;
	v63 =	vld [tilespmem:$0x0]  }
0x3d2: {  	_ =	swait.ge [sflag:s20], $0x2800  }
0x3d3: {  	s26 =	smov.u32 s24;
	[sflag:s20] =	ssyncset.done $0x0  }
0x3d4: {  	s0 =	rddreg [dreg:$0x1e]  }
0x3d5: {  	[sflag:s20] =	ssyncadd.s32 $0xFFFFD800;
	s14 =	simm.s32 $0x1000;
	s0 =	sadd.s32 s22, s0  }
0x3d6: {  	[tilespmem:s14], [sflag:$0x9] =	stream.linear.gather [hbm4b:s0+s11], $0xC80, $0x38;
	v63 =	vld [tilespmem:$0x0]  }
0x3d7: {  	_ =	swait.ge [sflag:s13], $0xC80  }
0x3d8: {  	[sflag:s13] =	ssyncset.done $0x0  }
0x3d9: {  	[sflag:s13] =	ssyncadd.s32 $0xFFFFF380  }
0x3da: {  	[spmem:s3] =	stream.indirect.scatter.add.f32 [tilespmem:s16], [sflag:$0x1], $0x80, s14, s15, $0xb8;
	v63 =	vld [tilespmem:$0x0]  }
0x3db: {  	s11 =	simm.s32 $0x1080  }
0x3dc: {  	[spmem:s3] =	stream.indirect.scatter.add.f32 [tilespmem:s16], [sflag:$0x2], $0x80, s11, s15, $0xb8;
	v63 =	vld [tilespmem:$0x0]  }
0x3dd: {  	_ =	swait.ge [sflag:s20], $0x2800  }
0x3de: {  	[sflag:s20] =	ssyncset.done $0x0  }
0x3df: {  	[sflag:s20] =	ssyncadd.s32 $0xFFFFD800  }
0x3e0: {  	_ =	swait.ge [sflag:s21], $0x2800  }
0x3e1: {  	[sflag:s21] =	ssyncset.done $0x0  }
0x3e2: {  	s14 =	simm.s32 $0x1100;
	[sflag:s21] =	ssyncadd.s32 $0xFFFFD800  }
0x3e3: {  	[spmem:s3] =	stream.indirect.scatter.add.f32 [tilespmem:s16], [sflag:$0x1], $0x80, s14, s15, $0xb8;
	v63 =	vld [tilespmem:$0x0]  }
0x3e4: {  	s22 =	simm.s32 $0x1180  }
0x3e5: {  	[spmem:s3] =	stream.indirect.scatter.add.f32 [tilespmem:s16], [sflag:$0x2], $0x80, s22, s15, $0xb8;
	v63 =	vld [tilespmem:$0x0]  }
0x3e6: {  	_ =	swait.ge [sflag:s20], $0x2800  }
0x3e7: {  	[sflag:s20] =	ssyncset.done $0x0  }
0x3e8: {  	[sflag:s20] =	ssyncadd.s32 $0xFFFFD800  }
0x3e9: {  	_ =	swait.ge [sflag:s21], $0x2800  }
0x3ea: {  	[sflag:s21] =	ssyncset.done $0x0  }
0x3eb: {  	s24 =	simm.s32 $0x1200;
	[sflag:s21] =	ssyncadd.s32 $0xFFFFD800  }
0x3ec: {  	[spmem:s3] =	stream.indirect.scatter.add.f32 [tilespmem:s16], [sflag:$0x1], $0x80, s24, s15, $0xb8;
	v63 =	vld [tilespmem:$0x0]  }
0x3ed: {  	s26 =	simm.s32 $0x1280  }
0x3ee: {  	[spmem:s3] =	stream.indirect.scatter.add.f32 [tilespmem:s16], [sflag:$0x2], $0x80, s26, s15, $0xb8;
	v63 =	vld [tilespmem:$0x0]  }
0x3ef: {  	_ =	swait.ge [sflag:s20], $0x2800  }
0x3f0: {  	[sflag:s20] =	ssyncset.done $0x0  }
0x3f1: {  	[sflag:s20] =	ssyncadd.s32 $0xFFFFD800  }
0x3f2: {  	_ =	swait.ge [sflag:s21], $0x2800  }
0x3f3: {  	[sflag:s21] =	ssyncset.done $0x0  }
0x3f4: {  	s11 =	simm.s32 $0x1300;
	[sflag:s21] =	ssyncadd.s32 $0xFFFFD800  }
0x3f5: {  	[spmem:s3] =	stream.indirect.scatter.add.f32 [tilespmem:s16], [sflag:$0x1], $0x80, s11, s15, $0xb8;
	v63 =	vld [tilespmem:$0x0]  }
0x3f6: {  	s14 =	simm.s32 $0x1380  }
0x3f7: {  	[spmem:s3] =	stream.indirect.scatter.add.f32 [tilespmem:s16], [sflag:$0x2], $0x80, s14, s15, $0xb8;
	v63 =	vld [tilespmem:$0x0]  }
0x3f8: {  	_ =	swait.ge [sflag:s20], $0x2800  }
0x3f9: {  	[sflag:s20] =	ssyncset.done $0x0  }
0x3fa: {  	[sflag:s20] =	ssyncadd.s32 $0xFFFFD800  }
0x3fb: {  	_ =	swait.ge [sflag:s21], $0x2800  }
0x3fc: {  	[sflag:s21] =	ssyncset.done $0x0  }
0x3fd: {  	s22 =	simm.s32 $0x1400;
	[sflag:s21] =	ssyncadd.s32 $0xFFFFD800  }
0x3fe: {  	[spmem:s3] =	stream.indirect.scatter.add.f32 [tilespmem:s16], [sflag:$0x1], $0x80, s22, s15, $0xb8;
	v63 =	vld [tilespmem:$0x0]  }
0x3ff: {  	s24 =	simm.s32 $0x1480  }
0x400: {  	[spmem:s3] =	stream.indirect.scatter.add.f32 [tilespmem:s16], [sflag:$0x2], $0x80, s24, s15, $0xb8;
	v63 =	vld [tilespmem:$0x0]  }
0x401: {  	_ =	swait.ge [sflag:s20], $0x2800  }
0x402: {  	[sflag:s20] =	ssyncset.done $0x0  }
0x403: {  	[sflag:s20] =	ssyncadd.s32 $0xFFFFD800  }
0x404: {  	_ =	swait.ge [sflag:s21], $0x2800  }
0x405: {  	[sflag:s21] =	ssyncset.done $0x0  }
0x406: {  	s26 =	simm.s32 $0x1500;
	[sflag:s21] =	ssyncadd.s32 $0xFFFFD800  }
0x407: {  	[spmem:s3] =	stream.indirect.scatter.add.f32 [tilespmem:s16], [sflag:$0x1], $0x80, s26, s15, $0xb8;
	v63 =	vld [tilespmem:$0x0]  }
0x408: {  	s11 =	simm.s32 $0x1580  }
0x409: {  	[spmem:s3] =	stream.indirect.scatter.add.f32 [tilespmem:s16], [sflag:$0x2], $0x80, s11, s15, $0xb8;
	v63 =	vld [tilespmem:$0x0]  }
0x40a: {  	_ =	swait.ge [sflag:s20], $0x2800  }
0x40b: {  	[sflag:s20] =	ssyncset.done $0x0  }
0x40c: {  	[sflag:s20] =	ssyncadd.s32 $0xFFFFD800  }
0x40d: {  	_ =	swait.ge [sflag:s21], $0x2800  }
0x40e: {  	[sflag:s21] =	ssyncset.done $0x0  }
0x40f: {  	s14 =	simm.s32 $0x1600;
	[sflag:s21] =	ssyncadd.s32 $0xFFFFD800  }
0x410: {  	[spmem:s3] =	stream.indirect.scatter.add.f32 [tilespmem:s16], [sflag:$0x1], $0x80, s14, s15, $0xb8;
	v63 =	vld [tilespmem:$0x0]  }
0x411: {  	s22 =	simm.s32 $0x1680  }
0x412: {  	[spmem:s3] =	stream.indirect.scatter.add.f32 [tilespmem:s16], [sflag:$0x2], $0x80, s22, s15, $0xb8;
	v63 =	vld [tilespmem:$0x0]  }
0x413: {  	_ =	swait.ge [sflag:s20], $0x2800  }
0x414: {  	[sflag:s20] =	ssyncset.done $0x0  }
0x415: {  	[sflag:s20] =	ssyncadd.s32 $0xFFFFD800  }
0x416: {  	_ =	swait.ge [sflag:s21], $0x2800  }
0x417: {  	[sflag:s21] =	ssyncset.done $0x0  }
0x418: {  	s24 =	simm.s32 $0x1700;
	[sflag:s21] =	ssyncadd.s32 $0xFFFFD800  }
0x419: {  	[spmem:s3] =	stream.indirect.scatter.add.f32 [tilespmem:s16], [sflag:$0x1], $0x80, s24, s15, $0xb8;
	v63 =	vld [tilespmem:$0x0]  }
0x41a: {  	s26 =	simm.s32 $0x1780  }
0x41b: {  	[spmem:s3] =	stream.indirect.scatter.add.f32 [tilespmem:s16], [sflag:$0x2], $0x80, s26, s15, $0xb8;
	v63 =	vld [tilespmem:$0x0]  }
0x41c: {  	_ =	swait.ge [sflag:s20], $0x2800  }
0x41d: {  	[sflag:s20] =	ssyncset.done $0x0  }
0x41e: {  	[sflag:s20] =	ssyncadd.s32 $0xFFFFD800  }
0x41f: {  	_ =	swait.ge [sflag:s21], $0x2800  }
0x420: {  	[sflag:s21] =	ssyncset.done $0x0  }
0x421: {  	[sflag:s21] =	ssyncadd.s32 $0xFFFFD800  }
0x422: {  	[spmem:s3] =	stream.indirect.scatter.add.f32 [tilespmem:s16], [sflag:$0x1], $0x80, s7, s15, $0xb8;
	v63 =	vld [tilespmem:$0x0]  }
0x423: {  	_ = 	snop  }
0x424: {  	[spmem:s3] =	stream.indirect.scatter.add.f32 [tilespmem:s16], [sflag:$0x2], $0x80, s12, s15, $0xb8;
	v63 =	vld [tilespmem:$0x0]  }
0x425: {  	_ =	swait.ge [sflag:s20], $0x2800  }
0x426: {  	[sflag:s20] =	ssyncset.done $0x0  }
0x427: {  	[sflag:s20] =	ssyncadd.s32 $0xFFFFD800  }
0x428: {  	_ =	swait.ge [sflag:s21], $0x2800  }
0x429: {  	[sflag:s21] =	ssyncset.done $0x0  }
0x42a: {  	[sflag:s21] =	ssyncadd.s32 $0xFFFFD800  }
0x42b: {  	[spmem:s3] =	stream.indirect.scatter.add.f32 [tilespmem:s16], [sflag:$0x1], $0x80, s4, s15, $0xb8;
	v63 =	vld [tilespmem:$0x0]  }
0x42c: {  	_ = 	snop  }
0x42d: {  	[spmem:s3] =	stream.indirect.scatter.add.f32 [tilespmem:s16], [sflag:$0x2], $0x80, s2, s15, $0xb8;
	v63 =	vld [tilespmem:$0x0]  }
0x42e: {  	_ =	swait.ge [sflag:s20], $0x2800  }
0x42f: {  	[sflag:s20] =	ssyncset.done $0x0  }
0x430: {  	[sflag:s20] =	ssyncadd.s32 $0xFFFFD800  }
0x431: {  	_ =	swait.ge [sflag:s21], $0x2800  }
0x432: {  	[sflag:s21] =	ssyncset.done $0x0  }
0x433: {  	[sflag:s21] =	ssyncadd.s32 $0xFFFFD800  }
0x434: {  	[spmem:s3] =	stream.indirect.scatter.add.f32 [tilespmem:s16], [sflag:$0x1], $0x80, s5, s15, $0xb8;
	v63 =	vld [tilespmem:$0x0]  }
0x435: {  	_ = 	snop  }
0x436: {  	[spmem:s3] =	stream.indirect.scatter.add.f32 [tilespmem:s16], [sflag:$0x2], $0x80, s8, s15, $0xb8;
	v63 =	vld [tilespmem:$0x0]  }
0x437: {  	_ =	swait.ge [sflag:s20], $0x2800  }
0x438: {  	[sflag:s20] =	ssyncset.done $0x0  }
0x439: {  	[sflag:s20] =	ssyncadd.s32 $0xFFFFD800  }
0x43a: {  	_ =	swait.ge [sflag:s21], $0x2800  }
0x43b: {  	[sflag:s21] =	ssyncset.done $0x0  }
0x43c: {  	[sflag:s21] =	ssyncadd.s32 $0xFFFFD800  }
0x43d: {  	[spmem:s3] =	stream.indirect.scatter.add.f32 [tilespmem:s16], [sflag:$0x1], $0x80, s9, s15, $0xb8;
	v63 =	vld [tilespmem:$0x0]  }
0x43e: {  	_ = 	snop  }
0x43f: {  	[spmem:s3] =	stream.indirect.scatter.add.f32 [tilespmem:s16], [sflag:$0x2], $0x80, s10, s15, $0xb8;
	v63 =	vld [tilespmem:$0x0]  }
0x440: {  	_ =	swait.ge [sflag:s20], $0x2800  }
0x441: {  	[sflag:s20] =	ssyncset.done $0x0  }
0x442: {  	[sflag:s20] =	ssyncadd.s32 $0xFFFFD800  }
0x443: {  	_ =	swait.ge [sflag:s21], $0x2800  }
0x444: {  	[sflag:s21] =	ssyncset.done $0x0  }
0x445: {  	[sflag:s21] =	ssyncadd.s32 $0xFFFFD800  }
0x446: {  	[spmem:s3] =	stream.indirect.scatter.add.f32 [tilespmem:s16], [sflag:$0x1], $0x80, s6, s15, $0xb8;
	v63 =	vld [tilespmem:$0x0]  }
0x447: {  	_ =	swait.ge [sflag:s20], $0x2800  }
0x448: {  	[sflag:s20] =	ssyncset.done $0x0  }
0x449: {  	[sflag:s20] =	ssyncadd.s32 $0xFFFFD800  }
0x44a: {  	[bflag:$0x0] =	sbarrier.arrive $0xFFFF  }
0x44b: {  	s22 =	sld [smem:$0x7FC]  }
0x44c: {  	s11 =	sld [smem:$0x7FA]  }
0x44d: {  	s24 =	sld [smem:$0x7FD];
	_ =	sdelay $0x2  }
0x44e: {  	[hbm:s11], [sflag:s22] =	dma.local [spmem:s24], $0x2800  }
0x44f: {  	_ =	swait.ge [sflag:s13], $0x2800  }
0x450: {  	s14 =	sld [smem:$0x7F7]  }
0x451: {  	s26 =	sld [smem:$0x7FB];
	_ =	sdelay $0x1  }
0x452: {  	s11 =	sadd.s32 $0x1, s14  }
0x453: {  	p0 =	sne.s32 s11, s26  }
.Ltmp2:
0x454: {  	_ = 	snop;
	(pc) =	sbr.rel @p0 .LBB2_1-.Ltmp2, $3  }
0x455: {  	_ =	sdelay $0x1  }
0x456: {  	[sflag:s13] =	ssyncset.done $0x0  }
0x457: {  	[sflag:s13] =	ssyncadd.s32 $0xFFFFD800  }
0x458: {  	_ =	sfence.sel $0x180000  }
0x459: {  	[bflag:$0x0] =	sbarrier.arrive $0xFFFF  }
0x45a: {  	_ =	strace $0x90000047  }
0x45b: {  	s0 =	stileid.u32;
	[bflag:$0x2] =	sbarrier.arrive $0xFFFF  }
0x45c: {  	p0 =	sne.s32 s0, $0x0;
	s0 =	rddreg [dreg:$0x4]  }
0x45d: {  	s0 =	sadd.s32 @!p0 $0x100000, s0  }
0x45e: {  	[sflag:s0] =	ssyncadd.tile.s32 @!p0 $0x1;
	_ =	shalt  }
.Lfunc_end2:
_tile_overlayer_lowered:
.L_overlay_start_2:
0x45f: {  	(tag) =	ssettag $0x2  }
0x460: {  	s0 =	rddreg [dreg:$0x0];
	s2 =	stileid.u32  }
0x461: {  	s1 =	rddreg [dreg:$0x1];
	p0 =	sne.s32 s2, $0x0  }
0x462: {  	s3 =	rddreg [dreg:$0x2];
	[bflag:$0x3] =	sbarrier.arrive $0xFFFF;
	s2 =	simm.s32 @!p0 $0x1C09  }
0x463: {  	[timem:s3], [sflag:s2] =	dma.local @!p0 [hbm:s0], s1  }
0x464: {  	s0 =	simm.s32 @!p0 $0x9  }
0x465: {  	_ =	swait.ge @!p0 [sflag:s0], s1  }
0x466: {  	s1 =	ssub.s32 @!p0 $0x0, s1;
	[sflag:s0] =	ssyncset.done @!p0 $0x0  }
0x467: {  	[sflag:s0] =	ssyncadd.s32 @!p0 s1  }
0x468: {  	[bflag:$0x3] =	sbarrier.arrive $0xFFFF  }
0x469: {  	_ =	shalt  }

</sc_bundles>
